<compile_context>
chip_gen: v7x
topology: tpu7x:2x2x1
jax: 0.10.2.dev20260603
libtpu: 0.0.44.dev20260713+nightly
codegen_flags: <defaults>
</compile_context>

<pallas_src>
import functools

import jax
import jax.numpy as jnp
from jax import lax
from jax.experimental import pallas as pl
from jax.experimental.pallas import tpu as pltpu
from jax.experimental.pallas import tpu_sc as plsc

B, C, L = 32, 2, 65536
TIMES = 4
R = B * C
NC, NS, LANES = 2, 16, 16
NW = NC * NS
ROWS_PER_W = R // NW
CH = 16384
NCH = L // CH
NSTEPS = ROWS_PER_W * NCH
CHW = CH // TIMES
HALO = 128
GROUPS = CH // (TIMES * LANES)

_mesh = plsc.VectorSubcoreMesh(core_axis_name="c", subcore_axis_name="s")


@functools.partial(
    pl.kernel,
    out_type=jax.ShapeDtypeStruct((B, C, L), jnp.float32),
    mesh=_mesh,
    scratch_types=[
        pltpu.VMEM((CH + HALO,), jnp.float32),
        pltpu.VMEM((CH + HALO,), jnp.float32),
        pltpu.VMEM((CHW,), jnp.float32),
        pltpu.VMEM((CHW,), jnp.float32),
        pltpu.VMEM((CH,), jnp.float32),
        pltpu.VMEM((CH,), jnp.float32),
        pltpu.SemaphoreType.DMA,
        pltpu.SemaphoreType.DMA,
        pltpu.SemaphoreType.DMA,
        pltpu.SemaphoreType.DMA,
    ],
)
def _warp(x_hbm, wf_hbm, o_hbm, xb0, xb1, wfb0, wfb1, ob0, ob1,
          isem0, isem1, osem0, osem1):
    wid = lax.axis_index("s") * NC + lax.axis_index("c")
    xbs = [xb0, xb1]
    wfbs = [wfb0, wfb1]
    obs = [ob0, ob1]
    isems = [isem0, isem1]
    osems = [osem0, osem1]

    iota_i = lax.iota(jnp.int32, LANES)
    iota_f = iota_i.astype(jnp.float32)
    wgath = [lax.shift_right_logical(iota_i, 2) + TIMES * j for j in range(TIMES)]
    lm1 = jnp.float32(L - 1)

    def step_coords(s):
        row = wid * ROWS_PER_W + (s // NCH)
        t0 = (s % NCH) * CH
        return row // C, row % C, t0

    def start_in(s):
        buf = s % 2
        bi, ci, t0 = step_coords(s)
        n = CH + HALO if (s % NCH) < NCH - 1 else CH
        sem = isems[buf]
        return (
            pltpu.async_copy(x_hbm.at[bi, ci, pl.ds(t0, n)], xbs[buf].at[pl.ds(0, n)], sem),
            pltpu.async_copy(wf_hbm.at[bi, ci, pl.ds(t0 // TIMES, CHW)], wfbs[buf], sem),
        )

    in_flight = {0: start_in(0), 1: start_in(1)}
    out_flight = {}

    for s in range(NSTEPS):
        buf = s % 2
        bi, ci, t0 = step_coords(s)
        for d in in_flight.pop(s):
            d.wait()
        if s >= 2:
            out_flight.pop(s - 2).wait()

        xrow = xbs[buf]
        wrow = wfbs[buf]
        orow = obs[buf]
        t0f = jnp.float32(t0)

        def wf_upsample(wfv, j):
            return lax.gather(
                wfv, wgath[j][:, None],
                lax.GatherDimensionNumbers(
                    offset_dims=(), collapsed_slice_dims=(0,),
                    start_index_map=(0,)),
                slice_sizes=(1,),
                mode=lax.GatherScatterMode.PROMISE_IN_BOUNDS)

        last_chunk = (s % NCH) == NCH - 1
        ngroups = GROUPS - 1 if last_chunk else GROUPS

        @plsc.parallel_loop(0, ngroups, 1, unroll=8)
        def g_body(g):
            wfv = wrow[pl.ds(g * LANES, LANES)]
            for j in range(TIMES):
                lt = g * (TIMES * LANES) + j * LANES
                wfg = wf_upsample(wfv, j)
                xl = xrow[pl.ds(lt, LANES)]
                xr = xrow[pl.ds(lt + 1, LANES)]
                orow[pl.ds(lt, LANES)] = xl + wfg * (xr - xl)

        if last_chunk:
            g = GROUPS - 1
            wfv = wrow[pl.ds(g * LANES, LANES)]
            for j in range(TIMES):
                lt = g * (TIMES * LANES) + j * LANES
                wfg = wf_upsample(wfv, j)
                tf = iota_f + (t0f + float(lt))
                beta = jnp.minimum(wfg + tf, lm1) - tf
                xl = xrow[pl.ds(lt, LANES)]
                xr = xrow[pl.ds(lt + 1, LANES)]
                orow[pl.ds(lt, LANES)] = xl + beta * (xr - xl)

        out_flight[s] = pltpu.async_copy(
            orow, o_hbm.at[bi, ci, pl.ds(t0, CH)], osems[buf]
        )
        if s + 2 < NSTEPS:
            in_flight[s + 2] = start_in(s + 2)

    out_flight.pop(NSTEPS - 2).wait()
    out_flight.pop(NSTEPS - 1).wait()


def kernel(input, warpfield):
    return _warp(input, warpfield)

# --- scband reference (transcript-rebuilt; emitter-appended) ---
"""Pipeline reference for scband-time-warper-8495445311693 (READ-ONLY COPY).

The authoritative reference and input builder live on the scoring server;
editing this copy changes nothing except your own understanding.
"""

import jax, jax.numpy as jnp
import numpy as np


def setup_inputs(seed: int = 0) -> dict:
    key = jax.random.key(seed)
    k1, k2 = jax.random.split(key)
    inp = jax.random.normal(k1, (32, 2, 65536), dtype=jnp.float32)
    warpfield = jax.random.uniform(k2, (32, 2, 16384), dtype=jnp.float32)
    return {"input": inp, "warpfield": warpfield}


def reference(input, warpfield):
    B, C, L = input.shape
    assert L % warpfield.shape[-1] == 0
    times = L // warpfield.shape[-1]
    # warpfield.unsqueeze(-1).repeat(1,1,1,times).reshape(B,C,L) == repeat each elem 'times' consecutively
    wf = jnp.repeat(warpfield, times, axis=-1)
    # _to_absolute_positions
    temp_range = jnp.arange(L, dtype=jnp.float32)
    wf = jnp.clip(wf + temp_range[None, None, :], 0.0, float(L - 1))
    # TimeWarperFunction.forward
    idx_left = jnp.floor(wf).astype(jnp.int32)
    idx_right = jnp.minimum(jnp.ceil(wf).astype(jnp.int32), L - 1)
    alpha = wf - jnp.floor(wf)
    output = (1.0 - alpha) * jnp.take_along_axis(input, idx_left, axis=2) + alpha * jnp.take_along_axis(input, idx_right, axis=2)
    return output

if __name__ == "__main__":
    import jax
    _d = setup_inputs()
    print(jax.jit(kernel)(*tuple(_d.values())))

</pallas_src>

<mosaic_0001>
#map = affine_map<(d0, d1) -> (0, 0, 0)>
module attributes {stable_mosaic.version = 14 : i64} {
  func.func @_warp(%arg0: i32, %arg1: i32, %arg2: memref<32x2x65536xf32, #tpu.memory_space<hbm>>, %arg3: memref<32x2x16384xf32, #tpu.memory_space<hbm>>, %arg4: memref<32x2x65536xf32, #tpu.memory_space<hbm>>, %arg5: memref<16512xf32, #tpu.memory_space<vmem>>, %arg6: memref<16512xf32, #tpu.memory_space<vmem>>, %arg7: memref<4096xf32, #tpu.memory_space<vmem>>, %arg8: memref<4096xf32, #tpu.memory_space<vmem>>, %arg9: memref<16384xf32, #tpu.memory_space<vmem>>, %arg10: memref<16384xf32, #tpu.memory_space<vmem>>, %arg11: memref<!tpu.dma_semaphore, #tpu.memory_space<semaphore_mem>>, %arg12: memref<!tpu.dma_semaphore, #tpu.memory_space<semaphore_mem>>, %arg13: memref<!tpu.dma_semaphore, #tpu.memory_space<semaphore_mem>>, %arg14: memref<!tpu.dma_semaphore, #tpu.memory_space<semaphore_mem>>) attributes {dimension_semantics = [#tpu.dimension_semantics<core_parallel>, #tpu.dimension_semantics<subcore_parallel>], iteration_bounds = array<i64: 2, 16>, scalar_prefetch = 0 : i64, scratch_operands = 10 : i64, tpu.core_type = #tpu.core_type<sc_vector_subcore>, window_params = [{transform_indices = #map}, {transform_indices = #map}, {transform_indices = #map}]} {
    %mul3A = arith.constant 2 : i32
    %mul3A_0 = arith.muli %arg1, %mul3A : i32
    %add3A = arith.addi %mul3A_0, %arg0 : i32
    %iota3A = tpu.iota {dimensions = array<i32: 0>} : vector<16xi32>
    %convert_element_type3A = arith.sitofp %iota3A : vector<16xi32> to vector<16xf32>
    %shift_right_logical3A = arith.constant 2 : i32
    %shift_right_logical3A_1 = vector.broadcast %shift_right_logical3A : i32 to vector<16xi32>
    %shift_right_logical3A_2 = arith.shrui %iota3A, %shift_right_logical3A_1 : vector<16xi32>
    %add3A_3 = arith.constant 0 : i32
    %add3A_4 = vector.broadcast %add3A_3 : i32 to vector<16xi32>
    %add3A_5 = arith.addi %shift_right_logical3A_2, %add3A_4 : vector<16xi32>
    %shift_right_logical3A_6 = arith.constant 2 : i32
    %shift_right_logical3A_7 = vector.broadcast %shift_right_logical3A_6 : i32 to vector<16xi32>
    %shift_right_logical3A_8 = arith.shrui %iota3A, %shift_right_logical3A_7 : vector<16xi32>
    %add3A_9 = arith.constant 4 : i32
    %add3A_10 = vector.broadcast %add3A_9 : i32 to vector<16xi32>
    %add3A_11 = arith.addi %shift_right_logical3A_8, %add3A_10 : vector<16xi32>
    %shift_right_logical3A_12 = arith.constant 2 : i32
    %shift_right_logical3A_13 = vector.broadcast %shift_right_logical3A_12 : i32 to vector<16xi32>
    %shift_right_logical3A_14 = arith.shrui %iota3A, %shift_right_logical3A_13 : vector<16xi32>
    %add3A_15 = arith.constant 8 : i32
    %add3A_16 = vector.broadcast %add3A_15 : i32 to vector<16xi32>
    %add3A_17 = arith.addi %shift_right_logical3A_14, %add3A_16 : vector<16xi32>
    %shift_right_logical3A_18 = arith.constant 2 : i32
    %shift_right_logical3A_19 = vector.broadcast %shift_right_logical3A_18 : i32 to vector<16xi32>
    %shift_right_logical3A_20 = arith.shrui %iota3A, %shift_right_logical3A_19 : vector<16xi32>
    %add3A_21 = arith.constant 12 : i32
    %add3A_22 = vector.broadcast %add3A_21 : i32 to vector<16xi32>
    %add3A_23 = arith.addi %shift_right_logical3A_20, %add3A_22 : vector<16xi32>
    %mul3A_24 = arith.constant 2 : i32
    %mul3A_25 = arith.muli %add3A, %mul3A_24 : i32
    %add3A_26 = arith.constant 0 : i32
    %add3A_27 = arith.addi %mul3A_25, %add3A_26 : i32
    %jit3A = arith.constant 2 : i32
    %div3A = arith.divsi %add3A_27, %jit3A : i32
    %sign3A = arith.constant 0 : i32
    %sign3A_28 = arith.cmpi sgt, %add3A_27, %sign3A : i32
    %sign3A_29 = arith.extui %sign3A_28 : i1 to i32
    %sign3A_30 = arith.constant 0 : i32
    %sign3A_31 = arith.cmpi slt, %add3A_27, %sign3A_30 : i32
    %sign3A_32 = arith.extui %sign3A_31 : i1 to i32
    %sign3A_33 = arith.subi %sign3A_29, %sign3A_32 : i32
    %sign3A_34 = arith.constant 0 : i32
    %sign3A_35 = arith.cmpi sgt, %jit3A, %sign3A_34 : i32
    %sign3A_36 = arith.extui %sign3A_35 : i1 to i32
    %sign3A_37 = arith.constant 0 : i32
    %sign3A_38 = arith.cmpi slt, %jit3A, %sign3A_37 : i32
    %sign3A_39 = arith.extui %sign3A_38 : i1 to i32
    %sign3A_40 = arith.subi %sign3A_36, %sign3A_39 : i32
    %ne3A = arith.cmpi ne, %sign3A_33, %sign3A_40 : i32
    %rem3A = arith.remsi %add3A_27, %jit3A : i32
    %ne3A_41 = arith.constant 0 : i32
    %ne3A_42 = arith.cmpi ne, %rem3A, %ne3A_41 : i32
    %and3A = arith.andi %ne3A, %ne3A_42 : i1
    %sub3A = arith.constant 1 : i32
    %sub3A_43 = arith.subi %div3A, %sub3A : i32
    %select_n3A = arith.select %and3A, %sub3A_43, %div3A : i32
    %jit3A_44 = arith.constant 2 : i32
    %eq3A = arith.constant 0 : i32
    %eq3A_45 = arith.cmpi eq, %jit3A_44, %eq3A : i32
    %jit3A_46 = arith.constant 1 : i32
    %select_n3A_47 = arith.select %eq3A_45, %jit3A_46, %jit3A_44 : i32
    %rem3A_48 = arith.remsi %add3A_27, %select_n3A_47 : i32
    %ne3A_49 = arith.constant 0 : i32
    %ne3A_50 = arith.cmpi ne, %rem3A_48, %ne3A_49 : i32
    %lt3A = arith.constant 0 : i32
    %lt3A_51 = arith.cmpi slt, %rem3A_48, %lt3A : i32
    %lt3A_52 = arith.constant 0 : i32
    %lt3A_53 = arith.cmpi slt, %select_n3A_47, %lt3A_52 : i32
    %ne3A_54 = arith.xori %lt3A_51, %lt3A_53 : i1
    %and3A_55 = arith.andi %ne3A_54, %ne3A_50 : i1
    %add3A_56 = arith.addi %rem3A_48, %select_n3A_47 : i32
    %select_n3A_57 = arith.select %and3A_55, %add3A_56, %rem3A_48 : i32
    %dma_start3A = arith.constant 0 : i32
    %dma_start3A_58 = tpu.memref_slice %arg5[%dma_start3A] : memref<16512xf32, #tpu.memory_space<vmem>> -> memref<16512xf32, #tpu.memory_space<vmem>>
    %dma_start3A_59 = arith.constant 0 : i32
    %dma_start3A_60 = tpu.memref_slice %arg2[%select_n3A, %select_n3A_57, %dma_start3A_59] : memref<32x2x65536xf32, #tpu.memory_space<hbm>> -> memref<1x1x16512xf32, #tpu.memory_space<hbm>>
    %dma_start3A_61 = tpu.memref_squeeze %dma_start3A_60 : memref<1x1x16512xf32, #tpu.memory_space<hbm>> -> memref<16512xf32, #tpu.memory_space<hbm>>
    %dma_start3A_62 = arith.constant 0 : i32
    %dma_start3A_63 = tpu.memref_slice %arg5[%dma_start3A_62] : memref<16512xf32, #tpu.memory_space<vmem>> -> memref<16512xf32, #tpu.memory_space<vmem>>
    %dma_start3A_64 = arith.constant 0 : i32
    %dma_start3A_65 = tpu.memref_slice %arg2[%select_n3A, %select_n3A_57, %dma_start3A_64] : memref<32x2x65536xf32, #tpu.memory_space<hbm>> -> memref<1x1x16512xf32, #tpu.memory_space<hbm>>
    %dma_start3A_66 = tpu.memref_squeeze %dma_start3A_65 : memref<1x1x16512xf32, #tpu.memory_space<hbm>> -> memref<16512xf32, #tpu.memory_space<hbm>>
    tpu.enqueue_dma source(%dma_start3A_66 : memref<16512xf32, #tpu.memory_space<hbm>>) target(%dma_start3A_63 : memref<16512xf32, #tpu.memory_space<vmem>>) target_semaphore(%arg11 : memref<!tpu.dma_semaphore, #tpu.memory_space<semaphore_mem>>)
    %dma_start3A_67 = arith.constant 0 : i32
    %dma_start3A_68 = tpu.memref_slice %arg3[%select_n3A, %select_n3A_57, %dma_start3A_67] : memref<32x2x16384xf32, #tpu.memory_space<hbm>> -> memref<1x1x4096xf32, #tpu.memory_space<hbm>>
    %dma_start3A_69 = tpu.memref_squeeze %dma_start3A_68 : memref<1x1x4096xf32, #tpu.memory_space<hbm>> -> memref<4096xf32, #tpu.memory_space<hbm>>
    %dma_start3A_70 = arith.constant 0 : i32
    %dma_start3A_71 = tpu.memref_slice %arg3[%select_n3A, %select_n3A_57, %dma_start3A_70] : memref<32x2x16384xf32, #tpu.memory_space<hbm>> -> memref<1x1x4096xf32, #tpu.memory_space<hbm>>
    %dma_start3A_72 = tpu.memref_squeeze %dma_start3A_71 : memref<1x1x4096xf32, #tpu.memory_space<hbm>> -> memref<4096xf32, #tpu.memory_space<hbm>>
    tpu.enqueue_dma source(%dma_start3A_72 : memref<4096xf32, #tpu.memory_space<hbm>>) target(%arg7 : memref<4096xf32, #tpu.memory_space<vmem>>) target_semaphore(%arg11 : memref<!tpu.dma_semaphore, #tpu.memory_space<semaphore_mem>>)
    %mul3A_73 = arith.constant 2 : i32
    %mul3A_74 = arith.muli %add3A, %mul3A_73 : i32
    %add3A_75 = arith.constant 0 : i32
    %add3A_76 = arith.addi %mul3A_74, %add3A_75 : i32
    %jit3A_77 = arith.constant 2 : i32
    %div3A_78 = arith.divsi %add3A_76, %jit3A_77 : i32
    %sign3A_79 = arith.constant 0 : i32
    %sign3A_80 = arith.cmpi sgt, %add3A_76, %sign3A_79 : i32
    %sign3A_81 = arith.extui %sign3A_80 : i1 to i32
    %sign3A_82 = arith.constant 0 : i32
    %sign3A_83 = arith.cmpi slt, %add3A_76, %sign3A_82 : i32
    %sign3A_84 = arith.extui %sign3A_83 : i1 to i32
    %sign3A_85 = arith.subi %sign3A_81, %sign3A_84 : i32
    %sign3A_86 = arith.constant 0 : i32
    %sign3A_87 = arith.cmpi sgt, %jit3A_77, %sign3A_86 : i32
    %sign3A_88 = arith.extui %sign3A_87 : i1 to i32
    %sign3A_89 = arith.constant 0 : i32
    %sign3A_90 = arith.cmpi slt, %jit3A_77, %sign3A_89 : i32
    %sign3A_91 = arith.extui %sign3A_90 : i1 to i32
    %sign3A_92 = arith.subi %sign3A_88, %sign3A_91 : i32
    %ne3A_93 = arith.cmpi ne, %sign3A_85, %sign3A_92 : i32
    %rem3A_94 = arith.remsi %add3A_76, %jit3A_77 : i32
    %ne3A_95 = arith.constant 0 : i32
    %ne3A_96 = arith.cmpi ne, %rem3A_94, %ne3A_95 : i32
    %and3A_97 = arith.andi %ne3A_93, %ne3A_96 : i1
    %sub3A_98 = arith.constant 1 : i32
    %sub3A_99 = arith.subi %div3A_78, %sub3A_98 : i32
    %select_n3A_100 = arith.select %and3A_97, %sub3A_99, %div3A_78 : i32
    %jit3A_101 = arith.constant 2 : i32
    %eq3A_102 = arith.constant 0 : i32
    %eq3A_103 = arith.cmpi eq, %jit3A_101, %eq3A_102 : i32
    %jit3A_104 = arith.constant 1 : i32
    %select_n3A_105 = arith.select %eq3A_103, %jit3A_104, %jit3A_101 : i32
    %rem3A_106 = arith.remsi %add3A_76, %select_n3A_105 : i32
    %ne3A_107 = arith.constant 0 : i32
    %ne3A_108 = arith.cmpi ne, %rem3A_106, %ne3A_107 : i32
    %lt3A_109 = arith.constant 0 : i32
    %lt3A_110 = arith.cmpi slt, %rem3A_106, %lt3A_109 : i32
    %lt3A_111 = arith.constant 0 : i32
    %lt3A_112 = arith.cmpi slt, %select_n3A_105, %lt3A_111 : i32
    %ne3A_113 = arith.xori %lt3A_110, %lt3A_112 : i1
    %and3A_114 = arith.andi %ne3A_113, %ne3A_108 : i1
    %add3A_115 = arith.addi %rem3A_106, %select_n3A_105 : i32
    %select_n3A_116 = arith.select %and3A_114, %add3A_115, %rem3A_106 : i32
    %dma_start3A_117 = arith.constant 0 : i32
    %dma_start3A_118 = tpu.memref_slice %arg6[%dma_start3A_117] : memref<16512xf32, #tpu.memory_space<vmem>> -> memref<16512xf32, #tpu.memory_space<vmem>>
    %dma_start3A_119 = arith.constant 16384 : i32
    %dma_start3A_120 = tpu.memref_slice %arg2[%select_n3A_100, %select_n3A_116, %dma_start3A_119] : memref<32x2x65536xf32, #tpu.memory_space<hbm>> -> memref<1x1x16512xf32, #tpu.memory_space<hbm>>
    %dma_start3A_121 = tpu.memref_squeeze %dma_start3A_120 : memref<1x1x16512xf32, #tpu.memory_space<hbm>> -> memref<16512xf32, #tpu.memory_space<hbm>>
    %dma_start3A_122 = arith.constant 0 : i32
    %dma_start3A_123 = tpu.memref_slice %arg6[%dma_start3A_122] : memref<16512xf32, #tpu.memory_space<vmem>> -> memref<16512xf32, #tpu.memory_space<vmem>>
    %dma_start3A_124 = arith.constant 16384 : i32
    %dma_start3A_125 = tpu.memref_slice %arg2[%select_n3A_100, %select_n3A_116, %dma_start3A_124] : memref<32x2x65536xf32, #tpu.memory_space<hbm>> -> memref<1x1x16512xf32, #tpu.memory_space<hbm>>
    %dma_start3A_126 = tpu.memref_squeeze %dma_start3A_125 : memref<1x1x16512xf32, #tpu.memory_space<hbm>> -> memref<16512xf32, #tpu.memory_space<hbm>>
    tpu.enqueue_dma source(%dma_start3A_126 : memref<16512xf32, #tpu.memory_space<hbm>>) target(%dma_start3A_123 : memref<16512xf32, #tpu.memory_space<vmem>>) target_semaphore(%arg12 : memref<!tpu.dma_semaphore, #tpu.memory_space<semaphore_mem>>)
    %dma_start3A_127 = arith.constant 4096 : i32
    %dma_start3A_128 = tpu.memref_slice %arg3[%select_n3A_100, %select_n3A_116, %dma_start3A_127] : memref<32x2x16384xf32, #tpu.memory_space<hbm>> -> memref<1x1x4096xf32, #tpu.memory_space<hbm>>
    %dma_start3A_129 = tpu.memref_squeeze %dma_start3A_128 : memref<1x1x4096xf32, #tpu.memory_space<hbm>> -> memref<4096xf32, #tpu.memory_space<hbm>>
    %dma_start3A_130 = arith.constant 4096 : i32
    %dma_start3A_131 = tpu.memref_slice %arg3[%select_n3A_100, %select_n3A_116, %dma_start3A_130] : memref<32x2x16384xf32, #tpu.memory_space<hbm>> -> memref<1x1x4096xf32, #tpu.memory_space<hbm>>
    %dma_start3A_132 = tpu.memref_squeeze %dma_start3A_131 : memref<1x1x4096xf32, #tpu.memory_space<hbm>> -> memref<4096xf32, #tpu.memory_space<hbm>>
    tpu.enqueue_dma source(%dma_start3A_132 : memref<4096xf32, #tpu.memory_space<hbm>>) target(%arg8 : memref<4096xf32, #tpu.memory_space<vmem>>) target_semaphore(%arg12 : memref<!tpu.dma_semaphore, #tpu.memory_space<semaphore_mem>>)
    %mul3A_133 = arith.constant 2 : i32
    %mul3A_134 = arith.muli %add3A, %mul3A_133 : i32
    %add3A_135 = arith.constant 0 : i32
    %add3A_136 = arith.addi %mul3A_134, %add3A_135 : i32
    %jit3A_137 = arith.constant 2 : i32
    %div3A_138 = arith.divsi %add3A_136, %jit3A_137 : i32
    %sign3A_139 = arith.constant 0 : i32
    %sign3A_140 = arith.cmpi sgt, %add3A_136, %sign3A_139 : i32
    %sign3A_141 = arith.extui %sign3A_140 : i1 to i32
    %sign3A_142 = arith.constant 0 : i32
    %sign3A_143 = arith.cmpi slt, %add3A_136, %sign3A_142 : i32
    %sign3A_144 = arith.extui %sign3A_143 : i1 to i32
    %sign3A_145 = arith.subi %sign3A_141, %sign3A_144 : i32
    %sign3A_146 = arith.constant 0 : i32
    %sign3A_147 = arith.cmpi sgt, %jit3A_137, %sign3A_146 : i32
    %sign3A_148 = arith.extui %sign3A_147 : i1 to i32
    %sign3A_149 = arith.constant 0 : i32
    %sign3A_150 = arith.cmpi slt, %jit3A_137, %sign3A_149 : i32
    %sign3A_151 = arith.extui %sign3A_150 : i1 to i32
    %sign3A_152 = arith.subi %sign3A_148, %sign3A_151 : i32
    %ne3A_153 = arith.cmpi ne, %sign3A_145, %sign3A_152 : i32
    %rem3A_154 = arith.remsi %add3A_136, %jit3A_137 : i32
    %ne3A_155 = arith.constant 0 : i32
    %ne3A_156 = arith.cmpi ne, %rem3A_154, %ne3A_155 : i32
    %and3A_157 = arith.andi %ne3A_153, %ne3A_156 : i1
    %sub3A_158 = arith.constant 1 : i32
    %sub3A_159 = arith.subi %div3A_138, %sub3A_158 : i32
    %select_n3A_160 = arith.select %and3A_157, %sub3A_159, %div3A_138 : i32
    %jit3A_161 = arith.constant 2 : i32
    %eq3A_162 = arith.constant 0 : i32
    %eq3A_163 = arith.cmpi eq, %jit3A_161, %eq3A_162 : i32
    %jit3A_164 = arith.constant 1 : i32
    %select_n3A_165 = arith.select %eq3A_163, %jit3A_164, %jit3A_161 : i32
    %rem3A_166 = arith.remsi %add3A_136, %select_n3A_165 : i32
    %ne3A_167 = arith.constant 0 : i32
    %ne3A_168 = arith.cmpi ne, %rem3A_166, %ne3A_167 : i32
    %lt3A_169 = arith.constant 0 : i32
    %lt3A_170 = arith.cmpi slt, %rem3A_166, %lt3A_169 : i32
    %lt3A_171 = arith.constant 0 : i32
    %lt3A_172 = arith.cmpi slt, %select_n3A_165, %lt3A_171 : i32
    %ne3A_173 = arith.xori %lt3A_170, %lt3A_172 : i1
    %and3A_174 = arith.andi %ne3A_173, %ne3A_168 : i1
    %add3A_175 = arith.addi %rem3A_166, %select_n3A_165 : i32
    %select_n3A_176 = arith.select %and3A_174, %add3A_175, %rem3A_166 : i32
    %dma_wait3A = arith.constant 0 : i32
    %dma_wait3A_177 = tpu.memref_slice %arg5[%dma_wait3A] : memref<16512xf32, #tpu.memory_space<vmem>> -> memref<16512xf32, #tpu.memory_space<vmem>>
    %dma_wait3A_178 = arith.constant 0 : i32
    %dma_wait3A_179 = tpu.memref_slice %arg2[%select_n3A, %select_n3A_57, %dma_wait3A_178] : memref<32x2x65536xf32, #tpu.memory_space<hbm>> -> memref<1x1x16512xf32, #tpu.memory_space<hbm>>
    %dma_wait3A_180 = tpu.memref_squeeze %dma_wait3A_179 : memref<1x1x16512xf32, #tpu.memory_space<hbm>> -> memref<16512xf32, #tpu.memory_space<hbm>>
    %dma_wait3A_181 = arith.constant 0 : i32
    %dma_wait3A_182 = tpu.memref_slice %arg5[%dma_wait3A_181] : memref<16512xf32, #tpu.memory_space<vmem>> -> memref<16512xf32, #tpu.memory_space<vmem>>
    %dma_wait3A_183 = arith.constant 0 : i32
    %dma_wait3A_184 = tpu.memref_slice %arg2[%select_n3A, %select_n3A_57, %dma_wait3A_183] : memref<32x2x65536xf32, #tpu.memory_space<hbm>> -> memref<1x1x16512xf32, #tpu.memory_space<hbm>>
    %dma_wait3A_185 = tpu.memref_squeeze %dma_wait3A_184 : memref<1x1x16512xf32, #tpu.memory_space<hbm>> -> memref<16512xf32, #tpu.memory_space<hbm>>
    tpu.wait_dma2 semaphore(%arg11 : memref<!tpu.dma_semaphore, #tpu.memory_space<semaphore_mem>>) src(%dma_wait3A_185 : memref<16512xf32, #tpu.memory_space<hbm>>) dst(%dma_wait3A_182 : memref<16512xf32, #tpu.memory_space<vmem>>)
    %dma_wait3A_186 = arith.constant 0 : i32
    %dma_wait3A_187 = tpu.memref_slice %arg3[%select_n3A, %select_n3A_57, %dma_wait3A_186] : memref<32x2x16384xf32, #tpu.memory_space<hbm>> -> memref<1x1x4096xf32, #tpu.memory_space<hbm>>
    %dma_wait3A_188 = tpu.memref_squeeze %dma_wait3A_187 : memref<1x1x4096xf32, #tpu.memory_space<hbm>> -> memref<4096xf32, #tpu.memory_space<hbm>>
    %dma_wait3A_189 = arith.constant 0 : i32
    %dma_wait3A_190 = tpu.memref_slice %arg3[%select_n3A, %select_n3A_57, %dma_wait3A_189] : memref<32x2x16384xf32, #tpu.memory_space<hbm>> -> memref<1x1x4096xf32, #tpu.memory_space<hbm>>
    %dma_wait3A_191 = tpu.memref_squeeze %dma_wait3A_190 : memref<1x1x4096xf32, #tpu.memory_space<hbm>> -> memref<4096xf32, #tpu.memory_space<hbm>>
    tpu.wait_dma2 semaphore(%arg11 : memref<!tpu.dma_semaphore, #tpu.memory_space<semaphore_mem>>) src(%dma_wait3A_191 : memref<4096xf32, #tpu.memory_space<hbm>>) dst(%arg7 : memref<4096xf32, #tpu.memory_space<vmem>>)
    %parallel_loop3A = arith.constant 0 : i32
    %parallel_loop3A_192 = arith.constant 256 : i32
    %parallel_loop3A_193 = arith.constant 1 : i32
    scf.for %parallel_loop3A_1300 = %parallel_loop3A to %parallel_loop3A_192 step %parallel_loop3A_193  : i32 {
      %parallel_loop3A_1301 = arith.constant 16 : i32
      %parallel_loop3A_1302 = arith.muli %parallel_loop3A_1300, %parallel_loop3A_1301 : i32
      %parallel_loop3A_1303 = arith.index_cast %parallel_loop3A_1302 : i32 to index
      %parallel_loop3A_1304 = tpu.vector_load %arg7[%parallel_loop3A_1303] {strides = array<i32>} : memref<4096xf32, #tpu.memory_space<vmem>>, vector<16xf32>,
      %parallel_loop3A_1305 = vector.shape_cast %parallel_loop3A_1304 : vector<16xf32> to vector<16xf32>
      %parallel_loop3A_1306 = arith.constant 64 : i32
      %parallel_loop3A_1307 = arith.muli %parallel_loop3A_1300, %parallel_loop3A_1306 : i32
      %parallel_loop3A_1308 = arith.constant 0 : i32
      %parallel_loop3A_1309 = arith.addi %parallel_loop3A_1307, %parallel_loop3A_1308 : i32
      %parallel_loop3A_1310 = vector.shape_cast %add3A_5 : vector<16xi32> to vector<16x1xi32>
      %parallel_loop3A_1311 = vector.shape_cast %parallel_loop3A_1310 : vector<16x1xi32> to vector<16xi32>
      %parallel_loop3A_1312 = tpu.dynamic_gather %parallel_loop3A_1305[%parallel_loop3A_1311] in [0] : vector<16xf32>, vector<16xi32> -> vector<16xf32>
      %parallel_loop3A_1313 = arith.index_cast %parallel_loop3A_1309 : i32 to index
      %parallel_loop3A_1314 = tpu.vector_load %arg5[%parallel_loop3A_1313] {strides = array<i32>} : memref<16512xf32, #tpu.memory_space<vmem>>, vector<16xf32>,
      %parallel_loop3A_1315 = vector.shape_cast %parallel_loop3A_1314 : vector<16xf32> to vector<16xf32>
      %parallel_loop3A_1316 = arith.constant 1 : i32
      %parallel_loop3A_1317 = arith.addi %parallel_loop3A_1309, %parallel_loop3A_1316 : i32
      %parallel_loop3A_1318 = arith.index_cast %parallel_loop3A_1317 : i32 to index
      %parallel_loop3A_1319 = tpu.vector_load %arg5[%parallel_loop3A_1318] {strides = array<i32>} : memref<16512xf32, #tpu.memory_space<vmem>>, vector<16xf32>,
      %parallel_loop3A_1320 = vector.shape_cast %parallel_loop3A_1319 : vector<16xf32> to vector<16xf32>
      %parallel_loop3A_1321 = arith.subf %parallel_loop3A_1320, %parallel_loop3A_1315 : vector<16xf32>
      %parallel_loop3A_1322 = arith.mulf %parallel_loop3A_1312, %parallel_loop3A_1321 : vector<16xf32>
      %parallel_loop3A_1323 = arith.addf %parallel_loop3A_1315, %parallel_loop3A_1322 : vector<16xf32>
      %parallel_loop3A_1324 = arith.index_cast %parallel_loop3A_1309 : i32 to index
      %parallel_loop3A_1325 = tpu.vector_load %arg9[%parallel_loop3A_1324] {strides = array<i32>} : memref<16384xf32, #tpu.memory_space<vmem>>, vector<16xf32>,
      %parallel_loop3A_1326 = vector.shape_cast %parallel_loop3A_1325 : vector<16xf32> to vector<16xf32>
      %parallel_loop3A_1327 = vector.shape_cast %parallel_loop3A_1323 : vector<16xf32> to vector<16xf32>
      tpu.vector_store %arg9[%parallel_loop3A_1324], %parallel_loop3A_1327 {strides = array<i32>} : memref<16384xf32, #tpu.memory_space<vmem>>, vector<16xf32>,
      %parallel_loop3A_1328 = arith.constant 64 : i32
      %parallel_loop3A_1329 = arith.muli %parallel_loop3A_1300, %parallel_loop3A_1328 : i32
      %parallel_loop3A_1330 = arith.constant 16 : i32
      %parallel_loop3A_1331 = arith.addi %parallel_loop3A_1329, %parallel_loop3A_1330 : i32
      %parallel_loop3A_1332 = vector.shape_cast %add3A_11 : vector<16xi32> to vector<16x1xi32>
      %parallel_loop3A_1333 = vector.shape_cast %parallel_loop3A_1332 : vector<16x1xi32> to vector<16xi32>
      %parallel_loop3A_1334 = tpu.dynamic_gather %parallel_loop3A_1305[%parallel_loop3A_1333] in [0] : vector<16xf32>, vector<16xi32> -> vector<16xf32>
      %parallel_loop3A_1335 = arith.index_cast %parallel_loop3A_1331 : i32 to index
      %parallel_loop3A_1336 = tpu.vector_load %arg5[%parallel_loop3A_1335] {strides = array<i32>} : memref<16512xf32, #tpu.memory_space<vmem>>, vector<16xf32>,
      %parallel_loop3A_1337 = vector.shape_cast %parallel_loop3A_1336 : vector<16xf32> to vector<16xf32>
      %parallel_loop3A_1338 = arith.constant 1 : i32
      %parallel_loop3A_1339 = arith.addi %parallel_loop3A_1331, %parallel_loop3A_1338 : i32
      %parallel_loop3A_1340 = arith.index_cast %parallel_loop3A_1339 : i32 to index
      %parallel_loop3A_1341 = tpu.vector_load %arg5[%parallel_loop3A_1340] {strides = array<i32>} : memref<16512xf32, #tpu.memory_space<vmem>>, vector<16xf32>,
      %parallel_loop3A_1342 = vector.shape_cast %parallel_loop3A_1341 : vector<16xf32> to vector<16xf32>
      %parallel_loop3A_1343 = arith.subf %parallel_loop3A_1342, %parallel_loop3A_1337 : vector<16xf32>
      %parallel_loop3A_1344 = arith.mulf %parallel_loop3A_1334, %parallel_loop3A_1343 : vector<16xf32>
      %parallel_loop3A_1345 = arith.addf %parallel_loop3A_1337, %parallel_loop3A_1344 : vector<16xf32>
      %parallel_loop3A_1346 = arith.index_cast %parallel_loop3A_1331 : i32 to index
      %parallel_loop3A_1347 = tpu.vector_load %arg9[%parallel_loop3A_1346] {strides = array<i32>} : memref<16384xf32, #tpu.memory_space<vmem>>, vector<16xf32>,
      %parallel_loop3A_1348 = vector.shape_cast %parallel_loop3A_1347 : vector<16xf32> to vector<16xf32>
      %parallel_loop3A_1349 = vector.shape_cast %parallel_loop3A_1345 : vector<16xf32> to vector<16xf32>
      tpu.vector_store %arg9[%parallel_loop3A_1346], %parallel_loop3A_1349 {strides = array<i32>} : memref<16384xf32, #tpu.memory_space<vmem>>, vector<16xf32>,
      %parallel_loop3A_1350 = arith.constant 64 : i32
      %parallel_loop3A_1351 = arith.muli %parallel_loop3A_1300, %parallel_loop3A_1350 : i32
      %parallel_loop3A_1352 = arith.constant 32 : i32
      %parallel_loop3A_1353 = arith.addi %parallel_loop3A_1351, %parallel_loop3A_1352 : i32
      %parallel_loop3A_1354 = vector.shape_cast %add3A_17 : vector<16xi32> to vector<16x1xi32>
      %parallel_loop3A_1355 = vector.shape_cast %parallel_loop3A_1354 : vector<16x1xi32> to vector<16xi32>
      %parallel_loop3A_1356 = tpu.dynamic_gather %parallel_loop3A_1305[%parallel_loop3A_1355] in [0] : vector<16xf32>, vector<16xi32> -> vector<16xf32>
      %parallel_loop3A_1357 = arith.index_cast %parallel_loop3A_1353 : i32 to index
      %parallel_loop3A_1358 = tpu.vector_load %arg5[%parallel_loop3A_1357] {strides = array<i32>} : memref<16512xf32, #tpu.memory_space<vmem>>, vector<16xf32>,
      %parallel_loop3A_1359 = vector.shape_cast %parallel_loop3A_1358 : vector<16xf32> to vector<16xf32>
      %parallel_loop3A_1360 = arith.constant 1 : i32
      %parallel_loop3A_1361 = arith.addi %parallel_loop3A_1353, %parallel_loop3A_1360 : i32
      %parallel_loop3A_1362 = arith.index_cast %parallel_loop3A_1361 : i32 to index
      %parallel_loop3A_1363 = tpu.vector_load %arg5[%parallel_loop3A_1362] {strides = array<i32>} : memref<16512xf32, #tpu.memory_space<vmem>>, vector<16xf32>,
      %parallel_loop3A_1364 = vector.shape_cast %parallel_loop3A_1363 : vector<16xf32> to vector<16xf32>
      %parallel_loop3A_1365 = arith.subf %parallel_loop3A_1364, %parallel_loop3A_1359 : vector<16xf32>
      %parallel_loop3A_1366 = arith.mulf %parallel_loop3A_1356, %parallel_loop3A_1365 : vector<16xf32>
      %parallel_loop3A_1367 = arith.addf %parallel_loop3A_1359, %parallel_loop3A_1366 : vector<16xf32>
      %parallel_loop3A_1368 = arith.index_cast %parallel_loop3A_1353 : i32 to index
      %parallel_loop3A_1369 = tpu.vector_load %arg9[%parallel_loop3A_1368] {strides = array<i32>} : memref<16384xf32, #tpu.memory_space<vmem>>, vector<16xf32>,
      %parallel_loop3A_1370 = vector.shape_cast %parallel_loop3A_1369 : vector<16xf32> to vector<16xf32>
      %parallel_loop3A_1371 = vector.shape_cast %parallel_loop3A_1367 : vector<16xf32> to vector<16xf32>
      tpu.vector_store %arg9[%parallel_loop3A_1368], %parallel_loop3A_1371 {strides = array<i32>} : memref<16384xf32, #tpu.memory_space<vmem>>, vector<16xf32>,
      %parallel_loop3A_1372 = arith.constant 64 : i32
      %parallel_loop3A_1373 = arith.muli %parallel_loop3A_1300, %parallel_loop3A_1372 : i32
      %parallel_loop3A_1374 = arith.constant 48 : i32
      %parallel_loop3A_1375 = arith.addi %parallel_loop3A_1373, %parallel_loop3A_1374 : i32
      %parallel_loop3A_1376 = vector.shape_cast %add3A_23 : vector<16xi32> to vector<16x1xi32>
      %parallel_loop3A_1377 = vector.shape_cast %parallel_loop3A_1376 : vector<16x1xi32> to vector<16xi32>
      %parallel_loop3A_1378 = tpu.dynamic_gather %parallel_loop3A_1305[%parallel_loop3A_1377] in [0] : vector<16xf32>, vector<16xi32> -> vector<16xf32>
      %parallel_loop3A_1379 = arith.index_cast %parallel_loop3A_1375 : i32 to index
      %parallel_loop3A_1380 = tpu.vector_load %arg5[%parallel_loop3A_1379] {strides = array<i32>} : memref<16512xf32, #tpu.memory_space<vmem>>, vector<16xf32>,
      %parallel_loop3A_1381 = vector.shape_cast %parallel_loop3A_1380 : vector<16xf32> to vector<16xf32>
      %parallel_loop3A_1382 = arith.constant 1 : i32
      %parallel_loop3A_1383 = arith.addi %parallel_loop3A_1375, %parallel_loop3A_1382 : i32
      %parallel_loop3A_1384 = arith.index_cast %parallel_loop3A_1383 : i32 to index
      %parallel_loop3A_1385 = tpu.vector_load %arg5[%parallel_loop3A_1384] {strides = array<i32>} : memref<16512xf32, #tpu.memory_space<vmem>>, vector<16xf32>,
      %parallel_loop3A_1386 = vector.shape_cast %parallel_loop3A_1385 : vector<16xf32> to vector<16xf32>
      %parallel_loop3A_1387 = arith.subf %parallel_loop3A_1386, %parallel_loop3A_1381 : vector<16xf32>
      %parallel_loop3A_1388 = arith.mulf %parallel_loop3A_1378, %parallel_loop3A_1387 : vector<16xf32>
      %parallel_loop3A_1389 = arith.addf %parallel_loop3A_1381, %parallel_loop3A_1388 : vector<16xf32>
      %parallel_loop3A_1390 = arith.index_cast %parallel_loop3A_1375 : i32 to index
      %parallel_loop3A_1391 = tpu.vector_load %arg9[%parallel_loop3A_1390] {strides = array<i32>} : memref<16384xf32, #tpu.memory_space<vmem>>, vector<16xf32>,
      %parallel_loop3A_1392 = vector.shape_cast %parallel_loop3A_1391 : vector<16xf32> to vector<16xf32>
      %parallel_loop3A_1393 = vector.shape_cast %parallel_loop3A_1389 : vector<16xf32> to vector<16xf32>
      tpu.vector_store %arg9[%parallel_loop3A_1390], %parallel_loop3A_1393 {strides = array<i32>} : memref<16384xf32, #tpu.memory_space<vmem>>, vector<16xf32>,
    } {sc.loop_unroll_factor = 8 : i64, sc.parallel_access}
    %dma_start3A_194 = arith.constant 0 : i32
    %dma_start3A_195 = tpu.memref_slice %arg4[%select_n3A_160, %select_n3A_176, %dma_start3A_194] : memref<32x2x65536xf32, #tpu.memory_space<hbm>> -> memref<1x1x16384xf32, #tpu.memory_space<hbm>>
    %dma_start3A_196 = tpu.memref_squeeze %dma_start3A_195 : memref<1x1x16384xf32, #tpu.memory_space<hbm>> -> memref<16384xf32, #tpu.memory_space<hbm>>
    %dma_start3A_197 = arith.constant 0 : i32
    %dma_start3A_198 = tpu.memref_slice %arg4[%select_n3A_160, %select_n3A_176, %dma_start3A_197] : memref<32x2x65536xf32, #tpu.memory_space<hbm>> -> memref<1x1x16384xf32, #tpu.memory_space<hbm>>
    %dma_start3A_199 = tpu.memref_squeeze %dma_start3A_198 : memref<1x1x16384xf32, #tpu.memory_space<hbm>> -> memref<16384xf32, #tpu.memory_space<hbm>>
    tpu.enqueue_dma source(%arg9 : memref<16384xf32, #tpu.memory_space<vmem>>) target(%dma_start3A_199 : memref<16384xf32, #tpu.memory_space<hbm>>) target_semaphore(%arg13 : memref<!tpu.dma_semaphore, #tpu.memory_space<semaphore_mem>>)
    %mul3A_200 = arith.constant 2 : i32
    %mul3A_201 = arith.muli %add3A, %mul3A_200 : i32
    %add3A_202 = arith.constant 0 : i32
    %add3A_203 = arith.addi %mul3A_201, %add3A_202 : i32
    %jit3A_204 = arith.constant 2 : i32
    %div3A_205 = arith.divsi %add3A_203, %jit3A_204 : i32
    %sign3A_206 = arith.constant 0 : i32
    %sign3A_207 = arith.cmpi sgt, %add3A_203, %sign3A_206 : i32
    %sign3A_208 = arith.extui %sign3A_207 : i1 to i32
    %sign3A_209 = arith.constant 0 : i32
    %sign3A_210 = arith.cmpi slt, %add3A_203, %sign3A_209 : i32
    %sign3A_211 = arith.extui %sign3A_210 : i1 to i32
    %sign3A_212 = arith.subi %sign3A_208, %sign3A_211 : i32
    %sign3A_213 = arith.constant 0 : i32
    %sign3A_214 = arith.cmpi sgt, %jit3A_204, %sign3A_213 : i32
    %sign3A_215 = arith.extui %sign3A_214 : i1 to i32
    %sign3A_216 = arith.constant 0 : i32
    %sign3A_217 = arith.cmpi slt, %jit3A_204, %sign3A_216 : i32
    %sign3A_218 = arith.extui %sign3A_217 : i1 to i32
    %sign3A_219 = arith.subi %sign3A_215, %sign3A_218 : i32
    %ne3A_220 = arith.cmpi ne, %sign3A_212, %sign3A_219 : i32
    %rem3A_221 = arith.remsi %add3A_203, %jit3A_204 : i32
    %ne3A_222 = arith.constant 0 : i32
    %ne3A_223 = arith.cmpi ne, %rem3A_221, %ne3A_222 : i32
    %and3A_224 = arith.andi %ne3A_220, %ne3A_223 : i1
    %sub3A_225 = arith.constant 1 : i32
    %sub3A_226 = arith.subi %div3A_205, %sub3A_225 : i32
    %select_n3A_227 = arith.select %and3A_224, %sub3A_226, %div3A_205 : i32
    %jit3A_228 = arith.constant 2 : i32
    %eq3A_229 = arith.constant 0 : i32
    %eq3A_230 = arith.cmpi eq, %jit3A_228, %eq3A_229 : i32
    %jit3A_231 = arith.constant 1 : i32
    %select_n3A_232 = arith.select %eq3A_230, %jit3A_231, %jit3A_228 : i32
    %rem3A_233 = arith.remsi %add3A_203, %select_n3A_232 : i32
    %ne3A_234 = arith.constant 0 : i32
    %ne3A_235 = arith.cmpi ne, %rem3A_233, %ne3A_234 : i32
    %lt3A_236 = arith.constant 0 : i32
    %lt3A_237 = arith.cmpi slt, %rem3A_233, %lt3A_236 : i32
    %lt3A_238 = arith.constant 0 : i32
    %lt3A_239 = arith.cmpi slt, %select_n3A_232, %lt3A_238 : i32
    %ne3A_240 = arith.xori %lt3A_237, %lt3A_239 : i1
    %and3A_241 = arith.andi %ne3A_240, %ne3A_235 : i1
    %add3A_242 = arith.addi %rem3A_233, %select_n3A_232 : i32
    %select_n3A_243 = arith.select %and3A_241, %add3A_242, %rem3A_233 : i32
    %dma_start3A_244 = arith.constant 0 : i32
    %dma_start3A_245 = tpu.memref_slice %arg5[%dma_start3A_244] : memref<16512xf32, #tpu.memory_space<vmem>> -> memref<16512xf32, #tpu.memory_space<vmem>>
    %dma_start3A_246 = arith.constant 32768 : i32
    %dma_start3A_247 = tpu.memref_slice %arg2[%select_n3A_227, %select_n3A_243, %dma_start3A_246] : memref<32x2x65536xf32, #tpu.memory_space<hbm>> -> memref<1x1x16512xf32, #tpu.memory_space<hbm>>
    %dma_start3A_248 = tpu.memref_squeeze %dma_start3A_247 : memref<1x1x16512xf32, #tpu.memory_space<hbm>> -> memref<16512xf32, #tpu.memory_space<hbm>>
    %dma_start3A_249 = arith.constant 0 : i32
    %dma_start3A_250 = tpu.memref_slice %arg5[%dma_start3A_249] : memref<16512xf32, #tpu.memory_space<vmem>> -> memref<16512xf32, #tpu.memory_space<vmem>>
    %dma_start3A_251 = arith.constant 32768 : i32
    %dma_start3A_252 = tpu.memref_slice %arg2[%select_n3A_227, %select_n3A_243, %dma_start3A_251] : memref<32x2x65536xf32, #tpu.memory_space<hbm>> -> memref<1x1x16512xf32, #tpu.memory_space<hbm>>
    %dma_start3A_253 = tpu.memref_squeeze %dma_start3A_252 : memref<1x1x16512xf32, #tpu.memory_space<hbm>> -> memref<16512xf32, #tpu.memory_space<hbm>>
    tpu.enqueue_dma source(%dma_start3A_253 : memref<16512xf32, #tpu.memory_space<hbm>>) target(%dma_start3A_250 : memref<16512xf32, #tpu.memory_space<vmem>>) target_semaphore(%arg11 : memref<!tpu.dma_semaphore, #tpu.memory_space<semaphore_mem>>)
    %dma_start3A_254 = arith.constant 8192 : i32
    %dma_start3A_255 = tpu.memref_slice %arg3[%select_n3A_227, %select_n3A_243, %dma_start3A_254] : memref<32x2x16384xf32, #tpu.memory_space<hbm>> -> memref<1x1x4096xf32, #tpu.memory_space<hbm>>
    %dma_start3A_256 = tpu.memref_squeeze %dma_start3A_255 : memref<1x1x4096xf32, #tpu.memory_space<hbm>> -> memref<4096xf32, #tpu.memory_space<hbm>>
    %dma_start3A_257 = arith.constant 8192 : i32
    %dma_start3A_258 = tpu.memref_slice %arg3[%select_n3A_227, %select_n3A_243, %dma_start3A_257] : memref<32x2x16384xf32, #tpu.memory_space<hbm>> -> memref<1x1x4096xf32, #tpu.memory_space<hbm>>
    %dma_start3A_259 = tpu.memref_squeeze %dma_start3A_258 : memref<1x1x4096xf32, #tpu.memory_space<hbm>> -> memref<4096xf32, #tpu.memory_space<hbm>>
    tpu.enqueue_dma source(%dma_start3A_259 : memref<4096xf32, #tpu.memory_space<hbm>>) target(%arg7 : memref<4096xf32, #tpu.memory_space<vmem>>) target_semaphore(%arg11 : memref<!tpu.dma_semaphore, #tpu.memory_space<semaphore_mem>>)
    %mul3A_260 = arith.constant 2 : i32
    %mul3A_261 = arith.muli %add3A, %mul3A_260 : i32
    %add3A_262 = arith.constant 0 : i32
    %add3A_263 = arith.addi %mul3A_261, %add3A_262 : i32
    %jit3A_264 = arith.constant 2 : i32
    %div3A_265 = arith.divsi %add3A_263, %jit3A_264 : i32
    %sign3A_266 = arith.constant 0 : i32
    %sign3A_267 = arith.cmpi sgt, %add3A_263, %sign3A_266 : i32
    %sign3A_268 = arith.extui %sign3A_267 : i1 to i32
    %sign3A_269 = arith.constant 0 : i32
    %sign3A_270 = arith.cmpi slt, %add3A_263, %sign3A_269 : i32
    %sign3A_271 = arith.extui %sign3A_270 : i1 to i32
    %sign3A_272 = arith.subi %sign3A_268, %sign3A_271 : i32
    %sign3A_273 = arith.constant 0 : i32
    %sign3A_274 = arith.cmpi sgt, %jit3A_264, %sign3A_273 : i32
    %sign3A_275 = arith.extui %sign3A_274 : i1 to i32
    %sign3A_276 = arith.constant 0 : i32
    %sign3A_277 = arith.cmpi slt, %jit3A_264, %sign3A_276 : i32
    %sign3A_278 = arith.extui %sign3A_277 : i1 to i32
    %sign3A_279 = arith.subi %sign3A_275, %sign3A_278 : i32
    %ne3A_280 = arith.cmpi ne, %sign3A_272, %sign3A_279 : i32
    %rem3A_281 = arith.remsi %add3A_263, %jit3A_264 : i32
    %ne3A_282 = arith.constant 0 : i32
    %ne3A_283 = arith.cmpi ne, %rem3A_281, %ne3A_282 : i32
    %and3A_284 = arith.andi %ne3A_280, %ne3A_283 : i1
    %sub3A_285 = arith.constant 1 : i32
    %sub3A_286 = arith.subi %div3A_265, %sub3A_285 : i32
    %select_n3A_287 = arith.select %and3A_284, %sub3A_286, %div3A_265 : i32
    %jit3A_288 = arith.constant 2 : i32
    %eq3A_289 = arith.constant 0 : i32
    %eq3A_290 = arith.cmpi eq, %jit3A_288, %eq3A_289 : i32
    %jit3A_291 = arith.constant 1 : i32
    %select_n3A_292 = arith.select %eq3A_290, %jit3A_291, %jit3A_288 : i32
    %rem3A_293 = arith.remsi %add3A_263, %select_n3A_292 : i32
    %ne3A_294 = arith.constant 0 : i32
    %ne3A_295 = arith.cmpi ne, %rem3A_293, %ne3A_294 : i32
    %lt3A_296 = arith.constant 0 : i32
    %lt3A_297 = arith.cmpi slt, %rem3A_293, %lt3A_296 : i32
    %lt3A_298 = arith.constant 0 : i32
    %lt3A_299 = arith.cmpi slt, %select_n3A_292, %lt3A_298 : i32
    %ne3A_300 = arith.xori %lt3A_297, %lt3A_299 : i1
    %and3A_301 = arith.andi %ne3A_300, %ne3A_295 : i1
    %add3A_302 = arith.addi %rem3A_293, %select_n3A_292 : i32
    %select_n3A_303 = arith.select %and3A_301, %add3A_302, %rem3A_293 : i32
    %dma_wait3A_304 = arith.constant 0 : i32
    %dma_wait3A_305 = tpu.memref_slice %arg6[%dma_wait3A_304] : memref<16512xf32, #tpu.memory_space<vmem>> -> memref<16512xf32, #tpu.memory_space<vmem>>
    %dma_wait3A_306 = arith.constant 16384 : i32
    %dma_wait3A_307 = tpu.memref_slice %arg2[%select_n3A_100, %select_n3A_116, %dma_wait3A_306] : memref<32x2x65536xf32, #tpu.memory_space<hbm>> -> memref<1x1x16512xf32, #tpu.memory_space<hbm>>
    %dma_wait3A_308 = tpu.memref_squeeze %dma_wait3A_307 : memref<1x1x16512xf32, #tpu.memory_space<hbm>> -> memref<16512xf32, #tpu.memory_space<hbm>>
    %dma_wait3A_309 = arith.constant 0 : i32
    %dma_wait3A_310 = tpu.memref_slice %arg6[%dma_wait3A_309] : memref<16512xf32, #tpu.memory_space<vmem>> -> memref<16512xf32, #tpu.memory_space<vmem>>
    %dma_wait3A_311 = arith.constant 16384 : i32
    %dma_wait3A_312 = tpu.memref_slice %arg2[%select_n3A_100, %select_n3A_116, %dma_wait3A_311] : memref<32x2x65536xf32, #tpu.memory_space<hbm>> -> memref<1x1x16512xf32, #tpu.memory_space<hbm>>
    %dma_wait3A_313 = tpu.memref_squeeze %dma_wait3A_312 : memref<1x1x16512xf32, #tpu.memory_space<hbm>> -> memref<16512xf32, #tpu.memory_space<hbm>>
    tpu.wait_dma2 semaphore(%arg12 : memref<!tpu.dma_semaphore, #tpu.memory_space<semaphore_mem>>) src(%dma_wait3A_313 : memref<16512xf32, #tpu.memory_space<hbm>>) dst(%dma_wait3A_310 : memref<16512xf32, #tpu.memory_space<vmem>>)
    %dma_wait3A_314 = arith.constant 4096 : i32
    %dma_wait3A_315 = tpu.memref_slice %arg3[%select_n3A_100, %select_n3A_116, %dma_wait3A_314] : memref<32x2x16384xf32, #tpu.memory_space<hbm>> -> memref<1x1x4096xf32, #tpu.memory_space<hbm>>
    %dma_wait3A_316 = tpu.memref_squeeze %dma_wait3A_315 : memref<1x1x4096xf32, #tpu.memory_space<hbm>> -> memref<4096xf32, #tpu.memory_space<hbm>>
    %dma_wait3A_317 = arith.constant 4096 : i32
    %dma_wait3A_318 = tpu.memref_slice %arg3[%select_n3A_100, %select_n3A_116, %dma_wait3A_317] : memref<32x2x16384xf32, #tpu.memory_space<hbm>> -> memref<1x1x4096xf32, #tpu.memory_space<hbm>>
    %dma_wait3A_319 = tpu.memref_squeeze %dma_wait3A_318 : memref<1x1x4096xf32, #tpu.memory_space<hbm>> -> memref<4096xf32, #tpu.memory_space<hbm>>
    tpu.wait_dma2 semaphore(%arg12 : memref<!tpu.dma_semaphore, #tpu.memory_space<semaphore_mem>>) src(%dma_wait3A_319 : memref<4096xf32, #tpu.memory_space<hbm>>) dst(%arg8 : memref<4096xf32, #tpu.memory_space<vmem>>)
    %parallel_loop3A_320 = arith.constant 0 : i32
    %parallel_loop3A_321 = arith.constant 256 : i32
    %parallel_loop3A_322 = arith.constant 1 : i32
    scf.for %parallel_loop3A_1300 = %parallel_loop3A_320 to %parallel_loop3A_321 step %parallel_loop3A_322  : i32 {
      %parallel_loop3A_1301 = arith.constant 16 : i32
      %parallel_loop3A_1302 = arith.muli %parallel_loop3A_1300, %parallel_loop3A_1301 : i32
      %parallel_loop3A_1303 = arith.index_cast %parallel_loop3A_1302 : i32 to index
      %parallel_loop3A_1304 = tpu.vector_load %arg8[%parallel_loop3A_1303] {strides = array<i32>} : memref<4096xf32, #tpu.memory_space<vmem>>, vector<16xf32>,
      %parallel_loop3A_1305 = vector.shape_cast %parallel_loop3A_1304 : vector<16xf32> to vector<16xf32>
      %parallel_loop3A_1306 = arith.constant 64 : i32
      %parallel_loop3A_1307 = arith.muli %parallel_loop3A_1300, %parallel_loop3A_1306 : i32
      %parallel_loop3A_1308 = arith.constant 0 : i32
      %parallel_loop3A_1309 = arith.addi %parallel_loop3A_1307, %parallel_loop3A_1308 : i32
      %parallel_loop3A_1310 = vector.shape_cast %add3A_5 : vector<16xi32> to vector<16x1xi32>
      %parallel_loop3A_1311 = vector.shape_cast %parallel_loop3A_1310 : vector<16x1xi32> to vector<16xi32>
      %parallel_loop3A_1312 = tpu.dynamic_gather %parallel_loop3A_1305[%parallel_loop3A_1311] in [0] : vector<16xf32>, vector<16xi32> -> vector<16xf32>
      %parallel_loop3A_1313 = arith.index_cast %parallel_loop3A_1309 : i32 to index
      %parallel_loop3A_1314 = tpu.vector_load %arg6[%parallel_loop3A_1313] {strides = array<i32>} : memref<16512xf32, #tpu.memory_space<vmem>>, vector<16xf32>,
      %parallel_loop3A_1315 = vector.shape_cast %parallel_loop3A_1314 : vector<16xf32> to vector<16xf32>
      %parallel_loop3A_1316 = arith.constant 1 : i32
      %parallel_loop3A_1317 = arith.addi %parallel_loop3A_1309, %parallel_loop3A_1316 : i32
      %parallel_loop3A_1318 = arith.index_cast %parallel_loop3A_1317 : i32 to index
      %parallel_loop3A_1319 = tpu.vector_load %arg6[%parallel_loop3A_1318] {strides = array<i32>} : memref<16512xf32, #tpu.memory_space<vmem>>, vector<16xf32>,
      %parallel_loop3A_1320 = vector.shape_cast %parallel_loop3A_1319 : vector<16xf32> to vector<16xf32>
      %parallel_loop3A_1321 = arith.subf %parallel_loop3A_1320, %parallel_loop3A_1315 : vector<16xf32>
      %parallel_loop3A_1322 = arith.mulf %parallel_loop3A_1312, %parallel_loop3A_1321 : vector<16xf32>
      %parallel_loop3A_1323 = arith.addf %parallel_loop3A_1315, %parallel_loop3A_1322 : vector<16xf32>
      %parallel_loop3A_1324 = arith.index_cast %parallel_loop3A_1309 : i32 to index
      %parallel_loop3A_1325 = tpu.vector_load %arg10[%parallel_loop3A_1324] {strides = array<i32>} : memref<16384xf32, #tpu.memory_space<vmem>>, vector<16xf32>,
      %parallel_loop3A_1326 = vector.shape_cast %parallel_loop3A_1325 : vector<16xf32> to vector<16xf32>
      %parallel_loop3A_1327 = vector.shape_cast %parallel_loop3A_1323 : vector<16xf32> to vector<16xf32>
      tpu.vector_store %arg10[%parallel_loop3A_1324], %parallel_loop3A_1327 {strides = array<i32>} : memref<16384xf32, #tpu.memory_space<vmem>>, vector<16xf32>,
      %parallel_loop3A_1328 = arith.constant 64 : i32
      %parallel_loop3A_1329 = arith.muli %parallel_loop3A_1300, %parallel_loop3A_1328 : i32
      %parallel_loop3A_1330 = arith.constant 16 : i32
      %parallel_loop3A_1331 = arith.addi %parallel_loop3A_1329, %parallel_loop3A_1330 : i32
      %parallel_loop3A_1332 = vector.shape_cast %add3A_11 : vector<16xi32> to vector<16x1xi32>
      %parallel_loop3A_1333 = vector.shape_cast %parallel_loop3A_1332 : vector<16x1xi32> to vector<16xi32>
      %parallel_loop3A_1334 = tpu.dynamic_gather %parallel_loop3A_1305[%parallel_loop3A_1333] in [0] : vector<16xf32>, vector<16xi32> -> vector<16xf32>
      %parallel_loop3A_1335 = arith.index_cast %parallel_loop3A_1331 : i32 to index
      %parallel_loop3A_1336 = tpu.vector_load %arg6[%parallel_loop3A_1335] {strides = array<i32>} : memref<16512xf32, #tpu.memory_space<vmem>>, vector<16xf32>,
      %parallel_loop3A_1337 = vector.shape_cast %parallel_loop3A_1336 : vector<16xf32> to vector<16xf32>
      %parallel_loop3A_1338 = arith.constant 1 : i32
      %parallel_loop3A_1339 = arith.addi %parallel_loop3A_1331, %parallel_loop3A_1338 : i32
      %parallel_loop3A_1340 = arith.index_cast %parallel_loop3A_1339 : i32 to index
      %parallel_loop3A_1341 = tpu.vector_load %arg6[%parallel_loop3A_1340] {strides = array<i32>} : memref<16512xf32, #tpu.memory_space<vmem>>, vector<16xf32>,
      %parallel_loop3A_1342 = vector.shape_cast %parallel_loop3A_1341 : vector<16xf32> to vector<16xf32>
      %parallel_loop3A_1343 = arith.subf %parallel_loop3A_1342, %parallel_loop3A_1337 : vector<16xf32>
      %parallel_loop3A_1344 = arith.mulf %parallel_loop3A_1334, %parallel_loop3A_1343 : vector<16xf32>
      %parallel_loop3A_1345 = arith.addf %parallel_loop3A_1337, %parallel_loop3A_1344 : vector<16xf32>
      %parallel_loop3A_1346 = arith.index_cast %parallel_loop3A_1331 : i32 to index
      %parallel_loop3A_1347 = tpu.vector_load %arg10[%parallel_loop3A_1346] {strides = array<i32>} : memref<16384xf32, #tpu.memory_space<vmem>>, vector<16xf32>,
      %parallel_loop3A_1348 = vector.shape_cast %parallel_loop3A_1347 : vector<16xf32> to vector<16xf32>
      %parallel_loop3A_1349 = vector.shape_cast %parallel_loop3A_1345 : vector<16xf32> to vector<16xf32>
      tpu.vector_store %arg10[%parallel_loop3A_1346], %parallel_loop3A_1349 {strides = array<i32>} : memref<16384xf32, #tpu.memory_space<vmem>>, vector<16xf32>,
      %parallel_loop3A_1350 = arith.constant 64 : i32
      %parallel_loop3A_1351 = arith.muli %parallel_loop3A_1300, %parallel_loop3A_1350 : i32
      %parallel_loop3A_1352 = arith.constant 32 : i32
      %parallel_loop3A_1353 = arith.addi %parallel_loop3A_1351, %parallel_loop3A_1352 : i32
      %parallel_loop3A_1354 = vector.shape_cast %add3A_17 : vector<16xi32> to vector<16x1xi32>
      %parallel_loop3A_1355 = vector.shape_cast %parallel_loop3A_1354 : vector<16x1xi32> to vector<16xi32>
      %parallel_loop3A_1356 = tpu.dynamic_gather %parallel_loop3A_1305[%parallel_loop3A_1355] in [0] : vector<16xf32>, vector<16xi32> -> vector<16xf32>
      %parallel_loop3A_1357 = arith.index_cast %parallel_loop3A_1353 : i32 to index
      %parallel_loop3A_1358 = tpu.vector_load %arg6[%parallel_loop3A_1357] {strides = array<i32>} : memref<16512xf32, #tpu.memory_space<vmem>>, vector<16xf32>,
      %parallel_loop3A_1359 = vector.shape_cast %parallel_loop3A_1358 : vector<16xf32> to vector<16xf32>
      %parallel_loop3A_1360 = arith.constant 1 : i32
      %parallel_loop3A_1361 = arith.addi %parallel_loop3A_1353, %parallel_loop3A_1360 : i32
      %parallel_loop3A_1362 = arith.index_cast %parallel_loop3A_1361 : i32 to index
      %parallel_loop3A_1363 = tpu.vector_load %arg6[%parallel_loop3A_1362] {strides = array<i32>} : memref<16512xf32, #tpu.memory_space<vmem>>, vector<16xf32>,
      %parallel_loop3A_1364 = vector.shape_cast %parallel_loop3A_1363 : vector<16xf32> to vector<16xf32>
      %parallel_loop3A_1365 = arith.subf %parallel_loop3A_1364, %parallel_loop3A_1359 : vector<16xf32>
      %parallel_loop3A_1366 = arith.mulf %parallel_loop3A_1356, %parallel_loop3A_1365 : vector<16xf32>
      %parallel_loop3A_1367 = arith.addf %parallel_loop3A_1359, %parallel_loop3A_1366 : vector<16xf32>
      %parallel_loop3A_1368 = arith.index_cast %parallel_loop3A_1353 : i32 to index
      %parallel_loop3A_1369 = tpu.vector_load %arg10[%parallel_loop3A_1368] {strides = array<i32>} : memref<16384xf32, #tpu.memory_space<vmem>>, vector<16xf32>,
      %parallel_loop3A_1370 = vector.shape_cast %parallel_loop3A_1369 : vector<16xf32> to vector<16xf32>
      %parallel_loop3A_1371 = vector.shape_cast %parallel_loop3A_1367 : vector<16xf32> to vector<16xf32>
      tpu.vector_store %arg10[%parallel_loop3A_1368], %parallel_loop3A_1371 {strides = array<i32>} : memref<16384xf32, #tpu.memory_space<vmem>>, vector<16xf32>,
      %parallel_loop3A_1372 = arith.constant 64 : i32
      %parallel_loop3A_1373 = arith.muli %parallel_loop3A_1300, %parallel_loop3A_1372 : i32
      %parallel_loop3A_1374 = arith.constant 48 : i32
      %parallel_loop3A_1375 = arith.addi %parallel_loop3A_1373, %parallel_loop3A_1374 : i32
      %parallel_loop3A_1376 = vector.shape_cast %add3A_23 : vector<16xi32> to vector<16x1xi32>
      %parallel_loop3A_1377 = vector.shape_cast %parallel_loop3A_1376 : vector<16x1xi32> to vector<16xi32>
      %parallel_loop3A_1378 = tpu.dynamic_gather %parallel_loop3A_1305[%parallel_loop3A_1377] in [0] : vector<16xf32>, vector<16xi32> -> vector<16xf32>
      %parallel_loop3A_1379 = arith.index_cast %parallel_loop3A_1375 : i32 to index
      %parallel_loop3A_1380 = tpu.vector_load %arg6[%parallel_loop3A_1379] {strides = array<i32>} : memref<16512xf32, #tpu.memory_space<vmem>>, vector<16xf32>,
      %parallel_loop3A_1381 = vector.shape_cast %parallel_loop3A_1380 : vector<16xf32> to vector<16xf32>
      %parallel_loop3A_1382 = arith.constant 1 : i32
      %parallel_loop3A_1383 = arith.addi %parallel_loop3A_1375, %parallel_loop3A_1382 : i32
      %parallel_loop3A_1384 = arith.index_cast %parallel_loop3A_1383 : i32 to index
      %parallel_loop3A_1385 = tpu.vector_load %arg6[%parallel_loop3A_1384] {strides = array<i32>} : memref<16512xf32, #tpu.memory_space<vmem>>, vector<16xf32>,
      %parallel_loop3A_1386 = vector.shape_cast %parallel_loop3A_1385 : vector<16xf32> to vector<16xf32>
      %parallel_loop3A_1387 = arith.subf %parallel_loop3A_1386, %parallel_loop3A_1381 : vector<16xf32>
      %parallel_loop3A_1388 = arith.mulf %parallel_loop3A_1378, %parallel_loop3A_1387 : vector<16xf32>
      %parallel_loop3A_1389 = arith.addf %parallel_loop3A_1381, %parallel_loop3A_1388 : vector<16xf32>
      %parallel_loop3A_1390 = arith.index_cast %parallel_loop3A_1375 : i32 to index
      %parallel_loop3A_1391 = tpu.vector_load %arg10[%parallel_loop3A_1390] {strides = array<i32>} : memref<16384xf32, #tpu.memory_space<vmem>>, vector<16xf32>,
      %parallel_loop3A_1392 = vector.shape_cast %parallel_loop3A_1391 : vector<16xf32> to vector<16xf32>
      %parallel_loop3A_1393 = vector.shape_cast %parallel_loop3A_1389 : vector<16xf32> to vector<16xf32>
      tpu.vector_store %arg10[%parallel_loop3A_1390], %parallel_loop3A_1393 {strides = array<i32>} : memref<16384xf32, #tpu.memory_space<vmem>>, vector<16xf32>,
    } {sc.loop_unroll_factor = 8 : i64, sc.parallel_access}
    %dma_start3A_323 = arith.constant 16384 : i32
    %dma_start3A_324 = tpu.memref_slice %arg4[%select_n3A_287, %select_n3A_303, %dma_start3A_323] : memref<32x2x65536xf32, #tpu.memory_space<hbm>> -> memref<1x1x16384xf32, #tpu.memory_space<hbm>>
    %dma_start3A_325 = tpu.memref_squeeze %dma_start3A_324 : memref<1x1x16384xf32, #tpu.memory_space<hbm>> -> memref<16384xf32, #tpu.memory_space<hbm>>
    %dma_start3A_326 = arith.constant 16384 : i32
    %dma_start3A_327 = tpu.memref_slice %arg4[%select_n3A_287, %select_n3A_303, %dma_start3A_326] : memref<32x2x65536xf32, #tpu.memory_space<hbm>> -> memref<1x1x16384xf32, #tpu.memory_space<hbm>>
    %dma_start3A_328 = tpu.memref_squeeze %dma_start3A_327 : memref<1x1x16384xf32, #tpu.memory_space<hbm>> -> memref<16384xf32, #tpu.memory_space<hbm>>
    tpu.enqueue_dma source(%arg10 : memref<16384xf32, #tpu.memory_space<vmem>>) target(%dma_start3A_328 : memref<16384xf32, #tpu.memory_space<hbm>>) target_semaphore(%arg14 : memref<!tpu.dma_semaphore, #tpu.memory_space<semaphore_mem>>)
    %mul3A_329 = arith.constant 2 : i32
    %mul3A_330 = arith.muli %add3A, %mul3A_329 : i32
    %add3A_331 = arith.constant 0 : i32
    %add3A_332 = arith.addi %mul3A_330, %add3A_331 : i32
    %jit3A_333 = arith.constant 2 : i32
    %div3A_334 = arith.divsi %add3A_332, %jit3A_333 : i32
    %sign3A_335 = arith.constant 0 : i32
    %sign3A_336 = arith.cmpi sgt, %add3A_332, %sign3A_335 : i32
    %sign3A_337 = arith.extui %sign3A_336 : i1 to i32
    %sign3A_338 = arith.constant 0 : i32
    %sign3A_339 = arith.cmpi slt, %add3A_332, %sign3A_338 : i32
    %sign3A_340 = arith.extui %sign3A_339 : i1 to i32
    %sign3A_341 = arith.subi %sign3A_337, %sign3A_340 : i32
    %sign3A_342 = arith.constant 0 : i32
    %sign3A_343 = arith.cmpi sgt, %jit3A_333, %sign3A_342 : i32
    %sign3A_344 = arith.extui %sign3A_343 : i1 to i32
    %sign3A_345 = arith.constant 0 : i32
    %sign3A_346 = arith.cmpi slt, %jit3A_333, %sign3A_345 : i32
    %sign3A_347 = arith.extui %sign3A_346 : i1 to i32
    %sign3A_348 = arith.subi %sign3A_344, %sign3A_347 : i32
    %ne3A_349 = arith.cmpi ne, %sign3A_341, %sign3A_348 : i32
    %rem3A_350 = arith.remsi %add3A_332, %jit3A_333 : i32
    %ne3A_351 = arith.constant 0 : i32
    %ne3A_352 = arith.cmpi ne, %rem3A_350, %ne3A_351 : i32
    %and3A_353 = arith.andi %ne3A_349, %ne3A_352 : i1
    %sub3A_354 = arith.constant 1 : i32
    %sub3A_355 = arith.subi %div3A_334, %sub3A_354 : i32
    %select_n3A_356 = arith.select %and3A_353, %sub3A_355, %div3A_334 : i32
    %jit3A_357 = arith.constant 2 : i32
    %eq3A_358 = arith.constant 0 : i32
    %eq3A_359 = arith.cmpi eq, %jit3A_357, %eq3A_358 : i32
    %jit3A_360 = arith.constant 1 : i32
    %select_n3A_361 = arith.select %eq3A_359, %jit3A_360, %jit3A_357 : i32
    %rem3A_362 = arith.remsi %add3A_332, %select_n3A_361 : i32
    %ne3A_363 = arith.constant 0 : i32
    %ne3A_364 = arith.cmpi ne, %rem3A_362, %ne3A_363 : i32
    %lt3A_365 = arith.constant 0 : i32
    %lt3A_366 = arith.cmpi slt, %rem3A_362, %lt3A_365 : i32
    %lt3A_367 = arith.constant 0 : i32
    %lt3A_368 = arith.cmpi slt, %select_n3A_361, %lt3A_367 : i32
    %ne3A_369 = arith.xori %lt3A_366, %lt3A_368 : i1
    %and3A_370 = arith.andi %ne3A_369, %ne3A_364 : i1
    %add3A_371 = arith.addi %rem3A_362, %select_n3A_361 : i32
    %select_n3A_372 = arith.select %and3A_370, %add3A_371, %rem3A_362 : i32
    %dma_start3A_373 = arith.constant 0 : i32
    %dma_start3A_374 = tpu.memref_slice %arg6[%dma_start3A_373] : memref<16512xf32, #tpu.memory_space<vmem>> -> memref<16384xf32, #tpu.memory_space<vmem>>
    %dma_start3A_375 = arith.constant 49152 : i32
    %dma_start3A_376 = tpu.memref_slice %arg2[%select_n3A_356, %select_n3A_372, %dma_start3A_375] : memref<32x2x65536xf32, #tpu.memory_space<hbm>> -> memref<1x1x16384xf32, #tpu.memory_space<hbm>>
    %dma_start3A_377 = tpu.memref_squeeze %dma_start3A_376 : memref<1x1x16384xf32, #tpu.memory_space<hbm>> -> memref<16384xf32, #tpu.memory_space<hbm>>
    %dma_start3A_378 = arith.constant 0 : i32
    %dma_start3A_379 = tpu.memref_slice %arg6[%dma_start3A_378] : memref<16512xf32, #tpu.memory_space<vmem>> -> memref<16384xf32, #tpu.memory_space<vmem>>
    %dma_start3A_380 = arith.constant 49152 : i32
    %dma_start3A_381 = tpu.memref_slice %arg2[%select_n3A_356, %select_n3A_372, %dma_start3A_380] : memref<32x2x65536xf32, #tpu.memory_space<hbm>> -> memref<1x1x16384xf32, #tpu.memory_space<hbm>>
    %dma_start3A_382 = tpu.memref_squeeze %dma_start3A_381 : memref<1x1x16384xf32, #tpu.memory_space<hbm>> -> memref<16384xf32, #tpu.memory_space<hbm>>
    tpu.enqueue_dma source(%dma_start3A_382 : memref<16384xf32, #tpu.memory_space<hbm>>) target(%dma_start3A_379 : memref<16384xf32, #tpu.memory_space<vmem>>) target_semaphore(%arg12 : memref<!tpu.dma_semaphore, #tpu.memory_space<semaphore_mem>>)
    %dma_start3A_383 = arith.constant 12288 : i32
    %dma_start3A_384 = tpu.memref_slice %arg3[%select_n3A_356, %select_n3A_372, %dma_start3A_383] : memref<32x2x16384xf32, #tpu.memory_space<hbm>> -> memref<1x1x4096xf32, #tpu.memory_space<hbm>>
    %dma_start3A_385 = tpu.memref_squeeze %dma_start3A_384 : memref<1x1x4096xf32, #tpu.memory_space<hbm>> -> memref<4096xf32, #tpu.memory_space<hbm>>
    %dma_start3A_386 = arith.constant 12288 : i32
    %dma_start3A_387 = tpu.memref_slice %arg3[%select_n3A_356, %select_n3A_372, %dma_start3A_386] : memref<32x2x16384xf32, #tpu.memory_space<hbm>> -> memref<1x1x4096xf32, #tpu.memory_space<hbm>>
    %dma_start3A_388 = tpu.memref_squeeze %dma_start3A_387 : memref<1x1x4096xf32, #tpu.memory_space<hbm>> -> memref<4096xf32, #tpu.memory_space<hbm>>
    tpu.enqueue_dma source(%dma_start3A_388 : memref<4096xf32, #tpu.memory_space<hbm>>) target(%arg8 : memref<4096xf32, #tpu.memory_space<vmem>>) target_semaphore(%arg12 : memref<!tpu.dma_semaphore, #tpu.memory_space<semaphore_mem>>)
    %mul3A_389 = arith.constant 2 : i32
    %mul3A_390 = arith.muli %add3A, %mul3A_389 : i32
    %add3A_391 = arith.constant 0 : i32
    %add3A_392 = arith.addi %mul3A_390, %add3A_391 : i32
    %jit3A_393 = arith.constant 2 : i32
    %div3A_394 = arith.divsi %add3A_392, %jit3A_393 : i32
    %sign3A_395 = arith.constant 0 : i32
    %sign3A_396 = arith.cmpi sgt, %add3A_392, %sign3A_395 : i32
    %sign3A_397 = arith.extui %sign3A_396 : i1 to i32
    %sign3A_398 = arith.constant 0 : i32
    %sign3A_399 = arith.cmpi slt, %add3A_392, %sign3A_398 : i32
    %sign3A_400 = arith.extui %sign3A_399 : i1 to i32
    %sign3A_401 = arith.subi %sign3A_397, %sign3A_400 : i32
    %sign3A_402 = arith.constant 0 : i32
    %sign3A_403 = arith.cmpi sgt, %jit3A_393, %sign3A_402 : i32
    %sign3A_404 = arith.extui %sign3A_403 : i1 to i32
    %sign3A_405 = arith.constant 0 : i32
    %sign3A_406 = arith.cmpi slt, %jit3A_393, %sign3A_405 : i32
    %sign3A_407 = arith.extui %sign3A_406 : i1 to i32
    %sign3A_408 = arith.subi %sign3A_404, %sign3A_407 : i32
    %ne3A_409 = arith.cmpi ne, %sign3A_401, %sign3A_408 : i32
    %rem3A_410 = arith.remsi %add3A_392, %jit3A_393 : i32
    %ne3A_411 = arith.constant 0 : i32
    %ne3A_412 = arith.cmpi ne, %rem3A_410, %ne3A_411 : i32
    %and3A_413 = arith.andi %ne3A_409, %ne3A_412 : i1
    %sub3A_414 = arith.constant 1 : i32
    %sub3A_415 = arith.subi %div3A_394, %sub3A_414 : i32
    %select_n3A_416 = arith.select %and3A_413, %sub3A_415, %div3A_394 : i32
    %jit3A_417 = arith.constant 2 : i32
    %eq3A_418 = arith.constant 0 : i32
    %eq3A_419 = arith.cmpi eq, %jit3A_417, %eq3A_418 : i32
    %jit3A_420 = arith.constant 1 : i32
    %select_n3A_421 = arith.select %eq3A_419, %jit3A_420, %jit3A_417 : i32
    %rem3A_422 = arith.remsi %add3A_392, %select_n3A_421 : i32
    %ne3A_423 = arith.constant 0 : i32
    %ne3A_424 = arith.cmpi ne, %rem3A_422, %ne3A_423 : i32
    %lt3A_425 = arith.constant 0 : i32
    %lt3A_426 = arith.cmpi slt, %rem3A_422, %lt3A_425 : i32
    %lt3A_427 = arith.constant 0 : i32
    %lt3A_428 = arith.cmpi slt, %select_n3A_421, %lt3A_427 : i32
    %ne3A_429 = arith.xori %lt3A_426, %lt3A_428 : i1
    %and3A_430 = arith.andi %ne3A_429, %ne3A_424 : i1
    %add3A_431 = arith.addi %rem3A_422, %select_n3A_421 : i32
    %select_n3A_432 = arith.select %and3A_430, %add3A_431, %rem3A_422 : i32
    %dma_wait3A_433 = arith.constant 0 : i32
    %dma_wait3A_434 = tpu.memref_slice %arg5[%dma_wait3A_433] : memref<16512xf32, #tpu.memory_space<vmem>> -> memref<16512xf32, #tpu.memory_space<vmem>>
    %dma_wait3A_435 = arith.constant 32768 : i32
    %dma_wait3A_436 = tpu.memref_slice %arg2[%select_n3A_227, %select_n3A_243, %dma_wait3A_435] : memref<32x2x65536xf32, #tpu.memory_space<hbm>> -> memref<1x1x16512xf32, #tpu.memory_space<hbm>>
    %dma_wait3A_437 = tpu.memref_squeeze %dma_wait3A_436 : memref<1x1x16512xf32, #tpu.memory_space<hbm>> -> memref<16512xf32, #tpu.memory_space<hbm>>
    %dma_wait3A_438 = arith.constant 0 : i32
    %dma_wait3A_439 = tpu.memref_slice %arg5[%dma_wait3A_438] : memref<16512xf32, #tpu.memory_space<vmem>> -> memref<16512xf32, #tpu.memory_space<vmem>>
    %dma_wait3A_440 = arith.constant 32768 : i32
    %dma_wait3A_441 = tpu.memref_slice %arg2[%select_n3A_227, %select_n3A_243, %dma_wait3A_440] : memref<32x2x65536xf32, #tpu.memory_space<hbm>> -> memref<1x1x16512xf32, #tpu.memory_space<hbm>>
    %dma_wait3A_442 = tpu.memref_squeeze %dma_wait3A_441 : memref<1x1x16512xf32, #tpu.memory_space<hbm>> -> memref<16512xf32, #tpu.memory_space<hbm>>
    tpu.wait_dma2 semaphore(%arg11 : memref<!tpu.dma_semaphore, #tpu.memory_space<semaphore_mem>>) src(%dma_wait3A_442 : memref<16512xf32, #tpu.memory_space<hbm>>) dst(%dma_wait3A_439 : memref<16512xf32, #tpu.memory_space<vmem>>)
    %dma_wait3A_443 = arith.constant 8192 : i32
    %dma_wait3A_444 = tpu.memref_slice %arg3[%select_n3A_227, %select_n3A_243, %dma_wait3A_443] : memref<32x2x16384xf32, #tpu.memory_space<hbm>> -> memref<1x1x4096xf32, #tpu.memory_space<hbm>>
    %dma_wait3A_445 = tpu.memref_squeeze %dma_wait3A_444 : memref<1x1x4096xf32, #tpu.memory_space<hbm>> -> memref<4096xf32, #tpu.memory_space<hbm>>
    %dma_wait3A_446 = arith.constant 8192 : i32
    %dma_wait3A_447 = tpu.memref_slice %arg3[%select_n3A_227, %select_n3A_243, %dma_wait3A_446] : memref<32x2x16384xf32, #tpu.memory_space<hbm>> -> memref<1x1x4096xf32, #tpu.memory_space<hbm>>
    %dma_wait3A_448 = tpu.memref_squeeze %dma_wait3A_447 : memref<1x1x4096xf32, #tpu.memory_space<hbm>> -> memref<4096xf32, #tpu.memory_space<hbm>>
    tpu.wait_dma2 semaphore(%arg11 : memref<!tpu.dma_semaphore, #tpu.memory_space<semaphore_mem>>) src(%dma_wait3A_448 : memref<4096xf32, #tpu.memory_space<hbm>>) dst(%arg7 : memref<4096xf32, #tpu.memory_space<vmem>>)
    %dma_wait3A_449 = arith.constant 0 : i32
    %dma_wait3A_450 = tpu.memref_slice %arg4[%select_n3A_160, %select_n3A_176, %dma_wait3A_449] : memref<32x2x65536xf32, #tpu.memory_space<hbm>> -> memref<1x1x16384xf32, #tpu.memory_space<hbm>>
    %dma_wait3A_451 = tpu.memref_squeeze %dma_wait3A_450 : memref<1x1x16384xf32, #tpu.memory_space<hbm>> -> memref<16384xf32, #tpu.memory_space<hbm>>
    %dma_wait3A_452 = arith.constant 0 : i32
    %dma_wait3A_453 = tpu.memref_slice %arg4[%select_n3A_160, %select_n3A_176, %dma_wait3A_452] : memref<32x2x65536xf32, #tpu.memory_space<hbm>> -> memref<1x1x16384xf32, #tpu.memory_space<hbm>>
    %dma_wait3A_454 = tpu.memref_squeeze %dma_wait3A_453 : memref<1x1x16384xf32, #tpu.memory_space<hbm>> -> memref<16384xf32, #tpu.memory_space<hbm>>
    tpu.wait_dma2 semaphore(%arg13 : memref<!tpu.dma_semaphore, #tpu.memory_space<semaphore_mem>>) src(%arg9 : memref<16384xf32, #tpu.memory_space<vmem>>) dst(%dma_wait3A_454 : memref<16384xf32, #tpu.memory_space<hbm>>)
    %parallel_loop3A_455 = arith.constant 0 : i32
    %parallel_loop3A_456 = arith.constant 256 : i32
    %parallel_loop3A_457 = arith.constant 1 : i32
    scf.for %parallel_loop3A_1300 = %parallel_loop3A_455 to %parallel_loop3A_456 step %parallel_loop3A_457  : i32 {
      %parallel_loop3A_1301 = arith.constant 16 : i32
      %parallel_loop3A_1302 = arith.muli %parallel_loop3A_1300, %parallel_loop3A_1301 : i32
      %parallel_loop3A_1303 = arith.index_cast %parallel_loop3A_1302 : i32 to index
      %parallel_loop3A_1304 = tpu.vector_load %arg7[%parallel_loop3A_1303] {strides = array<i32>} : memref<4096xf32, #tpu.memory_space<vmem>>, vector<16xf32>,
      %parallel_loop3A_1305 = vector.shape_cast %parallel_loop3A_1304 : vector<16xf32> to vector<16xf32>
      %parallel_loop3A_1306 = arith.constant 64 : i32
      %parallel_loop3A_1307 = arith.muli %parallel_loop3A_1300, %parallel_loop3A_1306 : i32
      %parallel_loop3A_1308 = arith.constant 0 : i32
      %parallel_loop3A_1309 = arith.addi %parallel_loop3A_1307, %parallel_loop3A_1308 : i32
      %parallel_loop3A_1310 = vector.shape_cast %add3A_5 : vector<16xi32> to vector<16x1xi32>
      %parallel_loop3A_1311 = vector.shape_cast %parallel_loop3A_1310 : vector<16x1xi32> to vector<16xi32>
      %parallel_loop3A_1312 = tpu.dynamic_gather %parallel_loop3A_1305[%parallel_loop3A_1311] in [0] : vector<16xf32>, vector<16xi32> -> vector<16xf32>
      %parallel_loop3A_1313 = arith.index_cast %parallel_loop3A_1309 : i32 to index
      %parallel_loop3A_1314 = tpu.vector_load %arg5[%parallel_loop3A_1313] {strides = array<i32>} : memref<16512xf32, #tpu.memory_space<vmem>>, vector<16xf32>,
      %parallel_loop3A_1315 = vector.shape_cast %parallel_loop3A_1314 : vector<16xf32> to vector<16xf32>
      %parallel_loop3A_1316 = arith.constant 1 : i32
      %parallel_loop3A_1317 = arith.addi %parallel_loop3A_1309, %parallel_loop3A_1316 : i32
      %parallel_loop3A_1318 = arith.index_cast %parallel_loop3A_1317 : i32 to index
      %parallel_loop3A_1319 = tpu.vector_load %arg5[%parallel_loop3A_1318] {strides = array<i32>} : memref<16512xf32, #tpu.memory_space<vmem>>, vector<16xf32>,
      %parallel_loop3A_1320 = vector.shape_cast %parallel_loop3A_1319 : vector<16xf32> to vector<16xf32>
      %parallel_loop3A_1321 = arith.subf %parallel_loop3A_1320, %parallel_loop3A_1315 : vector<16xf32>
      %parallel_loop3A_1322 = arith.mulf %parallel_loop3A_1312, %parallel_loop3A_1321 : vector<16xf32>
      %parallel_loop3A_1323 = arith.addf %parallel_loop3A_1315, %parallel_loop3A_1322 : vector<16xf32>
      %parallel_loop3A_1324 = arith.index_cast %parallel_loop3A_1309 : i32 to index
      %parallel_loop3A_1325 = tpu.vector_load %arg9[%parallel_loop3A_1324] {strides = array<i32>} : memref<16384xf32, #tpu.memory_space<vmem>>, vector<16xf32>,
      %parallel_loop3A_1326 = vector.shape_cast %parallel_loop3A_1325 : vector<16xf32> to vector<16xf32>
      %parallel_loop3A_1327 = vector.shape_cast %parallel_loop3A_1323 : vector<16xf32> to vector<16xf32>
      tpu.vector_store %arg9[%parallel_loop3A_1324], %parallel_loop3A_1327 {strides = array<i32>} : memref<16384xf32, #tpu.memory_space<vmem>>, vector<16xf32>,
      %parallel_loop3A_1328 = arith.constant 64 : i32
      %parallel_loop3A_1329 = arith.muli %parallel_loop3A_1300, %parallel_loop3A_1328 : i32
      %parallel_loop3A_1330 = arith.constant 16 : i32
      %parallel_loop3A_1331 = arith.addi %parallel_loop3A_1329, %parallel_loop3A_1330 : i32
      %parallel_loop3A_1332 = vector.shape_cast %add3A_11 : vector<16xi32> to vector<16x1xi32>
      %parallel_loop3A_1333 = vector.shape_cast %parallel_loop3A_1332 : vector<16x1xi32> to vector<16xi32>
      %parallel_loop3A_1334 = tpu.dynamic_gather %parallel_loop3A_1305[%parallel_loop3A_1333] in [0] : vector<16xf32>, vector<16xi32> -> vector<16xf32>
      %parallel_loop3A_1335 = arith.index_cast %parallel_loop3A_1331 : i32 to index
      %parallel_loop3A_1336 = tpu.vector_load %arg5[%parallel_loop3A_1335] {strides = array<i32>} : memref<16512xf32, #tpu.memory_space<vmem>>, vector<16xf32>,
      %parallel_loop3A_1337 = vector.shape_cast %parallel_loop3A_1336 : vector<16xf32> to vector<16xf32>
      %parallel_loop3A_1338 = arith.constant 1 : i32
      %parallel_loop3A_1339 = arith.addi %parallel_loop3A_1331, %parallel_loop3A_1338 : i32
      %parallel_loop3A_1340 = arith.index_cast %parallel_loop3A_1339 : i32 to index
      %parallel_loop3A_1341 = tpu.vector_load %arg5[%parallel_loop3A_1340] {strides = array<i32>} : memref<16512xf32, #tpu.memory_space<vmem>>, vector<16xf32>,
      %parallel_loop3A_1342 = vector.shape_cast %parallel_loop3A_1341 : vector<16xf32> to vector<16xf32>
      %parallel_loop3A_1343 = arith.subf %parallel_loop3A_1342, %parallel_loop3A_1337 : vector<16xf32>
      %parallel_loop3A_1344 = arith.mulf %parallel_loop3A_1334, %parallel_loop3A_1343 : vector<16xf32>
      %parallel_loop3A_1345 = arith.addf %parallel_loop3A_1337, %parallel_loop3A_1344 : vector<16xf32>
      %parallel_loop3A_1346 = arith.index_cast %parallel_loop3A_1331 : i32 to index
      %parallel_loop3A_1347 = tpu.vector_load %arg9[%parallel_loop3A_1346] {strides = array<i32>} : memref<16384xf32, #tpu.memory_space<vmem>>, vector<16xf32>,
      %parallel_loop3A_1348 = vector.shape_cast %parallel_loop3A_1347 : vector<16xf32> to vector<16xf32>
      %parallel_loop3A_1349 = vector.shape_cast %parallel_loop3A_1345 : vector<16xf32> to vector<16xf32>
      tpu.vector_store %arg9[%parallel_loop3A_1346], %parallel_loop3A_1349 {strides = array<i32>} : memref<16384xf32, #tpu.memory_space<vmem>>, vector<16xf32>,
      %parallel_loop3A_1350 = arith.constant 64 : i32
      %parallel_loop3A_1351 = arith.muli %parallel_loop3A_1300, %parallel_loop3A_1350 : i32
      %parallel_loop3A_1352 = arith.constant 32 : i32
      %parallel_loop3A_1353 = arith.addi %parallel_loop3A_1351, %parallel_loop3A_1352 : i32
      %parallel_loop3A_1354 = vector.shape_cast %add3A_17 : vector<16xi32> to vector<16x1xi32>
      %parallel_loop3A_1355 = vector.shape_cast %parallel_loop3A_1354 : vector<16x1xi32> to vector<16xi32>
      %parallel_loop3A_1356 = tpu.dynamic_gather %parallel_loop3A_1305[%parallel_loop3A_1355] in [0] : vector<16xf32>, vector<16xi32> -> vector<16xf32>
      %parallel_loop3A_1357 = arith.index_cast %parallel_loop3A_1353 : i32 to index
      %parallel_loop3A_1358 = tpu.vector_load %arg5[%parallel_loop3A_1357] {strides = array<i32>} : memref<16512xf32, #tpu.memory_space<vmem>>, vector<16xf32>,
      %parallel_loop3A_1359 = vector.shape_cast %parallel_loop3A_1358 : vector<16xf32> to vector<16xf32>
      %parallel_loop3A_1360 = arith.constant 1 : i32
      %parallel_loop3A_1361 = arith.addi %parallel_loop3A_1353, %parallel_loop3A_1360 : i32
      %parallel_loop3A_1362 = arith.index_cast %parallel_loop3A_1361 : i32 to index
      %parallel_loop3A_1363 = tpu.vector_load %arg5[%parallel_loop3A_1362] {strides = array<i32>} : memref<16512xf32, #tpu.memory_space<vmem>>, vector<16xf32>,
      %parallel_loop3A_1364 = vector.shape_cast %parallel_loop3A_1363 : vector<16xf32> to vector<16xf32>
      %parallel_loop3A_1365 = arith.subf %parallel_loop3A_1364, %parallel_loop3A_1359 : vector<16xf32>
      %parallel_loop3A_1366 = arith.mulf %parallel_loop3A_1356, %parallel_loop3A_1365 : vector<16xf32>
      %parallel_loop3A_1367 = arith.addf %parallel_loop3A_1359, %parallel_loop3A_1366 : vector<16xf32>
      %parallel_loop3A_1368 = arith.index_cast %parallel_loop3A_1353 : i32 to index
      %parallel_loop3A_1369 = tpu.vector_load %arg9[%parallel_loop3A_1368] {strides = array<i32>} : memref<16384xf32, #tpu.memory_space<vmem>>, vector<16xf32>,
      %parallel_loop3A_1370 = vector.shape_cast %parallel_loop3A_1369 : vector<16xf32> to vector<16xf32>
      %parallel_loop3A_1371 = vector.shape_cast %parallel_loop3A_1367 : vector<16xf32> to vector<16xf32>
      tpu.vector_store %arg9[%parallel_loop3A_1368], %parallel_loop3A_1371 {strides = array<i32>} : memref<16384xf32, #tpu.memory_space<vmem>>, vector<16xf32>,
      %parallel_loop3A_1372 = arith.constant 64 : i32
      %parallel_loop3A_1373 = arith.muli %parallel_loop3A_1300, %parallel_loop3A_1372 : i32
      %parallel_loop3A_1374 = arith.constant 48 : i32
      %parallel_loop3A_1375 = arith.addi %parallel_loop3A_1373, %parallel_loop3A_1374 : i32
      %parallel_loop3A_1376 = vector.shape_cast %add3A_23 : vector<16xi32> to vector<16x1xi32>
      %parallel_loop3A_1377 = vector.shape_cast %parallel_loop3A_1376 : vector<16x1xi32> to vector<16xi32>
      %parallel_loop3A_1378 = tpu.dynamic_gather %parallel_loop3A_1305[%parallel_loop3A_1377] in [0] : vector<16xf32>, vector<16xi32> -> vector<16xf32>
      %parallel_loop3A_1379 = arith.index_cast %parallel_loop3A_1375 : i32 to index
      %parallel_loop3A_1380 = tpu.vector_load %arg5[%parallel_loop3A_1379] {strides = array<i32>} : memref<16512xf32, #tpu.memory_space<vmem>>, vector<16xf32>,
      %parallel_loop3A_1381 = vector.shape_cast %parallel_loop3A_1380 : vector<16xf32> to vector<16xf32>
      %parallel_loop3A_1382 = arith.constant 1 : i32
      %parallel_loop3A_1383 = arith.addi %parallel_loop3A_1375, %parallel_loop3A_1382 : i32
      %parallel_loop3A_1384 = arith.index_cast %parallel_loop3A_1383 : i32 to index
      %parallel_loop3A_1385 = tpu.vector_load %arg5[%parallel_loop3A_1384] {strides = array<i32>} : memref<16512xf32, #tpu.memory_space<vmem>>, vector<16xf32>,
      %parallel_loop3A_1386 = vector.shape_cast %parallel_loop3A_1385 : vector<16xf32> to vector<16xf32>
      %parallel_loop3A_1387 = arith.subf %parallel_loop3A_1386, %parallel_loop3A_1381 : vector<16xf32>
      %parallel_loop3A_1388 = arith.mulf %parallel_loop3A_1378, %parallel_loop3A_1387 : vector<16xf32>
      %parallel_loop3A_1389 = arith.addf %parallel_loop3A_1381, %parallel_loop3A_1388 : vector<16xf32>
      %parallel_loop3A_1390 = arith.index_cast %parallel_loop3A_1375 : i32 to index
      %parallel_loop3A_1391 = tpu.vector_load %arg9[%parallel_loop3A_1390] {strides = array<i32>} : memref<16384xf32, #tpu.memory_space<vmem>>, vector<16xf32>,
      %parallel_loop3A_1392 = vector.shape_cast %parallel_loop3A_1391 : vector<16xf32> to vector<16xf32>
      %parallel_loop3A_1393 = vector.shape_cast %parallel_loop3A_1389 : vector<16xf32> to vector<16xf32>
      tpu.vector_store %arg9[%parallel_loop3A_1390], %parallel_loop3A_1393 {strides = array<i32>} : memref<16384xf32, #tpu.memory_space<vmem>>, vector<16xf32>,
    } {sc.loop_unroll_factor = 8 : i64, sc.parallel_access}
    %dma_start3A_458 = arith.constant 32768 : i32
    %dma_start3A_459 = tpu.memref_slice %arg4[%select_n3A_416, %select_n3A_432, %dma_start3A_458] : memref<32x2x65536xf32, #tpu.memory_space<hbm>> -> memref<1x1x16384xf32, #tpu.memory_space<hbm>>
    %dma_start3A_460 = tpu.memref_squeeze %dma_start3A_459 : memref<1x1x16384xf32, #tpu.memory_space<hbm>> -> memref<16384xf32, #tpu.memory_space<hbm>>
    %dma_start3A_461 = arith.constant 32768 : i32
    %dma_start3A_462 = tpu.memref_slice %arg4[%select_n3A_416, %select_n3A_432, %dma_start3A_461] : memref<32x2x65536xf32, #tpu.memory_space<hbm>> -> memref<1x1x16384xf32, #tpu.memory_space<hbm>>
    %dma_start3A_463 = tpu.memref_squeeze %dma_start3A_462 : memref<1x1x16384xf32, #tpu.memory_space<hbm>> -> memref<16384xf32, #tpu.memory_space<hbm>>
    tpu.enqueue_dma source(%arg9 : memref<16384xf32, #tpu.memory_space<vmem>>) target(%dma_start3A_463 : memref<16384xf32, #tpu.memory_space<hbm>>) target_semaphore(%arg13 : memref<!tpu.dma_semaphore, #tpu.memory_space<semaphore_mem>>)
    %mul3A_464 = arith.constant 2 : i32
    %mul3A_465 = arith.muli %add3A, %mul3A_464 : i32
    %add3A_466 = arith.constant 1 : i32
    %add3A_467 = arith.addi %mul3A_465, %add3A_466 : i32
    %jit3A_468 = arith.constant 2 : i32
    %div3A_469 = arith.divsi %add3A_467, %jit3A_468 : i32
    %sign3A_470 = arith.constant 0 : i32
    %sign3A_471 = arith.cmpi sgt, %add3A_467, %sign3A_470 : i32
    %sign3A_472 = arith.extui %sign3A_471 : i1 to i32
    %sign3A_473 = arith.constant 0 : i32
    %sign3A_474 = arith.cmpi slt, %add3A_467, %sign3A_473 : i32
    %sign3A_475 = arith.extui %sign3A_474 : i1 to i32
    %sign3A_476 = arith.subi %sign3A_472, %sign3A_475 : i32
    %sign3A_477 = arith.constant 0 : i32
    %sign3A_478 = arith.cmpi sgt, %jit3A_468, %sign3A_477 : i32
    %sign3A_479 = arith.extui %sign3A_478 : i1 to i32
    %sign3A_480 = arith.constant 0 : i32
    %sign3A_481 = arith.cmpi slt, %jit3A_468, %sign3A_480 : i32
    %sign3A_482 = arith.extui %sign3A_481 : i1 to i32
    %sign3A_483 = arith.subi %sign3A_479, %sign3A_482 : i32
    %ne3A_484 = arith.cmpi ne, %sign3A_476, %sign3A_483 : i32
    %rem3A_485 = arith.remsi %add3A_467, %jit3A_468 : i32
    %ne3A_486 = arith.constant 0 : i32
    %ne3A_487 = arith.cmpi ne, %rem3A_485, %ne3A_486 : i32
    %and3A_488 = arith.andi %ne3A_484, %ne3A_487 : i1
    %sub3A_489 = arith.constant 1 : i32
    %sub3A_490 = arith.subi %div3A_469, %sub3A_489 : i32
    %select_n3A_491 = arith.select %and3A_488, %sub3A_490, %div3A_469 : i32
    %jit3A_492 = arith.constant 2 : i32
    %eq3A_493 = arith.constant 0 : i32
    %eq3A_494 = arith.cmpi eq, %jit3A_492, %eq3A_493 : i32
    %jit3A_495 = arith.constant 1 : i32
    %select_n3A_496 = arith.select %eq3A_494, %jit3A_495, %jit3A_492 : i32
    %rem3A_497 = arith.remsi %add3A_467, %select_n3A_496 : i32
    %ne3A_498 = arith.constant 0 : i32
    %ne3A_499 = arith.cmpi ne, %rem3A_497, %ne3A_498 : i32
    %lt3A_500 = arith.constant 0 : i32
    %lt3A_501 = arith.cmpi slt, %rem3A_497, %lt3A_500 : i32
    %lt3A_502 = arith.constant 0 : i32
    %lt3A_503 = arith.cmpi slt, %select_n3A_496, %lt3A_502 : i32
    %ne3A_504 = arith.xori %lt3A_501, %lt3A_503 : i1
    %and3A_505 = arith.andi %ne3A_504, %ne3A_499 : i1
    %add3A_506 = arith.addi %rem3A_497, %select_n3A_496 : i32
    %select_n3A_507 = arith.select %and3A_505, %add3A_506, %rem3A_497 : i32
    %dma_start3A_508 = arith.constant 0 : i32
    %dma_start3A_509 = tpu.memref_slice %arg5[%dma_start3A_508] : memref<16512xf32, #tpu.memory_space<vmem>> -> memref<16512xf32, #tpu.memory_space<vmem>>
    %dma_start3A_510 = arith.constant 0 : i32
    %dma_start3A_511 = tpu.memref_slice %arg2[%select_n3A_491, %select_n3A_507, %dma_start3A_510] : memref<32x2x65536xf32, #tpu.memory_space<hbm>> -> memref<1x1x16512xf32, #tpu.memory_space<hbm>>
    %dma_start3A_512 = tpu.memref_squeeze %dma_start3A_511 : memref<1x1x16512xf32, #tpu.memory_space<hbm>> -> memref<16512xf32, #tpu.memory_space<hbm>>
    %dma_start3A_513 = arith.constant 0 : i32
    %dma_start3A_514 = tpu.memref_slice %arg5[%dma_start3A_513] : memref<16512xf32, #tpu.memory_space<vmem>> -> memref<16512xf32, #tpu.memory_space<vmem>>
    %dma_start3A_515 = arith.constant 0 : i32
    %dma_start3A_516 = tpu.memref_slice %arg2[%select_n3A_491, %select_n3A_507, %dma_start3A_515] : memref<32x2x65536xf32, #tpu.memory_space<hbm>> -> memref<1x1x16512xf32, #tpu.memory_space<hbm>>
    %dma_start3A_517 = tpu.memref_squeeze %dma_start3A_516 : memref<1x1x16512xf32, #tpu.memory_space<hbm>> -> memref<16512xf32, #tpu.memory_space<hbm>>
    tpu.enqueue_dma source(%dma_start3A_517 : memref<16512xf32, #tpu.memory_space<hbm>>) target(%dma_start3A_514 : memref<16512xf32, #tpu.memory_space<vmem>>) target_semaphore(%arg11 : memref<!tpu.dma_semaphore, #tpu.memory_space<semaphore_mem>>)
    %dma_start3A_518 = arith.constant 0 : i32
    %dma_start3A_519 = tpu.memref_slice %arg3[%select_n3A_491, %select_n3A_507, %dma_start3A_518] : memref<32x2x16384xf32, #tpu.memory_space<hbm>> -> memref<1x1x4096xf32, #tpu.memory_space<hbm>>
    %dma_start3A_520 = tpu.memref_squeeze %dma_start3A_519 : memref<1x1x4096xf32, #tpu.memory_space<hbm>> -> memref<4096xf32, #tpu.memory_space<hbm>>
    %dma_start3A_521 = arith.constant 0 : i32
    %dma_start3A_522 = tpu.memref_slice %arg3[%select_n3A_491, %select_n3A_507, %dma_start3A_521] : memref<32x2x16384xf32, #tpu.memory_space<hbm>> -> memref<1x1x4096xf32, #tpu.memory_space<hbm>>
    %dma_start3A_523 = tpu.memref_squeeze %dma_start3A_522 : memref<1x1x4096xf32, #tpu.memory_space<hbm>> -> memref<4096xf32, #tpu.memory_space<hbm>>
    tpu.enqueue_dma source(%dma_start3A_523 : memref<4096xf32, #tpu.memory_space<hbm>>) target(%arg7 : memref<4096xf32, #tpu.memory_space<vmem>>) target_semaphore(%arg11 : memref<!tpu.dma_semaphore, #tpu.memory_space<semaphore_mem>>)
    %mul3A_524 = arith.constant 2 : i32
    %mul3A_525 = arith.muli %add3A, %mul3A_524 : i32
    %add3A_526 = arith.constant 0 : i32
    %add3A_527 = arith.addi %mul3A_525, %add3A_526 : i32
    %jit3A_528 = arith.constant 2 : i32
    %div3A_529 = arith.divsi %add3A_527, %jit3A_528 : i32
    %sign3A_530 = arith.constant 0 : i32
    %sign3A_531 = arith.cmpi sgt, %add3A_527, %sign3A_530 : i32
    %sign3A_532 = arith.extui %sign3A_531 : i1 to i32
    %sign3A_533 = arith.constant 0 : i32
    %sign3A_534 = arith.cmpi slt, %add3A_527, %sign3A_533 : i32
    %sign3A_535 = arith.extui %sign3A_534 : i1 to i32
    %sign3A_536 = arith.subi %sign3A_532, %sign3A_535 : i32
    %sign3A_537 = arith.constant 0 : i32
    %sign3A_538 = arith.cmpi sgt, %jit3A_528, %sign3A_537 : i32
    %sign3A_539 = arith.extui %sign3A_538 : i1 to i32
    %sign3A_540 = arith.constant 0 : i32
    %sign3A_541 = arith.cmpi slt, %jit3A_528, %sign3A_540 : i32
    %sign3A_542 = arith.extui %sign3A_541 : i1 to i32
    %sign3A_543 = arith.subi %sign3A_539, %sign3A_542 : i32
    %ne3A_544 = arith.cmpi ne, %sign3A_536, %sign3A_543 : i32
    %rem3A_545 = arith.remsi %add3A_527, %jit3A_528 : i32
    %ne3A_546 = arith.constant 0 : i32
    %ne3A_547 = arith.cmpi ne, %rem3A_545, %ne3A_546 : i32
    %and3A_548 = arith.andi %ne3A_544, %ne3A_547 : i1
    %sub3A_549 = arith.constant 1 : i32
    %sub3A_550 = arith.subi %div3A_529, %sub3A_549 : i32
    %select_n3A_551 = arith.select %and3A_548, %sub3A_550, %div3A_529 : i32
    %jit3A_552 = arith.constant 2 : i32
    %eq3A_553 = arith.constant 0 : i32
    %eq3A_554 = arith.cmpi eq, %jit3A_552, %eq3A_553 : i32
    %jit3A_555 = arith.constant 1 : i32
    %select_n3A_556 = arith.select %eq3A_554, %jit3A_555, %jit3A_552 : i32
    %rem3A_557 = arith.remsi %add3A_527, %select_n3A_556 : i32
    %ne3A_558 = arith.constant 0 : i32
    %ne3A_559 = arith.cmpi ne, %rem3A_557, %ne3A_558 : i32
    %lt3A_560 = arith.constant 0 : i32
    %lt3A_561 = arith.cmpi slt, %rem3A_557, %lt3A_560 : i32
    %lt3A_562 = arith.constant 0 : i32
    %lt3A_563 = arith.cmpi slt, %select_n3A_556, %lt3A_562 : i32
    %ne3A_564 = arith.xori %lt3A_561, %lt3A_563 : i1
    %and3A_565 = arith.andi %ne3A_564, %ne3A_559 : i1
    %add3A_566 = arith.addi %rem3A_557, %select_n3A_556 : i32
    %select_n3A_567 = arith.select %and3A_565, %add3A_566, %rem3A_557 : i32
    %dma_wait3A_568 = arith.constant 0 : i32
    %dma_wait3A_569 = tpu.memref_slice %arg6[%dma_wait3A_568] : memref<16512xf32, #tpu.memory_space<vmem>> -> memref<16384xf32, #tpu.memory_space<vmem>>
    %dma_wait3A_570 = arith.constant 49152 : i32
    %dma_wait3A_571 = tpu.memref_slice %arg2[%select_n3A_356, %select_n3A_372, %dma_wait3A_570] : memref<32x2x65536xf32, #tpu.memory_space<hbm>> -> memref<1x1x16384xf32, #tpu.memory_space<hbm>>
    %dma_wait3A_572 = tpu.memref_squeeze %dma_wait3A_571 : memref<1x1x16384xf32, #tpu.memory_space<hbm>> -> memref<16384xf32, #tpu.memory_space<hbm>>
    %dma_wait3A_573 = arith.constant 0 : i32
    %dma_wait3A_574 = tpu.memref_slice %arg6[%dma_wait3A_573] : memref<16512xf32, #tpu.memory_space<vmem>> -> memref<16384xf32, #tpu.memory_space<vmem>>
    %dma_wait3A_575 = arith.constant 49152 : i32
    %dma_wait3A_576 = tpu.memref_slice %arg2[%select_n3A_356, %select_n3A_372, %dma_wait3A_575] : memref<32x2x65536xf32, #tpu.memory_space<hbm>> -> memref<1x1x16384xf32, #tpu.memory_space<hbm>>
    %dma_wait3A_577 = tpu.memref_squeeze %dma_wait3A_576 : memref<1x1x16384xf32, #tpu.memory_space<hbm>> -> memref<16384xf32, #tpu.memory_space<hbm>>
    tpu.wait_dma2 semaphore(%arg12 : memref<!tpu.dma_semaphore, #tpu.memory_space<semaphore_mem>>) src(%dma_wait3A_577 : memref<16384xf32, #tpu.memory_space<hbm>>) dst(%dma_wait3A_574 : memref<16384xf32, #tpu.memory_space<vmem>>)
    %dma_wait3A_578 = arith.constant 12288 : i32
    %dma_wait3A_579 = tpu.memref_slice %arg3[%select_n3A_356, %select_n3A_372, %dma_wait3A_578] : memref<32x2x16384xf32, #tpu.memory_space<hbm>> -> memref<1x1x4096xf32, #tpu.memory_space<hbm>>
    %dma_wait3A_580 = tpu.memref_squeeze %dma_wait3A_579 : memref<1x1x4096xf32, #tpu.memory_space<hbm>> -> memref<4096xf32, #tpu.memory_space<hbm>>
    %dma_wait3A_581 = arith.constant 12288 : i32
    %dma_wait3A_582 = tpu.memref_slice %arg3[%select_n3A_356, %select_n3A_372, %dma_wait3A_581] : memref<32x2x16384xf32, #tpu.memory_space<hbm>> -> memref<1x1x4096xf32, #tpu.memory_space<hbm>>
    %dma_wait3A_583 = tpu.memref_squeeze %dma_wait3A_582 : memref<1x1x4096xf32, #tpu.memory_space<hbm>> -> memref<4096xf32, #tpu.memory_space<hbm>>
    tpu.wait_dma2 semaphore(%arg12 : memref<!tpu.dma_semaphore, #tpu.memory_space<semaphore_mem>>) src(%dma_wait3A_583 : memref<4096xf32, #tpu.memory_space<hbm>>) dst(%arg8 : memref<4096xf32, #tpu.memory_space<vmem>>)
    %dma_wait3A_584 = arith.constant 16384 : i32
    %dma_wait3A_585 = tpu.memref_slice %arg4[%select_n3A_287, %select_n3A_303, %dma_wait3A_584] : memref<32x2x65536xf32, #tpu.memory_space<hbm>> -> memref<1x1x16384xf32, #tpu.memory_space<hbm>>
    %dma_wait3A_586 = tpu.memref_squeeze %dma_wait3A_585 : memref<1x1x16384xf32, #tpu.memory_space<hbm>> -> memref<16384xf32, #tpu.memory_space<hbm>>
    %dma_wait3A_587 = arith.constant 16384 : i32
    %dma_wait3A_588 = tpu.memref_slice %arg4[%select_n3A_287, %select_n3A_303, %dma_wait3A_587] : memref<32x2x65536xf32, #tpu.memory_space<hbm>> -> memref<1x1x16384xf32, #tpu.memory_space<hbm>>
    %dma_wait3A_589 = tpu.memref_squeeze %dma_wait3A_588 : memref<1x1x16384xf32, #tpu.memory_space<hbm>> -> memref<16384xf32, #tpu.memory_space<hbm>>
    tpu.wait_dma2 semaphore(%arg14 : memref<!tpu.dma_semaphore, #tpu.memory_space<semaphore_mem>>) src(%arg10 : memref<16384xf32, #tpu.memory_space<vmem>>) dst(%dma_wait3A_589 : memref<16384xf32, #tpu.memory_space<hbm>>)
    %parallel_loop3A_590 = arith.constant 0 : i32
    %parallel_loop3A_591 = arith.constant 255 : i32
    %parallel_loop3A_592 = arith.constant 1 : i32
    scf.for %parallel_loop3A_1300 = %parallel_loop3A_590 to %parallel_loop3A_591 step %parallel_loop3A_592  : i32 {
      %parallel_loop3A_1301 = arith.constant 16 : i32
      %parallel_loop3A_1302 = arith.muli %parallel_loop3A_1300, %parallel_loop3A_1301 : i32
      %parallel_loop3A_1303 = arith.index_cast %parallel_loop3A_1302 : i32 to index
      %parallel_loop3A_1304 = tpu.vector_load %arg8[%parallel_loop3A_1303] {strides = array<i32>} : memref<4096xf32, #tpu.memory_space<vmem>>, vector<16xf32>,
      %parallel_loop3A_1305 = vector.shape_cast %parallel_loop3A_1304 : vector<16xf32> to vector<16xf32>
      %parallel_loop3A_1306 = arith.constant 64 : i32
      %parallel_loop3A_1307 = arith.muli %parallel_loop3A_1300, %parallel_loop3A_1306 : i32
      %parallel_loop3A_1308 = arith.constant 0 : i32
      %parallel_loop3A_1309 = arith.addi %parallel_loop3A_1307, %parallel_loop3A_1308 : i32
      %parallel_loop3A_1310 = vector.shape_cast %add3A_5 : vector<16xi32> to vector<16x1xi32>
      %parallel_loop3A_1311 = vector.shape_cast %parallel_loop3A_1310 : vector<16x1xi32> to vector<16xi32>
      %parallel_loop3A_1312 = tpu.dynamic_gather %parallel_loop3A_1305[%parallel_loop3A_1311] in [0] : vector<16xf32>, vector<16xi32> -> vector<16xf32>
      %parallel_loop3A_1313 = arith.index_cast %parallel_loop3A_1309 : i32 to index
      %parallel_loop3A_1314 = tpu.vector_load %arg6[%parallel_loop3A_1313] {strides = array<i32>} : memref<16512xf32, #tpu.memory_space<vmem>>, vector<16xf32>,
      %parallel_loop3A_1315 = vector.shape_cast %parallel_loop3A_1314 : vector<16xf32> to vector<16xf32>
      %parallel_loop3A_1316 = arith.constant 1 : i32
      %parallel_loop3A_1317 = arith.addi %parallel_loop3A_1309, %parallel_loop3A_1316 : i32
      %parallel_loop3A_1318 = arith.index_cast %parallel_loop3A_1317 : i32 to index
      %parallel_loop3A_1319 = tpu.vector_load %arg6[%parallel_loop3A_1318] {strides = array<i32>} : memref<16512xf32, #tpu.memory_space<vmem>>, vector<16xf32>,
      %parallel_loop3A_1320 = vector.shape_cast %parallel_loop3A_1319 : vector<16xf32> to vector<16xf32>
      %parallel_loop3A_1321 = arith.subf %parallel_loop3A_1320, %parallel_loop3A_1315 : vector<16xf32>
      %parallel_loop3A_1322 = arith.mulf %parallel_loop3A_1312, %parallel_loop3A_1321 : vector<16xf32>
      %parallel_loop3A_1323 = arith.addf %parallel_loop3A_1315, %parallel_loop3A_1322 : vector<16xf32>
      %parallel_loop3A_1324 = arith.index_cast %parallel_loop3A_1309 : i32 to index
      %parallel_loop3A_1325 = tpu.vector_load %arg10[%parallel_loop3A_1324] {strides = array<i32>} : memref<16384xf32, #tpu.memory_space<vmem>>, vector<16xf32>,
      %parallel_loop3A_1326 = vector.shape_cast %parallel_loop3A_1325 : vector<16xf32> to vector<16xf32>
      %parallel_loop3A_1327 = vector.shape_cast %parallel_loop3A_1323 : vector<16xf32> to vector<16xf32>
      tpu.vector_store %arg10[%parallel_loop3A_1324], %parallel_loop3A_1327 {strides = array<i32>} : memref<16384xf32, #tpu.memory_space<vmem>>, vector<16xf32>,
      %parallel_loop3A_1328 = arith.constant 64 : i32
      %parallel_loop3A_1329 = arith.muli %parallel_loop3A_1300, %parallel_loop3A_1328 : i32
      %parallel_loop3A_1330 = arith.constant 16 : i32
      %parallel_loop3A_1331 = arith.addi %parallel_loop3A_1329, %parallel_loop3A_1330 : i32
      %parallel_loop3A_1332 = vector.shape_cast %add3A_11 : vector<16xi32> to vector<16x1xi32>
      %parallel_loop3A_1333 = vector.shape_cast %parallel_loop3A_1332 : vector<16x1xi32> to vector<16xi32>
      %parallel_loop3A_1334 = tpu.dynamic_gather %parallel_loop3A_1305[%parallel_loop3A_1333] in [0] : vector<16xf32>, vector<16xi32> -> vector<16xf32>
      %parallel_loop3A_1335 = arith.index_cast %parallel_loop3A_1331 : i32 to index
      %parallel_loop3A_1336 = tpu.vector_load %arg6[%parallel_loop3A_1335] {strides = array<i32>} : memref<16512xf32, #tpu.memory_space<vmem>>, vector<16xf32>,
      %parallel_loop3A_1337 = vector.shape_cast %parallel_loop3A_1336 : vector<16xf32> to vector<16xf32>
      %parallel_loop3A_1338 = arith.constant 1 : i32
      %parallel_loop3A_1339 = arith.addi %parallel_loop3A_1331, %parallel_loop3A_1338 : i32
      %parallel_loop3A_1340 = arith.index_cast %parallel_loop3A_1339 : i32 to index
      %parallel_loop3A_1341 = tpu.vector_load %arg6[%parallel_loop3A_1340] {strides = array<i32>} : memref<16512xf32, #tpu.memory_space<vmem>>, vector<16xf32>,
      %parallel_loop3A_1342 = vector.shape_cast %parallel_loop3A_1341 : vector<16xf32> to vector<16xf32>
      %parallel_loop3A_1343 = arith.subf %parallel_loop3A_1342, %parallel_loop3A_1337 : vector<16xf32>
      %parallel_loop3A_1344 = arith.mulf %parallel_loop3A_1334, %parallel_loop3A_1343 : vector<16xf32>
      %parallel_loop3A_1345 = arith.addf %parallel_loop3A_1337, %parallel_loop3A_1344 : vector<16xf32>
      %parallel_loop3A_1346 = arith.index_cast %parallel_loop3A_1331 : i32 to index
      %parallel_loop3A_1347 = tpu.vector_load %arg10[%parallel_loop3A_1346] {strides = array<i32>} : memref<16384xf32, #tpu.memory_space<vmem>>, vector<16xf32>,
      %parallel_loop3A_1348 = vector.shape_cast %parallel_loop3A_1347 : vector<16xf32> to vector<16xf32>
      %parallel_loop3A_1349 = vector.shape_cast %parallel_loop3A_1345 : vector<16xf32> to vector<16xf32>
      tpu.vector_store %arg10[%parallel_loop3A_1346], %parallel_loop3A_1349 {strides = array<i32>} : memref<16384xf32, #tpu.memory_space<vmem>>, vector<16xf32>,
      %parallel_loop3A_1350 = arith.constant 64 : i32
      %parallel_loop3A_1351 = arith.muli %parallel_loop3A_1300, %parallel_loop3A_1350 : i32
      %parallel_loop3A_1352 = arith.constant 32 : i32
      %parallel_loop3A_1353 = arith.addi %parallel_loop3A_1351, %parallel_loop3A_1352 : i32
      %parallel_loop3A_1354 = vector.shape_cast %add3A_17 : vector<16xi32> to vector<16x1xi32>
      %parallel_loop3A_1355 = vector.shape_cast %parallel_loop3A_1354 : vector<16x1xi32> to vector<16xi32>
      %parallel_loop3A_1356 = tpu.dynamic_gather %parallel_loop3A_1305[%parallel_loop3A_1355] in [0] : vector<16xf32>, vector<16xi32> -> vector<16xf32>
      %parallel_loop3A_1357 = arith.index_cast %parallel_loop3A_1353 : i32 to index
      %parallel_loop3A_1358 = tpu.vector_load %arg6[%parallel_loop3A_1357] {strides = array<i32>} : memref<16512xf32, #tpu.memory_space<vmem>>, vector<16xf32>,
      %parallel_loop3A_1359 = vector.shape_cast %parallel_loop3A_1358 : vector<16xf32> to vector<16xf32>
      %parallel_loop3A_1360 = arith.constant 1 : i32
      %parallel_loop3A_1361 = arith.addi %parallel_loop3A_1353, %parallel_loop3A_1360 : i32
      %parallel_loop3A_1362 = arith.index_cast %parallel_loop3A_1361 : i32 to index
      %parallel_loop3A_1363 = tpu.vector_load %arg6[%parallel_loop3A_1362] {strides = array<i32>} : memref<16512xf32, #tpu.memory_space<vmem>>, vector<16xf32>,
      %parallel_loop3A_1364 = vector.shape_cast %parallel_loop3A_1363 : vector<16xf32> to vector<16xf32>
      %parallel_loop3A_1365 = arith.subf %parallel_loop3A_1364, %parallel_loop3A_1359 : vector<16xf32>
      %parallel_loop3A_1366 = arith.mulf %parallel_loop3A_1356, %parallel_loop3A_1365 : vector<16xf32>
      %parallel_loop3A_1367 = arith.addf %parallel_loop3A_1359, %parallel_loop3A_1366 : vector<16xf32>
      %parallel_loop3A_1368 = arith.index_cast %parallel_loop3A_1353 : i32 to index
      %parallel_loop3A_1369 = tpu.vector_load %arg10[%parallel_loop3A_1368] {strides = array<i32>} : memref<16384xf32, #tpu.memory_space<vmem>>, vector<16xf32>,
      %parallel_loop3A_1370 = vector.shape_cast %parallel_loop3A_1369 : vector<16xf32> to vector<16xf32>
      %parallel_loop3A_1371 = vector.shape_cast %parallel_loop3A_1367 : vector<16xf32> to vector<16xf32>
      tpu.vector_store %arg10[%parallel_loop3A_1368], %parallel_loop3A_1371 {strides = array<i32>} : memref<16384xf32, #tpu.memory_space<vmem>>, vector<16xf32>,
      %parallel_loop3A_1372 = arith.constant 64 : i32
      %parallel_loop3A_1373 = arith.muli %parallel_loop3A_1300, %parallel_loop3A_1372 : i32
      %parallel_loop3A_1374 = arith.constant 48 : i32
      %parallel_loop3A_1375 = arith.addi %parallel_loop3A_1373, %parallel_loop3A_1374 : i32
      %parallel_loop3A_1376 = vector.shape_cast %add3A_23 : vector<16xi32> to vector<16x1xi32>
      %parallel_loop3A_1377 = vector.shape_cast %parallel_loop3A_1376 : vector<16x1xi32> to vector<16xi32>
      %parallel_loop3A_1378 = tpu.dynamic_gather %parallel_loop3A_1305[%parallel_loop3A_1377] in [0] : vector<16xf32>, vector<16xi32> -> vector<16xf32>
      %parallel_loop3A_1379 = arith.index_cast %parallel_loop3A_1375 : i32 to index
      %parallel_loop3A_1380 = tpu.vector_load %arg6[%parallel_loop3A_1379] {strides = array<i32>} : memref<16512xf32, #tpu.memory_space<vmem>>, vector<16xf32>,
      %parallel_loop3A_1381 = vector.shape_cast %parallel_loop3A_1380 : vector<16xf32> to vector<16xf32>
      %parallel_loop3A_1382 = arith.constant 1 : i32
      %parallel_loop3A_1383 = arith.addi %parallel_loop3A_1375, %parallel_loop3A_1382 : i32
      %parallel_loop3A_1384 = arith.index_cast %parallel_loop3A_1383 : i32 to index
      %parallel_loop3A_1385 = tpu.vector_load %arg6[%parallel_loop3A_1384] {strides = array<i32>} : memref<16512xf32, #tpu.memory_space<vmem>>, vector<16xf32>,
      %parallel_loop3A_1386 = vector.shape_cast %parallel_loop3A_1385 : vector<16xf32> to vector<16xf32>
      %parallel_loop3A_1387 = arith.subf %parallel_loop3A_1386, %parallel_loop3A_1381 : vector<16xf32>
      %parallel_loop3A_1388 = arith.mulf %parallel_loop3A_1378, %parallel_loop3A_1387 : vector<16xf32>
      %parallel_loop3A_1389 = arith.addf %parallel_loop3A_1381, %parallel_loop3A_1388 : vector<16xf32>
      %parallel_loop3A_1390 = arith.index_cast %parallel_loop3A_1375 : i32 to index
      %parallel_loop3A_1391 = tpu.vector_load %arg10[%parallel_loop3A_1390] {strides = array<i32>} : memref<16384xf32, #tpu.memory_space<vmem>>, vector<16xf32>,
      %parallel_loop3A_1392 = vector.shape_cast %parallel_loop3A_1391 : vector<16xf32> to vector<16xf32>
      %parallel_loop3A_1393 = vector.shape_cast %parallel_loop3A_1389 : vector<16xf32> to vector<16xf32>
      tpu.vector_store %arg10[%parallel_loop3A_1390], %parallel_loop3A_1393 {strides = array<i32>} : memref<16384xf32, #tpu.memory_space<vmem>>, vector<16xf32>,
    } {sc.loop_unroll_factor = 8 : i64, sc.parallel_access}
    %get3A = arith.constant 4080 : index
    %get3A_593 = tpu.vector_load %arg8[%get3A] {strides = array<i32>} : memref<4096xf32, #tpu.memory_space<vmem>>, vector<16xf32>,
    %get3A_594 = vector.shape_cast %get3A_593 : vector<16xf32> to vector<16xf32>
    %broadcast_in_dim3A = vector.shape_cast %add3A_5 : vector<16xi32> to vector<16x1xi32>
    %gather3A = vector.shape_cast %broadcast_in_dim3A : vector<16x1xi32> to vector<16xi32>
    %gather3A_595 = tpu.dynamic_gather %get3A_594[%gather3A] in [0] : vector<16xf32>, vector<16xi32> -> vector<16xf32>
    %add3A_596 = arith.constant 4.915200e+04 : f32
    %add3A_597 = arith.constant 1.632000e+04 : f32
    %add3A_598 = arith.addf %add3A_596, %add3A_597 : f32
    %add3A_599 = vector.broadcast %add3A_598 : f32 to vector<16xf32>
    %add3A_600 = arith.addf %convert_element_type3A, %add3A_599 : vector<16xf32>
    %add3A_601 = arith.addf %gather3A_595, %add3A_600 : vector<16xf32>
    %min3A = arith.constant 6.553500e+04 : f32
    %min3A_602 = vector.broadcast %min3A : f32 to vector<16xf32>
    %min3A_603 = arith.minimumf %add3A_601, %min3A_602 : vector<16xf32>
    %sub3A_604 = arith.subf %min3A_603, %add3A_600 : vector<16xf32>
    %get3A_605 = arith.constant 16320 : index
    %get3A_606 = tpu.vector_load %arg6[%get3A_605] {strides = array<i32>} : memref<16512xf32, #tpu.memory_space<vmem>>, vector<16xf32>,
    %get3A_607 = vector.shape_cast %get3A_606 : vector<16xf32> to vector<16xf32>
    %get3A_608 = arith.constant 16321 : index
    %get3A_609 = tpu.vector_load %arg6[%get3A_608] {strides = array<i32>} : memref<16512xf32, #tpu.memory_space<vmem>>, vector<16xf32>,
    %get3A_610 = vector.shape_cast %get3A_609 : vector<16xf32> to vector<16xf32>
    %sub3A_611 = arith.subf %get3A_610, %get3A_607 : vector<16xf32>
    %mul3A_612 = arith.mulf %sub3A_604, %sub3A_611 : vector<16xf32>
    %add3A_613 = arith.addf %get3A_607, %mul3A_612 : vector<16xf32>
    %swap3A = arith.constant 16320 : index
    %swap3A_614 = tpu.vector_load %arg10[%swap3A] {strides = array<i32>} : memref<16384xf32, #tpu.memory_space<vmem>>, vector<16xf32>,
    %swap3A_615 = vector.shape_cast %swap3A_614 : vector<16xf32> to vector<16xf32>
    %swap3A_616 = vector.shape_cast %add3A_613 : vector<16xf32> to vector<16xf32>
    tpu.vector_store %arg10[%swap3A], %swap3A_616 {strides = array<i32>} : memref<16384xf32, #tpu.memory_space<vmem>>, vector<16xf32>,
    %broadcast_in_dim3A_617 = vector.shape_cast %add3A_11 : vector<16xi32> to vector<16x1xi32>
    %gather3A_618 = vector.shape_cast %broadcast_in_dim3A_617 : vector<16x1xi32> to vector<16xi32>
    %gather3A_619 = tpu.dynamic_gather %get3A_594[%gather3A_618] in [0] : vector<16xf32>, vector<16xi32> -> vector<16xf32>
    %add3A_620 = arith.constant 4.915200e+04 : f32
    %add3A_621 = arith.constant 1.633600e+04 : f32
    %add3A_622 = arith.addf %add3A_620, %add3A_621 : f32
    %add3A_623 = vector.broadcast %add3A_622 : f32 to vector<16xf32>
    %add3A_624 = arith.addf %convert_element_type3A, %add3A_623 : vector<16xf32>
    %add3A_625 = arith.addf %gather3A_619, %add3A_624 : vector<16xf32>
    %min3A_626 = arith.constant 6.553500e+04 : f32
    %min3A_627 = vector.broadcast %min3A_626 : f32 to vector<16xf32>
    %min3A_628 = arith.minimumf %add3A_625, %min3A_627 : vector<16xf32>
    %sub3A_629 = arith.subf %min3A_628, %add3A_624 : vector<16xf32>
    %get3A_630 = arith.constant 16336 : index
    %get3A_631 = tpu.vector_load %arg6[%get3A_630] {strides = array<i32>} : memref<16512xf32, #tpu.memory_space<vmem>>, vector<16xf32>,
    %get3A_632 = vector.shape_cast %get3A_631 : vector<16xf32> to vector<16xf32>
    %get3A_633 = arith.constant 16337 : index
    %get3A_634 = tpu.vector_load %arg6[%get3A_633] {strides = array<i32>} : memref<16512xf32, #tpu.memory_space<vmem>>, vector<16xf32>,
    %get3A_635 = vector.shape_cast %get3A_634 : vector<16xf32> to vector<16xf32>
    %sub3A_636 = arith.subf %get3A_635, %get3A_632 : vector<16xf32>
    %mul3A_637 = arith.mulf %sub3A_629, %sub3A_636 : vector<16xf32>
    %add3A_638 = arith.addf %get3A_632, %mul3A_637 : vector<16xf32>
    %swap3A_639 = arith.constant 16336 : index
    %swap3A_640 = tpu.vector_load %arg10[%swap3A_639] {strides = array<i32>} : memref<16384xf32, #tpu.memory_space<vmem>>, vector<16xf32>,
    %swap3A_641 = vector.shape_cast %swap3A_640 : vector<16xf32> to vector<16xf32>
    %swap3A_642 = vector.shape_cast %add3A_638 : vector<16xf32> to vector<16xf32>
    tpu.vector_store %arg10[%swap3A_639], %swap3A_642 {strides = array<i32>} : memref<16384xf32, #tpu.memory_space<vmem>>, vector<16xf32>,
    %broadcast_in_dim3A_643 = vector.shape_cast %add3A_17 : vector<16xi32> to vector<16x1xi32>
    %gather3A_644 = vector.shape_cast %broadcast_in_dim3A_643 : vector<16x1xi32> to vector<16xi32>
    %gather3A_645 = tpu.dynamic_gather %get3A_594[%gather3A_644] in [0] : vector<16xf32>, vector<16xi32> -> vector<16xf32>
    %add3A_646 = arith.constant 4.915200e+04 : f32
    %add3A_647 = arith.constant 1.635200e+04 : f32
    %add3A_648 = arith.addf %add3A_646, %add3A_647 : f32
    %add3A_649 = vector.broadcast %add3A_648 : f32 to vector<16xf32>
    %add3A_650 = arith.addf %convert_element_type3A, %add3A_649 : vector<16xf32>
    %add3A_651 = arith.addf %gather3A_645, %add3A_650 : vector<16xf32>
    %min3A_652 = arith.constant 6.553500e+04 : f32
    %min3A_653 = vector.broadcast %min3A_652 : f32 to vector<16xf32>
    %min3A_654 = arith.minimumf %add3A_651, %min3A_653 : vector<16xf32>
    %sub3A_655 = arith.subf %min3A_654, %add3A_650 : vector<16xf32>
    %get3A_656 = arith.constant 16352 : index
    %get3A_657 = tpu.vector_load %arg6[%get3A_656] {strides = array<i32>} : memref<16512xf32, #tpu.memory_space<vmem>>, vector<16xf32>,
    %get3A_658 = vector.shape_cast %get3A_657 : vector<16xf32> to vector<16xf32>
    %get3A_659 = arith.constant 16353 : index
    %get3A_660 = tpu.vector_load %arg6[%get3A_659] {strides = array<i32>} : memref<16512xf32, #tpu.memory_space<vmem>>, vector<16xf32>,
    %get3A_661 = vector.shape_cast %get3A_660 : vector<16xf32> to vector<16xf32>
    %sub3A_662 = arith.subf %get3A_661, %get3A_658 : vector<16xf32>
    %mul3A_663 = arith.mulf %sub3A_655, %sub3A_662 : vector<16xf32>
    %add3A_664 = arith.addf %get3A_658, %mul3A_663 : vector<16xf32>
    %swap3A_665 = arith.constant 16352 : index
    %swap3A_666 = tpu.vector_load %arg10[%swap3A_665] {strides = array<i32>} : memref<16384xf32, #tpu.memory_space<vmem>>, vector<16xf32>,
    %swap3A_667 = vector.shape_cast %swap3A_666 : vector<16xf32> to vector<16xf32>
    %swap3A_668 = vector.shape_cast %add3A_664 : vector<16xf32> to vector<16xf32>
    tpu.vector_store %arg10[%swap3A_665], %swap3A_668 {strides = array<i32>} : memref<16384xf32, #tpu.memory_space<vmem>>, vector<16xf32>,
    %broadcast_in_dim3A_669 = vector.shape_cast %add3A_23 : vector<16xi32> to vector<16x1xi32>
    %gather3A_670 = vector.shape_cast %broadcast_in_dim3A_669 : vector<16x1xi32> to vector<16xi32>
    %gather3A_671 = tpu.dynamic_gather %get3A_594[%gather3A_670] in [0] : vector<16xf32>, vector<16xi32> -> vector<16xf32>
    %add3A_672 = arith.constant 4.915200e+04 : f32
    %add3A_673 = arith.constant 1.636800e+04 : f32
    %add3A_674 = arith.addf %add3A_672, %add3A_673 : f32
    %add3A_675 = vector.broadcast %add3A_674 : f32 to vector<16xf32>
    %add3A_676 = arith.addf %convert_element_type3A, %add3A_675 : vector<16xf32>
    %add3A_677 = arith.addf %gather3A_671, %add3A_676 : vector<16xf32>
    %min3A_678 = arith.constant 6.553500e+04 : f32
    %min3A_679 = vector.broadcast %min3A_678 : f32 to vector<16xf32>
    %min3A_680 = arith.minimumf %add3A_677, %min3A_679 : vector<16xf32>
    %sub3A_681 = arith.subf %min3A_680, %add3A_676 : vector<16xf32>
    %get3A_682 = arith.constant 16368 : index
    %get3A_683 = tpu.vector_load %arg6[%get3A_682] {strides = array<i32>} : memref<16512xf32, #tpu.memory_space<vmem>>, vector<16xf32>,
    %get3A_684 = vector.shape_cast %get3A_683 : vector<16xf32> to vector<16xf32>
    %get3A_685 = arith.constant 16369 : index
    %get3A_686 = tpu.vector_load %arg6[%get3A_685] {strides = array<i32>} : memref<16512xf32, #tpu.memory_space<vmem>>, vector<16xf32>,
    %get3A_687 = vector.shape_cast %get3A_686 : vector<16xf32> to vector<16xf32>
    %sub3A_688 = arith.subf %get3A_687, %get3A_684 : vector<16xf32>
    %mul3A_689 = arith.mulf %sub3A_681, %sub3A_688 : vector<16xf32>
    %add3A_690 = arith.addf %get3A_684, %mul3A_689 : vector<16xf32>
    %swap3A_691 = arith.constant 16368 : index
    %swap3A_692 = tpu.vector_load %arg10[%swap3A_691] {strides = array<i32>} : memref<16384xf32, #tpu.memory_space<vmem>>, vector<16xf32>,
    %swap3A_693 = vector.shape_cast %swap3A_692 : vector<16xf32> to vector<16xf32>
    %swap3A_694 = vector.shape_cast %add3A_690 : vector<16xf32> to vector<16xf32>
    tpu.vector_store %arg10[%swap3A_691], %swap3A_694 {strides = array<i32>} : memref<16384xf32, #tpu.memory_space<vmem>>, vector<16xf32>,
    %dma_start3A_695 = arith.constant 49152 : i32
    %dma_start3A_696 = tpu.memref_slice %arg4[%select_n3A_551, %select_n3A_567, %dma_start3A_695] : memref<32x2x65536xf32, #tpu.memory_space<hbm>> -> memref<1x1x16384xf32, #tpu.memory_space<hbm>>
    %dma_start3A_697 = tpu.memref_squeeze %dma_start3A_696 : memref<1x1x16384xf32, #tpu.memory_space<hbm>> -> memref<16384xf32, #tpu.memory_space<hbm>>
    %dma_start3A_698 = arith.constant 49152 : i32
    %dma_start3A_699 = tpu.memref_slice %arg4[%select_n3A_551, %select_n3A_567, %dma_start3A_698] : memref<32x2x65536xf32, #tpu.memory_space<hbm>> -> memref<1x1x16384xf32, #tpu.memory_space<hbm>>
    %dma_start3A_700 = tpu.memref_squeeze %dma_start3A_699 : memref<1x1x16384xf32, #tpu.memory_space<hbm>> -> memref<16384xf32, #tpu.memory_space<hbm>>
    tpu.enqueue_dma source(%arg10 : memref<16384xf32, #tpu.memory_space<vmem>>) target(%dma_start3A_700 : memref<16384xf32, #tpu.memory_space<hbm>>) target_semaphore(%arg14 : memref<!tpu.dma_semaphore, #tpu.memory_space<semaphore_mem>>)
    %mul3A_701 = arith.constant 2 : i32
    %mul3A_702 = arith.muli %add3A, %mul3A_701 : i32
    %add3A_703 = arith.constant 1 : i32
    %add3A_704 = arith.addi %mul3A_702, %add3A_703 : i32
    %jit3A_705 = arith.constant 2 : i32
    %div3A_706 = arith.divsi %add3A_704, %jit3A_705 : i32
    %sign3A_707 = arith.constant 0 : i32
    %sign3A_708 = arith.cmpi sgt, %add3A_704, %sign3A_707 : i32
    %sign3A_709 = arith.extui %sign3A_708 : i1 to i32
    %sign3A_710 = arith.constant 0 : i32
    %sign3A_711 = arith.cmpi slt, %add3A_704, %sign3A_710 : i32
    %sign3A_712 = arith.extui %sign3A_711 : i1 to i32
    %sign3A_713 = arith.subi %sign3A_709, %sign3A_712 : i32
    %sign3A_714 = arith.constant 0 : i32
    %sign3A_715 = arith.cmpi sgt, %jit3A_705, %sign3A_714 : i32
    %sign3A_716 = arith.extui %sign3A_715 : i1 to i32
    %sign3A_717 = arith.constant 0 : i32
    %sign3A_718 = arith.cmpi slt, %jit3A_705, %sign3A_717 : i32
    %sign3A_719 = arith.extui %sign3A_718 : i1 to i32
    %sign3A_720 = arith.subi %sign3A_716, %sign3A_719 : i32
    %ne3A_721 = arith.cmpi ne, %sign3A_713, %sign3A_720 : i32
    %rem3A_722 = arith.remsi %add3A_704, %jit3A_705 : i32
    %ne3A_723 = arith.constant 0 : i32
    %ne3A_724 = arith.cmpi ne, %rem3A_722, %ne3A_723 : i32
    %and3A_725 = arith.andi %ne3A_721, %ne3A_724 : i1
    %sub3A_726 = arith.constant 1 : i32
    %sub3A_727 = arith.subi %div3A_706, %sub3A_726 : i32
    %select_n3A_728 = arith.select %and3A_725, %sub3A_727, %div3A_706 : i32
    %jit3A_729 = arith.constant 2 : i32
    %eq3A_730 = arith.constant 0 : i32
    %eq3A_731 = arith.cmpi eq, %jit3A_729, %eq3A_730 : i32
    %jit3A_732 = arith.constant 1 : i32
    %select_n3A_733 = arith.select %eq3A_731, %jit3A_732, %jit3A_729 : i32
    %rem3A_734 = arith.remsi %add3A_704, %select_n3A_733 : i32
    %ne3A_735 = arith.constant 0 : i32
    %ne3A_736 = arith.cmpi ne, %rem3A_734, %ne3A_735 : i32
    %lt3A_737 = arith.constant 0 : i32
    %lt3A_738 = arith.cmpi slt, %rem3A_734, %lt3A_737 : i32
    %lt3A_739 = arith.constant 0 : i32
    %lt3A_740 = arith.cmpi slt, %select_n3A_733, %lt3A_739 : i32
    %ne3A_741 = arith.xori %lt3A_738, %lt3A_740 : i1
    %and3A_742 = arith.andi %ne3A_741, %ne3A_736 : i1
    %add3A_743 = arith.addi %rem3A_734, %select_n3A_733 : i32
    %select_n3A_744 = arith.select %and3A_742, %add3A_743, %rem3A_734 : i32
    %dma_start3A_745 = arith.constant 0 : i32
    %dma_start3A_746 = tpu.memref_slice %arg6[%dma_start3A_745] : memref<16512xf32, #tpu.memory_space<vmem>> -> memref<16512xf32, #tpu.memory_space<vmem>>
    %dma_start3A_747 = arith.constant 16384 : i32
    %dma_start3A_748 = tpu.memref_slice %arg2[%select_n3A_728, %select_n3A_744, %dma_start3A_747] : memref<32x2x65536xf32, #tpu.memory_space<hbm>> -> memref<1x1x16512xf32, #tpu.memory_space<hbm>>
    %dma_start3A_749 = tpu.memref_squeeze %dma_start3A_748 : memref<1x1x16512xf32, #tpu.memory_space<hbm>> -> memref<16512xf32, #tpu.memory_space<hbm>>
    %dma_start3A_750 = arith.constant 0 : i32
    %dma_start3A_751 = tpu.memref_slice %arg6[%dma_start3A_750] : memref<16512xf32, #tpu.memory_space<vmem>> -> memref<16512xf32, #tpu.memory_space<vmem>>
    %dma_start3A_752 = arith.constant 16384 : i32
    %dma_start3A_753 = tpu.memref_slice %arg2[%select_n3A_728, %select_n3A_744, %dma_start3A_752] : memref<32x2x65536xf32, #tpu.memory_space<hbm>> -> memref<1x1x16512xf32, #tpu.memory_space<hbm>>
    %dma_start3A_754 = tpu.memref_squeeze %dma_start3A_753 : memref<1x1x16512xf32, #tpu.memory_space<hbm>> -> memref<16512xf32, #tpu.memory_space<hbm>>
    tpu.enqueue_dma source(%dma_start3A_754 : memref<16512xf32, #tpu.memory_space<hbm>>) target(%dma_start3A_751 : memref<16512xf32, #tpu.memory_space<vmem>>) target_semaphore(%arg12 : memref<!tpu.dma_semaphore, #tpu.memory_space<semaphore_mem>>)
    %dma_start3A_755 = arith.constant 4096 : i32
    %dma_start3A_756 = tpu.memref_slice %arg3[%select_n3A_728, %select_n3A_744, %dma_start3A_755] : memref<32x2x16384xf32, #tpu.memory_space<hbm>> -> memref<1x1x4096xf32, #tpu.memory_space<hbm>>
    %dma_start3A_757 = tpu.memref_squeeze %dma_start3A_756 : memref<1x1x4096xf32, #tpu.memory_space<hbm>> -> memref<4096xf32, #tpu.memory_space<hbm>>
    %dma_start3A_758 = arith.constant 4096 : i32
    %dma_start3A_759 = tpu.memref_slice %arg3[%select_n3A_728, %select_n3A_744, %dma_start3A_758] : memref<32x2x16384xf32, #tpu.memory_space<hbm>> -> memref<1x1x4096xf32, #tpu.memory_space<hbm>>
    %dma_start3A_760 = tpu.memref_squeeze %dma_start3A_759 : memref<1x1x4096xf32, #tpu.memory_space<hbm>> -> memref<4096xf32, #tpu.memory_space<hbm>>
    tpu.enqueue_dma source(%dma_start3A_760 : memref<4096xf32, #tpu.memory_space<hbm>>) target(%arg8 : memref<4096xf32, #tpu.memory_space<vmem>>) target_semaphore(%arg12 : memref<!tpu.dma_semaphore, #tpu.memory_space<semaphore_mem>>)
    %mul3A_761 = arith.constant 2 : i32
    %mul3A_762 = arith.muli %add3A, %mul3A_761 : i32
    %add3A_763 = arith.constant 1 : i32
    %add3A_764 = arith.addi %mul3A_762, %add3A_763 : i32
    %jit3A_765 = arith.constant 2 : i32
    %div3A_766 = arith.divsi %add3A_764, %jit3A_765 : i32
    %sign3A_767 = arith.constant 0 : i32
    %sign3A_768 = arith.cmpi sgt, %add3A_764, %sign3A_767 : i32
    %sign3A_769 = arith.extui %sign3A_768 : i1 to i32
    %sign3A_770 = arith.constant 0 : i32
    %sign3A_771 = arith.cmpi slt, %add3A_764, %sign3A_770 : i32
    %sign3A_772 = arith.extui %sign3A_771 : i1 to i32
    %sign3A_773 = arith.subi %sign3A_769, %sign3A_772 : i32
    %sign3A_774 = arith.constant 0 : i32
    %sign3A_775 = arith.cmpi sgt, %jit3A_765, %sign3A_774 : i32
    %sign3A_776 = arith.extui %sign3A_775 : i1 to i32
    %sign3A_777 = arith.constant 0 : i32
    %sign3A_778 = arith.cmpi slt, %jit3A_765, %sign3A_777 : i32
    %sign3A_779 = arith.extui %sign3A_778 : i1 to i32
    %sign3A_780 = arith.subi %sign3A_776, %sign3A_779 : i32
    %ne3A_781 = arith.cmpi ne, %sign3A_773, %sign3A_780 : i32
    %rem3A_782 = arith.remsi %add3A_764, %jit3A_765 : i32
    %ne3A_783 = arith.constant 0 : i32
    %ne3A_784 = arith.cmpi ne, %rem3A_782, %ne3A_783 : i32
    %and3A_785 = arith.andi %ne3A_781, %ne3A_784 : i1
    %sub3A_786 = arith.constant 1 : i32
    %sub3A_787 = arith.subi %div3A_766, %sub3A_786 : i32
    %select_n3A_788 = arith.select %and3A_785, %sub3A_787, %div3A_766 : i32
    %jit3A_789 = arith.constant 2 : i32
    %eq3A_790 = arith.constant 0 : i32
    %eq3A_791 = arith.cmpi eq, %jit3A_789, %eq3A_790 : i32
    %jit3A_792 = arith.constant 1 : i32
    %select_n3A_793 = arith.select %eq3A_791, %jit3A_792, %jit3A_789 : i32
    %rem3A_794 = arith.remsi %add3A_764, %select_n3A_793 : i32
    %ne3A_795 = arith.constant 0 : i32
    %ne3A_796 = arith.cmpi ne, %rem3A_794, %ne3A_795 : i32
    %lt3A_797 = arith.constant 0 : i32
    %lt3A_798 = arith.cmpi slt, %rem3A_794, %lt3A_797 : i32
    %lt3A_799 = arith.constant 0 : i32
    %lt3A_800 = arith.cmpi slt, %select_n3A_793, %lt3A_799 : i32
    %ne3A_801 = arith.xori %lt3A_798, %lt3A_800 : i1
    %and3A_802 = arith.andi %ne3A_801, %ne3A_796 : i1
    %add3A_803 = arith.addi %rem3A_794, %select_n3A_793 : i32
    %select_n3A_804 = arith.select %and3A_802, %add3A_803, %rem3A_794 : i32
    %dma_wait3A_805 = arith.constant 0 : i32
    %dma_wait3A_806 = tpu.memref_slice %arg5[%dma_wait3A_805] : memref<16512xf32, #tpu.memory_space<vmem>> -> memref<16512xf32, #tpu.memory_space<vmem>>
    %dma_wait3A_807 = arith.constant 0 : i32
    %dma_wait3A_808 = tpu.memref_slice %arg2[%select_n3A_491, %select_n3A_507, %dma_wait3A_807] : memref<32x2x65536xf32, #tpu.memory_space<hbm>> -> memref<1x1x16512xf32, #tpu.memory_space<hbm>>
    %dma_wait3A_809 = tpu.memref_squeeze %dma_wait3A_808 : memref<1x1x16512xf32, #tpu.memory_space<hbm>> -> memref<16512xf32, #tpu.memory_space<hbm>>
    %dma_wait3A_810 = arith.constant 0 : i32
    %dma_wait3A_811 = tpu.memref_slice %arg5[%dma_wait3A_810] : memref<16512xf32, #tpu.memory_space<vmem>> -> memref<16512xf32, #tpu.memory_space<vmem>>
    %dma_wait3A_812 = arith.constant 0 : i32
    %dma_wait3A_813 = tpu.memref_slice %arg2[%select_n3A_491, %select_n3A_507, %dma_wait3A_812] : memref<32x2x65536xf32, #tpu.memory_space<hbm>> -> memref<1x1x16512xf32, #tpu.memory_space<hbm>>
    %dma_wait3A_814 = tpu.memref_squeeze %dma_wait3A_813 : memref<1x1x16512xf32, #tpu.memory_space<hbm>> -> memref<16512xf32, #tpu.memory_space<hbm>>
    tpu.wait_dma2 semaphore(%arg11 : memref<!tpu.dma_semaphore, #tpu.memory_space<semaphore_mem>>) src(%dma_wait3A_814 : memref<16512xf32, #tpu.memory_space<hbm>>) dst(%dma_wait3A_811 : memref<16512xf32, #tpu.memory_space<vmem>>)
    %dma_wait3A_815 = arith.constant 0 : i32
    %dma_wait3A_816 = tpu.memref_slice %arg3[%select_n3A_491, %select_n3A_507, %dma_wait3A_815] : memref<32x2x16384xf32, #tpu.memory_space<hbm>> -> memref<1x1x4096xf32, #tpu.memory_space<hbm>>
    %dma_wait3A_817 = tpu.memref_squeeze %dma_wait3A_816 : memref<1x1x4096xf32, #tpu.memory_space<hbm>> -> memref<4096xf32, #tpu.memory_space<hbm>>
    %dma_wait3A_818 = arith.constant 0 : i32
    %dma_wait3A_819 = tpu.memref_slice %arg3[%select_n3A_491, %select_n3A_507, %dma_wait3A_818] : memref<32x2x16384xf32, #tpu.memory_space<hbm>> -> memref<1x1x4096xf32, #tpu.memory_space<hbm>>
    %dma_wait3A_820 = tpu.memref_squeeze %dma_wait3A_819 : memref<1x1x4096xf32, #tpu.memory_space<hbm>> -> memref<4096xf32, #tpu.memory_space<hbm>>
    tpu.wait_dma2 semaphore(%arg11 : memref<!tpu.dma_semaphore, #tpu.memory_space<semaphore_mem>>) src(%dma_wait3A_820 : memref<4096xf32, #tpu.memory_space<hbm>>) dst(%arg7 : memref<4096xf32, #tpu.memory_space<vmem>>)
    %dma_wait3A_821 = arith.constant 32768 : i32
    %dma_wait3A_822 = tpu.memref_slice %arg4[%select_n3A_416, %select_n3A_432, %dma_wait3A_821] : memref<32x2x65536xf32, #tpu.memory_space<hbm>> -> memref<1x1x16384xf32, #tpu.memory_space<hbm>>
    %dma_wait3A_823 = tpu.memref_squeeze %dma_wait3A_822 : memref<1x1x16384xf32, #tpu.memory_space<hbm>> -> memref<16384xf32, #tpu.memory_space<hbm>>
    %dma_wait3A_824 = arith.constant 32768 : i32
    %dma_wait3A_825 = tpu.memref_slice %arg4[%select_n3A_416, %select_n3A_432, %dma_wait3A_824] : memref<32x2x65536xf32, #tpu.memory_space<hbm>> -> memref<1x1x16384xf32, #tpu.memory_space<hbm>>
    %dma_wait3A_826 = tpu.memref_squeeze %dma_wait3A_825 : memref<1x1x16384xf32, #tpu.memory_space<hbm>> -> memref<16384xf32, #tpu.memory_space<hbm>>
    tpu.wait_dma2 semaphore(%arg13 : memref<!tpu.dma_semaphore, #tpu.memory_space<semaphore_mem>>) src(%arg9 : memref<16384xf32, #tpu.memory_space<vmem>>) dst(%dma_wait3A_826 : memref<16384xf32, #tpu.memory_space<hbm>>)
    %parallel_loop3A_827 = arith.constant 0 : i32
    %parallel_loop3A_828 = arith.constant 256 : i32
    %parallel_loop3A_829 = arith.constant 1 : i32
    scf.for %parallel_loop3A_1300 = %parallel_loop3A_827 to %parallel_loop3A_828 step %parallel_loop3A_829  : i32 {
      %parallel_loop3A_1301 = arith.constant 16 : i32
      %parallel_loop3A_1302 = arith.muli %parallel_loop3A_1300, %parallel_loop3A_1301 : i32
      %parallel_loop3A_1303 = arith.index_cast %parallel_loop3A_1302 : i32 to index
      %parallel_loop3A_1304 = tpu.vector_load %arg7[%parallel_loop3A_1303] {strides = array<i32>} : memref<4096xf32, #tpu.memory_space<vmem>>, vector<16xf32>,
      %parallel_loop3A_1305 = vector.shape_cast %parallel_loop3A_1304 : vector<16xf32> to vector<16xf32>
      %parallel_loop3A_1306 = arith.constant 64 : i32
      %parallel_loop3A_1307 = arith.muli %parallel_loop3A_1300, %parallel_loop3A_1306 : i32
      %parallel_loop3A_1308 = arith.constant 0 : i32
      %parallel_loop3A_1309 = arith.addi %parallel_loop3A_1307, %parallel_loop3A_1308 : i32
      %parallel_loop3A_1310 = vector.shape_cast %add3A_5 : vector<16xi32> to vector<16x1xi32>
      %parallel_loop3A_1311 = vector.shape_cast %parallel_loop3A_1310 : vector<16x1xi32> to vector<16xi32>
      %parallel_loop3A_1312 = tpu.dynamic_gather %parallel_loop3A_1305[%parallel_loop3A_1311] in [0] : vector<16xf32>, vector<16xi32> -> vector<16xf32>
      %parallel_loop3A_1313 = arith.index_cast %parallel_loop3A_1309 : i32 to index
      %parallel_loop3A_1314 = tpu.vector_load %arg5[%parallel_loop3A_1313] {strides = array<i32>} : memref<16512xf32, #tpu.memory_space<vmem>>, vector<16xf32>,
      %parallel_loop3A_1315 = vector.shape_cast %parallel_loop3A_1314 : vector<16xf32> to vector<16xf32>
      %parallel_loop3A_1316 = arith.constant 1 : i32
      %parallel_loop3A_1317 = arith.addi %parallel_loop3A_1309, %parallel_loop3A_1316 : i32
      %parallel_loop3A_1318 = arith.index_cast %parallel_loop3A_1317 : i32 to index
      %parallel_loop3A_1319 = tpu.vector_load %arg5[%parallel_loop3A_1318] {strides = array<i32>} : memref<16512xf32, #tpu.memory_space<vmem>>, vector<16xf32>,
      %parallel_loop3A_1320 = vector.shape_cast %parallel_loop3A_1319 : vector<16xf32> to vector<16xf32>
      %parallel_loop3A_1321 = arith.subf %parallel_loop3A_1320, %parallel_loop3A_1315 : vector<16xf32>
      %parallel_loop3A_1322 = arith.mulf %parallel_loop3A_1312, %parallel_loop3A_1321 : vector<16xf32>
      %parallel_loop3A_1323 = arith.addf %parallel_loop3A_1315, %parallel_loop3A_1322 : vector<16xf32>
      %parallel_loop3A_1324 = arith.index_cast %parallel_loop3A_1309 : i32 to index
      %parallel_loop3A_1325 = tpu.vector_load %arg9[%parallel_loop3A_1324] {strides = array<i32>} : memref<16384xf32, #tpu.memory_space<vmem>>, vector<16xf32>,
      %parallel_loop3A_1326 = vector.shape_cast %parallel_loop3A_1325 : vector<16xf32> to vector<16xf32>
      %parallel_loop3A_1327 = vector.shape_cast %parallel_loop3A_1323 : vector<16xf32> to vector<16xf32>
      tpu.vector_store %arg9[%parallel_loop3A_1324], %parallel_loop3A_1327 {strides = array<i32>} : memref<16384xf32, #tpu.memory_space<vmem>>, vector<16xf32>,
      %parallel_loop3A_1328 = arith.constant 64 : i32
      %parallel_loop3A_1329 = arith.muli %parallel_loop3A_1300, %parallel_loop3A_1328 : i32
      %parallel_loop3A_1330 = arith.constant 16 : i32
      %parallel_loop3A_1331 = arith.addi %parallel_loop3A_1329, %parallel_loop3A_1330 : i32
      %parallel_loop3A_1332 = vector.shape_cast %add3A_11 : vector<16xi32> to vector<16x1xi32>
      %parallel_loop3A_1333 = vector.shape_cast %parallel_loop3A_1332 : vector<16x1xi32> to vector<16xi32>
      %parallel_loop3A_1334 = tpu.dynamic_gather %parallel_loop3A_1305[%parallel_loop3A_1333] in [0] : vector<16xf32>, vector<16xi32> -> vector<16xf32>
      %parallel_loop3A_1335 = arith.index_cast %parallel_loop3A_1331 : i32 to index
      %parallel_loop3A_1336 = tpu.vector_load %arg5[%parallel_loop3A_1335] {strides = array<i32>} : memref<16512xf32, #tpu.memory_space<vmem>>, vector<16xf32>,
      %parallel_loop3A_1337 = vector.shape_cast %parallel_loop3A_1336 : vector<16xf32> to vector<16xf32>
      %parallel_loop3A_1338 = arith.constant 1 : i32
      %parallel_loop3A_1339 = arith.addi %parallel_loop3A_1331, %parallel_loop3A_1338 : i32
      %parallel_loop3A_1340 = arith.index_cast %parallel_loop3A_1339 : i32 to index
      %parallel_loop3A_1341 = tpu.vector_load %arg5[%parallel_loop3A_1340] {strides = array<i32>} : memref<16512xf32, #tpu.memory_space<vmem>>, vector<16xf32>,
      %parallel_loop3A_1342 = vector.shape_cast %parallel_loop3A_1341 : vector<16xf32> to vector<16xf32>
      %parallel_loop3A_1343 = arith.subf %parallel_loop3A_1342, %parallel_loop3A_1337 : vector<16xf32>
      %parallel_loop3A_1344 = arith.mulf %parallel_loop3A_1334, %parallel_loop3A_1343 : vector<16xf32>
      %parallel_loop3A_1345 = arith.addf %parallel_loop3A_1337, %parallel_loop3A_1344 : vector<16xf32>
      %parallel_loop3A_1346 = arith.index_cast %parallel_loop3A_1331 : i32 to index
      %parallel_loop3A_1347 = tpu.vector_load %arg9[%parallel_loop3A_1346] {strides = array<i32>} : memref<16384xf32, #tpu.memory_space<vmem>>, vector<16xf32>,
      %parallel_loop3A_1348 = vector.shape_cast %parallel_loop3A_1347 : vector<16xf32> to vector<16xf32>
      %parallel_loop3A_1349 = vector.shape_cast %parallel_loop3A_1345 : vector<16xf32> to vector<16xf32>
      tpu.vector_store %arg9[%parallel_loop3A_1346], %parallel_loop3A_1349 {strides = array<i32>} : memref<16384xf32, #tpu.memory_space<vmem>>, vector<16xf32>,
      %parallel_loop3A_1350 = arith.constant 64 : i32
      %parallel_loop3A_1351 = arith.muli %parallel_loop3A_1300, %parallel_loop3A_1350 : i32
      %parallel_loop3A_1352 = arith.constant 32 : i32
      %parallel_loop3A_1353 = arith.addi %parallel_loop3A_1351, %parallel_loop3A_1352 : i32
      %parallel_loop3A_1354 = vector.shape_cast %add3A_17 : vector<16xi32> to vector<16x1xi32>
      %parallel_loop3A_1355 = vector.shape_cast %parallel_loop3A_1354 : vector<16x1xi32> to vector<16xi32>
      %parallel_loop3A_1356 = tpu.dynamic_gather %parallel_loop3A_1305[%parallel_loop3A_1355] in [0] : vector<16xf32>, vector<16xi32> -> vector<16xf32>
      %parallel_loop3A_1357 = arith.index_cast %parallel_loop3A_1353 : i32 to index
      %parallel_loop3A_1358 = tpu.vector_load %arg5[%parallel_loop3A_1357] {strides = array<i32>} : memref<16512xf32, #tpu.memory_space<vmem>>, vector<16xf32>,
      %parallel_loop3A_1359 = vector.shape_cast %parallel_loop3A_1358 : vector<16xf32> to vector<16xf32>
      %parallel_loop3A_1360 = arith.constant 1 : i32
      %parallel_loop3A_1361 = arith.addi %parallel_loop3A_1353, %parallel_loop3A_1360 : i32
      %parallel_loop3A_1362 = arith.index_cast %parallel_loop3A_1361 : i32 to index
      %parallel_loop3A_1363 = tpu.vector_load %arg5[%parallel_loop3A_1362] {strides = array<i32>} : memref<16512xf32, #tpu.memory_space<vmem>>, vector<16xf32>,
      %parallel_loop3A_1364 = vector.shape_cast %parallel_loop3A_1363 : vector<16xf32> to vector<16xf32>
      %parallel_loop3A_1365 = arith.subf %parallel_loop3A_1364, %parallel_loop3A_1359 : vector<16xf32>
      %parallel_loop3A_1366 = arith.mulf %parallel_loop3A_1356, %parallel_loop3A_1365 : vector<16xf32>
      %parallel_loop3A_1367 = arith.addf %parallel_loop3A_1359, %parallel_loop3A_1366 : vector<16xf32>
      %parallel_loop3A_1368 = arith.index_cast %parallel_loop3A_1353 : i32 to index
      %parallel_loop3A_1369 = tpu.vector_load %arg9[%parallel_loop3A_1368] {strides = array<i32>} : memref<16384xf32, #tpu.memory_space<vmem>>, vector<16xf32>,
      %parallel_loop3A_1370 = vector.shape_cast %parallel_loop3A_1369 : vector<16xf32> to vector<16xf32>
      %parallel_loop3A_1371 = vector.shape_cast %parallel_loop3A_1367 : vector<16xf32> to vector<16xf32>
      tpu.vector_store %arg9[%parallel_loop3A_1368], %parallel_loop3A_1371 {strides = array<i32>} : memref<16384xf32, #tpu.memory_space<vmem>>, vector<16xf32>,
      %parallel_loop3A_1372 = arith.constant 64 : i32
      %parallel_loop3A_1373 = arith.muli %parallel_loop3A_1300, %parallel_loop3A_1372 : i32
      %parallel_loop3A_1374 = arith.constant 48 : i32
      %parallel_loop3A_1375 = arith.addi %parallel_loop3A_1373, %parallel_loop3A_1374 : i32
      %parallel_loop3A_1376 = vector.shape_cast %add3A_23 : vector<16xi32> to vector<16x1xi32>
      %parallel_loop3A_1377 = vector.shape_cast %parallel_loop3A_1376 : vector<16x1xi32> to vector<16xi32>
      %parallel_loop3A_1378 = tpu.dynamic_gather %parallel_loop3A_1305[%parallel_loop3A_1377] in [0] : vector<16xf32>, vector<16xi32> -> vector<16xf32>
      %parallel_loop3A_1379 = arith.index_cast %parallel_loop3A_1375 : i32 to index
      %parallel_loop3A_1380 = tpu.vector_load %arg5[%parallel_loop3A_1379] {strides = array<i32>} : memref<16512xf32, #tpu.memory_space<vmem>>, vector<16xf32>,
      %parallel_loop3A_1381 = vector.shape_cast %parallel_loop3A_1380 : vector<16xf32> to vector<16xf32>
      %parallel_loop3A_1382 = arith.constant 1 : i32
      %parallel_loop3A_1383 = arith.addi %parallel_loop3A_1375, %parallel_loop3A_1382 : i32
      %parallel_loop3A_1384 = arith.index_cast %parallel_loop3A_1383 : i32 to index
      %parallel_loop3A_1385 = tpu.vector_load %arg5[%parallel_loop3A_1384] {strides = array<i32>} : memref<16512xf32, #tpu.memory_space<vmem>>, vector<16xf32>,
      %parallel_loop3A_1386 = vector.shape_cast %parallel_loop3A_1385 : vector<16xf32> to vector<16xf32>
      %parallel_loop3A_1387 = arith.subf %parallel_loop3A_1386, %parallel_loop3A_1381 : vector<16xf32>
      %parallel_loop3A_1388 = arith.mulf %parallel_loop3A_1378, %parallel_loop3A_1387 : vector<16xf32>
      %parallel_loop3A_1389 = arith.addf %parallel_loop3A_1381, %parallel_loop3A_1388 : vector<16xf32>
      %parallel_loop3A_1390 = arith.index_cast %parallel_loop3A_1375 : i32 to index
      %parallel_loop3A_1391 = tpu.vector_load %arg9[%parallel_loop3A_1390] {strides = array<i32>} : memref<16384xf32, #tpu.memory_space<vmem>>, vector<16xf32>,
      %parallel_loop3A_1392 = vector.shape_cast %parallel_loop3A_1391 : vector<16xf32> to vector<16xf32>
      %parallel_loop3A_1393 = vector.shape_cast %parallel_loop3A_1389 : vector<16xf32> to vector<16xf32>
      tpu.vector_store %arg9[%parallel_loop3A_1390], %parallel_loop3A_1393 {strides = array<i32>} : memref<16384xf32, #tpu.memory_space<vmem>>, vector<16xf32>,
    } {sc.loop_unroll_factor = 8 : i64, sc.parallel_access}
    %dma_start3A_830 = arith.constant 0 : i32
    %dma_start3A_831 = tpu.memref_slice %arg4[%select_n3A_788, %select_n3A_804, %dma_start3A_830] : memref<32x2x65536xf32, #tpu.memory_space<hbm>> -> memref<1x1x16384xf32, #tpu.memory_space<hbm>>
    %dma_start3A_832 = tpu.memref_squeeze %dma_start3A_831 : memref<1x1x16384xf32, #tpu.memory_space<hbm>> -> memref<16384xf32, #tpu.memory_space<hbm>>
    %dma_start3A_833 = arith.constant 0 : i32
    %dma_start3A_834 = tpu.memref_slice %arg4[%select_n3A_788, %select_n3A_804, %dma_start3A_833] : memref<32x2x65536xf32, #tpu.memory_space<hbm>> -> memref<1x1x16384xf32, #tpu.memory_space<hbm>>
    %dma_start3A_835 = tpu.memref_squeeze %dma_start3A_834 : memref<1x1x16384xf32, #tpu.memory_space<hbm>> -> memref<16384xf32, #tpu.memory_space<hbm>>
    tpu.enqueue_dma source(%arg9 : memref<16384xf32, #tpu.memory_space<vmem>>) target(%dma_start3A_835 : memref<16384xf32, #tpu.memory_space<hbm>>) target_semaphore(%arg13 : memref<!tpu.dma_semaphore, #tpu.memory_space<semaphore_mem>>)
    %mul3A_836 = arith.constant 2 : i32
    %mul3A_837 = arith.muli %add3A, %mul3A_836 : i32
    %add3A_838 = arith.constant 1 : i32
    %add3A_839 = arith.addi %mul3A_837, %add3A_838 : i32
    %jit3A_840 = arith.constant 2 : i32
    %div3A_841 = arith.divsi %add3A_839, %jit3A_840 : i32
    %sign3A_842 = arith.constant 0 : i32
    %sign3A_843 = arith.cmpi sgt, %add3A_839, %sign3A_842 : i32
    %sign3A_844 = arith.extui %sign3A_843 : i1 to i32
    %sign3A_845 = arith.constant 0 : i32
    %sign3A_846 = arith.cmpi slt, %add3A_839, %sign3A_845 : i32
    %sign3A_847 = arith.extui %sign3A_846 : i1 to i32
    %sign3A_848 = arith.subi %sign3A_844, %sign3A_847 : i32
    %sign3A_849 = arith.constant 0 : i32
    %sign3A_850 = arith.cmpi sgt, %jit3A_840, %sign3A_849 : i32
    %sign3A_851 = arith.extui %sign3A_850 : i1 to i32
    %sign3A_852 = arith.constant 0 : i32
    %sign3A_853 = arith.cmpi slt, %jit3A_840, %sign3A_852 : i32
    %sign3A_854 = arith.extui %sign3A_853 : i1 to i32
    %sign3A_855 = arith.subi %sign3A_851, %sign3A_854 : i32
    %ne3A_856 = arith.cmpi ne, %sign3A_848, %sign3A_855 : i32
    %rem3A_857 = arith.remsi %add3A_839, %jit3A_840 : i32
    %ne3A_858 = arith.constant 0 : i32
    %ne3A_859 = arith.cmpi ne, %rem3A_857, %ne3A_858 : i32
    %and3A_860 = arith.andi %ne3A_856, %ne3A_859 : i1
    %sub3A_861 = arith.constant 1 : i32
    %sub3A_862 = arith.subi %div3A_841, %sub3A_861 : i32
    %select_n3A_863 = arith.select %and3A_860, %sub3A_862, %div3A_841 : i32
    %jit3A_864 = arith.constant 2 : i32
    %eq3A_865 = arith.constant 0 : i32
    %eq3A_866 = arith.cmpi eq, %jit3A_864, %eq3A_865 : i32
    %jit3A_867 = arith.constant 1 : i32
    %select_n3A_868 = arith.select %eq3A_866, %jit3A_867, %jit3A_864 : i32
    %rem3A_869 = arith.remsi %add3A_839, %select_n3A_868 : i32
    %ne3A_870 = arith.constant 0 : i32
    %ne3A_871 = arith.cmpi ne, %rem3A_869, %ne3A_870 : i32
    %lt3A_872 = arith.constant 0 : i32
    %lt3A_873 = arith.cmpi slt, %rem3A_869, %lt3A_872 : i32
    %lt3A_874 = arith.constant 0 : i32
    %lt3A_875 = arith.cmpi slt, %select_n3A_868, %lt3A_874 : i32
    %ne3A_876 = arith.xori %lt3A_873, %lt3A_875 : i1
    %and3A_877 = arith.andi %ne3A_876, %ne3A_871 : i1
    %add3A_878 = arith.addi %rem3A_869, %select_n3A_868 : i32
    %select_n3A_879 = arith.select %and3A_877, %add3A_878, %rem3A_869 : i32
    %dma_start3A_880 = arith.constant 0 : i32
    %dma_start3A_881 = tpu.memref_slice %arg5[%dma_start3A_880] : memref<16512xf32, #tpu.memory_space<vmem>> -> memref<16512xf32, #tpu.memory_space<vmem>>
    %dma_start3A_882 = arith.constant 32768 : i32
    %dma_start3A_883 = tpu.memref_slice %arg2[%select_n3A_863, %select_n3A_879, %dma_start3A_882] : memref<32x2x65536xf32, #tpu.memory_space<hbm>> -> memref<1x1x16512xf32, #tpu.memory_space<hbm>>
    %dma_start3A_884 = tpu.memref_squeeze %dma_start3A_883 : memref<1x1x16512xf32, #tpu.memory_space<hbm>> -> memref<16512xf32, #tpu.memory_space<hbm>>
    %dma_start3A_885 = arith.constant 0 : i32
    %dma_start3A_886 = tpu.memref_slice %arg5[%dma_start3A_885] : memref<16512xf32, #tpu.memory_space<vmem>> -> memref<16512xf32, #tpu.memory_space<vmem>>
    %dma_start3A_887 = arith.constant 32768 : i32
    %dma_start3A_888 = tpu.memref_slice %arg2[%select_n3A_863, %select_n3A_879, %dma_start3A_887] : memref<32x2x65536xf32, #tpu.memory_space<hbm>> -> memref<1x1x16512xf32, #tpu.memory_space<hbm>>
    %dma_start3A_889 = tpu.memref_squeeze %dma_start3A_888 : memref<1x1x16512xf32, #tpu.memory_space<hbm>> -> memref<16512xf32, #tpu.memory_space<hbm>>
    tpu.enqueue_dma source(%dma_start3A_889 : memref<16512xf32, #tpu.memory_space<hbm>>) target(%dma_start3A_886 : memref<16512xf32, #tpu.memory_space<vmem>>) target_semaphore(%arg11 : memref<!tpu.dma_semaphore, #tpu.memory_space<semaphore_mem>>)
    %dma_start3A_890 = arith.constant 8192 : i32
    %dma_start3A_891 = tpu.memref_slice %arg3[%select_n3A_863, %select_n3A_879, %dma_start3A_890] : memref<32x2x16384xf32, #tpu.memory_space<hbm>> -> memref<1x1x4096xf32, #tpu.memory_space<hbm>>
    %dma_start3A_892 = tpu.memref_squeeze %dma_start3A_891 : memref<1x1x4096xf32, #tpu.memory_space<hbm>> -> memref<4096xf32, #tpu.memory_space<hbm>>
    %dma_start3A_893 = arith.constant 8192 : i32
    %dma_start3A_894 = tpu.memref_slice %arg3[%select_n3A_863, %select_n3A_879, %dma_start3A_893] : memref<32x2x16384xf32, #tpu.memory_space<hbm>> -> memref<1x1x4096xf32, #tpu.memory_space<hbm>>
    %dma_start3A_895 = tpu.memref_squeeze %dma_start3A_894 : memref<1x1x4096xf32, #tpu.memory_space<hbm>> -> memref<4096xf32, #tpu.memory_space<hbm>>
    tpu.enqueue_dma source(%dma_start3A_895 : memref<4096xf32, #tpu.memory_space<hbm>>) target(%arg7 : memref<4096xf32, #tpu.memory_space<vmem>>) target_semaphore(%arg11 : memref<!tpu.dma_semaphore, #tpu.memory_space<semaphore_mem>>)
    %mul3A_896 = arith.constant 2 : i32
    %mul3A_897 = arith.muli %add3A, %mul3A_896 : i32
    %add3A_898 = arith.constant 1 : i32
    %add3A_899 = arith.addi %mul3A_897, %add3A_898 : i32
    %jit3A_900 = arith.constant 2 : i32
    %div3A_901 = arith.divsi %add3A_899, %jit3A_900 : i32
    %sign3A_902 = arith.constant 0 : i32
    %sign3A_903 = arith.cmpi sgt, %add3A_899, %sign3A_902 : i32
    %sign3A_904 = arith.extui %sign3A_903 : i1 to i32
    %sign3A_905 = arith.constant 0 : i32
    %sign3A_906 = arith.cmpi slt, %add3A_899, %sign3A_905 : i32
    %sign3A_907 = arith.extui %sign3A_906 : i1 to i32
    %sign3A_908 = arith.subi %sign3A_904, %sign3A_907 : i32
    %sign3A_909 = arith.constant 0 : i32
    %sign3A_910 = arith.cmpi sgt, %jit3A_900, %sign3A_909 : i32
    %sign3A_911 = arith.extui %sign3A_910 : i1 to i32
    %sign3A_912 = arith.constant 0 : i32
    %sign3A_913 = arith.cmpi slt, %jit3A_900, %sign3A_912 : i32
    %sign3A_914 = arith.extui %sign3A_913 : i1 to i32
    %sign3A_915 = arith.subi %sign3A_911, %sign3A_914 : i32
    %ne3A_916 = arith.cmpi ne, %sign3A_908, %sign3A_915 : i32
    %rem3A_917 = arith.remsi %add3A_899, %jit3A_900 : i32
    %ne3A_918 = arith.constant 0 : i32
    %ne3A_919 = arith.cmpi ne, %rem3A_917, %ne3A_918 : i32
    %and3A_920 = arith.andi %ne3A_916, %ne3A_919 : i1
    %sub3A_921 = arith.constant 1 : i32
    %sub3A_922 = arith.subi %div3A_901, %sub3A_921 : i32
    %select_n3A_923 = arith.select %and3A_920, %sub3A_922, %div3A_901 : i32
    %jit3A_924 = arith.constant 2 : i32
    %eq3A_925 = arith.constant 0 : i32
    %eq3A_926 = arith.cmpi eq, %jit3A_924, %eq3A_925 : i32
    %jit3A_927 = arith.constant 1 : i32
    %select_n3A_928 = arith.select %eq3A_926, %jit3A_927, %jit3A_924 : i32
    %rem3A_929 = arith.remsi %add3A_899, %select_n3A_928 : i32
    %ne3A_930 = arith.constant 0 : i32
    %ne3A_931 = arith.cmpi ne, %rem3A_929, %ne3A_930 : i32
    %lt3A_932 = arith.constant 0 : i32
    %lt3A_933 = arith.cmpi slt, %rem3A_929, %lt3A_932 : i32
    %lt3A_934 = arith.constant 0 : i32
    %lt3A_935 = arith.cmpi slt, %select_n3A_928, %lt3A_934 : i32
    %ne3A_936 = arith.xori %lt3A_933, %lt3A_935 : i1
    %and3A_937 = arith.andi %ne3A_936, %ne3A_931 : i1
    %add3A_938 = arith.addi %rem3A_929, %select_n3A_928 : i32
    %select_n3A_939 = arith.select %and3A_937, %add3A_938, %rem3A_929 : i32
    %dma_wait3A_940 = arith.constant 0 : i32
    %dma_wait3A_941 = tpu.memref_slice %arg6[%dma_wait3A_940] : memref<16512xf32, #tpu.memory_space<vmem>> -> memref<16512xf32, #tpu.memory_space<vmem>>
    %dma_wait3A_942 = arith.constant 16384 : i32
    %dma_wait3A_943 = tpu.memref_slice %arg2[%select_n3A_728, %select_n3A_744, %dma_wait3A_942] : memref<32x2x65536xf32, #tpu.memory_space<hbm>> -> memref<1x1x16512xf32, #tpu.memory_space<hbm>>
    %dma_wait3A_944 = tpu.memref_squeeze %dma_wait3A_943 : memref<1x1x16512xf32, #tpu.memory_space<hbm>> -> memref<16512xf32, #tpu.memory_space<hbm>>
    %dma_wait3A_945 = arith.constant 0 : i32
    %dma_wait3A_946 = tpu.memref_slice %arg6[%dma_wait3A_945] : memref<16512xf32, #tpu.memory_space<vmem>> -> memref<16512xf32, #tpu.memory_space<vmem>>
    %dma_wait3A_947 = arith.constant 16384 : i32
    %dma_wait3A_948 = tpu.memref_slice %arg2[%select_n3A_728, %select_n3A_744, %dma_wait3A_947] : memref<32x2x65536xf32, #tpu.memory_space<hbm>> -> memref<1x1x16512xf32, #tpu.memory_space<hbm>>
    %dma_wait3A_949 = tpu.memref_squeeze %dma_wait3A_948 : memref<1x1x16512xf32, #tpu.memory_space<hbm>> -> memref<16512xf32, #tpu.memory_space<hbm>>
    tpu.wait_dma2 semaphore(%arg12 : memref<!tpu.dma_semaphore, #tpu.memory_space<semaphore_mem>>) src(%dma_wait3A_949 : memref<16512xf32, #tpu.memory_space<hbm>>) dst(%dma_wait3A_946 : memref<16512xf32, #tpu.memory_space<vmem>>)
    %dma_wait3A_950 = arith.constant 4096 : i32
    %dma_wait3A_951 = tpu.memref_slice %arg3[%select_n3A_728, %select_n3A_744, %dma_wait3A_950] : memref<32x2x16384xf32, #tpu.memory_space<hbm>> -> memref<1x1x4096xf32, #tpu.memory_space<hbm>>
    %dma_wait3A_952 = tpu.memref_squeeze %dma_wait3A_951 : memref<1x1x4096xf32, #tpu.memory_space<hbm>> -> memref<4096xf32, #tpu.memory_space<hbm>>
    %dma_wait3A_953 = arith.constant 4096 : i32
    %dma_wait3A_954 = tpu.memref_slice %arg3[%select_n3A_728, %select_n3A_744, %dma_wait3A_953] : memref<32x2x16384xf32, #tpu.memory_space<hbm>> -> memref<1x1x4096xf32, #tpu.memory_space<hbm>>
    %dma_wait3A_955 = tpu.memref_squeeze %dma_wait3A_954 : memref<1x1x4096xf32, #tpu.memory_space<hbm>> -> memref<4096xf32, #tpu.memory_space<hbm>>
    tpu.wait_dma2 semaphore(%arg12 : memref<!tpu.dma_semaphore, #tpu.memory_space<semaphore_mem>>) src(%dma_wait3A_955 : memref<4096xf32, #tpu.memory_space<hbm>>) dst(%arg8 : memref<4096xf32, #tpu.memory_space<vmem>>)
    %dma_wait3A_956 = arith.constant 49152 : i32
    %dma_wait3A_957 = tpu.memref_slice %arg4[%select_n3A_551, %select_n3A_567, %dma_wait3A_956] : memref<32x2x65536xf32, #tpu.memory_space<hbm>> -> memref<1x1x16384xf32, #tpu.memory_space<hbm>>
    %dma_wait3A_958 = tpu.memref_squeeze %dma_wait3A_957 : memref<1x1x16384xf32, #tpu.memory_space<hbm>> -> memref<16384xf32, #tpu.memory_space<hbm>>
    %dma_wait3A_959 = arith.constant 49152 : i32
    %dma_wait3A_960 = tpu.memref_slice %arg4[%select_n3A_551, %select_n3A_567, %dma_wait3A_959] : memref<32x2x65536xf32, #tpu.memory_space<hbm>> -> memref<1x1x16384xf32, #tpu.memory_space<hbm>>
    %dma_wait3A_961 = tpu.memref_squeeze %dma_wait3A_960 : memref<1x1x16384xf32, #tpu.memory_space<hbm>> -> memref<16384xf32, #tpu.memory_space<hbm>>
    tpu.wait_dma2 semaphore(%arg14 : memref<!tpu.dma_semaphore, #tpu.memory_space<semaphore_mem>>) src(%arg10 : memref<16384xf32, #tpu.memory_space<vmem>>) dst(%dma_wait3A_961 : memref<16384xf32, #tpu.memory_space<hbm>>)
    %parallel_loop3A_962 = arith.constant 0 : i32
    %parallel_loop3A_963 = arith.constant 256 : i32
    %parallel_loop3A_964 = arith.constant 1 : i32
    scf.for %parallel_loop3A_1300 = %parallel_loop3A_962 to %parallel_loop3A_963 step %parallel_loop3A_964  : i32 {
      %parallel_loop3A_1301 = arith.constant 16 : i32
      %parallel_loop3A_1302 = arith.muli %parallel_loop3A_1300, %parallel_loop3A_1301 : i32
      %parallel_loop3A_1303 = arith.index_cast %parallel_loop3A_1302 : i32 to index
      %parallel_loop3A_1304 = tpu.vector_load %arg8[%parallel_loop3A_1303] {strides = array<i32>} : memref<4096xf32, #tpu.memory_space<vmem>>, vector<16xf32>,
      %parallel_loop3A_1305 = vector.shape_cast %parallel_loop3A_1304 : vector<16xf32> to vector<16xf32>
      %parallel_loop3A_1306 = arith.constant 64 : i32
      %parallel_loop3A_1307 = arith.muli %parallel_loop3A_1300, %parallel_loop3A_1306 : i32
      %parallel_loop3A_1308 = arith.constant 0 : i32
      %parallel_loop3A_1309 = arith.addi %parallel_loop3A_1307, %parallel_loop3A_1308 : i32
      %parallel_loop3A_1310 = vector.shape_cast %add3A_5 : vector<16xi32> to vector<16x1xi32>
      %parallel_loop3A_1311 = vector.shape_cast %parallel_loop3A_1310 : vector<16x1xi32> to vector<16xi32>
      %parallel_loop3A_1312 = tpu.dynamic_gather %parallel_loop3A_1305[%parallel_loop3A_1311] in [0] : vector<16xf32>, vector<16xi32> -> vector<16xf32>
      %parallel_loop3A_1313 = arith.index_cast %parallel_loop3A_1309 : i32 to index
      %parallel_loop3A_1314 = tpu.vector_load %arg6[%parallel_loop3A_1313] {strides = array<i32>} : memref<16512xf32, #tpu.memory_space<vmem>>, vector<16xf32>,
      %parallel_loop3A_1315 = vector.shape_cast %parallel_loop3A_1314 : vector<16xf32> to vector<16xf32>
      %parallel_loop3A_1316 = arith.constant 1 : i32
      %parallel_loop3A_1317 = arith.addi %parallel_loop3A_1309, %parallel_loop3A_1316 : i32
      %parallel_loop3A_1318 = arith.index_cast %parallel_loop3A_1317 : i32 to index
      %parallel_loop3A_1319 = tpu.vector_load %arg6[%parallel_loop3A_1318] {strides = array<i32>} : memref<16512xf32, #tpu.memory_space<vmem>>, vector<16xf32>,
      %parallel_loop3A_1320 = vector.shape_cast %parallel_loop3A_1319 : vector<16xf32> to vector<16xf32>
      %parallel_loop3A_1321 = arith.subf %parallel_loop3A_1320, %parallel_loop3A_1315 : vector<16xf32>
      %parallel_loop3A_1322 = arith.mulf %parallel_loop3A_1312, %parallel_loop3A_1321 : vector<16xf32>
      %parallel_loop3A_1323 = arith.addf %parallel_loop3A_1315, %parallel_loop3A_1322 : vector<16xf32>
      %parallel_loop3A_1324 = arith.index_cast %parallel_loop3A_1309 : i32 to index
      %parallel_loop3A_1325 = tpu.vector_load %arg10[%parallel_loop3A_1324] {strides = array<i32>} : memref<16384xf32, #tpu.memory_space<vmem>>, vector<16xf32>,
      %parallel_loop3A_1326 = vector.shape_cast %parallel_loop3A_1325 : vector<16xf32> to vector<16xf32>
      %parallel_loop3A_1327 = vector.shape_cast %parallel_loop3A_1323 : vector<16xf32> to vector<16xf32>
      tpu.vector_store %arg10[%parallel_loop3A_1324], %parallel_loop3A_1327 {strides = array<i32>} : memref<16384xf32, #tpu.memory_space<vmem>>, vector<16xf32>,
      %parallel_loop3A_1328 = arith.constant 64 : i32
      %parallel_loop3A_1329 = arith.muli %parallel_loop3A_1300, %parallel_loop3A_1328 : i32
      %parallel_loop3A_1330 = arith.constant 16 : i32
      %parallel_loop3A_1331 = arith.addi %parallel_loop3A_1329, %parallel_loop3A_1330 : i32
      %parallel_loop3A_1332 = vector.shape_cast %add3A_11 : vector<16xi32> to vector<16x1xi32>
      %parallel_loop3A_1333 = vector.shape_cast %parallel_loop3A_1332 : vector<16x1xi32> to vector<16xi32>
      %parallel_loop3A_1334 = tpu.dynamic_gather %parallel_loop3A_1305[%parallel_loop3A_1333] in [0] : vector<16xf32>, vector<16xi32> -> vector<16xf32>
      %parallel_loop3A_1335 = arith.index_cast %parallel_loop3A_1331 : i32 to index
      %parallel_loop3A_1336 = tpu.vector_load %arg6[%parallel_loop3A_1335] {strides = array<i32>} : memref<16512xf32, #tpu.memory_space<vmem>>, vector<16xf32>,
      %parallel_loop3A_1337 = vector.shape_cast %parallel_loop3A_1336 : vector<16xf32> to vector<16xf32>
      %parallel_loop3A_1338 = arith.constant 1 : i32
      %parallel_loop3A_1339 = arith.addi %parallel_loop3A_1331, %parallel_loop3A_1338 : i32
      %parallel_loop3A_1340 = arith.index_cast %parallel_loop3A_1339 : i32 to index
      %parallel_loop3A_1341 = tpu.vector_load %arg6[%parallel_loop3A_1340] {strides = array<i32>} : memref<16512xf32, #tpu.memory_space<vmem>>, vector<16xf32>,
      %parallel_loop3A_1342 = vector.shape_cast %parallel_loop3A_1341 : vector<16xf32> to vector<16xf32>
      %parallel_loop3A_1343 = arith.subf %parallel_loop3A_1342, %parallel_loop3A_1337 : vector<16xf32>
      %parallel_loop3A_1344 = arith.mulf %parallel_loop3A_1334, %parallel_loop3A_1343 : vector<16xf32>
      %parallel_loop3A_1345 = arith.addf %parallel_loop3A_1337, %parallel_loop3A_1344 : vector<16xf32>
      %parallel_loop3A_1346 = arith.index_cast %parallel_loop3A_1331 : i32 to index
      %parallel_loop3A_1347 = tpu.vector_load %arg10[%parallel_loop3A_1346] {strides = array<i32>} : memref<16384xf32, #tpu.memory_space<vmem>>, vector<16xf32>,
      %parallel_loop3A_1348 = vector.shape_cast %parallel_loop3A_1347 : vector<16xf32> to vector<16xf32>
      %parallel_loop3A_1349 = vector.shape_cast %parallel_loop3A_1345 : vector<16xf32> to vector<16xf32>
      tpu.vector_store %arg10[%parallel_loop3A_1346], %parallel_loop3A_1349 {strides = array<i32>} : memref<16384xf32, #tpu.memory_space<vmem>>, vector<16xf32>,
      %parallel_loop3A_1350 = arith.constant 64 : i32
      %parallel_loop3A_1351 = arith.muli %parallel_loop3A_1300, %parallel_loop3A_1350 : i32
      %parallel_loop3A_1352 = arith.constant 32 : i32
      %parallel_loop3A_1353 = arith.addi %parallel_loop3A_1351, %parallel_loop3A_1352 : i32
      %parallel_loop3A_1354 = vector.shape_cast %add3A_17 : vector<16xi32> to vector<16x1xi32>
      %parallel_loop3A_1355 = vector.shape_cast %parallel_loop3A_1354 : vector<16x1xi32> to vector<16xi32>
      %parallel_loop3A_1356 = tpu.dynamic_gather %parallel_loop3A_1305[%parallel_loop3A_1355] in [0] : vector<16xf32>, vector<16xi32> -> vector<16xf32>
      %parallel_loop3A_1357 = arith.index_cast %parallel_loop3A_1353 : i32 to index
      %parallel_loop3A_1358 = tpu.vector_load %arg6[%parallel_loop3A_1357] {strides = array<i32>} : memref<16512xf32, #tpu.memory_space<vmem>>, vector<16xf32>,
      %parallel_loop3A_1359 = vector.shape_cast %parallel_loop3A_1358 : vector<16xf32> to vector<16xf32>
      %parallel_loop3A_1360 = arith.constant 1 : i32
      %parallel_loop3A_1361 = arith.addi %parallel_loop3A_1353, %parallel_loop3A_1360 : i32
      %parallel_loop3A_1362 = arith.index_cast %parallel_loop3A_1361 : i32 to index
      %parallel_loop3A_1363 = tpu.vector_load %arg6[%parallel_loop3A_1362] {strides = array<i32>} : memref<16512xf32, #tpu.memory_space<vmem>>, vector<16xf32>,
      %parallel_loop3A_1364 = vector.shape_cast %parallel_loop3A_1363 : vector<16xf32> to vector<16xf32>
      %parallel_loop3A_1365 = arith.subf %parallel_loop3A_1364, %parallel_loop3A_1359 : vector<16xf32>
      %parallel_loop3A_1366 = arith.mulf %parallel_loop3A_1356, %parallel_loop3A_1365 : vector<16xf32>
      %parallel_loop3A_1367 = arith.addf %parallel_loop3A_1359, %parallel_loop3A_1366 : vector<16xf32>
      %parallel_loop3A_1368 = arith.index_cast %parallel_loop3A_1353 : i32 to index
      %parallel_loop3A_1369 = tpu.vector_load %arg10[%parallel_loop3A_1368] {strides = array<i32>} : memref<16384xf32, #tpu.memory_space<vmem>>, vector<16xf32>,
      %parallel_loop3A_1370 = vector.shape_cast %parallel_loop3A_1369 : vector<16xf32> to vector<16xf32>
      %parallel_loop3A_1371 = vector.shape_cast %parallel_loop3A_1367 : vector<16xf32> to vector<16xf32>
      tpu.vector_store %arg10[%parallel_loop3A_1368], %parallel_loop3A_1371 {strides = array<i32>} : memref<16384xf32, #tpu.memory_space<vmem>>, vector<16xf32>,
      %parallel_loop3A_1372 = arith.constant 64 : i32
      %parallel_loop3A_1373 = arith.muli %parallel_loop3A_1300, %parallel_loop3A_1372 : i32
      %parallel_loop3A_1374 = arith.constant 48 : i32
      %parallel_loop3A_1375 = arith.addi %parallel_loop3A_1373, %parallel_loop3A_1374 : i32
      %parallel_loop3A_1376 = vector.shape_cast %add3A_23 : vector<16xi32> to vector<16x1xi32>
      %parallel_loop3A_1377 = vector.shape_cast %parallel_loop3A_1376 : vector<16x1xi32> to vector<16xi32>
      %parallel_loop3A_1378 = tpu.dynamic_gather %parallel_loop3A_1305[%parallel_loop3A_1377] in [0] : vector<16xf32>, vector<16xi32> -> vector<16xf32>
      %parallel_loop3A_1379 = arith.index_cast %parallel_loop3A_1375 : i32 to index
      %parallel_loop3A_1380 = tpu.vector_load %arg6[%parallel_loop3A_1379] {strides = array<i32>} : memref<16512xf32, #tpu.memory_space<vmem>>, vector<16xf32>,
      %parallel_loop3A_1381 = vector.shape_cast %parallel_loop3A_1380 : vector<16xf32> to vector<16xf32>
      %parallel_loop3A_1382 = arith.constant 1 : i32
      %parallel_loop3A_1383 = arith.addi %parallel_loop3A_1375, %parallel_loop3A_1382 : i32
      %parallel_loop3A_1384 = arith.index_cast %parallel_loop3A_1383 : i32 to index
      %parallel_loop3A_1385 = tpu.vector_load %arg6[%parallel_loop3A_1384] {strides = array<i32>} : memref<16512xf32, #tpu.memory_space<vmem>>, vector<16xf32>,
      %parallel_loop3A_1386 = vector.shape_cast %parallel_loop3A_1385 : vector<16xf32> to vector<16xf32>
      %parallel_loop3A_1387 = arith.subf %parallel_loop3A_1386, %parallel_loop3A_1381 : vector<16xf32>
      %parallel_loop3A_1388 = arith.mulf %parallel_loop3A_1378, %parallel_loop3A_1387 : vector<16xf32>
      %parallel_loop3A_1389 = arith.addf %parallel_loop3A_1381, %parallel_loop3A_1388 : vector<16xf32>
      %parallel_loop3A_1390 = arith.index_cast %parallel_loop3A_1375 : i32 to index
      %parallel_loop3A_1391 = tpu.vector_load %arg10[%parallel_loop3A_1390] {strides = array<i32>} : memref<16384xf32, #tpu.memory_space<vmem>>, vector<16xf32>,
      %parallel_loop3A_1392 = vector.shape_cast %parallel_loop3A_1391 : vector<16xf32> to vector<16xf32>
      %parallel_loop3A_1393 = vector.shape_cast %parallel_loop3A_1389 : vector<16xf32> to vector<16xf32>
      tpu.vector_store %arg10[%parallel_loop3A_1390], %parallel_loop3A_1393 {strides = array<i32>} : memref<16384xf32, #tpu.memory_space<vmem>>, vector<16xf32>,
    } {sc.loop_unroll_factor = 8 : i64, sc.parallel_access}
    %dma_start3A_965 = arith.constant 16384 : i32
    %dma_start3A_966 = tpu.memref_slice %arg4[%select_n3A_923, %select_n3A_939, %dma_start3A_965] : memref<32x2x65536xf32, #tpu.memory_space<hbm>> -> memref<1x1x16384xf32, #tpu.memory_space<hbm>>
    %dma_start3A_967 = tpu.memref_squeeze %dma_start3A_966 : memref<1x1x16384xf32, #tpu.memory_space<hbm>> -> memref<16384xf32, #tpu.memory_space<hbm>>
    %dma_start3A_968 = arith.constant 16384 : i32
    %dma_start3A_969 = tpu.memref_slice %arg4[%select_n3A_923, %select_n3A_939, %dma_start3A_968] : memref<32x2x65536xf32, #tpu.memory_space<hbm>> -> memref<1x1x16384xf32, #tpu.memory_space<hbm>>
    %dma_start3A_970 = tpu.memref_squeeze %dma_start3A_969 : memref<1x1x16384xf32, #tpu.memory_space<hbm>> -> memref<16384xf32, #tpu.memory_space<hbm>>
    tpu.enqueue_dma source(%arg10 : memref<16384xf32, #tpu.memory_space<vmem>>) target(%dma_start3A_970 : memref<16384xf32, #tpu.memory_space<hbm>>) target_semaphore(%arg14 : memref<!tpu.dma_semaphore, #tpu.memory_space<semaphore_mem>>)
    %mul3A_971 = arith.constant 2 : i32
    %mul3A_972 = arith.muli %add3A, %mul3A_971 : i32
    %add3A_973 = arith.constant 1 : i32
    %add3A_974 = arith.addi %mul3A_972, %add3A_973 : i32
    %jit3A_975 = arith.constant 2 : i32
    %div3A_976 = arith.divsi %add3A_974, %jit3A_975 : i32
    %sign3A_977 = arith.constant 0 : i32
    %sign3A_978 = arith.cmpi sgt, %add3A_974, %sign3A_977 : i32
    %sign3A_979 = arith.extui %sign3A_978 : i1 to i32
    %sign3A_980 = arith.constant 0 : i32
    %sign3A_981 = arith.cmpi slt, %add3A_974, %sign3A_980 : i32
    %sign3A_982 = arith.extui %sign3A_981 : i1 to i32
    %sign3A_983 = arith.subi %sign3A_979, %sign3A_982 : i32
    %sign3A_984 = arith.constant 0 : i32
    %sign3A_985 = arith.cmpi sgt, %jit3A_975, %sign3A_984 : i32
    %sign3A_986 = arith.extui %sign3A_985 : i1 to i32
    %sign3A_987 = arith.constant 0 : i32
    %sign3A_988 = arith.cmpi slt, %jit3A_975, %sign3A_987 : i32
    %sign3A_989 = arith.extui %sign3A_988 : i1 to i32
    %sign3A_990 = arith.subi %sign3A_986, %sign3A_989 : i32
    %ne3A_991 = arith.cmpi ne, %sign3A_983, %sign3A_990 : i32
    %rem3A_992 = arith.remsi %add3A_974, %jit3A_975 : i32
    %ne3A_993 = arith.constant 0 : i32
    %ne3A_994 = arith.cmpi ne, %rem3A_992, %ne3A_993 : i32
    %and3A_995 = arith.andi %ne3A_991, %ne3A_994 : i1
    %sub3A_996 = arith.constant 1 : i32
    %sub3A_997 = arith.subi %div3A_976, %sub3A_996 : i32
    %select_n3A_998 = arith.select %and3A_995, %sub3A_997, %div3A_976 : i32
    %jit3A_999 = arith.constant 2 : i32
    %eq3A_1000 = arith.constant 0 : i32
    %eq3A_1001 = arith.cmpi eq, %jit3A_999, %eq3A_1000 : i32
    %jit3A_1002 = arith.constant 1 : i32
    %select_n3A_1003 = arith.select %eq3A_1001, %jit3A_1002, %jit3A_999 : i32
    %rem3A_1004 = arith.remsi %add3A_974, %select_n3A_1003 : i32
    %ne3A_1005 = arith.constant 0 : i32
    %ne3A_1006 = arith.cmpi ne, %rem3A_1004, %ne3A_1005 : i32
    %lt3A_1007 = arith.constant 0 : i32
    %lt3A_1008 = arith.cmpi slt, %rem3A_1004, %lt3A_1007 : i32
    %lt3A_1009 = arith.constant 0 : i32
    %lt3A_1010 = arith.cmpi slt, %select_n3A_1003, %lt3A_1009 : i32
    %ne3A_1011 = arith.xori %lt3A_1008, %lt3A_1010 : i1
    %and3A_1012 = arith.andi %ne3A_1011, %ne3A_1006 : i1
    %add3A_1013 = arith.addi %rem3A_1004, %select_n3A_1003 : i32
    %select_n3A_1014 = arith.select %and3A_1012, %add3A_1013, %rem3A_1004 : i32
    %dma_start3A_1015 = arith.constant 0 : i32
    %dma_start3A_1016 = tpu.memref_slice %arg6[%dma_start3A_1015] : memref<16512xf32, #tpu.memory_space<vmem>> -> memref<16384xf32, #tpu.memory_space<vmem>>
    %dma_start3A_1017 = arith.constant 49152 : i32
    %dma_start3A_1018 = tpu.memref_slice %arg2[%select_n3A_998, %select_n3A_1014, %dma_start3A_1017] : memref<32x2x65536xf32, #tpu.memory_space<hbm>> -> memref<1x1x16384xf32, #tpu.memory_space<hbm>>
    %dma_start3A_1019 = tpu.memref_squeeze %dma_start3A_1018 : memref<1x1x16384xf32, #tpu.memory_space<hbm>> -> memref<16384xf32, #tpu.memory_space<hbm>>
    %dma_start3A_1020 = arith.constant 0 : i32
    %dma_start3A_1021 = tpu.memref_slice %arg6[%dma_start3A_1020] : memref<16512xf32, #tpu.memory_space<vmem>> -> memref<16384xf32, #tpu.memory_space<vmem>>
    %dma_start3A_1022 = arith.constant 49152 : i32
    %dma_start3A_1023 = tpu.memref_slice %arg2[%select_n3A_998, %select_n3A_1014, %dma_start3A_1022] : memref<32x2x65536xf32, #tpu.memory_space<hbm>> -> memref<1x1x16384xf32, #tpu.memory_space<hbm>>
    %dma_start3A_1024 = tpu.memref_squeeze %dma_start3A_1023 : memref<1x1x16384xf32, #tpu.memory_space<hbm>> -> memref<16384xf32, #tpu.memory_space<hbm>>
    tpu.enqueue_dma source(%dma_start3A_1024 : memref<16384xf32, #tpu.memory_space<hbm>>) target(%dma_start3A_1021 : memref<16384xf32, #tpu.memory_space<vmem>>) target_semaphore(%arg12 : memref<!tpu.dma_semaphore, #tpu.memory_space<semaphore_mem>>)
    %dma_start3A_1025 = arith.constant 12288 : i32
    %dma_start3A_1026 = tpu.memref_slice %arg3[%select_n3A_998, %select_n3A_1014, %dma_start3A_1025] : memref<32x2x16384xf32, #tpu.memory_space<hbm>> -> memref<1x1x4096xf32, #tpu.memory_space<hbm>>
    %dma_start3A_1027 = tpu.memref_squeeze %dma_start3A_1026 : memref<1x1x4096xf32, #tpu.memory_space<hbm>> -> memref<4096xf32, #tpu.memory_space<hbm>>
    %dma_start3A_1028 = arith.constant 12288 : i32
    %dma_start3A_1029 = tpu.memref_slice %arg3[%select_n3A_998, %select_n3A_1014, %dma_start3A_1028] : memref<32x2x16384xf32, #tpu.memory_space<hbm>> -> memref<1x1x4096xf32, #tpu.memory_space<hbm>>
    %dma_start3A_1030 = tpu.memref_squeeze %dma_start3A_1029 : memref<1x1x4096xf32, #tpu.memory_space<hbm>> -> memref<4096xf32, #tpu.memory_space<hbm>>
    tpu.enqueue_dma source(%dma_start3A_1030 : memref<4096xf32, #tpu.memory_space<hbm>>) target(%arg8 : memref<4096xf32, #tpu.memory_space<vmem>>) target_semaphore(%arg12 : memref<!tpu.dma_semaphore, #tpu.memory_space<semaphore_mem>>)
    %mul3A_1031 = arith.constant 2 : i32
    %mul3A_1032 = arith.muli %add3A, %mul3A_1031 : i32
    %add3A_1033 = arith.constant 1 : i32
    %add3A_1034 = arith.addi %mul3A_1032, %add3A_1033 : i32
    %jit3A_1035 = arith.constant 2 : i32
    %div3A_1036 = arith.divsi %add3A_1034, %jit3A_1035 : i32
    %sign3A_1037 = arith.constant 0 : i32
    %sign3A_1038 = arith.cmpi sgt, %add3A_1034, %sign3A_1037 : i32
    %sign3A_1039 = arith.extui %sign3A_1038 : i1 to i32
    %sign3A_1040 = arith.constant 0 : i32
    %sign3A_1041 = arith.cmpi slt, %add3A_1034, %sign3A_1040 : i32
    %sign3A_1042 = arith.extui %sign3A_1041 : i1 to i32
    %sign3A_1043 = arith.subi %sign3A_1039, %sign3A_1042 : i32
    %sign3A_1044 = arith.constant 0 : i32
    %sign3A_1045 = arith.cmpi sgt, %jit3A_1035, %sign3A_1044 : i32
    %sign3A_1046 = arith.extui %sign3A_1045 : i1 to i32
    %sign3A_1047 = arith.constant 0 : i32
    %sign3A_1048 = arith.cmpi slt, %jit3A_1035, %sign3A_1047 : i32
    %sign3A_1049 = arith.extui %sign3A_1048 : i1 to i32
    %sign3A_1050 = arith.subi %sign3A_1046, %sign3A_1049 : i32
    %ne3A_1051 = arith.cmpi ne, %sign3A_1043, %sign3A_1050 : i32
    %rem3A_1052 = arith.remsi %add3A_1034, %jit3A_1035 : i32
    %ne3A_1053 = arith.constant 0 : i32
    %ne3A_1054 = arith.cmpi ne, %rem3A_1052, %ne3A_1053 : i32
    %and3A_1055 = arith.andi %ne3A_1051, %ne3A_1054 : i1
    %sub3A_1056 = arith.constant 1 : i32
    %sub3A_1057 = arith.subi %div3A_1036, %sub3A_1056 : i32
    %select_n3A_1058 = arith.select %and3A_1055, %sub3A_1057, %div3A_1036 : i32
    %jit3A_1059 = arith.constant 2 : i32
    %eq3A_1060 = arith.constant 0 : i32
    %eq3A_1061 = arith.cmpi eq, %jit3A_1059, %eq3A_1060 : i32
    %jit3A_1062 = arith.constant 1 : i32
    %select_n3A_1063 = arith.select %eq3A_1061, %jit3A_1062, %jit3A_1059 : i32
    %rem3A_1064 = arith.remsi %add3A_1034, %select_n3A_1063 : i32
    %ne3A_1065 = arith.constant 0 : i32
    %ne3A_1066 = arith.cmpi ne, %rem3A_1064, %ne3A_1065 : i32
    %lt3A_1067 = arith.constant 0 : i32
    %lt3A_1068 = arith.cmpi slt, %rem3A_1064, %lt3A_1067 : i32
    %lt3A_1069 = arith.constant 0 : i32
    %lt3A_1070 = arith.cmpi slt, %select_n3A_1063, %lt3A_1069 : i32
    %ne3A_1071 = arith.xori %lt3A_1068, %lt3A_1070 : i1
    %and3A_1072 = arith.andi %ne3A_1071, %ne3A_1066 : i1
    %add3A_1073 = arith.addi %rem3A_1064, %select_n3A_1063 : i32
    %select_n3A_1074 = arith.select %and3A_1072, %add3A_1073, %rem3A_1064 : i32
    %dma_wait3A_1075 = arith.constant 0 : i32
    %dma_wait3A_1076 = tpu.memref_slice %arg5[%dma_wait3A_1075] : memref<16512xf32, #tpu.memory_space<vmem>> -> memref<16512xf32, #tpu.memory_space<vmem>>
    %dma_wait3A_1077 = arith.constant 32768 : i32
    %dma_wait3A_1078 = tpu.memref_slice %arg2[%select_n3A_863, %select_n3A_879, %dma_wait3A_1077] : memref<32x2x65536xf32, #tpu.memory_space<hbm>> -> memref<1x1x16512xf32, #tpu.memory_space<hbm>>
    %dma_wait3A_1079 = tpu.memref_squeeze %dma_wait3A_1078 : memref<1x1x16512xf32, #tpu.memory_space<hbm>> -> memref<16512xf32, #tpu.memory_space<hbm>>
    %dma_wait3A_1080 = arith.constant 0 : i32
    %dma_wait3A_1081 = tpu.memref_slice %arg5[%dma_wait3A_1080] : memref<16512xf32, #tpu.memory_space<vmem>> -> memref<16512xf32, #tpu.memory_space<vmem>>
    %dma_wait3A_1082 = arith.constant 32768 : i32
    %dma_wait3A_1083 = tpu.memref_slice %arg2[%select_n3A_863, %select_n3A_879, %dma_wait3A_1082] : memref<32x2x65536xf32, #tpu.memory_space<hbm>> -> memref<1x1x16512xf32, #tpu.memory_space<hbm>>
    %dma_wait3A_1084 = tpu.memref_squeeze %dma_wait3A_1083 : memref<1x1x16512xf32, #tpu.memory_space<hbm>> -> memref<16512xf32, #tpu.memory_space<hbm>>
    tpu.wait_dma2 semaphore(%arg11 : memref<!tpu.dma_semaphore, #tpu.memory_space<semaphore_mem>>) src(%dma_wait3A_1084 : memref<16512xf32, #tpu.memory_space<hbm>>) dst(%dma_wait3A_1081 : memref<16512xf32, #tpu.memory_space<vmem>>)
    %dma_wait3A_1085 = arith.constant 8192 : i32
    %dma_wait3A_1086 = tpu.memref_slice %arg3[%select_n3A_863, %select_n3A_879, %dma_wait3A_1085] : memref<32x2x16384xf32, #tpu.memory_space<hbm>> -> memref<1x1x4096xf32, #tpu.memory_space<hbm>>
    %dma_wait3A_1087 = tpu.memref_squeeze %dma_wait3A_1086 : memref<1x1x4096xf32, #tpu.memory_space<hbm>> -> memref<4096xf32, #tpu.memory_space<hbm>>
    %dma_wait3A_1088 = arith.constant 8192 : i32
    %dma_wait3A_1089 = tpu.memref_slice %arg3[%select_n3A_863, %select_n3A_879, %dma_wait3A_1088] : memref<32x2x16384xf32, #tpu.memory_space<hbm>> -> memref<1x1x4096xf32, #tpu.memory_space<hbm>>
    %dma_wait3A_1090 = tpu.memref_squeeze %dma_wait3A_1089 : memref<1x1x4096xf32, #tpu.memory_space<hbm>> -> memref<4096xf32, #tpu.memory_space<hbm>>
    tpu.wait_dma2 semaphore(%arg11 : memref<!tpu.dma_semaphore, #tpu.memory_space<semaphore_mem>>) src(%dma_wait3A_1090 : memref<4096xf32, #tpu.memory_space<hbm>>) dst(%arg7 : memref<4096xf32, #tpu.memory_space<vmem>>)
    %dma_wait3A_1091 = arith.constant 0 : i32
    %dma_wait3A_1092 = tpu.memref_slice %arg4[%select_n3A_788, %select_n3A_804, %dma_wait3A_1091] : memref<32x2x65536xf32, #tpu.memory_space<hbm>> -> memref<1x1x16384xf32, #tpu.memory_space<hbm>>
    %dma_wait3A_1093 = tpu.memref_squeeze %dma_wait3A_1092 : memref<1x1x16384xf32, #tpu.memory_space<hbm>> -> memref<16384xf32, #tpu.memory_space<hbm>>
    %dma_wait3A_1094 = arith.constant 0 : i32
    %dma_wait3A_1095 = tpu.memref_slice %arg4[%select_n3A_788, %select_n3A_804, %dma_wait3A_1094] : memref<32x2x65536xf32, #tpu.memory_space<hbm>> -> memref<1x1x16384xf32, #tpu.memory_space<hbm>>
    %dma_wait3A_1096 = tpu.memref_squeeze %dma_wait3A_1095 : memref<1x1x16384xf32, #tpu.memory_space<hbm>> -> memref<16384xf32, #tpu.memory_space<hbm>>
    tpu.wait_dma2 semaphore(%arg13 : memref<!tpu.dma_semaphore, #tpu.memory_space<semaphore_mem>>) src(%arg9 : memref<16384xf32, #tpu.memory_space<vmem>>) dst(%dma_wait3A_1096 : memref<16384xf32, #tpu.memory_space<hbm>>)
    %parallel_loop3A_1097 = arith.constant 0 : i32
    %parallel_loop3A_1098 = arith.constant 256 : i32
    %parallel_loop3A_1099 = arith.constant 1 : i32
    scf.for %parallel_loop3A_1300 = %parallel_loop3A_1097 to %parallel_loop3A_1098 step %parallel_loop3A_1099  : i32 {
      %parallel_loop3A_1301 = arith.constant 16 : i32
      %parallel_loop3A_1302 = arith.muli %parallel_loop3A_1300, %parallel_loop3A_1301 : i32
      %parallel_loop3A_1303 = arith.index_cast %parallel_loop3A_1302 : i32 to index
      %parallel_loop3A_1304 = tpu.vector_load %arg7[%parallel_loop3A_1303] {strides = array<i32>} : memref<4096xf32, #tpu.memory_space<vmem>>, vector<16xf32>,
      %parallel_loop3A_1305 = vector.shape_cast %parallel_loop3A_1304 : vector<16xf32> to vector<16xf32>
      %parallel_loop3A_1306 = arith.constant 64 : i32
      %parallel_loop3A_1307 = arith.muli %parallel_loop3A_1300, %parallel_loop3A_1306 : i32
      %parallel_loop3A_1308 = arith.constant 0 : i32
      %parallel_loop3A_1309 = arith.addi %parallel_loop3A_1307, %parallel_loop3A_1308 : i32
      %parallel_loop3A_1310 = vector.shape_cast %add3A_5 : vector<16xi32> to vector<16x1xi32>
      %parallel_loop3A_1311 = vector.shape_cast %parallel_loop3A_1310 : vector<16x1xi32> to vector<16xi32>
      %parallel_loop3A_1312 = tpu.dynamic_gather %parallel_loop3A_1305[%parallel_loop3A_1311] in [0] : vector<16xf32>, vector<16xi32> -> vector<16xf32>
      %parallel_loop3A_1313 = arith.index_cast %parallel_loop3A_1309 : i32 to index
      %parallel_loop3A_1314 = tpu.vector_load %arg5[%parallel_loop3A_1313] {strides = array<i32>} : memref<16512xf32, #tpu.memory_space<vmem>>, vector<16xf32>,
      %parallel_loop3A_1315 = vector.shape_cast %parallel_loop3A_1314 : vector<16xf32> to vector<16xf32>
      %parallel_loop3A_1316 = arith.constant 1 : i32
      %parallel_loop3A_1317 = arith.addi %parallel_loop3A_1309, %parallel_loop3A_1316 : i32
      %parallel_loop3A_1318 = arith.index_cast %parallel_loop3A_1317 : i32 to index
      %parallel_loop3A_1319 = tpu.vector_load %arg5[%parallel_loop3A_1318] {strides = array<i32>} : memref<16512xf32, #tpu.memory_space<vmem>>, vector<16xf32>,
      %parallel_loop3A_1320 = vector.shape_cast %parallel_loop3A_1319 : vector<16xf32> to vector<16xf32>
      %parallel_loop3A_1321 = arith.subf %parallel_loop3A_1320, %parallel_loop3A_1315 : vector<16xf32>
      %parallel_loop3A_1322 = arith.mulf %parallel_loop3A_1312, %parallel_loop3A_1321 : vector<16xf32>
      %parallel_loop3A_1323 = arith.addf %parallel_loop3A_1315, %parallel_loop3A_1322 : vector<16xf32>
      %parallel_loop3A_1324 = arith.index_cast %parallel_loop3A_1309 : i32 to index
      %parallel_loop3A_1325 = tpu.vector_load %arg9[%parallel_loop3A_1324] {strides = array<i32>} : memref<16384xf32, #tpu.memory_space<vmem>>, vector<16xf32>,
      %parallel_loop3A_1326 = vector.shape_cast %parallel_loop3A_1325 : vector<16xf32> to vector<16xf32>
      %parallel_loop3A_1327 = vector.shape_cast %parallel_loop3A_1323 : vector<16xf32> to vector<16xf32>
      tpu.vector_store %arg9[%parallel_loop3A_1324], %parallel_loop3A_1327 {strides = array<i32>} : memref<16384xf32, #tpu.memory_space<vmem>>, vector<16xf32>,
      %parallel_loop3A_1328 = arith.constant 64 : i32
      %parallel_loop3A_1329 = arith.muli %parallel_loop3A_1300, %parallel_loop3A_1328 : i32
      %parallel_loop3A_1330 = arith.constant 16 : i32
      %parallel_loop3A_1331 = arith.addi %parallel_loop3A_1329, %parallel_loop3A_1330 : i32
      %parallel_loop3A_1332 = vector.shape_cast %add3A_11 : vector<16xi32> to vector<16x1xi32>
      %parallel_loop3A_1333 = vector.shape_cast %parallel_loop3A_1332 : vector<16x1xi32> to vector<16xi32>
      %parallel_loop3A_1334 = tpu.dynamic_gather %parallel_loop3A_1305[%parallel_loop3A_1333] in [0] : vector<16xf32>, vector<16xi32> -> vector<16xf32>
      %parallel_loop3A_1335 = arith.index_cast %parallel_loop3A_1331 : i32 to index
      %parallel_loop3A_1336 = tpu.vector_load %arg5[%parallel_loop3A_1335] {strides = array<i32>} : memref<16512xf32, #tpu.memory_space<vmem>>, vector<16xf32>,
      %parallel_loop3A_1337 = vector.shape_cast %parallel_loop3A_1336 : vector<16xf32> to vector<16xf32>
      %parallel_loop3A_1338 = arith.constant 1 : i32
      %parallel_loop3A_1339 = arith.addi %parallel_loop3A_1331, %parallel_loop3A_1338 : i32
      %parallel_loop3A_1340 = arith.index_cast %parallel_loop3A_1339 : i32 to index
      %parallel_loop3A_1341 = tpu.vector_load %arg5[%parallel_loop3A_1340] {strides = array<i32>} : memref<16512xf32, #tpu.memory_space<vmem>>, vector<16xf32>,
      %parallel_loop3A_1342 = vector.shape_cast %parallel_loop3A_1341 : vector<16xf32> to vector<16xf32>
      %parallel_loop3A_1343 = arith.subf %parallel_loop3A_1342, %parallel_loop3A_1337 : vector<16xf32>
      %parallel_loop3A_1344 = arith.mulf %parallel_loop3A_1334, %parallel_loop3A_1343 : vector<16xf32>
      %parallel_loop3A_1345 = arith.addf %parallel_loop3A_1337, %parallel_loop3A_1344 : vector<16xf32>
      %parallel_loop3A_1346 = arith.index_cast %parallel_loop3A_1331 : i32 to index
      %parallel_loop3A_1347 = tpu.vector_load %arg9[%parallel_loop3A_1346] {strides = array<i32>} : memref<16384xf32, #tpu.memory_space<vmem>>, vector<16xf32>,
      %parallel_loop3A_1348 = vector.shape_cast %parallel_loop3A_1347 : vector<16xf32> to vector<16xf32>
      %parallel_loop3A_1349 = vector.shape_cast %parallel_loop3A_1345 : vector<16xf32> to vector<16xf32>
      tpu.vector_store %arg9[%parallel_loop3A_1346], %parallel_loop3A_1349 {strides = array<i32>} : memref<16384xf32, #tpu.memory_space<vmem>>, vector<16xf32>,
      %parallel_loop3A_1350 = arith.constant 64 : i32
      %parallel_loop3A_1351 = arith.muli %parallel_loop3A_1300, %parallel_loop3A_1350 : i32
      %parallel_loop3A_1352 = arith.constant 32 : i32
      %parallel_loop3A_1353 = arith.addi %parallel_loop3A_1351, %parallel_loop3A_1352 : i32
      %parallel_loop3A_1354 = vector.shape_cast %add3A_17 : vector<16xi32> to vector<16x1xi32>
      %parallel_loop3A_1355 = vector.shape_cast %parallel_loop3A_1354 : vector<16x1xi32> to vector<16xi32>
      %parallel_loop3A_1356 = tpu.dynamic_gather %parallel_loop3A_1305[%parallel_loop3A_1355] in [0] : vector<16xf32>, vector<16xi32> -> vector<16xf32>
      %parallel_loop3A_1357 = arith.index_cast %parallel_loop3A_1353 : i32 to index
      %parallel_loop3A_1358 = tpu.vector_load %arg5[%parallel_loop3A_1357] {strides = array<i32>} : memref<16512xf32, #tpu.memory_space<vmem>>, vector<16xf32>,
      %parallel_loop3A_1359 = vector.shape_cast %parallel_loop3A_1358 : vector<16xf32> to vector<16xf32>
      %parallel_loop3A_1360 = arith.constant 1 : i32
      %parallel_loop3A_1361 = arith.addi %parallel_loop3A_1353, %parallel_loop3A_1360 : i32
      %parallel_loop3A_1362 = arith.index_cast %parallel_loop3A_1361 : i32 to index
      %parallel_loop3A_1363 = tpu.vector_load %arg5[%parallel_loop3A_1362] {strides = array<i32>} : memref<16512xf32, #tpu.memory_space<vmem>>, vector<16xf32>,
      %parallel_loop3A_1364 = vector.shape_cast %parallel_loop3A_1363 : vector<16xf32> to vector<16xf32>
      %parallel_loop3A_1365 = arith.subf %parallel_loop3A_1364, %parallel_loop3A_1359 : vector<16xf32>
      %parallel_loop3A_1366 = arith.mulf %parallel_loop3A_1356, %parallel_loop3A_1365 : vector<16xf32>
      %parallel_loop3A_1367 = arith.addf %parallel_loop3A_1359, %parallel_loop3A_1366 : vector<16xf32>
      %parallel_loop3A_1368 = arith.index_cast %parallel_loop3A_1353 : i32 to index
      %parallel_loop3A_1369 = tpu.vector_load %arg9[%parallel_loop3A_1368] {strides = array<i32>} : memref<16384xf32, #tpu.memory_space<vmem>>, vector<16xf32>,
      %parallel_loop3A_1370 = vector.shape_cast %parallel_loop3A_1369 : vector<16xf32> to vector<16xf32>
      %parallel_loop3A_1371 = vector.shape_cast %parallel_loop3A_1367 : vector<16xf32> to vector<16xf32>
      tpu.vector_store %arg9[%parallel_loop3A_1368], %parallel_loop3A_1371 {strides = array<i32>} : memref<16384xf32, #tpu.memory_space<vmem>>, vector<16xf32>,
      %parallel_loop3A_1372 = arith.constant 64 : i32
      %parallel_loop3A_1373 = arith.muli %parallel_loop3A_1300, %parallel_loop3A_1372 : i32
      %parallel_loop3A_1374 = arith.constant 48 : i32
      %parallel_loop3A_1375 = arith.addi %parallel_loop3A_1373, %parallel_loop3A_1374 : i32
      %parallel_loop3A_1376 = vector.shape_cast %add3A_23 : vector<16xi32> to vector<16x1xi32>
      %parallel_loop3A_1377 = vector.shape_cast %parallel_loop3A_1376 : vector<16x1xi32> to vector<16xi32>
      %parallel_loop3A_1378 = tpu.dynamic_gather %parallel_loop3A_1305[%parallel_loop3A_1377] in [0] : vector<16xf32>, vector<16xi32> -> vector<16xf32>
      %parallel_loop3A_1379 = arith.index_cast %parallel_loop3A_1375 : i32 to index
      %parallel_loop3A_1380 = tpu.vector_load %arg5[%parallel_loop3A_1379] {strides = array<i32>} : memref<16512xf32, #tpu.memory_space<vmem>>, vector<16xf32>,
      %parallel_loop3A_1381 = vector.shape_cast %parallel_loop3A_1380 : vector<16xf32> to vector<16xf32>
      %parallel_loop3A_1382 = arith.constant 1 : i32
      %parallel_loop3A_1383 = arith.addi %parallel_loop3A_1375, %parallel_loop3A_1382 : i32
      %parallel_loop3A_1384 = arith.index_cast %parallel_loop3A_1383 : i32 to index
      %parallel_loop3A_1385 = tpu.vector_load %arg5[%parallel_loop3A_1384] {strides = array<i32>} : memref<16512xf32, #tpu.memory_space<vmem>>, vector<16xf32>,
      %parallel_loop3A_1386 = vector.shape_cast %parallel_loop3A_1385 : vector<16xf32> to vector<16xf32>
      %parallel_loop3A_1387 = arith.subf %parallel_loop3A_1386, %parallel_loop3A_1381 : vector<16xf32>
      %parallel_loop3A_1388 = arith.mulf %parallel_loop3A_1378, %parallel_loop3A_1387 : vector<16xf32>
      %parallel_loop3A_1389 = arith.addf %parallel_loop3A_1381, %parallel_loop3A_1388 : vector<16xf32>
      %parallel_loop3A_1390 = arith.index_cast %parallel_loop3A_1375 : i32 to index
      %parallel_loop3A_1391 = tpu.vector_load %arg9[%parallel_loop3A_1390] {strides = array<i32>} : memref<16384xf32, #tpu.memory_space<vmem>>, vector<16xf32>,
      %parallel_loop3A_1392 = vector.shape_cast %parallel_loop3A_1391 : vector<16xf32> to vector<16xf32>
      %parallel_loop3A_1393 = vector.shape_cast %parallel_loop3A_1389 : vector<16xf32> to vector<16xf32>
      tpu.vector_store %arg9[%parallel_loop3A_1390], %parallel_loop3A_1393 {strides = array<i32>} : memref<16384xf32, #tpu.memory_space<vmem>>, vector<16xf32>,
    } {sc.loop_unroll_factor = 8 : i64, sc.parallel_access}
    %dma_start3A_1100 = arith.constant 32768 : i32
    %dma_start3A_1101 = tpu.memref_slice %arg4[%select_n3A_1058, %select_n3A_1074, %dma_start3A_1100] : memref<32x2x65536xf32, #tpu.memory_space<hbm>> -> memref<1x1x16384xf32, #tpu.memory_space<hbm>>
    %dma_start3A_1102 = tpu.memref_squeeze %dma_start3A_1101 : memref<1x1x16384xf32, #tpu.memory_space<hbm>> -> memref<16384xf32, #tpu.memory_space<hbm>>
    %dma_start3A_1103 = arith.constant 32768 : i32
    %dma_start3A_1104 = tpu.memref_slice %arg4[%select_n3A_1058, %select_n3A_1074, %dma_start3A_1103] : memref<32x2x65536xf32, #tpu.memory_space<hbm>> -> memref<1x1x16384xf32, #tpu.memory_space<hbm>>
    %dma_start3A_1105 = tpu.memref_squeeze %dma_start3A_1104 : memref<1x1x16384xf32, #tpu.memory_space<hbm>> -> memref<16384xf32, #tpu.memory_space<hbm>>
    tpu.enqueue_dma source(%arg9 : memref<16384xf32, #tpu.memory_space<vmem>>) target(%dma_start3A_1105 : memref<16384xf32, #tpu.memory_space<hbm>>) target_semaphore(%arg13 : memref<!tpu.dma_semaphore, #tpu.memory_space<semaphore_mem>>)
    %mul3A_1106 = arith.constant 2 : i32
    %mul3A_1107 = arith.muli %add3A, %mul3A_1106 : i32
    %add3A_1108 = arith.constant 1 : i32
    %add3A_1109 = arith.addi %mul3A_1107, %add3A_1108 : i32
    %jit3A_1110 = arith.constant 2 : i32
    %div3A_1111 = arith.divsi %add3A_1109, %jit3A_1110 : i32
    %sign3A_1112 = arith.constant 0 : i32
    %sign3A_1113 = arith.cmpi sgt, %add3A_1109, %sign3A_1112 : i32
    %sign3A_1114 = arith.extui %sign3A_1113 : i1 to i32
    %sign3A_1115 = arith.constant 0 : i32
    %sign3A_1116 = arith.cmpi slt, %add3A_1109, %sign3A_1115 : i32
    %sign3A_1117 = arith.extui %sign3A_1116 : i1 to i32
    %sign3A_1118 = arith.subi %sign3A_1114, %sign3A_1117 : i32
    %sign3A_1119 = arith.constant 0 : i32
    %sign3A_1120 = arith.cmpi sgt, %jit3A_1110, %sign3A_1119 : i32
    %sign3A_1121 = arith.extui %sign3A_1120 : i1 to i32
    %sign3A_1122 = arith.constant 0 : i32
    %sign3A_1123 = arith.cmpi slt, %jit3A_1110, %sign3A_1122 : i32
    %sign3A_1124 = arith.extui %sign3A_1123 : i1 to i32
    %sign3A_1125 = arith.subi %sign3A_1121, %sign3A_1124 : i32
    %ne3A_1126 = arith.cmpi ne, %sign3A_1118, %sign3A_1125 : i32
    %rem3A_1127 = arith.remsi %add3A_1109, %jit3A_1110 : i32
    %ne3A_1128 = arith.constant 0 : i32
    %ne3A_1129 = arith.cmpi ne, %rem3A_1127, %ne3A_1128 : i32
    %and3A_1130 = arith.andi %ne3A_1126, %ne3A_1129 : i1
    %sub3A_1131 = arith.constant 1 : i32
    %sub3A_1132 = arith.subi %div3A_1111, %sub3A_1131 : i32
    %select_n3A_1133 = arith.select %and3A_1130, %sub3A_1132, %div3A_1111 : i32
    %jit3A_1134 = arith.constant 2 : i32
    %eq3A_1135 = arith.constant 0 : i32
    %eq3A_1136 = arith.cmpi eq, %jit3A_1134, %eq3A_1135 : i32
    %jit3A_1137 = arith.constant 1 : i32
    %select_n3A_1138 = arith.select %eq3A_1136, %jit3A_1137, %jit3A_1134 : i32
    %rem3A_1139 = arith.remsi %add3A_1109, %select_n3A_1138 : i32
    %ne3A_1140 = arith.constant 0 : i32
    %ne3A_1141 = arith.cmpi ne, %rem3A_1139, %ne3A_1140 : i32
    %lt3A_1142 = arith.constant 0 : i32
    %lt3A_1143 = arith.cmpi slt, %rem3A_1139, %lt3A_1142 : i32
    %lt3A_1144 = arith.constant 0 : i32
    %lt3A_1145 = arith.cmpi slt, %select_n3A_1138, %lt3A_1144 : i32
    %ne3A_1146 = arith.xori %lt3A_1143, %lt3A_1145 : i1
    %and3A_1147 = arith.andi %ne3A_1146, %ne3A_1141 : i1
    %add3A_1148 = arith.addi %rem3A_1139, %select_n3A_1138 : i32
    %select_n3A_1149 = arith.select %and3A_1147, %add3A_1148, %rem3A_1139 : i32
    %dma_wait3A_1150 = arith.constant 0 : i32
    %dma_wait3A_1151 = tpu.memref_slice %arg6[%dma_wait3A_1150] : memref<16512xf32, #tpu.memory_space<vmem>> -> memref<16384xf32, #tpu.memory_space<vmem>>
    %dma_wait3A_1152 = arith.constant 49152 : i32
    %dma_wait3A_1153 = tpu.memref_slice %arg2[%select_n3A_998, %select_n3A_1014, %dma_wait3A_1152] : memref<32x2x65536xf32, #tpu.memory_space<hbm>> -> memref<1x1x16384xf32, #tpu.memory_space<hbm>>
    %dma_wait3A_1154 = tpu.memref_squeeze %dma_wait3A_1153 : memref<1x1x16384xf32, #tpu.memory_space<hbm>> -> memref<16384xf32, #tpu.memory_space<hbm>>
    %dma_wait3A_1155 = arith.constant 0 : i32
    %dma_wait3A_1156 = tpu.memref_slice %arg6[%dma_wait3A_1155] : memref<16512xf32, #tpu.memory_space<vmem>> -> memref<16384xf32, #tpu.memory_space<vmem>>
    %dma_wait3A_1157 = arith.constant 49152 : i32
    %dma_wait3A_1158 = tpu.memref_slice %arg2[%select_n3A_998, %select_n3A_1014, %dma_wait3A_1157] : memref<32x2x65536xf32, #tpu.memory_space<hbm>> -> memref<1x1x16384xf32, #tpu.memory_space<hbm>>
    %dma_wait3A_1159 = tpu.memref_squeeze %dma_wait3A_1158 : memref<1x1x16384xf32, #tpu.memory_space<hbm>> -> memref<16384xf32, #tpu.memory_space<hbm>>
    tpu.wait_dma2 semaphore(%arg12 : memref<!tpu.dma_semaphore, #tpu.memory_space<semaphore_mem>>) src(%dma_wait3A_1159 : memref<16384xf32, #tpu.memory_space<hbm>>) dst(%dma_wait3A_1156 : memref<16384xf32, #tpu.memory_space<vmem>>)
    %dma_wait3A_1160 = arith.constant 12288 : i32
    %dma_wait3A_1161 = tpu.memref_slice %arg3[%select_n3A_998, %select_n3A_1014, %dma_wait3A_1160] : memref<32x2x16384xf32, #tpu.memory_space<hbm>> -> memref<1x1x4096xf32, #tpu.memory_space<hbm>>
    %dma_wait3A_1162 = tpu.memref_squeeze %dma_wait3A_1161 : memref<1x1x4096xf32, #tpu.memory_space<hbm>> -> memref<4096xf32, #tpu.memory_space<hbm>>
    %dma_wait3A_1163 = arith.constant 12288 : i32
    %dma_wait3A_1164 = tpu.memref_slice %arg3[%select_n3A_998, %select_n3A_1014, %dma_wait3A_1163] : memref<32x2x16384xf32, #tpu.memory_space<hbm>> -> memref<1x1x4096xf32, #tpu.memory_space<hbm>>
    %dma_wait3A_1165 = tpu.memref_squeeze %dma_wait3A_1164 : memref<1x1x4096xf32, #tpu.memory_space<hbm>> -> memref<4096xf32, #tpu.memory_space<hbm>>
    tpu.wait_dma2 semaphore(%arg12 : memref<!tpu.dma_semaphore, #tpu.memory_space<semaphore_mem>>) src(%dma_wait3A_1165 : memref<4096xf32, #tpu.memory_space<hbm>>) dst(%arg8 : memref<4096xf32, #tpu.memory_space<vmem>>)
    %dma_wait3A_1166 = arith.constant 16384 : i32
    %dma_wait3A_1167 = tpu.memref_slice %arg4[%select_n3A_923, %select_n3A_939, %dma_wait3A_1166] : memref<32x2x65536xf32, #tpu.memory_space<hbm>> -> memref<1x1x16384xf32, #tpu.memory_space<hbm>>
    %dma_wait3A_1168 = tpu.memref_squeeze %dma_wait3A_1167 : memref<1x1x16384xf32, #tpu.memory_space<hbm>> -> memref<16384xf32, #tpu.memory_space<hbm>>
    %dma_wait3A_1169 = arith.constant 16384 : i32
    %dma_wait3A_1170 = tpu.memref_slice %arg4[%select_n3A_923, %select_n3A_939, %dma_wait3A_1169] : memref<32x2x65536xf32, #tpu.memory_space<hbm>> -> memref<1x1x16384xf32, #tpu.memory_space<hbm>>
    %dma_wait3A_1171 = tpu.memref_squeeze %dma_wait3A_1170 : memref<1x1x16384xf32, #tpu.memory_space<hbm>> -> memref<16384xf32, #tpu.memory_space<hbm>>
    tpu.wait_dma2 semaphore(%arg14 : memref<!tpu.dma_semaphore, #tpu.memory_space<semaphore_mem>>) src(%arg10 : memref<16384xf32, #tpu.memory_space<vmem>>) dst(%dma_wait3A_1171 : memref<16384xf32, #tpu.memory_space<hbm>>)
    %parallel_loop3A_1172 = arith.constant 0 : i32
    %parallel_loop3A_1173 = arith.constant 255 : i32
    %parallel_loop3A_1174 = arith.constant 1 : i32
    scf.for %parallel_loop3A_1300 = %parallel_loop3A_1172 to %parallel_loop3A_1173 step %parallel_loop3A_1174  : i32 {
      %parallel_loop3A_1301 = arith.constant 16 : i32
      %parallel_loop3A_1302 = arith.muli %parallel_loop3A_1300, %parallel_loop3A_1301 : i32
      %parallel_loop3A_1303 = arith.index_cast %parallel_loop3A_1302 : i32 to index
      %parallel_loop3A_1304 = tpu.vector_load %arg8[%parallel_loop3A_1303] {strides = array<i32>} : memref<4096xf32, #tpu.memory_space<vmem>>, vector<16xf32>,
      %parallel_loop3A_1305 = vector.shape_cast %parallel_loop3A_1304 : vector<16xf32> to vector<16xf32>
      %parallel_loop3A_1306 = arith.constant 64 : i32
      %parallel_loop3A_1307 = arith.muli %parallel_loop3A_1300, %parallel_loop3A_1306 : i32
      %parallel_loop3A_1308 = arith.constant 0 : i32
      %parallel_loop3A_1309 = arith.addi %parallel_loop3A_1307, %parallel_loop3A_1308 : i32
      %parallel_loop3A_1310 = vector.shape_cast %add3A_5 : vector<16xi32> to vector<16x1xi32>
      %parallel_loop3A_1311 = vector.shape_cast %parallel_loop3A_1310 : vector<16x1xi32> to vector<16xi32>
      %parallel_loop3A_1312 = tpu.dynamic_gather %parallel_loop3A_1305[%parallel_loop3A_1311] in [0] : vector<16xf32>, vector<16xi32> -> vector<16xf32>
      %parallel_loop3A_1313 = arith.index_cast %parallel_loop3A_1309 : i32 to index
      %parallel_loop3A_1314 = tpu.vector_load %arg6[%parallel_loop3A_1313] {strides = array<i32>} : memref<16512xf32, #tpu.memory_space<vmem>>, vector<16xf32>,
      %parallel_loop3A_1315 = vector.shape_cast %parallel_loop3A_1314 : vector<16xf32> to vector<16xf32>
      %parallel_loop3A_1316 = arith.constant 1 : i32
      %parallel_loop3A_1317 = arith.addi %parallel_loop3A_1309, %parallel_loop3A_1316 : i32
      %parallel_loop3A_1318 = arith.index_cast %parallel_loop3A_1317 : i32 to index
      %parallel_loop3A_1319 = tpu.vector_load %arg6[%parallel_loop3A_1318] {strides = array<i32>} : memref<16512xf32, #tpu.memory_space<vmem>>, vector<16xf32>,
      %parallel_loop3A_1320 = vector.shape_cast %parallel_loop3A_1319 : vector<16xf32> to vector<16xf32>
      %parallel_loop3A_1321 = arith.subf %parallel_loop3A_1320, %parallel_loop3A_1315 : vector<16xf32>
      %parallel_loop3A_1322 = arith.mulf %parallel_loop3A_1312, %parallel_loop3A_1321 : vector<16xf32>
      %parallel_loop3A_1323 = arith.addf %parallel_loop3A_1315, %parallel_loop3A_1322 : vector<16xf32>
      %parallel_loop3A_1324 = arith.index_cast %parallel_loop3A_1309 : i32 to index
      %parallel_loop3A_1325 = tpu.vector_load %arg10[%parallel_loop3A_1324] {strides = array<i32>} : memref<16384xf32, #tpu.memory_space<vmem>>, vector<16xf32>,
      %parallel_loop3A_1326 = vector.shape_cast %parallel_loop3A_1325 : vector<16xf32> to vector<16xf32>
      %parallel_loop3A_1327 = vector.shape_cast %parallel_loop3A_1323 : vector<16xf32> to vector<16xf32>
      tpu.vector_store %arg10[%parallel_loop3A_1324], %parallel_loop3A_1327 {strides = array<i32>} : memref<16384xf32, #tpu.memory_space<vmem>>, vector<16xf32>,
      %parallel_loop3A_1328 = arith.constant 64 : i32
      %parallel_loop3A_1329 = arith.muli %parallel_loop3A_1300, %parallel_loop3A_1328 : i32
      %parallel_loop3A_1330 = arith.constant 16 : i32
      %parallel_loop3A_1331 = arith.addi %parallel_loop3A_1329, %parallel_loop3A_1330 : i32
      %parallel_loop3A_1332 = vector.shape_cast %add3A_11 : vector<16xi32> to vector<16x1xi32>
      %parallel_loop3A_1333 = vector.shape_cast %parallel_loop3A_1332 : vector<16x1xi32> to vector<16xi32>
      %parallel_loop3A_1334 = tpu.dynamic_gather %parallel_loop3A_1305[%parallel_loop3A_1333] in [0] : vector<16xf32>, vector<16xi32> -> vector<16xf32>
      %parallel_loop3A_1335 = arith.index_cast %parallel_loop3A_1331 : i32 to index
      %parallel_loop3A_1336 = tpu.vector_load %arg6[%parallel_loop3A_1335] {strides = array<i32>} : memref<16512xf32, #tpu.memory_space<vmem>>, vector<16xf32>,
      %parallel_loop3A_1337 = vector.shape_cast %parallel_loop3A_1336 : vector<16xf32> to vector<16xf32>
      %parallel_loop3A_1338 = arith.constant 1 : i32
      %parallel_loop3A_1339 = arith.addi %parallel_loop3A_1331, %parallel_loop3A_1338 : i32
      %parallel_loop3A_1340 = arith.index_cast %parallel_loop3A_1339 : i32 to index
      %parallel_loop3A_1341 = tpu.vector_load %arg6[%parallel_loop3A_1340] {strides = array<i32>} : memref<16512xf32, #tpu.memory_space<vmem>>, vector<16xf32>,
      %parallel_loop3A_1342 = vector.shape_cast %parallel_loop3A_1341 : vector<16xf32> to vector<16xf32>
      %parallel_loop3A_1343 = arith.subf %parallel_loop3A_1342, %parallel_loop3A_1337 : vector<16xf32>
      %parallel_loop3A_1344 = arith.mulf %parallel_loop3A_1334, %parallel_loop3A_1343 : vector<16xf32>
      %parallel_loop3A_1345 = arith.addf %parallel_loop3A_1337, %parallel_loop3A_1344 : vector<16xf32>
      %parallel_loop3A_1346 = arith.index_cast %parallel_loop3A_1331 : i32 to index
      %parallel_loop3A_1347 = tpu.vector_load %arg10[%parallel_loop3A_1346] {strides = array<i32>} : memref<16384xf32, #tpu.memory_space<vmem>>, vector<16xf32>,
      %parallel_loop3A_1348 = vector.shape_cast %parallel_loop3A_1347 : vector<16xf32> to vector<16xf32>
      %parallel_loop3A_1349 = vector.shape_cast %parallel_loop3A_1345 : vector<16xf32> to vector<16xf32>
      tpu.vector_store %arg10[%parallel_loop3A_1346], %parallel_loop3A_1349 {strides = array<i32>} : memref<16384xf32, #tpu.memory_space<vmem>>, vector<16xf32>,
      %parallel_loop3A_1350 = arith.constant 64 : i32
      %parallel_loop3A_1351 = arith.muli %parallel_loop3A_1300, %parallel_loop3A_1350 : i32
      %parallel_loop3A_1352 = arith.constant 32 : i32
      %parallel_loop3A_1353 = arith.addi %parallel_loop3A_1351, %parallel_loop3A_1352 : i32
      %parallel_loop3A_1354 = vector.shape_cast %add3A_17 : vector<16xi32> to vector<16x1xi32>
      %parallel_loop3A_1355 = vector.shape_cast %parallel_loop3A_1354 : vector<16x1xi32> to vector<16xi32>
      %parallel_loop3A_1356 = tpu.dynamic_gather %parallel_loop3A_1305[%parallel_loop3A_1355] in [0] : vector<16xf32>, vector<16xi32> -> vector<16xf32>
      %parallel_loop3A_1357 = arith.index_cast %parallel_loop3A_1353 : i32 to index
      %parallel_loop3A_1358 = tpu.vector_load %arg6[%parallel_loop3A_1357] {strides = array<i32>} : memref<16512xf32, #tpu.memory_space<vmem>>, vector<16xf32>,
      %parallel_loop3A_1359 = vector.shape_cast %parallel_loop3A_1358 : vector<16xf32> to vector<16xf32>
      %parallel_loop3A_1360 = arith.constant 1 : i32
      %parallel_loop3A_1361 = arith.addi %parallel_loop3A_1353, %parallel_loop3A_1360 : i32
      %parallel_loop3A_1362 = arith.index_cast %parallel_loop3A_1361 : i32 to index
      %parallel_loop3A_1363 = tpu.vector_load %arg6[%parallel_loop3A_1362] {strides = array<i32>} : memref<16512xf32, #tpu.memory_space<vmem>>, vector<16xf32>,
      %parallel_loop3A_1364 = vector.shape_cast %parallel_loop3A_1363 : vector<16xf32> to vector<16xf32>
      %parallel_loop3A_1365 = arith.subf %parallel_loop3A_1364, %parallel_loop3A_1359 : vector<16xf32>
      %parallel_loop3A_1366 = arith.mulf %parallel_loop3A_1356, %parallel_loop3A_1365 : vector<16xf32>
      %parallel_loop3A_1367 = arith.addf %parallel_loop3A_1359, %parallel_loop3A_1366 : vector<16xf32>
      %parallel_loop3A_1368 = arith.index_cast %parallel_loop3A_1353 : i32 to index
      %parallel_loop3A_1369 = tpu.vector_load %arg10[%parallel_loop3A_1368] {strides = array<i32>} : memref<16384xf32, #tpu.memory_space<vmem>>, vector<16xf32>,
      %parallel_loop3A_1370 = vector.shape_cast %parallel_loop3A_1369 : vector<16xf32> to vector<16xf32>
      %parallel_loop3A_1371 = vector.shape_cast %parallel_loop3A_1367 : vector<16xf32> to vector<16xf32>
      tpu.vector_store %arg10[%parallel_loop3A_1368], %parallel_loop3A_1371 {strides = array<i32>} : memref<16384xf32, #tpu.memory_space<vmem>>, vector<16xf32>,
      %parallel_loop3A_1372 = arith.constant 64 : i32
      %parallel_loop3A_1373 = arith.muli %parallel_loop3A_1300, %parallel_loop3A_1372 : i32
      %parallel_loop3A_1374 = arith.constant 48 : i32
      %parallel_loop3A_1375 = arith.addi %parallel_loop3A_1373, %parallel_loop3A_1374 : i32
      %parallel_loop3A_1376 = vector.shape_cast %add3A_23 : vector<16xi32> to vector<16x1xi32>
      %parallel_loop3A_1377 = vector.shape_cast %parallel_loop3A_1376 : vector<16x1xi32> to vector<16xi32>
      %parallel_loop3A_1378 = tpu.dynamic_gather %parallel_loop3A_1305[%parallel_loop3A_1377] in [0] : vector<16xf32>, vector<16xi32> -> vector<16xf32>
      %parallel_loop3A_1379 = arith.index_cast %parallel_loop3A_1375 : i32 to index
      %parallel_loop3A_1380 = tpu.vector_load %arg6[%parallel_loop3A_1379] {strides = array<i32>} : memref<16512xf32, #tpu.memory_space<vmem>>, vector<16xf32>,
      %parallel_loop3A_1381 = vector.shape_cast %parallel_loop3A_1380 : vector<16xf32> to vector<16xf32>
      %parallel_loop3A_1382 = arith.constant 1 : i32
      %parallel_loop3A_1383 = arith.addi %parallel_loop3A_1375, %parallel_loop3A_1382 : i32
      %parallel_loop3A_1384 = arith.index_cast %parallel_loop3A_1383 : i32 to index
      %parallel_loop3A_1385 = tpu.vector_load %arg6[%parallel_loop3A_1384] {strides = array<i32>} : memref<16512xf32, #tpu.memory_space<vmem>>, vector<16xf32>,
      %parallel_loop3A_1386 = vector.shape_cast %parallel_loop3A_1385 : vector<16xf32> to vector<16xf32>
      %parallel_loop3A_1387 = arith.subf %parallel_loop3A_1386, %parallel_loop3A_1381 : vector<16xf32>
      %parallel_loop3A_1388 = arith.mulf %parallel_loop3A_1378, %parallel_loop3A_1387 : vector<16xf32>
      %parallel_loop3A_1389 = arith.addf %parallel_loop3A_1381, %parallel_loop3A_1388 : vector<16xf32>
      %parallel_loop3A_1390 = arith.index_cast %parallel_loop3A_1375 : i32 to index
      %parallel_loop3A_1391 = tpu.vector_load %arg10[%parallel_loop3A_1390] {strides = array<i32>} : memref<16384xf32, #tpu.memory_space<vmem>>, vector<16xf32>,
      %parallel_loop3A_1392 = vector.shape_cast %parallel_loop3A_1391 : vector<16xf32> to vector<16xf32>
      %parallel_loop3A_1393 = vector.shape_cast %parallel_loop3A_1389 : vector<16xf32> to vector<16xf32>
      tpu.vector_store %arg10[%parallel_loop3A_1390], %parallel_loop3A_1393 {strides = array<i32>} : memref<16384xf32, #tpu.memory_space<vmem>>, vector<16xf32>,
    } {sc.loop_unroll_factor = 8 : i64, sc.parallel_access}
    %get3A_1175 = arith.constant 4080 : index
    %get3A_1176 = tpu.vector_load %arg8[%get3A_1175] {strides = array<i32>} : memref<4096xf32, #tpu.memory_space<vmem>>, vector<16xf32>,
    %get3A_1177 = vector.shape_cast %get3A_1176 : vector<16xf32> to vector<16xf32>
    %broadcast_in_dim3A_1178 = vector.shape_cast %add3A_5 : vector<16xi32> to vector<16x1xi32>
    %gather3A_1179 = vector.shape_cast %broadcast_in_dim3A_1178 : vector<16x1xi32> to vector<16xi32>
    %gather3A_1180 = tpu.dynamic_gather %get3A_1177[%gather3A_1179] in [0] : vector<16xf32>, vector<16xi32> -> vector<16xf32>
    %add3A_1181 = arith.constant 4.915200e+04 : f32
    %add3A_1182 = arith.constant 1.632000e+04 : f32
    %add3A_1183 = arith.addf %add3A_1181, %add3A_1182 : f32
    %add3A_1184 = vector.broadcast %add3A_1183 : f32 to vector<16xf32>
    %add3A_1185 = arith.addf %convert_element_type3A, %add3A_1184 : vector<16xf32>
    %add3A_1186 = arith.addf %gather3A_1180, %add3A_1185 : vector<16xf32>
    %min3A_1187 = arith.constant 6.553500e+04 : f32
    %min3A_1188 = vector.broadcast %min3A_1187 : f32 to vector<16xf32>
    %min3A_1189 = arith.minimumf %add3A_1186, %min3A_1188 : vector<16xf32>
    %sub3A_1190 = arith.subf %min3A_1189, %add3A_1185 : vector<16xf32>
    %get3A_1191 = arith.constant 16320 : index
    %get3A_1192 = tpu.vector_load %arg6[%get3A_1191] {strides = array<i32>} : memref<16512xf32, #tpu.memory_space<vmem>>, vector<16xf32>,
    %get3A_1193 = vector.shape_cast %get3A_1192 : vector<16xf32> to vector<16xf32>
    %get3A_1194 = arith.constant 16321 : index
    %get3A_1195 = tpu.vector_load %arg6[%get3A_1194] {strides = array<i32>} : memref<16512xf32, #tpu.memory_space<vmem>>, vector<16xf32>,
    %get3A_1196 = vector.shape_cast %get3A_1195 : vector<16xf32> to vector<16xf32>
    %sub3A_1197 = arith.subf %get3A_1196, %get3A_1193 : vector<16xf32>
    %mul3A_1198 = arith.mulf %sub3A_1190, %sub3A_1197 : vector<16xf32>
    %add3A_1199 = arith.addf %get3A_1193, %mul3A_1198 : vector<16xf32>
    %swap3A_1200 = arith.constant 16320 : index
    %swap3A_1201 = tpu.vector_load %arg10[%swap3A_1200] {strides = array<i32>} : memref<16384xf32, #tpu.memory_space<vmem>>, vector<16xf32>,
    %swap3A_1202 = vector.shape_cast %swap3A_1201 : vector<16xf32> to vector<16xf32>
    %swap3A_1203 = vector.shape_cast %add3A_1199 : vector<16xf32> to vector<16xf32>
    tpu.vector_store %arg10[%swap3A_1200], %swap3A_1203 {strides = array<i32>} : memref<16384xf32, #tpu.memory_space<vmem>>, vector<16xf32>,
    %broadcast_in_dim3A_1204 = vector.shape_cast %add3A_11 : vector<16xi32> to vector<16x1xi32>
    %gather3A_1205 = vector.shape_cast %broadcast_in_dim3A_1204 : vector<16x1xi32> to vector<16xi32>
    %gather3A_1206 = tpu.dynamic_gather %get3A_1177[%gather3A_1205] in [0] : vector<16xf32>, vector<16xi32> -> vector<16xf32>
    %add3A_1207 = arith.constant 4.915200e+04 : f32
    %add3A_1208 = arith.constant 1.633600e+04 : f32
    %add3A_1209 = arith.addf %add3A_1207, %add3A_1208 : f32
    %add3A_1210 = vector.broadcast %add3A_1209 : f32 to vector<16xf32>
    %add3A_1211 = arith.addf %convert_element_type3A, %add3A_1210 : vector<16xf32>
    %add3A_1212 = arith.addf %gather3A_1206, %add3A_1211 : vector<16xf32>
    %min3A_1213 = arith.constant 6.553500e+04 : f32
    %min3A_1214 = vector.broadcast %min3A_1213 : f32 to vector<16xf32>
    %min3A_1215 = arith.minimumf %add3A_1212, %min3A_1214 : vector<16xf32>
    %sub3A_1216 = arith.subf %min3A_1215, %add3A_1211 : vector<16xf32>
    %get3A_1217 = arith.constant 16336 : index
    %get3A_1218 = tpu.vector_load %arg6[%get3A_1217] {strides = array<i32>} : memref<16512xf32, #tpu.memory_space<vmem>>, vector<16xf32>,
    %get3A_1219 = vector.shape_cast %get3A_1218 : vector<16xf32> to vector<16xf32>
    %get3A_1220 = arith.constant 16337 : index
    %get3A_1221 = tpu.vector_load %arg6[%get3A_1220] {strides = array<i32>} : memref<16512xf32, #tpu.memory_space<vmem>>, vector<16xf32>,
    %get3A_1222 = vector.shape_cast %get3A_1221 : vector<16xf32> to vector<16xf32>
    %sub3A_1223 = arith.subf %get3A_1222, %get3A_1219 : vector<16xf32>
    %mul3A_1224 = arith.mulf %sub3A_1216, %sub3A_1223 : vector<16xf32>
    %add3A_1225 = arith.addf %get3A_1219, %mul3A_1224 : vector<16xf32>
    %swap3A_1226 = arith.constant 16336 : index
    %swap3A_1227 = tpu.vector_load %arg10[%swap3A_1226] {strides = array<i32>} : memref<16384xf32, #tpu.memory_space<vmem>>, vector<16xf32>,
    %swap3A_1228 = vector.shape_cast %swap3A_1227 : vector<16xf32> to vector<16xf32>
    %swap3A_1229 = vector.shape_cast %add3A_1225 : vector<16xf32> to vector<16xf32>
    tpu.vector_store %arg10[%swap3A_1226], %swap3A_1229 {strides = array<i32>} : memref<16384xf32, #tpu.memory_space<vmem>>, vector<16xf32>,
    %broadcast_in_dim3A_1230 = vector.shape_cast %add3A_17 : vector<16xi32> to vector<16x1xi32>
    %gather3A_1231 = vector.shape_cast %broadcast_in_dim3A_1230 : vector<16x1xi32> to vector<16xi32>
    %gather3A_1232 = tpu.dynamic_gather %get3A_1177[%gather3A_1231] in [0] : vector<16xf32>, vector<16xi32> -> vector<16xf32>
    %add3A_1233 = arith.constant 4.915200e+04 : f32
    %add3A_1234 = arith.constant 1.635200e+04 : f32
    %add3A_1235 = arith.addf %add3A_1233, %add3A_1234 : f32
    %add3A_1236 = vector.broadcast %add3A_1235 : f32 to vector<16xf32>
    %add3A_1237 = arith.addf %convert_element_type3A, %add3A_1236 : vector<16xf32>
    %add3A_1238 = arith.addf %gather3A_1232, %add3A_1237 : vector<16xf32>
    %min3A_1239 = arith.constant 6.553500e+04 : f32
    %min3A_1240 = vector.broadcast %min3A_1239 : f32 to vector<16xf32>
    %min3A_1241 = arith.minimumf %add3A_1238, %min3A_1240 : vector<16xf32>
    %sub3A_1242 = arith.subf %min3A_1241, %add3A_1237 : vector<16xf32>
    %get3A_1243 = arith.constant 16352 : index
    %get3A_1244 = tpu.vector_load %arg6[%get3A_1243] {strides = array<i32>} : memref<16512xf32, #tpu.memory_space<vmem>>, vector<16xf32>,
    %get3A_1245 = vector.shape_cast %get3A_1244 : vector<16xf32> to vector<16xf32>
    %get3A_1246 = arith.constant 16353 : index
    %get3A_1247 = tpu.vector_load %arg6[%get3A_1246] {strides = array<i32>} : memref<16512xf32, #tpu.memory_space<vmem>>, vector<16xf32>,
    %get3A_1248 = vector.shape_cast %get3A_1247 : vector<16xf32> to vector<16xf32>
    %sub3A_1249 = arith.subf %get3A_1248, %get3A_1245 : vector<16xf32>
    %mul3A_1250 = arith.mulf %sub3A_1242, %sub3A_1249 : vector<16xf32>
    %add3A_1251 = arith.addf %get3A_1245, %mul3A_1250 : vector<16xf32>
    %swap3A_1252 = arith.constant 16352 : index
    %swap3A_1253 = tpu.vector_load %arg10[%swap3A_1252] {strides = array<i32>} : memref<16384xf32, #tpu.memory_space<vmem>>, vector<16xf32>,
    %swap3A_1254 = vector.shape_cast %swap3A_1253 : vector<16xf32> to vector<16xf32>
    %swap3A_1255 = vector.shape_cast %add3A_1251 : vector<16xf32> to vector<16xf32>
    tpu.vector_store %arg10[%swap3A_1252], %swap3A_1255 {strides = array<i32>} : memref<16384xf32, #tpu.memory_space<vmem>>, vector<16xf32>,
    %broadcast_in_dim3A_1256 = vector.shape_cast %add3A_23 : vector<16xi32> to vector<16x1xi32>
    %gather3A_1257 = vector.shape_cast %broadcast_in_dim3A_1256 : vector<16x1xi32> to vector<16xi32>
    %gather3A_1258 = tpu.dynamic_gather %get3A_1177[%gather3A_1257] in [0] : vector<16xf32>, vector<16xi32> -> vector<16xf32>
    %add3A_1259 = arith.constant 4.915200e+04 : f32
    %add3A_1260 = arith.constant 1.636800e+04 : f32
    %add3A_1261 = arith.addf %add3A_1259, %add3A_1260 : f32
    %add3A_1262 = vector.broadcast %add3A_1261 : f32 to vector<16xf32>
    %add3A_1263 = arith.addf %convert_element_type3A, %add3A_1262 : vector<16xf32>
    %add3A_1264 = arith.addf %gather3A_1258, %add3A_1263 : vector<16xf32>
    %min3A_1265 = arith.constant 6.553500e+04 : f32
    %min3A_1266 = vector.broadcast %min3A_1265 : f32 to vector<16xf32>
    %min3A_1267 = arith.minimumf %add3A_1264, %min3A_1266 : vector<16xf32>
    %sub3A_1268 = arith.subf %min3A_1267, %add3A_1263 : vector<16xf32>
    %get3A_1269 = arith.constant 16368 : index
    %get3A_1270 = tpu.vector_load %arg6[%get3A_1269] {strides = array<i32>} : memref<16512xf32, #tpu.memory_space<vmem>>, vector<16xf32>,
    %get3A_1271 = vector.shape_cast %get3A_1270 : vector<16xf32> to vector<16xf32>
    %get3A_1272 = arith.constant 16369 : index
    %get3A_1273 = tpu.vector_load %arg6[%get3A_1272] {strides = array<i32>} : memref<16512xf32, #tpu.memory_space<vmem>>, vector<16xf32>,
    %get3A_1274 = vector.shape_cast %get3A_1273 : vector<16xf32> to vector<16xf32>
    %sub3A_1275 = arith.subf %get3A_1274, %get3A_1271 : vector<16xf32>
    %mul3A_1276 = arith.mulf %sub3A_1268, %sub3A_1275 : vector<16xf32>
    %add3A_1277 = arith.addf %get3A_1271, %mul3A_1276 : vector<16xf32>
    %swap3A_1278 = arith.constant 16368 : index
    %swap3A_1279 = tpu.vector_load %arg10[%swap3A_1278] {strides = array<i32>} : memref<16384xf32, #tpu.memory_space<vmem>>, vector<16xf32>,
    %swap3A_1280 = vector.shape_cast %swap3A_1279 : vector<16xf32> to vector<16xf32>
    %swap3A_1281 = vector.shape_cast %add3A_1277 : vector<16xf32> to vector<16xf32>
    tpu.vector_store %arg10[%swap3A_1278], %swap3A_1281 {strides = array<i32>} : memref<16384xf32, #tpu.memory_space<vmem>>, vector<16xf32>,
    %dma_start3A_1282 = arith.constant 49152 : i32
    %dma_start3A_1283 = tpu.memref_slice %arg4[%select_n3A_1133, %select_n3A_1149, %dma_start3A_1282] : memref<32x2x65536xf32, #tpu.memory_space<hbm>> -> memref<1x1x16384xf32, #tpu.memory_space<hbm>>
    %dma_start3A_1284 = tpu.memref_squeeze %dma_start3A_1283 : memref<1x1x16384xf32, #tpu.memory_space<hbm>> -> memref<16384xf32, #tpu.memory_space<hbm>>
    %dma_start3A_1285 = arith.constant 49152 : i32
    %dma_start3A_1286 = tpu.memref_slice %arg4[%select_n3A_1133, %select_n3A_1149, %dma_start3A_1285] : memref<32x2x65536xf32, #tpu.memory_space<hbm>> -> memref<1x1x16384xf32, #tpu.memory_space<hbm>>
    %dma_start3A_1287 = tpu.memref_squeeze %dma_start3A_1286 : memref<1x1x16384xf32, #tpu.memory_space<hbm>> -> memref<16384xf32, #tpu.memory_space<hbm>>
    tpu.enqueue_dma source(%arg10 : memref<16384xf32, #tpu.memory_space<vmem>>) target(%dma_start3A_1287 : memref<16384xf32, #tpu.memory_space<hbm>>) target_semaphore(%arg14 : memref<!tpu.dma_semaphore, #tpu.memory_space<semaphore_mem>>)
    %dma_wait3A_1288 = arith.constant 32768 : i32
    %dma_wait3A_1289 = tpu.memref_slice %arg4[%select_n3A_1058, %select_n3A_1074, %dma_wait3A_1288] : memref<32x2x65536xf32, #tpu.memory_space<hbm>> -> memref<1x1x16384xf32, #tpu.memory_space<hbm>>
    %dma_wait3A_1290 = tpu.memref_squeeze %dma_wait3A_1289 : memref<1x1x16384xf32, #tpu.memory_space<hbm>> -> memref<16384xf32, #tpu.memory_space<hbm>>
    %dma_wait3A_1291 = arith.constant 32768 : i32
    %dma_wait3A_1292 = tpu.memref_slice %arg4[%select_n3A_1058, %select_n3A_1074, %dma_wait3A_1291] : memref<32x2x65536xf32, #tpu.memory_space<hbm>> -> memref<1x1x16384xf32, #tpu.memory_space<hbm>>
    %dma_wait3A_1293 = tpu.memref_squeeze %dma_wait3A_1292 : memref<1x1x16384xf32, #tpu.memory_space<hbm>> -> memref<16384xf32, #tpu.memory_space<hbm>>
    tpu.wait_dma2 semaphore(%arg13 : memref<!tpu.dma_semaphore, #tpu.memory_space<semaphore_mem>>) src(%arg9 : memref<16384xf32, #tpu.memory_space<vmem>>) dst(%dma_wait3A_1293 : memref<16384xf32, #tpu.memory_space<hbm>>)
    %dma_wait3A_1294 = arith.constant 49152 : i32
    %dma_wait3A_1295 = tpu.memref_slice %arg4[%select_n3A_1133, %select_n3A_1149, %dma_wait3A_1294] : memref<32x2x65536xf32, #tpu.memory_space<hbm>> -> memref<1x1x16384xf32, #tpu.memory_space<hbm>>
    %dma_wait3A_1296 = tpu.memref_squeeze %dma_wait3A_1295 : memref<1x1x16384xf32, #tpu.memory_space<hbm>> -> memref<16384xf32, #tpu.memory_space<hbm>>
    %dma_wait3A_1297 = arith.constant 49152 : i32
    %dma_wait3A_1298 = tpu.memref_slice %arg4[%select_n3A_1133, %select_n3A_1149, %dma_wait3A_1297] : memref<32x2x65536xf32, #tpu.memory_space<hbm>> -> memref<1x1x16384xf32, #tpu.memory_space<hbm>>
    %dma_wait3A_1299 = tpu.memref_squeeze %dma_wait3A_1298 : memref<1x1x16384xf32, #tpu.memory_space<hbm>> -> memref<16384xf32, #tpu.memory_space<hbm>>
    tpu.wait_dma2 semaphore(%arg14 : memref<!tpu.dma_semaphore, #tpu.memory_space<semaphore_mem>>) src(%arg10 : memref<16384xf32, #tpu.memory_space<vmem>>) dst(%dma_wait3A_1299 : memref<16384xf32, #tpu.memory_space<hbm>>)
    return
  }
}

</mosaic_0001>

<sc_bundles>
// kernel: kernel.3.cloned.1.call-start
scs
__scs_entry_jumppad:
0x0: {  	(pc) =	sbr.rel $0x88, $3  }
0x1: {  	(tag) =	ssettag $0x0;
	lr =	simm.s32 $0x1  }
0x2: {  	[smem:$0x3F9F] =	sst lr;
	_ =	strace $0xD0000000  }
0x3: {  	_ = 	snop  }
0x4: {  	_ = 	snop  }
0x5: {  	_ = 	snop  }
0x6: {  	_ = 	snop  }
0x7: {  	_ = 	snop  }
__scs_overlays_trampoline_lowered:
0x8: {  	[smem:$0x3FAE] =	sst s0  }
0x9: {  	[smem:$0x3FAF] =	sst s1  }
0xa: {  	[smem:$0x3FB0] =	sst s2  }
0xb: {  	[smem:$0x3FB1] =	sst s3  }
0xc: {  	[smem:$0x3FB2] =	sst s4  }
0xd: {  	[smem:$0x3FB3] =	sst s5  }
0xe: {  	[smem:$0x3FB4] =	sst s6  }
0xf: {  	[smem:$0x3FB5] =	sst s7  }
0x10: {  	[smem:$0x3FB6] =	sst s8  }
0x11: {  	[smem:$0x3FB7] =	sst s9;
	s0 =	simm.s32 @!p0 $0x0  }
0x12: {  	s1 =	sld [smem:$0x3F9D];
	s0 =	simm.s32 @p0 $0x1  }
0x13: {  	[smem:$0x3FB8] =	sst s0;
	s0 =	simm.s32 @!p1 $0x0  }
0x14: {  	s2 =	sld [smem:$0x3F9C];
	s0 =	simm.s32 @p1 $0x1  }
0x15: {  	[smem:$0x3FB9] =	sst s0;
	s0 =	simm.s32 @!p2 $0x0  }
0x16: {  	s3 =	sld [smem:$0x3FDB];
	s0 =	simm.s32 @p2 $0x1  }
0x17: {  	s4 =	simm.s32 $0x1BF5;
	[smem:$0x3FBB] =	sst s0  }
0x18: {  	s0 =	sld [smem:$0x3F9E];
	_ =	swait.ge [sflag:s4], $0x0  }
0x19: {  	s7 =	sld [smem:$0x3F9F]  }
0x1a: {  	s8 =	sadd.s32 $0xFFFFE003, lr  }
0x1b: {  	s9 =	sadd.s32 $0xFFFFFEF7, lr;
	s5 =	simm.s32 $0xFFFFFFFF;
	p2 =	slt.u32 s8, $0xFFFFF086  }
0x1c: {  	p1 =	slt.u32 s9, $0xF7A;
	s5 =	simm.s32 @!p2 $0x0  }
0x1d: {  	s5 =	simm.s32 @p1 $0x1;
	p0 =	seq.s32 s7, s2  }
0x1e: {  	s7 =	smul.u32 @!p0 $0xF7A, s2;
	p2 =	seq.s32 @!p0 s5, $0x0  }
0x1f: {  	s9 =	smul.u32 $0xF7A, s1;
	s8 =	simm.s32 @!p0 $0x1BF5;
	p2 =	por !p2, p0  }
0x20: {  	[sflag:s8] =	ssyncset.s32 @!p0 $0xFFFFF086;
	s6 =	sadd.s32 @!p0 s3, s7;
	s7 =	simm.s32 @!p0 $0x108  }
0x21: {  	s3 =	sadd.s32 s3, s9;
	s6 =	sadd.s32 @!p0 $0x88, s6;
	s7 =	simm.s32 @p2 $0x1082  }
0x22: {  	[simem:s7], [sflag:s8] =	dma.local @!p0 [hbm:s6], $0xF7A  }
0x23: {  	s9 =	sor.u32 $0xD0000000, s2;
	s6 =	simm.s32 $0x108;
	_ =	swait.ge @!p0 [sflag:s8], $0x0  }
0x24: {  	s3 =	sadd.s32 $0x88, s3;
	s6 =	simm.s32 @!p1 $0x1082;
	[sflag:s4] =	ssyncset.s32 $0xFFFFF086  }
0x25: {  	[simem:s6], [sflag:s4] =	dma.local [hbm:s3], $0xF7A  }
0x26: {  	[smem:$0x3F9F] =	sst s1;
	(tag) =	ssettag s2;
	_ =	strace s9  }
0x27: {  	s1 =	sld [smem:$0x3FAF]  }
0x28: {  	s2 =	sld [smem:$0x3FB0]  }
0x29: {  	s4 =	sld [smem:$0x3FB2]  }
0x2a: {  	p0 =	seq.s32 s5, $0x0;
	s5 =	sld [smem:$0x3FB3]  }
0x2b: {  	s6 =	sld [smem:$0x3FB4]  }
0x2c: {  	s7 =	sld [smem:$0x3FB5]  }
0x2d: {  	s3 =	simm.s32 $0x108;
	s8 =	sld [smem:$0x3FB6]  }
0x2e: {  	s3 =	simm.s32 @!p0 $0x1082;
	s9 =	sld [smem:$0x3FB7]  }
0x2f: {  	lr =	sadd.s32 s0, s3;
	s0 =	sld [smem:$0x3FAE]  }
0x30: {  	s3 =	sld [smem:$0x3FB1]  }
0x31: {  	[smem:$0x3FBA] =	sst s10  }
0x32: {  	s10 =	sld [smem:$0x3FB8];
	_ =	sdelay $0x3  }
0x33: {  	p0 =	seq.s32 s10, $0x1;
	s10 =	sld [smem:$0x3FBA];
	_ =	sdelay $0x3  }
0x34: {  	[smem:$0x3FBA] =	sst s10  }
0x35: {  	s10 =	sld [smem:$0x3FB9];
	_ =	sdelay $0x3  }
0x36: {  	p1 =	seq.s32 s10, $0x1;
	s10 =	sld [smem:$0x3FBA];
	_ =	sdelay $0x3  }
0x37: {  	[smem:$0x3FBA] =	sst s10  }
0x38: {  	s10 =	sld [smem:$0x3FBB]  }
0x39: {  	_ = 	snop;
	(pc) =	sbr.ind lr, $3  }
0x3a: {  	_ = 	snop  }
0x3b: {  	_ = 	snop  }
0x3c: {  	p2 =	seq.s32 s10, $0x1;
	s10 =	sld [smem:$0x3FBA]  }
0x3d: {  	_ =	shalt  }
0x3e: {  	_ =	shalt  }
0x3f: {  	_ =	shalt  }
0x40: {  	_ =	shalt  }
0x41: {  	_ =	shalt  }
0x42: {  	_ =	shalt  }
0x43: {  	_ =	shalt  }
0x44: {  	_ =	shalt  }
0x45: {  	_ =	shalt  }
0x46: {  	_ =	shalt  }
0x47: {  	_ =	shalt  }
0x48: {  	_ =	shalt  }
0x49: {  	_ =	shalt  }
0x4a: {  	_ =	shalt  }
0x4b: {  	_ =	shalt  }
0x4c: {  	_ =	shalt  }
0x4d: {  	_ =	shalt  }
0x4e: {  	_ =	shalt  }
0x4f: {  	_ =	shalt  }
0x50: {  	_ =	shalt  }
0x51: {  	_ =	shalt  }
0x52: {  	_ =	shalt  }
0x53: {  	_ =	shalt  }
0x54: {  	_ =	shalt  }
0x55: {  	_ =	shalt  }
0x56: {  	_ =	shalt  }
0x57: {  	_ =	shalt  }
0x58: {  	_ =	shalt  }
0x59: {  	_ =	shalt  }
0x5a: {  	_ =	shalt  }
0x5b: {  	_ =	shalt  }
0x5c: {  	_ =	shalt  }
0x5d: {  	_ =	shalt  }
0x5e: {  	_ =	shalt  }
0x5f: {  	_ =	shalt  }
0x60: {  	_ =	shalt  }
0x61: {  	_ =	shalt  }
0x62: {  	_ =	shalt  }
0x63: {  	_ =	shalt  }
0x64: {  	_ =	shalt  }
0x65: {  	_ =	shalt  }
0x66: {  	_ =	shalt  }
0x67: {  	_ =	shalt  }
0x68: {  	_ =	shalt  }
0x69: {  	_ =	shalt  }
0x6a: {  	_ =	shalt  }
0x6b: {  	_ =	shalt  }
0x6c: {  	_ =	shalt  }
0x6d: {  	_ =	shalt  }
0x6e: {  	_ =	shalt  }
0x6f: {  	_ =	shalt  }
0x70: {  	_ =	shalt  }
0x71: {  	_ =	shalt  }
0x72: {  	_ =	shalt  }
0x73: {  	_ =	shalt  }
0x74: {  	_ =	shalt  }
0x75: {  	_ =	shalt  }
0x76: {  	_ =	shalt  }
0x77: {  	_ =	shalt  }
0x78: {  	_ =	shalt  }
0x79: {  	_ =	shalt  }
0x7a: {  	_ =	shalt  }
0x7b: {  	_ =	shalt  }
0x7c: {  	_ =	shalt  }
0x7d: {  	_ =	shalt  }
0x7e: {  	_ =	shalt  }
0x7f: {  	_ =	shalt  }
0x80: {  	_ =	shalt  }
0x81: {  	_ =	shalt  }
0x82: {  	_ =	shalt  }
0x83: {  	_ =	shalt  }
0x84: {  	_ =	shalt  }
0x85: {  	_ =	shalt  }
0x86: {  	_ =	shalt  }
0x87: {  	_ =	shalt  }
.Lfunc_end0:
.L_simem_size_0:
called_computation_lowered:
.L_overlay_start_0:
0x88: {  	s2 =	sld [smem:$0x3FD9]  }
0x89: {  	s3 =	sld [smem:$0x3FFE];
	_ =	sdelay $0x1  }
0x8a: {  	s1 =	srdreg.scid  }
0x8b: {  	s0 =	sand.u32 $0x1, s1  }
0x8c: {  	s18 =	sshll.u32 s0, $0xA;
	s2 =	sadd.s32 s3, s2  }
0x8d: {  	s2 =	sadd.s32 s2, s18  }
0x8e: {  	[smem:$0x3FC6] =	sst s2  }
0x8f: {  	_ = 	snop  }
0x90: {  	s2 =	sld [smem:$0x3FC9]  }
0x91: {  	s19 =	sld [smem:$0x3FC8]  }
0x92: {  	s4 =	sld [smem:$0x3FD0];
	(tm) =	ssettm $0x1  }
0x93: {  	s5 =	sld [smem:$0x3FFB];
	_ =	sdelay $0x3  }
0x94: {  	_ =	strace s5  }
0x95: {  	s5 =	sld [smem:$0x3FFC];
	_ =	sdelay $0x3  }
0x96: {  	_ =	strace s5  }
0x97: {  	s5 =	sld [smem:$0x3FFD];
	_ =	sdelay $0x3  }
0x98: {  	_ =	strace s5  }
0x99: {  	_ =	strace $0x8FFFFFFF  }
0x9a: {  	s20 =	sld [smem:$0x3FDB];
	_ =	sdelay $0x1  }
0x9b: {  	s6 =	simm.s32 $_scs_section_size  }
0x9c: {  	s7 =	simm.s32 $_size__tile_overlayer_lowered;
	s8 =	simm.s32 $_tile_overlayer_lowered  }
0x9d: {  	s23 =	simm.s32 $0x1BFF;
	s22 =	sshll.u32 s8, $0x1;
	s5 =	sadd.s32 s6, s20  }
0x9e: {  	s9 =	simm.s32 $0x0;
	s21 =	sshll.u32 s7, $0x1;
	s7 =	sadd.s32 s22, s5  }
0x9f: {  	[timem:s9], [sflag:s23] =	dma.local [hbm:s7], s21  }
0xa0: {  	_ =	swait.ge [sflag:s23], s21  }
0xa1: {  	s6 =	ssub.s32 $0x0, s21;
	[sflag:s23] =	ssyncset.done $0x0  }
0xa2: {  	[sflag:s23] =	ssyncadd.s32 s6;
	_ =	sdelay $0x1  }
0xa3: {  	s24 =	simm.s32 $0x1B8B  }
0xa4: {  	_ =	swait.ge [sflag:s24], $0x1  }
0xa5: {  	[sflag:s24] =	ssyncset.done $0x0  }
0xa6: {  	s25 =	simm.s32 $0x1B8E;
	[sflag:s24] =	ssyncadd.s32 $0xFFFFFFFF  }
0xa7: {  	s26 =	simm.s32 $execute0_lowered;
	[smem:$0x3FD2] =	sst s25  }
0xa8: {  	s6 =	sshll.u32 s26, $0x1;
	_ =	strace $0x80000046;
	[dreg:$0x1] =	wrdreg $0xFFFFFFFF  }
0xa9: {  	s28 =	simm.s32 $_size_execute0_lowered;
	s5 =	sadd.s32 s5, s6;
	[dreg:$0x0] =	wrdreg $0x0  }
0xaa: {  	s6 =	sshll.u32 s28, $0x1;
	[dreg:$0x2] =	wrdreg s5  }
0xab: {  	[dreg:$0x3] =	wrdreg s6  }
0xac: {  	[dreg:$0x4] =	wrdreg $0xC0  }
0xad: {  	_ =	task [dreg:s9], $0x5FFFF  }
0xae: {  	[dreg:$0x1] =	wrdreg $0xFFFFFFFF  }
0xaf: {  	[dreg:$0x0] =	wrdreg $0x60  }
0xb0: {  	[dreg:$0x2] =	wrdreg s2  }
0xb1: {  	[dreg:$0x3] =	wrdreg s19  }
0xb2: {  	[dreg:$0x4] =	wrdreg s4  }
0xb3: {  	[dreg:$0x5] =	wrdreg $0x9  }
0xb4: {  	_ =	task.clear_ibuf [dreg:s9], $0x6FFFF;
	_ =	strace $0x90000046  }
0xb5: {  	s29 =	simm.s32 $0x9;
	_ =	strace $0x80000048  }
0xb6: {  	_ =	swait.ge [sflag:s29], $0x1  }
0xb7: {  	[sflag:s29] =	ssyncadd.s32 $0xFFFFFFFF  }
0xb8: {  	_ =	strace $0x90000048  }
0xb9: {  	_ =	sfence  }
0xba: {  	s30 =	sld [smem:$0x0];
	_ =	sdelay $0x2  }
0xbb: {  	s31 =	sshll.u32 s1, $0xD;
	s1 =	sshrl.u32 s1, $0x2  }
0xbc: {  	s3 =	sand.u32 $0x4000, s31;
	s1 =	sadd.s32 s1, s30  }
0xbd: {  	s0 =	sor.u32 s3, s0;
	s1 =	sshll.u32 s1, $0x11  }
0xbe: {  	s0 =	sor.u32 s1, s0  }
0xbf: {  	s0 =	sadd.s32 $0x8F2B, s0  }
0xc0: {  	[sflag:s0] =	ssyncadd.remote.s32 $0x1  }
0xc1: {  	_ =	sfence.sel $0xFFFF  }
0xc2: {  	[dreg:$0x0] =	wrdreg $0xFFFFFFFF;
	(pc) =	sbr.abs _section_cstart, $3  }
0xc3: {  	[dreg:$0x1] =	wrdreg $0xFFFFFFFF  }
0xc4: {  	_ =	task.clear_ibuf [dreg:s9], $0x2FFFF;
	_ =	strace $0x9FFFFFFF  }
0xc5: {  	(tm) =	ssettm $0x7FFFFFFF  }
tec
execute0_lowered:
.L_overlay_start_1:
0x0: {  	(tag) =	ssettag $0x1  }
0x1: {  	v0 =	vimm.f32 $6.548700000e+04;
	vm13 =	vcmask $0x300;
	vm14 =	vcmask $0x704  }
0x2: {  	vm11 =	vcmask $0xB08;
	v1 =	vimm.f32 $-6.548700000e+04;
	vm12 =	vcmask $0xF0C  }
0x3: {  	vm10 =	vcmask $0x1310;
	vm9 =	vcmask $0x1714;
	vm8 =	vcmask $0x1B18  }
0x4: {  	vm7 =	vcmask $0x1F1C;
	vm6 =	vcmask $0x2320;
	vm1 =	vcmask $0x2724  }
0x5: {  	vm2 =	vcmask $0x2B28;
	vm3 =	vcmask $0x2F2C;
	vm0 =	vcmask $0x3330  }
0x6: {  	v2 =	vimm.f32 $6.550300000e+04;
	v3 =	vimm.f32 $-6.550300000e+04;
	v4 =	vimm.f32 $6.551900000e+04  }
0x7: {  	v6 =	vimm.f32 $-6.551900000e+04;
	v7 =	vimm.f32 $6.553500000e+04;
	v8 =	vimm.f32 $-6.553500000e+04  }
0x8: {  	s2 =	rddreg [dreg:$0x0];
	v0 =	vsel vm13, $0x477FC000, v0;
	v1 =	vsel vm13, $0xC77FC000, v1;
	v2 =	vsel vm13, $0x477FD000, v2  }
0x9: {  	s3 =	rddreg [dreg:$0x1];
	s1 =	simm.s32 $0x0;
	s30 =	simm.s32 $0x8100;
	v3 =	vsel vm13, $0xC77FD000, v3;
	v4 =	vsel vm13, $0x477FE000, v4;
	v6 =	vsel vm13, $0xC77FE000, v6  }
0xa: {  	s31 =	simm.s32 $0x4080;
	[smem:$0x7FF] =	sst s1;
	v7 =	vsel vm13, $0x477FF000, v7;
	v8 =	vsel vm13, $0xC77FF000, v8;
	v0 =	vsel vm14, $0x477FC100, v0  }
0xb: {  	s0 =	rddreg [dreg:$0x2];
	_ =	strace $0x80000047;
	v1 =	vsel vm14, $0xC77FC100, v1;
	v2 =	vsel vm14, $0x477FD100, v2  }
0xc: {  	v3 =	vsel vm14, $0xC77FD100, v3;
	v4 =	vsel vm14, $0x477FE100, v4;
	v6 =	vsel vm14, $0xC77FE100, v6  }
0xd: {  	s4 =	srdreg.scid;
	v7 =	vsel vm14, $0x477FF100, v7;
	v8 =	vsel vm14, $0xC77FF100, v8;
	v0 =	vsel vm11, $0x477FC200, v0  }
0xe: {  	s6 =	stileid.u32;
	s5 =	sand.u32 $0x1, s4;
	v1 =	vsel vm11, $0xC77FC200, v1;
	v2 =	vsel vm11, $0x477FD200, v2;
	v3 =	vsel vm11, $0xC77FD200, v3  }
0xf: {  	s24 =	sshll.u32 s6, $0x2;
	s25 =	sshll.u32 s5, $0x1;
	v4 =	vsel vm11, $0x477FE200, v4;
	v6 =	vsel vm11, $0xC77FE200, v6;
	v7 =	vsel vm11, $0x477FF200, v7  }
0x10: {  	s6 =	sor.u32 s25, s24;
	v8 =	vsel vm11, $0xC77FF200, v8;
	v0 =	vsel vm12, $0x477FC300, v0;
	v1 =	vsel vm12, $0xC77FC300, v1  }
0x11: {  	s4 =	sshll.u32 s6, $0xD;
	s6 =	sshll.u32 s6, $0xB;
	v2 =	vsel vm12, $0x477FD300, v2;
	v3 =	vsel vm12, $0xC77FD300, v3  }
0x12: {  	v4 =	vsel vm12, $0x477FE300, v4;
	v6 =	vsel vm12, $0xC77FE300, v6;
	v7 =	vsel vm12, $0x477FF300, v7  }
0x13: {  	v8 =	vsel vm12, $0xC77FF300, v8;
	v0 =	vsel vm10, $0x477FC400, v0;
	v1 =	vsel vm10, $0xC77FC400, v1  }
0x14: {  	vm4 =	vcmask $0x3734;
	s26 =	sor.u32 $0x1000, s4;
	s13 =	sor.u32 $0x2000, s4;
	s14 =	sor.u32 $0x3000, s4;
	v2 =	vsel vm10, $0x477FD400, v2  }
0x15: {  	s15 =	sor.u32 $0x1010, s4;
	v3 =	vsel vm10, $0xC77FD400, v3;
	v4 =	vsel vm10, $0x477FE400, v4;
	s16 =	sor.u32 $0x2010, s4  }
0x16: {  	s3 =	sadd.s32 s3, s6;
	v6 =	vsel vm10, $0xC77FE400, v6;
	v7 =	vsel vm10, $0x477FF400, v7;
	v8 =	vsel vm10, $0xC77FF400, v8  }
0x17: {  	s11 =	sor.u32 $0x3010, s4;
	v0 =	vsel vm9, $0x477FC500, v0;
	v1 =	vsel vm9, $0xC77FC500, v1;
	s7 =	sadd.s32 $0x400, s3  }
0x18: {  	v5 =	vlaneseq.u32;
	vm5 =	vcmask $0x3B38;
	s8 =	sadd.s32 $0x800, s3;
	s9 =	sadd.s32 $0xC00, s3;
	s10 =	sadd.s32 $0x410, s3;
	v2 =	vsel vm9, $0x477FD500, v2  }
0x19: {  	v3 =	vsel vm9, $0xC77FD500, v3;
	v4 =	vsel vm9, $0x477FE500, v4;
	v6 =	vsel vm9, $0xC77FE500, v6  }
0x1a: {  	v7 =	vsel vm9, $0x477FF500, v7;
	v8 =	vsel vm9, $0xC77FF500, v8;
	v0 =	vsel vm8, $0x477FC600, v0  }
0x1b: {  	v1 =	vsel vm8, $0xC77FC600, v1;
	v2 =	vsel vm8, $0x477FD600, v2;
	v3 =	vsel vm8, $0xC77FD600, v3  }
0x1c: {  	s20 =	sadd.s32 s2, s26;
	s6 =	sadd.s32 s0, s26;
	s26 =	sadd.s32 s0, s14;
	v4 =	vsel vm8, $0x477FE600, v4;
	v6 =	vsel vm8, $0xC77FE600, v6;
	v7 =	vsel vm8, $0x477FF600, v7  }
0x1d: {  	v5 =	vshrl.u32 v5, $0x2;
	s28 =	sadd.s32 $0xC10, s3;
	v8 =	vsel vm8, $0xC77FF600, v8;
	[dreg:$0x10] =	wrdreg s26;
	s26 =	sadd.s32 $0x810, s3;
	v0 =	vsel vm7, $0x477FC700, v0  }
0x1e: {  	v1 =	vsel vm7, $0xC77FC700, v1;
	v2 =	vsel vm7, $0x477FD700, v2;
	v3 =	vsel vm7, $0xC77FD700, v3  }
0x1f: {  	v4 =	vsel vm7, $0x477FE700, v4;
	v6 =	vsel vm7, $0xC77FE700, v6;
	v7 =	vsel vm7, $0x477FF700, v7  }
0x20: {  	v8 =	vsel vm7, $0xC77FF700, v8;
	v0 =	vsel vm6, $0x477FC800, v0;
	v1 =	vsel vm6, $0xC77FC800, v1  }
0x21: {  	v2 =	vsel vm6, $0x477FD800, v2;
	v3 =	vsel vm6, $0xC77FD800, v3;
	v4 =	vsel vm6, $0x477FE800, v4  }
0x22: {  	v6 =	vsel vm6, $0xC77FE800, v6;
	v7 =	vsel vm6, $0x477FF800, v7;
	v8 =	vsel vm6, $0xC77FF800, v8  }
0x23: {  	s19 =	sadd.s32 s2, s4;
	v0 =	vsel vm1, $0x477FC900, v0;
	v1 =	vsel vm1, $0xC77FC900, v1;
	v2 =	vsel vm1, $0x477FD900, v2  }
0x24: {  	s21 =	sadd.s32 s0, s4;
	[dreg:$0x8] =	wrdreg s19;
	v3 =	vsel vm1, $0xC77FD900, v3;
	v4 =	vsel vm1, $0x477FE900, v4;
	v6 =	vsel vm1, $0xC77FE900, v6  }
0x25: {  	[dreg:$0xa] =	wrdreg s21;
	v0 =	vsel vm2, $0x477FCA00, v0;
	v1 =	vsel vm2, $0xC77FCA00, v1;
	v2 =	vsel vm2, $0x477FDA00, v2  }
0x26: {  	[dreg:$0x4] =	wrdreg s7;
	v3 =	vsel vm2, $0xC77FDA00, v3;
	v4 =	vsel vm2, $0x477FEA00, v4;
	v6 =	vsel vm2, $0xC77FEA00, v6  }
0x27: {  	[dreg:$0x5] =	wrdreg s8;
	v0 =	vsel vm3, $0x477FCB00, v0;
	v1 =	vsel vm3, $0xC77FCB00, v1;
	v2 =	vsel vm3, $0x477FDB00, v2  }
0x28: {  	s5 =	ssub.s32 $0x2, s5;
	[dreg:$0x6] =	wrdreg s9;
	v3 =	vsel vm3, $0xC77FDB00, v3;
	v4 =	vsel vm3, $0x477FEB00, v4;
	v6 =	vsel vm3, $0xC77FEB00, v6  }
0x29: {  	s29 =	simm.s32 $0x80;
	s12 =	sshrl.u32 s5, $0x1;
	[dreg:$0x7] =	wrdreg s10;
	v0 =	vsel vm0, $0x477FCC00, v0;
	v1 =	vsel vm0, $0xC77FCC00, v1;
	v2 =	vsel vm0, $0x477FDC00, v2  }
0x2a: {  	s5 =	ssub.s32 s5, s12;
	s22 =	sadd.s32 s2, s13;
	[dreg:$0x9] =	wrdreg s20;
	v3 =	vsel vm0, $0xC77FDC00, v3;
	v4 =	vsel vm0, $0x477FEC00, v4;
	v6 =	vsel vm0, $0xC77FEC00, v6  }
0x2b: {  	s4 =	sor.u32 $0x10, s4;
	s23 =	sadd.s32 s2, s14;
	[dreg:$0xb] =	wrdreg s22;
	v0 =	vsel vm4, $0x477FCD00, v0;
	v1 =	vsel vm4, $0xC77FCD00, v1;
	v2 =	vsel vm4, $0x477FDD00, v2  }
0x2c: {  	s24 =	sadd.s32 s0, s13;
	s25 =	sadd.s32 s2, s4;
	[dreg:$0xc] =	wrdreg s6;
	v3 =	vsel vm4, $0xC77FDD00, v3;
	v4 =	vsel vm4, $0x477FED00, v4;
	v9 =	vsel vm4, $0xC77FED00, v6  }
0x2d: {  	s17 =	sadd.s32 s2, s15;
	s18 =	sadd.s32 s0, s4;
	[dreg:$0xd] =	wrdreg s23;
	v6 =	vsel vm1, $0x477FF900, v7;
	v7 =	vsel vm1, $0xC77FF900, v8;
	v0 =	vsel vm5, $0x477FCE00, v0  }
0x2e: {  	s19 =	sadd.s32 s2, s16;
	s21 =	sadd.s32 s2, s11;
	[dreg:$0xf] =	wrdreg s25;
	v1 =	vsel vm5, $0xC77FCE00, v1;
	v2 =	vsel vm5, $0x477FDE00, v2;
	v3 =	vsel vm5, $0xC77FDE00, v3  }
0x2f: {  	s20 =	sadd.s32 s0, s15;
	s22 =	sadd.s32 s0, s16;
	s23 =	sadd.s32 s0, s11;
	v4 =	vsel vm5, $0x477FEE00, v4;
	v8 =	vsel vm2, $0x477FFA00, v6;
	v7 =	vsel vm2, $0xC77FFA00, v7  }
0x30: {  	s25 =	smax.u32 s5, $0x1;
	s0 =	simm.s32 $0x9100;
	s5 =	simm.s32 $0xA100;
	v6 =	vor.u32 $0x4, v5;
	v8 =	vsel vm3, $0x477FFB00, v8;
	v10 =	vsel vm3, $0xC77FFB00, v7  }
0x31: {  	s2 =	simm.s32 $0x1;
	s4 =	simm.s32 $0x100;
	[dreg:$0xe] =	wrdreg s24;
	v9 =	vsel vm5, $0xC77FEE00, v9;
	v11 =	vsel vm0, $0x477FFC00, v8;
	v10 =	vsel vm0, $0xC77FFC00, v10  }
0x32: {  	s24 =	sadd.s32 $0x10, s3;
	s6 =	simm.s32 $0x2;
	s7 =	simm.s32 $0xE100;
	v7 =	vor.u32 $0xC, v5;
	v11 =	vsel vm4, $0x477FFD00, v11;
	v12 =	vsel vm4, $0xC77FFD00, v10  }
0x33: {  	s8 =	simm.s32 $0x3;
	s9 =	simm.s32 $0x4;
	s10 =	simm.s32 $0x0;
	v8 =	vor.u32 $0x8, v5;
	v10 =	vsel vm5, $0x477FFE00, v11;
	v11 =	vsel vm5, $0xC77FFE00, v12  }
.LBB2_1:
0x34: {  	s11 =	rddreg [dreg:$0x8]  }
0x35: {  	[tilespmem:s1], [sflag:$0x1] =	stream.strided.gather [hbm4b:s11+s29], $0x4080, s4, s29, $0x38;
	[tilespmem:$0x12100] =	vst v63  }
0x36: {  	_ = 	snop  }
0x37: {  	[tilespmem:s30], [sflag:$0x1] =	stream.strided.gather [hbm4b:s3+s29], $0x1000, s4, s29, $0x38;
	[tilespmem:$0x12100] =	vst v63  }
0x38: {  	s15 =	rddreg [dreg:$0x9]  }
0x39: {  	[tilespmem:s31], [sflag:$0x2] =	stream.strided.gather [hbm4b:s15+s29], $0x4080, s4, s29, $0x38;
	[tilespmem:$0x12100] =	vst v63  }
0x3a: {  	s16 =	rddreg [dreg:$0x4]  }
0x3b: {  	[tilespmem:s0], [sflag:$0x2] =	stream.strided.gather [hbm4b:s16+s29], $0x1000, s4, s29, $0x38;
	[tilespmem:$0x12100] =	vst v63  }
0x3c: {  	_ =	swait.ge [sflag:s2], $0x4080  }
0x3d: {  	[sflag:s2] =	ssyncset.done $0x0  }
0x3e: {  	[sflag:s2] =	ssyncadd.s32 $0xFFFFBF80  }
0x3f: {  	_ =	swait.ge [sflag:s2], $0x1000  }
0x40: {  	[sflag:s2] =	ssyncset.done $0x0  }
0x41: {  	s12 =	simm.s32 $0x8140;
	[sflag:s2] =	ssyncadd.s32 $0xFFFFF000  }
0x42: {  	v12 =	vld [tilespmem:s12+$0x30]  }
0x43: {  	v14 =	vld [tilespmem:s4+$0xC0]  }
0x44: {  	v13 =	vld [tilespmem:s4+$0xC1]  }
0x45: {  	v20 =	vld [tilespmem:s4+$0xFFFFFF00]  }
0x46: {  	v21 =	vld [tilespmem:s4+$0xFFFFFF01]  }
0x47: {  	v18 =	vld [tilespmem:s12+$0xFFFFFFD0]  }
0x48: {  	v19 =	vld [tilespmem:s4+$0xFFFFFF40]  }
0x49: {  	v16 =	vld [tilespmem:s4+$0xFFFFFF41]  }
0x4a: {  	v17 =	vld [tilespmem:s12+$0xFFFFFFE0];
	v15 =	vperm.xlane v12, v5;
	v13 =	vsub.f32 v13, v14  }
0x4b: {  	v22 =	vld [tilespmem:s4+$0xFFFFFF80]  }
0x4c: {  	v23 =	vld [tilespmem:s4+$0xFFFFFF81];
	v15 =	vmul.f32 v13, v15  }
0x4d: {  	v24 =	vld [tilespmem:s4+$0xFFFFFFC0]  }
0x4e: {  	v25 =	vld [tilespmem:s4+$0xFFFFFFC1];
	v14 =	vadd.f32 v15, v14  }
0x4f: {  	s11 =	simm.s32 $0xA200;
	v28 =	vld [tilespmem:s4+$0x0]  }
0x50: {  	v29 =	vld [tilespmem:s4+$0x1];
	v30 =	vperm.xlane v18, v5;
	v16 =	vsub.f32 v16, v19;
	[tilespmem:s11+$0xC0] =	vst v14  }
0x51: {  	v26 =	vld [tilespmem:s4+$0xD0]  }
0x52: {  	v30 =	vmul.f32 v16, v30;
	v27 =	vld [tilespmem:s4+$0xD1]  }
0x53: {  	v31 =	vld [tilespmem:s4+$0x40]  }
0x54: {  	v33 =	vld [tilespmem:s4+$0x41];
	v19 =	vadd.f32 v30, v19  }
0x55: {  	v13 =	vld [tilespmem:s12+$0xFFFFFFF0]  }
0x56: {  	v39 =	vperm.xlane v17, v5;
	v23 =	vsub.f32 v23, v22;
	[tilespmem:s11+$0xFFFFFF40] =	vst v19;
	v19 =	vld [tilespmem:s12+$0xFFFFFFC0]  }
0x57: {  	v40 =	vld [tilespmem:s4+$0x80];
	v32 =	vperm.xlane v12, v6;
	v27 =	vsub.f32 v27, v26  }
0x58: {  	v35 =	vld [tilespmem:s4+$0x81];
	v23 =	vmul.f32 v23, v39  }
0x59: {  	v16 =	vld [tilespmem:s12+$0x20];
	v27 =	vmul.f32 v27, v32  }
0x5a: {  	v25 =	vsub.f32 v25, v24;
	v15 =	vld [tilespmem:s12+$0x0];
	v22 =	vadd.f32 v23, v22;
	v34 =	vperm.xlane v13, v5  }
0x5b: {  	v21 =	vsub.f32 v21, v20;
	v14 =	vld [tilespmem:s12+$0x10];
	v42 =	vperm.xlane v19, v5;
	v26 =	vadd.f32 v27, v26  }
0x5c: {  	[tilespmem:s11+$0xFFFFFF80] =	vst v22;
	v41 =	vld [tilespmem:s4+$0xFFFFFF51];
	v25 =	vmul.f32 v25, v34  }
0x5d: {  	v43 =	vld [tilespmem:s4+$0xFFFFFF90];
	v21 =	vmul.f32 v21, v42;
	[tilespmem:s11+$0xD0] =	vst v26  }
0x5e: {  	v24 =	vadd.f32 v25, v24;
	v26 =	vsub.f32 v29, v28;
	v29 =	vld [tilespmem:s4+$0xE0]  }
0x5f: {  	v23 =	vperm.xlane v15, v5;
	v20 =	vadd.f32 v21, v20;
	v25 =	vld [tilespmem:s4+$0xE1]  }
0x60: {  	[tilespmem:s11+$0xFFFFFFC0] =	vst v24;
	v24 =	vld [tilespmem:s4+$0xFFFFFF91]  }
0x61: {  	v22 =	vperm.xlane v14, v5;
	v27 =	vld [tilespmem:s4+$0xFFFFFF50];
	[tilespmem:s11+$0xFFFFFF00] =	vst v20;
	v23 =	vmul.f32 v26, v23;
	v26 =	vsub.f32 v33, v31  }
0x62: {  	v45 =	vsub.f32 v35, v40;
	v46 =	vld [tilespmem:s4+$0xFFFFFF10]  }
0x63: {  	v44 =	vperm.xlane v16, v5;
	v47 =	vld [tilespmem:s4+$0xFFFFFF11];
	v23 =	vadd.f32 v23, v28;
	v22 =	vmul.f32 v26, v22  }
0x64: {  	v26 =	vld [tilespmem:s4+$0xFFFFFFD0];
	v28 =	vperm.xlane v12, v8;
	v25 =	vsub.f32 v25, v29  }
0x65: {  	[tilespmem:s11+$0x0] =	vst v23;
	v22 =	vadd.f32 v22, v31;
	v23 =	vld [tilespmem:s4+$0xFFFFFFD1];
	v31 =	vmul.f32 v45, v44  }
0x66: {  	v21 =	vld [tilespmem:s4+$0x10];
	v25 =	vmul.f32 v25, v28  }
0x67: {  	v32 =	vsub.f32 v41, v27;
	[tilespmem:s11+$0x40] =	vst v22;
	v22 =	vld [tilespmem:s4+$0x11];
	v28 =	vperm.xlane v18, v6;
	v30 =	vadd.f32 v31, v40  }
0x68: {  	v20 =	vld [tilespmem:s4+$0x50];
	v25 =	vadd.f32 v25, v29  }
0x69: {  	v24 =	vsub.f32 v24, v43;
	v48 =	vld [tilespmem:s4+$0x51];
	v29 =	vperm.xlane v17, v6;
	v28 =	vmul.f32 v32, v28;
	[tilespmem:s11+$0x80] =	vst v30  }
0x6a: {  	v23 =	vsub.f32 v23, v26;
	v30 =	vld [tilespmem:s4+$0x90];
	[tilespmem:s11+$0xE0] =	vst v25  }
0x6b: {  	v25 =	vperm.xlane v13, v6;
	v27 =	vadd.f32 v28, v27;
	v24 =	vmul.f32 v24, v29;
	v49 =	vld [tilespmem:s4+$0xF0]  }
0x6c: {  	v29 =	vperm.xlane v19, v6;
	v28 =	vld [tilespmem:s4+$0xF1]  }
0x6d: {  	[tilespmem:s11+$0xFFFFFF50] =	vst v27;
	v24 =	vadd.f32 v24, v43;
	v23 =	vmul.f32 v23, v25;
	v25 =	vsub.f32 v47, v46;
	v27 =	vld [tilespmem:s4+$0x91]  }
0x6e: {  	v50 =	vperm.xlane v15, v6;
	v22 =	vsub.f32 v22, v21;
	v51 =	vld [tilespmem:s4+$0xFFFFFF60]  }
0x6f: {  	[tilespmem:s11+$0xFFFFFF90] =	vst v24;
	v23 =	vadd.f32 v23, v26;
	v24 =	vmul.f32 v25, v29;
	v25 =	vld [tilespmem:s4+$0xFFFFFF61]  }
0x70: {  	v22 =	vmul.f32 v22, v50;
	v29 =	vld [tilespmem:s4+$0xFFFFFFA0]  }
0x71: {  	v26 =	vperm.xlane v14, v6;
	v52 =	vld [tilespmem:s4+$0xFFFFFFA1];
	[tilespmem:s11+$0xFFFFFFD0] =	vst v23;
	v23 =	vsub.f32 v48, v20;
	v24 =	vadd.f32 v24, v46  }
0x72: {  	v53 =	vperm.xlane v16, v6;
	v54 =	vld [tilespmem:s4+$0xFFFFFFE0]  }
0x73: {  	v21 =	vadd.f32 v22, v21;
	v22 =	vmul.f32 v23, v26;
	v23 =	vsub.f32 v27, v30;
	[tilespmem:s11+$0xFFFFFF10] =	vst v24;
	v24 =	vld [tilespmem:s4+$0xFFFFFFE1]  }
0x74: {  	v26 =	vperm.xlane v18, v8;
	v27 =	vld [tilespmem:s4+$0xFFFFFF20]  }
0x75: {  	[tilespmem:s11+$0x10] =	vst v21;
	v21 =	vsub.f32 v25, v51;
	v20 =	vadd.f32 v22, v20;
	v22 =	vmul.f32 v23, v53;
	v23 =	vld [tilespmem:s4+$0xFFFFFF21]  }
0x76: {  	v55 =	vld [tilespmem:s4+$0x20];
	v25 =	vperm.xlane v17, v8  }
0x77: {  	[tilespmem:s11+$0x50] =	vst v20;
	v20 =	vmul.f32 v21, v26;
	v21 =	vsub.f32 v52, v29;
	v22 =	vadd.f32 v22, v30;
	v26 =	vld [tilespmem:s4+$0x21]  }
0x78: {  	v56 =	vperm.xlane v13, v8;
	v57 =	vld [tilespmem:s4+$0x60]  }
0x79: {  	v24 =	vsub.f32 v24, v54;
	v20 =	vadd.f32 v20, v51;
	v21 =	vmul.f32 v21, v25;
	[tilespmem:s11+$0x90] =	vst v22;
	v22 =	vld [tilespmem:s4+$0x61]  }
0x7a: {  	v25 =	vperm.xlane v19, v8;
	v23 =	vsub.f32 v23, v27;
	v58 =	vld [tilespmem:s4+$0xA0]  }
0x7b: {  	[tilespmem:s11+$0xFFFFFF60] =	vst v20;
	v20 =	vadd.f32 v21, v29;
	v21 =	vmul.f32 v24, v56;
	v24 =	vld [tilespmem:s4+$0xA1]  }
0x7c: {  	v23 =	vmul.f32 v23, v25;
	v25 =	vld [tilespmem:s4+$0xFFFFFF70]  }
0x7d: {  	v29 =	vperm.xlane v15, v8;
	[tilespmem:s11+$0xFFFFFFA0] =	vst v20;
	v20 =	vadd.f32 v21, v54;
	v21 =	vsub.f32 v26, v55;
	v26 =	vld [tilespmem:s4+$0xFFFFFF71]  }
0x7e: {  	v23 =	vadd.f32 v23, v27;
	v27 =	vld [tilespmem:s4+$0xFFFFFFB0]  }
0x7f: {  	v59 =	vperm.xlane v14, v8;
	v22 =	vsub.f32 v22, v57;
	[tilespmem:s11+$0xFFFFFFE0] =	vst v20;
	v21 =	vmul.f32 v21, v29;
	v29 =	vld [tilespmem:s4+$0xFFFFFFB1]  }
0x80: {  	v61 =	vperm.xlane v17, v7;
	v60 =	vperm.xlane v16, v8;
	v28 =	vsub.f32 v28, v49;
	[tilespmem:s11+$0xFFFFFF20] =	vst v23;
	v20 =	vld [tilespmem:s4+$0xFFFFFFF0]  }
0x81: {  	v22 =	vmul.f32 v22, v59;
	v24 =	vsub.f32 v24, v58;
	v23 =	vadd.f32 v21, v55;
	v21 =	vld [tilespmem:s4+$0xFFFFFF30]  }
0x82: {  	v18 =	vperm.xlane v18, v7;
	v17 =	vperm.xlane v12, v7;
	v62 =	vld [tilespmem:s4+$0xFFFFFF31];
	v26 =	vsub.f32 v26, v25  }
0x83: {  	v63 =	vld [tilespmem:s4+$0xFFFFFFF1];
	v24 =	vmul.f32 v24, v60;
	[tilespmem:s11+$0x20] =	vst v23;
	v23 =	vadd.f32 v22, v57  }
0x84: {  	v17 =	vmul.f32 v28, v17;
	v22 =	vld [tilespmem:s4+$0x30];
	v18 =	vmul.f32 v26, v18;
	v26 =	vsub.f32 v29, v27  }
0x85: {  	v12 =	vperm.xlane v13, v7;
	[tilespmem:s11+$0x60] =	vst v23;
	v23 =	vadd.f32 v24, v58;
	v24 =	vld [tilespmem:s4+$0x31]  }
0x86: {  	v29 =	vadd.f32 v17, v49;
	v17 =	vld [tilespmem:s4+$0x70];
	v18 =	vadd.f32 v18, v25;
	v25 =	vmul.f32 v26, v61  }
0x87: {  	v13 =	vperm.xlane v15, v7;
	v28 =	vperm.xlane v19, v7;
	v19 =	vld [tilespmem:s4+$0x71];
	[tilespmem:s11+$0xA0] =	vst v23;
	v23 =	vsub.f32 v62, v21  }
0x88: {  	v15 =	vperm.xlane v14, v7;
	[tilespmem:s11+$0xF0] =	vst v29;
	v14 =	vld [tilespmem:s4+$0xB0];
	v25 =	vadd.f32 v25, v27;
	v27 =	vsub.f32 v63, v20  }
0x89: {  	s13 =	simm.s32 $0x81C0;
	s14 =	simm.s32 $0x100;
	s12 =	simm.s32 $0x0;
	v16 =	vperm.xlane v16, v7;
	[tilespmem:s11+$0xFFFFFF70] =	vst v18;
	v26 =	vmul.f32 v23, v28;
	v23 =	vld [tilespmem:s4+$0xB1]  }
.LBB2_2:
0x8a: {  	v18 =	vld [tilespmem:s13+$0x30];
	[tilespmem:s11+$0xFFFFFFB0] =	vst v25;
	v12 =	vmul.f32 v27, v12;
	v24 =	vsub.f32 v24, v22;
	s14 =	sadd.s32 $0x200, s14  }
0x8b: {  	v25 =	vld [tilespmem:s14+$0xC0];
	v21 =	vadd.f32 v26, v21  }
0x8c: {  	v27 =	vld [tilespmem:s14+$0xC1];
	v12 =	vadd.f32 v12, v20;
	v13 =	vmul.f32 v24, v13;
	v19 =	vsub.f32 v19, v17  }
0x8d: {  	v26 =	vld [tilespmem:s14+$0xFFFFFF00];
	[tilespmem:s11+$0xFFFFFF30] =	vst v21  }
0x8e: {  	v20 =	vld [tilespmem:s14+$0xFFFFFF01];
	[tilespmem:s11+$0xFFFFFFF0] =	vst v12;
	v12 =	vadd.f32 v13, v22;
	v13 =	vmul.f32 v19, v15;
	v15 =	vsub.f32 v23, v14  }
0x8f: {  	s12 =	sadd.s32 $0x8, s12;
	v21 =	vld [tilespmem:s13+$0xFFFFFFD0]  }
0x90: {  	p0 =	slt.u32 s12, $0xF8;
	v22 =	vld [tilespmem:s14+$0xFFFFFF40];
	[tilespmem:s11+$0x30] =	vst v12;
	v12 =	vadd.f32 v13, v17;
	v13 =	vmul.f32 v15, v16  }
0x91: {  	v16 =	vperm.xlane v18, v5;
	v15 =	vld [tilespmem:s14+$0xFFFFFF41];
	v17 =	vsub.f32 v27, v25  }
0x92: {  	v23 =	vld [tilespmem:s13+$0xFFFFFFE0];
	[tilespmem:s11+$0x70] =	vst v12;
	v12 =	vadd.f32 v13, v14  }
0x93: {  	v27 =	vsub.f32 v20, v26;
	v13 =	vld [tilespmem:s14+$0xFFFFFF80];
	v16 =	vmul.f32 v17, v16  }
0x94: {  	v17 =	vperm.xlane v21, v5;
	v28 =	vperm.xlane v21, v6;
	v24 =	vld [tilespmem:s14+$0xFFFFFF81];
	[tilespmem:s11+$0xB0] =	vst v12  }
0x95: {  	v19 =	vperm.xlane v21, v8;
	v14 =	vperm.xlane v21, v7;
	v12 =	vld [tilespmem:s13+$0xFFFFFFF0];
	v16 =	vadd.f32 v16, v25  }
0x96: {  	s11 =	sadd.s32 $0x200, s11;
	v15 =	vsub.f32 v15, v22;
	v25 =	vld [tilespmem:s14+$0xFFFFFFC0]  }
0x97: {  	v21 =	vperm.xlane v23, v5;
	v29 =	vperm.xlane v23, v6;
	v30 =	vld [tilespmem:s14+$0xFFFFFFC1];
	[tilespmem:s11+$0xC0] =	vst v16  }
0x98: {  	v20 =	vperm.xlane v23, v8;
	v15 =	vmul.f32 v15, v17;
	v16 =	vld [tilespmem:s14+$0xD0]  }
0x99: {  	v17 =	vperm.xlane v23, v7;
	v24 =	vsub.f32 v24, v13;
	v23 =	vld [tilespmem:s14+$0xD1]  }
0x9a: {  	v15 =	vadd.f32 v15, v22;
	v22 =	vperm.xlane v12, v5;
	v31 =	vperm.xlane v12, v6;
	v32 =	vld [tilespmem:s13+$0x0]  }
0x9b: {  	v24 =	vmul.f32 v24, v21;
	v21 =	vperm.xlane v12, v8;
	v33 =	vld [tilespmem:s14+$0x0]  }
0x9c: {  	v12 =	vperm.xlane v12, v7;
	[tilespmem:s11+$0xFFFFFF40] =	vst v15;
	v15 =	vsub.f32 v30, v25;
	v30 =	vld [tilespmem:s14+$0x1]  }
0x9d: {  	v13 =	vadd.f32 v24, v13;
	v34 =	vld [tilespmem:s13+$0x10]  }
0x9e: {  	v24 =	vperm.xlane v18, v6;
	v15 =	vmul.f32 v15, v22;
	v35 =	vld [tilespmem:s14+$0x40];
	v23 =	vsub.f32 v23, v16  }
0x9f: {  	[tilespmem:s11+$0xFFFFFF80] =	vst v13;
	v36 =	vperm.xlane v32, v5;
	v37 =	vperm.xlane v32, v6;
	v38 =	vld [tilespmem:s14+$0x41]  }
0xa0: {  	v22 =	vperm.xlane v32, v8;
	v15 =	vadd.f32 v15, v25;
	v39 =	vld [tilespmem:s13+$0x20];
	v23 =	vmul.f32 v23, v24  }
0xa1: {  	v13 =	vperm.xlane v32, v7;
	v24 =	vsub.f32 v30, v33;
	v30 =	vld [tilespmem:s14+$0x80]  }
0xa2: {  	[tilespmem:s11+$0xFFFFFFC0] =	vst v15;
	v25 =	vperm.xlane v34, v5;
	v32 =	vperm.xlane v34, v6;
	v40 =	vld [tilespmem:s14+$0x81];
	v16 =	vadd.f32 v23, v16  }
0xa3: {  	v23 =	vld [tilespmem:s13+$0xFFFFFFC0];
	v36 =	vmul.f32 v24, v36;
	v24 =	vperm.xlane v34, v8  }
0xa4: {  	v15 =	vperm.xlane v34, v7;
	v41 =	vld [tilespmem:s14+$0xFFFFFF50];
	v38 =	vsub.f32 v38, v35;
	[tilespmem:s11+$0xD0] =	vst v16  }
0xa5: {  	v16 =	vadd.f32 v36, v33;
	v33 =	vperm.xlane v39, v5;
	v34 =	vperm.xlane v39, v6;
	v36 =	vld [tilespmem:s14+$0xE0]  }
0xa6: {  	v38 =	vmul.f32 v38, v25;
	v25 =	vperm.xlane v39, v8;
	v42 =	vld [tilespmem:s14+$0xE1]  }
0xa7: {  	v43 =	vld [tilespmem:s14+$0xFFFFFF51];
	[tilespmem:s11+$0x0] =	vst v16;
	v40 =	vsub.f32 v40, v30;
	v16 =	vperm.xlane v39, v7  }
0xa8: {  	v39 =	vperm.xlane v23, v5;
	v44 =	vperm.xlane v23, v6;
	v45 =	vld [tilespmem:s14+$0xFFFFFF90];
	v35 =	vadd.f32 v38, v35  }
0xa9: {  	v38 =	vperm.xlane v23, v8;
	v46 =	vld [tilespmem:s14+$0xFFFFFF91];
	v33 =	vmul.f32 v40, v33  }
0xaa: {  	v23 =	vperm.xlane v23, v7;
	v27 =	vmul.f32 v27, v39;
	v39 =	vld [tilespmem:s14+$0xFFFFFFD0];
	[tilespmem:s11+$0x40] =	vst v35  }
0xab: {  	v35 =	vld [tilespmem:s14+$0xFFFFFFD1];
	v30 =	vadd.f32 v33, v30;
	v33 =	vperm.xlane v18, v8;
	v40 =	vsub.f32 v42, v36  }
0xac: {  	v26 =	vadd.f32 v27, v26;
	v27 =	vsub.f32 v43, v41;
	v42 =	vld [tilespmem:s14+$0x10]  }
0xad: {  	v43 =	vld [tilespmem:s14+$0x11];
	[tilespmem:s11+$0x80] =	vst v30;
	v30 =	vmul.f32 v40, v33  }
0xae: {  	[tilespmem:s11+$0xFFFFFF00] =	vst v26;
	v26 =	vmul.f32 v27, v28;
	v27 =	vsub.f32 v46, v45;
	v28 =	vld [tilespmem:s14+$0x50]  }
0xaf: {  	v33 =	vld [tilespmem:s14+$0xFFFFFF10];
	v30 =	vadd.f32 v30, v36  }
0xb0: {  	v36 =	vld [tilespmem:s14+$0xFFFFFF11];
	v26 =	vadd.f32 v26, v41;
	v27 =	vmul.f32 v27, v29;
	v29 =	vsub.f32 v35, v39  }
0xb1: {  	v35 =	vld [tilespmem:s14+$0x51];
	[tilespmem:s11+$0xE0] =	vst v30  }
0xb2: {  	[tilespmem:s11+$0xFFFFFF50] =	vst v26;
	v26 =	vadd.f32 v27, v45;
	v27 =	vmul.f32 v29, v31;
	v29 =	vsub.f32 v43, v42;
	v30 =	vld [tilespmem:s14+$0xF0]  }
0xb3: {  	v31 =	vld [tilespmem:s14+$0xF1]  }
0xb4: {  	[tilespmem:s11+$0xFFFFFF90] =	vst v26;
	v26 =	vadd.f32 v27, v39;
	v27 =	vmul.f32 v29, v37;
	v29 =	vld [tilespmem:s14+$0x90]  }
0xb5: {  	v36 =	vsub.f32 v36, v33;
	v37 =	vld [tilespmem:s14+$0x91]  }
0xb6: {  	v39 =	vld [tilespmem:s14+$0xFFFFFF60];
	[tilespmem:s11+$0xFFFFFFD0] =	vst v26;
	v26 =	vadd.f32 v27, v42;
	v27 =	vsub.f32 v35, v28  }
0xb7: {  	v35 =	vmul.f32 v36, v44;
	v36 =	vld [tilespmem:s14+$0xFFFFFF61]  }
0xb8: {  	v18 =	vperm.xlane v18, v7;
	v40 =	vld [tilespmem:s14+$0xFFFFFFA0];
	[tilespmem:s11+$0x10] =	vst v26;
	v26 =	vmul.f32 v27, v32;
	v27 =	vsub.f32 v31, v30  }
0xb9: {  	v31 =	vadd.f32 v35, v33;
	v32 =	vld [tilespmem:s14+$0xFFFFFFA1]  }
0xba: {  	v33 =	vld [tilespmem:s14+$0xFFFFFFE0];
	v26 =	vadd.f32 v26, v28;
	v28 =	vsub.f32 v37, v29;
	v18 =	vmul.f32 v27, v18  }
0xbb: {  	[tilespmem:s11+$0xFFFFFF10] =	vst v31;
	v27 =	vld [tilespmem:s14+$0xFFFFFFE1]  }
0xbc: {  	v31 =	vld [tilespmem:s14+$0xFFFFFF20];
	v35 =	vsub.f32 v36, v39;
	[tilespmem:s11+$0x50] =	vst v26;
	v26 =	vmul.f32 v28, v34;
	v18 =	vadd.f32 v18, v30  }
0xbd: {  	v28 =	vld [tilespmem:s14+$0xFFFFFF21]  }
0xbe: {  	v19 =	vmul.f32 v35, v19;
	v30 =	vsub.f32 v32, v40;
	v32 =	vld [tilespmem:s14+$0x20];
	v26 =	vadd.f32 v26, v29;
	[tilespmem:s11+$0xF0] =	vst v18  }
0xbf: {  	v18 =	vld [tilespmem:s14+$0x21]  }
0xc0: {  	v19 =	vadd.f32 v19, v39;
	v20 =	vmul.f32 v30, v20;
	v27 =	vsub.f32 v27, v33;
	v29 =	vld [tilespmem:s14+$0x60];
	[tilespmem:s11+$0x90] =	vst v26  }
0xc1: {  	v26 =	vld [tilespmem:s14+$0x61]  }
0xc2: {  	v28 =	vsub.f32 v28, v31;
	[tilespmem:s11+$0xFFFFFF60] =	vst v19;
	v19 =	vadd.f32 v20, v40;
	v20 =	vmul.f32 v27, v21;
	v27 =	vld [tilespmem:s14+$0xA0]  }
0xc3: {  	v21 =	vld [tilespmem:s14+$0xA1]  }
0xc4: {  	v28 =	vmul.f32 v28, v38;
	v30 =	vld [tilespmem:s14+$0xFFFFFF70];
	[tilespmem:s11+$0xFFFFFFA0] =	vst v19;
	v19 =	vadd.f32 v20, v33;
	v18 =	vsub.f32 v18, v32  }
0xc5: {  	v33 =	vld [tilespmem:s14+$0xFFFFFF71]  }
0xc6: {  	v20 =	vadd.f32 v28, v31;
	v28 =	vld [tilespmem:s14+$0xFFFFFFB0];
	[tilespmem:s11+$0xFFFFFFE0] =	vst v19;
	v18 =	vmul.f32 v18, v22;
	v19 =	vsub.f32 v26, v29  }
0xc7: {  	v22 =	vld [tilespmem:s14+$0xFFFFFFB1]  }
0xc8: {  	[tilespmem:s11+$0xFFFFFF20] =	vst v20;
	v20 =	vld [tilespmem:s14+$0xFFFFFFF0];
	v18 =	vadd.f32 v18, v32;
	v19 =	vmul.f32 v19, v24;
	v24 =	vsub.f32 v21, v27  }
0xc9: {  	v21 =	vld [tilespmem:s14+$0xFFFFFF30]  }
0xca: {  	v26 =	vld [tilespmem:s14+$0xFFFFFF31];
	v31 =	vsub.f32 v33, v30;
	[tilespmem:s11+$0x20] =	vst v18;
	v18 =	vadd.f32 v19, v29;
	v19 =	vmul.f32 v24, v25  }
0xcb: {  	v29 =	vld [tilespmem:s14+$0xFFFFFFF1]  }
0xcc: {  	v14 =	vmul.f32 v31, v14;
	v25 =	vsub.f32 v22, v28;
	v22 =	vld [tilespmem:s14+$0x30];
	[tilespmem:s11+$0x60] =	vst v18;
	v18 =	vadd.f32 v19, v27  }
.Ltmp0:
0xcd: {  	v24 =	vld [tilespmem:s14+$0x31];
	(pc) =	sbr.rel @p0 .LBB2_2-.Ltmp0, $4  }
0xce: {  	v14 =	vadd.f32 v14, v30;
	v25 =	vmul.f32 v25, v17;
	v17 =	vld [tilespmem:s14+$0x70];
	[tilespmem:s11+$0xA0] =	vst v18  }
0xcf: {  	v18 =	vsub.f32 v26, v21;
	v19 =	vld [tilespmem:s14+$0x71]  }
0xd0: {  	[tilespmem:s11+$0xFFFFFF70] =	vst v14;
	v25 =	vadd.f32 v25, v28;
	v27 =	vsub.f32 v29, v20;
	v14 =	vld [tilespmem:s14+$0xB0]  }
0xd1: {  	s13 =	sadd.s32 $0x80, s13;
	v26 =	vmul.f32 v18, v23;
	v23 =	vld [tilespmem:s14+$0xB1]  }
0xd2: {  	_ =	sdelay $0x1  }
0xd3: {  	v18 =	vsub.f32 v24, v22  }
0xd4: {  	v12 =	vmul.f32 v27, v12;
	v19 =	vsub.f32 v19, v17  }
0xd5: {  	v21 =	vadd.f32 v26, v21;
	v13 =	vmul.f32 v18, v13;
	v18 =	vsub.f32 v23, v14  }
0xd6: {  	[tilespmem:s11+$0xFFFFFFB0] =	vst v25;
	v12 =	vadd.f32 v12, v20;
	v15 =	vmul.f32 v19, v15  }
0xd7: {  	[tilespmem:s11+$0xFFFFFF30] =	vst v21;
	v13 =	vadd.f32 v13, v22;
	v16 =	vmul.f32 v18, v16  }
0xd8: {  	[tilespmem:s11+$0xFFFFFFF0] =	vst v12;
	v12 =	vadd.f32 v15, v17  }
0xd9: {  	[tilespmem:s11+$0x30] =	vst v13;
	v13 =	vadd.f32 v16, v14  }
0xda: {  	[tilespmem:s11+$0x70] =	vst v12  }
0xdb: {  	[tilespmem:s11+$0xB0] =	vst v13  }
0xdc: {  	s11 =	rddreg [dreg:$0xa]  }
0xdd: {  	[hbm4b:s11+s29] =	stream.strided.scatter [tilespmem:s5], [sflag:$0x3], $0x4000, s4, s29, $0x38;
	[tilespmem:$0x12100] =	vst v63  }
0xde: {  	s15 =	rddreg [dreg:$0xb]  }
0xdf: {  	[tilespmem:s1], [sflag:$0x1] =	stream.strided.gather [hbm4b:s15+s29], $0x4080, s4, s29, $0x38;
	[tilespmem:$0x12100] =	vst v63  }
0xe0: {  	s16 =	rddreg [dreg:$0x5]  }
0xe1: {  	[tilespmem:s30], [sflag:$0x1] =	stream.strided.gather [hbm4b:s16+s29], $0x1000, s4, s29, $0x38;
	[tilespmem:$0x12100] =	vst v63  }
0xe2: {  	_ =	swait.ge [sflag:s6], $0x4080  }
0xe3: {  	[sflag:s6] =	ssyncset.done $0x0  }
0xe4: {  	[sflag:s6] =	ssyncadd.s32 $0xFFFFBF80  }
0xe5: {  	_ =	swait.ge [sflag:s6], $0x1000  }
0xe6: {  	[sflag:s6] =	ssyncset.done $0x0  }
0xe7: {  	s13 =	simm.s32 $0x9140;
	[sflag:s6] =	ssyncadd.s32 $0xFFFFF000  }
0xe8: {  	s12 =	simm.s32 $0x4180;
	v12 =	vld [tilespmem:s13+$0x30]  }
0xe9: {  	v14 =	vld [tilespmem:s12+$0xC0]  }
0xea: {  	v13 =	vld [tilespmem:s12+$0xC1]  }
0xeb: {  	v20 =	vld [tilespmem:s12+$0xFFFFFF00]  }
0xec: {  	v21 =	vld [tilespmem:s12+$0xFFFFFF01]  }
0xed: {  	v18 =	vld [tilespmem:s13+$0xFFFFFFD0]  }
0xee: {  	v19 =	vld [tilespmem:s12+$0xFFFFFF40]  }
0xef: {  	v16 =	vld [tilespmem:s12+$0xFFFFFF41]  }
0xf0: {  	v17 =	vld [tilespmem:s13+$0xFFFFFFE0];
	v15 =	vperm.xlane v12, v5;
	v13 =	vsub.f32 v13, v14  }
0xf1: {  	v22 =	vld [tilespmem:s12+$0xFFFFFF80]  }
0xf2: {  	v23 =	vld [tilespmem:s12+$0xFFFFFF81];
	v15 =	vmul.f32 v13, v15  }
0xf3: {  	v24 =	vld [tilespmem:s12+$0xFFFFFFC0]  }
0xf4: {  	v25 =	vld [tilespmem:s12+$0xFFFFFFC1];
	v14 =	vadd.f32 v15, v14  }
0xf5: {  	s11 =	simm.s32 $0xE200;
	v28 =	vld [tilespmem:s12+$0x0]  }
0xf6: {  	v29 =	vld [tilespmem:s12+$0x1];
	v30 =	vperm.xlane v18, v5;
	v16 =	vsub.f32 v16, v19;
	[tilespmem:s11+$0xC0] =	vst v14  }
0xf7: {  	v26 =	vld [tilespmem:s12+$0xD0]  }
0xf8: {  	v30 =	vmul.f32 v16, v30;
	v27 =	vld [tilespmem:s12+$0xD1]  }
0xf9: {  	v31 =	vld [tilespmem:s12+$0x40]  }
0xfa: {  	v33 =	vld [tilespmem:s12+$0x41];
	v19 =	vadd.f32 v30, v19  }
0xfb: {  	v13 =	vld [tilespmem:s13+$0xFFFFFFF0]  }
0xfc: {  	v39 =	vperm.xlane v17, v5;
	v23 =	vsub.f32 v23, v22;
	[tilespmem:s11+$0xFFFFFF40] =	vst v19;
	v19 =	vld [tilespmem:s13+$0xFFFFFFC0]  }
0xfd: {  	v40 =	vld [tilespmem:s12+$0x80];
	v32 =	vperm.xlane v12, v6;
	v27 =	vsub.f32 v27, v26  }
0xfe: {  	v35 =	vld [tilespmem:s12+$0x81];
	v23 =	vmul.f32 v23, v39  }
0xff: {  	v16 =	vld [tilespmem:s13+$0x20];
	v27 =	vmul.f32 v27, v32  }
0x100: {  	v25 =	vsub.f32 v25, v24;
	v15 =	vld [tilespmem:s13+$0x0];
	v22 =	vadd.f32 v23, v22;
	v34 =	vperm.xlane v13, v5  }
0x101: {  	v21 =	vsub.f32 v21, v20;
	v14 =	vld [tilespmem:s13+$0x10];
	v42 =	vperm.xlane v19, v5;
	v26 =	vadd.f32 v27, v26  }
0x102: {  	[tilespmem:s11+$0xFFFFFF80] =	vst v22;
	v41 =	vld [tilespmem:s12+$0xFFFFFF51];
	v25 =	vmul.f32 v25, v34  }
0x103: {  	v43 =	vld [tilespmem:s12+$0xFFFFFF90];
	v21 =	vmul.f32 v21, v42;
	[tilespmem:s11+$0xD0] =	vst v26  }
0x104: {  	v24 =	vadd.f32 v25, v24;
	v26 =	vsub.f32 v29, v28;
	v29 =	vld [tilespmem:s12+$0xE0]  }
0x105: {  	v23 =	vperm.xlane v15, v5;
	v20 =	vadd.f32 v21, v20;
	v25 =	vld [tilespmem:s12+$0xE1]  }
0x106: {  	[tilespmem:s11+$0xFFFFFFC0] =	vst v24;
	v24 =	vld [tilespmem:s12+$0xFFFFFF91]  }
0x107: {  	v22 =	vperm.xlane v14, v5;
	v27 =	vld [tilespmem:s12+$0xFFFFFF50];
	[tilespmem:s11+$0xFFFFFF00] =	vst v20;
	v23 =	vmul.f32 v26, v23;
	v26 =	vsub.f32 v33, v31  }
0x108: {  	v45 =	vsub.f32 v35, v40;
	v46 =	vld [tilespmem:s12+$0xFFFFFF10]  }
0x109: {  	v44 =	vperm.xlane v16, v5;
	v47 =	vld [tilespmem:s12+$0xFFFFFF11];
	v23 =	vadd.f32 v23, v28;
	v22 =	vmul.f32 v26, v22  }
0x10a: {  	v26 =	vld [tilespmem:s12+$0xFFFFFFD0];
	v28 =	vperm.xlane v12, v8;
	v25 =	vsub.f32 v25, v29  }
0x10b: {  	[tilespmem:s11+$0x0] =	vst v23;
	v22 =	vadd.f32 v22, v31;
	v23 =	vld [tilespmem:s12+$0xFFFFFFD1];
	v31 =	vmul.f32 v45, v44  }
0x10c: {  	v21 =	vld [tilespmem:s12+$0x10];
	v25 =	vmul.f32 v25, v28  }
0x10d: {  	v32 =	vsub.f32 v41, v27;
	[tilespmem:s11+$0x40] =	vst v22;
	v22 =	vld [tilespmem:s12+$0x11];
	v28 =	vperm.xlane v18, v6;
	v30 =	vadd.f32 v31, v40  }
0x10e: {  	v20 =	vld [tilespmem:s12+$0x50];
	v25 =	vadd.f32 v25, v29  }
0x10f: {  	v24 =	vsub.f32 v24, v43;
	v48 =	vld [tilespmem:s12+$0x51];
	v29 =	vperm.xlane v17, v6;
	v28 =	vmul.f32 v32, v28;
	[tilespmem:s11+$0x80] =	vst v30  }
0x110: {  	v23 =	vsub.f32 v23, v26;
	v30 =	vld [tilespmem:s12+$0x90];
	[tilespmem:s11+$0xE0] =	vst v25  }
0x111: {  	v25 =	vperm.xlane v13, v6;
	v27 =	vadd.f32 v28, v27;
	v24 =	vmul.f32 v24, v29;
	v49 =	vld [tilespmem:s12+$0xF0]  }
0x112: {  	v29 =	vperm.xlane v19, v6;
	v28 =	vld [tilespmem:s12+$0xF1]  }
0x113: {  	[tilespmem:s11+$0xFFFFFF50] =	vst v27;
	v24 =	vadd.f32 v24, v43;
	v23 =	vmul.f32 v23, v25;
	v25 =	vsub.f32 v47, v46;
	v27 =	vld [tilespmem:s12+$0x91]  }
0x114: {  	v50 =	vperm.xlane v15, v6;
	v22 =	vsub.f32 v22, v21;
	v51 =	vld [tilespmem:s12+$0xFFFFFF60]  }
0x115: {  	[tilespmem:s11+$0xFFFFFF90] =	vst v24;
	v23 =	vadd.f32 v23, v26;
	v24 =	vmul.f32 v25, v29;
	v25 =	vld [tilespmem:s12+$0xFFFFFF61]  }
0x116: {  	v22 =	vmul.f32 v22, v50;
	v29 =	vld [tilespmem:s12+$0xFFFFFFA0]  }
0x117: {  	v26 =	vperm.xlane v14, v6;
	v52 =	vld [tilespmem:s12+$0xFFFFFFA1];
	[tilespmem:s11+$0xFFFFFFD0] =	vst v23;
	v23 =	vsub.f32 v48, v20;
	v24 =	vadd.f32 v24, v46  }
0x118: {  	v53 =	vperm.xlane v16, v6;
	v54 =	vld [tilespmem:s12+$0xFFFFFFE0]  }
0x119: {  	v21 =	vadd.f32 v22, v21;
	v22 =	vmul.f32 v23, v26;
	v23 =	vsub.f32 v27, v30;
	[tilespmem:s11+$0xFFFFFF10] =	vst v24;
	v24 =	vld [tilespmem:s12+$0xFFFFFFE1]  }
0x11a: {  	v26 =	vperm.xlane v18, v8;
	v27 =	vld [tilespmem:s12+$0xFFFFFF20]  }
0x11b: {  	[tilespmem:s11+$0x10] =	vst v21;
	v21 =	vsub.f32 v25, v51;
	v20 =	vadd.f32 v22, v20;
	v22 =	vmul.f32 v23, v53;
	v23 =	vld [tilespmem:s12+$0xFFFFFF21]  }
0x11c: {  	v55 =	vld [tilespmem:s12+$0x20];
	v25 =	vperm.xlane v17, v8  }
0x11d: {  	[tilespmem:s11+$0x50] =	vst v20;
	v20 =	vmul.f32 v21, v26;
	v21 =	vsub.f32 v52, v29;
	v22 =	vadd.f32 v22, v30;
	v26 =	vld [tilespmem:s12+$0x21]  }
0x11e: {  	v56 =	vperm.xlane v13, v8;
	v57 =	vld [tilespmem:s12+$0x60]  }
0x11f: {  	v24 =	vsub.f32 v24, v54;
	v20 =	vadd.f32 v20, v51;
	v21 =	vmul.f32 v21, v25;
	[tilespmem:s11+$0x90] =	vst v22;
	v22 =	vld [tilespmem:s12+$0x61]  }
0x120: {  	v25 =	vperm.xlane v19, v8;
	v23 =	vsub.f32 v23, v27;
	v58 =	vld [tilespmem:s12+$0xA0]  }
0x121: {  	[tilespmem:s11+$0xFFFFFF60] =	vst v20;
	v20 =	vadd.f32 v21, v29;
	v21 =	vmul.f32 v24, v56;
	v24 =	vld [tilespmem:s12+$0xA1]  }
0x122: {  	v23 =	vmul.f32 v23, v25;
	v25 =	vld [tilespmem:s12+$0xFFFFFF70]  }
0x123: {  	v29 =	vperm.xlane v15, v8;
	[tilespmem:s11+$0xFFFFFFA0] =	vst v20;
	v20 =	vadd.f32 v21, v54;
	v21 =	vsub.f32 v26, v55;
	v26 =	vld [tilespmem:s12+$0xFFFFFF71]  }
0x124: {  	v23 =	vadd.f32 v23, v27;
	v27 =	vld [tilespmem:s12+$0xFFFFFFB0]  }
0x125: {  	v59 =	vperm.xlane v14, v8;
	v22 =	vsub.f32 v22, v57;
	[tilespmem:s11+$0xFFFFFFE0] =	vst v20;
	v21 =	vmul.f32 v21, v29;
	v29 =	vld [tilespmem:s12+$0xFFFFFFB1]  }
0x126: {  	v61 =	vperm.xlane v17, v7;
	v60 =	vperm.xlane v16, v8;
	v28 =	vsub.f32 v28, v49;
	[tilespmem:s11+$0xFFFFFF20] =	vst v23;
	v20 =	vld [tilespmem:s12+$0xFFFFFFF0]  }
0x127: {  	v22 =	vmul.f32 v22, v59;
	v24 =	vsub.f32 v24, v58;
	v23 =	vadd.f32 v21, v55;
	v21 =	vld [tilespmem:s12+$0xFFFFFF30]  }
0x128: {  	v18 =	vperm.xlane v18, v7;
	v17 =	vperm.xlane v12, v7;
	v62 =	vld [tilespmem:s12+$0xFFFFFF31];
	v26 =	vsub.f32 v26, v25  }
0x129: {  	v63 =	vld [tilespmem:s12+$0xFFFFFFF1];
	v24 =	vmul.f32 v24, v60;
	[tilespmem:s11+$0x20] =	vst v23;
	v23 =	vadd.f32 v22, v57  }
0x12a: {  	v17 =	vmul.f32 v28, v17;
	v22 =	vld [tilespmem:s12+$0x30];
	v18 =	vmul.f32 v26, v18;
	v26 =	vsub.f32 v29, v27  }
0x12b: {  	v12 =	vperm.xlane v13, v7;
	[tilespmem:s11+$0x60] =	vst v23;
	v23 =	vadd.f32 v24, v58;
	v24 =	vld [tilespmem:s12+$0x31]  }
0x12c: {  	v29 =	vadd.f32 v17, v49;
	v17 =	vld [tilespmem:s12+$0x70];
	v18 =	vadd.f32 v18, v25;
	v25 =	vmul.f32 v26, v61  }
0x12d: {  	v13 =	vperm.xlane v15, v7;
	v28 =	vperm.xlane v19, v7;
	v19 =	vld [tilespmem:s12+$0x71];
	[tilespmem:s11+$0xA0] =	vst v23;
	v23 =	vsub.f32 v62, v21  }
0x12e: {  	v15 =	vperm.xlane v14, v7;
	[tilespmem:s11+$0xF0] =	vst v29;
	v14 =	vld [tilespmem:s12+$0xB0];
	v25 =	vadd.f32 v25, v27;
	v27 =	vsub.f32 v63, v20  }
0x12f: {  	s14 =	simm.s32 $0x91C0;
	s13 =	simm.s32 $0x0;
	v16 =	vperm.xlane v16, v7;
	[tilespmem:s11+$0xFFFFFF70] =	vst v18;
	v26 =	vmul.f32 v23, v28;
	v23 =	vld [tilespmem:s12+$0xB1]  }
.LBB2_4:
0x130: {  	v18 =	vld [tilespmem:s14+$0x30];
	[tilespmem:s11+$0xFFFFFFB0] =	vst v25;
	v12 =	vmul.f32 v27, v12;
	v24 =	vsub.f32 v24, v22;
	s12 =	sadd.s32 $0x200, s12  }
0x131: {  	v25 =	vld [tilespmem:s12+$0xC0];
	v21 =	vadd.f32 v26, v21  }
0x132: {  	v27 =	vld [tilespmem:s12+$0xC1];
	v12 =	vadd.f32 v12, v20;
	v13 =	vmul.f32 v24, v13;
	v19 =	vsub.f32 v19, v17  }
0x133: {  	v26 =	vld [tilespmem:s12+$0xFFFFFF00];
	[tilespmem:s11+$0xFFFFFF30] =	vst v21  }
0x134: {  	v20 =	vld [tilespmem:s12+$0xFFFFFF01];
	[tilespmem:s11+$0xFFFFFFF0] =	vst v12;
	v12 =	vadd.f32 v13, v22;
	v13 =	vmul.f32 v19, v15;
	v15 =	vsub.f32 v23, v14  }
0x135: {  	s13 =	sadd.s32 $0x8, s13;
	v21 =	vld [tilespmem:s14+$0xFFFFFFD0]  }
0x136: {  	p0 =	slt.u32 s13, $0xF8;
	v22 =	vld [tilespmem:s12+$0xFFFFFF40];
	[tilespmem:s11+$0x30] =	vst v12;
	v12 =	vadd.f32 v13, v17;
	v13 =	vmul.f32 v15, v16  }
0x137: {  	v16 =	vperm.xlane v18, v5;
	v15 =	vld [tilespmem:s12+$0xFFFFFF41];
	v17 =	vsub.f32 v27, v25  }
0x138: {  	v23 =	vld [tilespmem:s14+$0xFFFFFFE0];
	[tilespmem:s11+$0x70] =	vst v12;
	v12 =	vadd.f32 v13, v14  }
0x139: {  	v27 =	vsub.f32 v20, v26;
	v13 =	vld [tilespmem:s12+$0xFFFFFF80];
	v16 =	vmul.f32 v17, v16  }
0x13a: {  	v17 =	vperm.xlane v21, v5;
	v28 =	vperm.xlane v21, v6;
	v24 =	vld [tilespmem:s12+$0xFFFFFF81];
	[tilespmem:s11+$0xB0] =	vst v12  }
0x13b: {  	v19 =	vperm.xlane v21, v8;
	v14 =	vperm.xlane v21, v7;
	v12 =	vld [tilespmem:s14+$0xFFFFFFF0];
	v16 =	vadd.f32 v16, v25  }
0x13c: {  	s11 =	sadd.s32 $0x200, s11;
	v15 =	vsub.f32 v15, v22;
	v25 =	vld [tilespmem:s12+$0xFFFFFFC0]  }
0x13d: {  	v21 =	vperm.xlane v23, v5;
	v29 =	vperm.xlane v23, v6;
	v30 =	vld [tilespmem:s12+$0xFFFFFFC1];
	[tilespmem:s11+$0xC0] =	vst v16  }
0x13e: {  	v20 =	vperm.xlane v23, v8;
	v15 =	vmul.f32 v15, v17;
	v16 =	vld [tilespmem:s12+$0xD0]  }
0x13f: {  	v17 =	vperm.xlane v23, v7;
	v24 =	vsub.f32 v24, v13;
	v23 =	vld [tilespmem:s12+$0xD1]  }
0x140: {  	v15 =	vadd.f32 v15, v22;
	v22 =	vperm.xlane v12, v5;
	v31 =	vperm.xlane v12, v6;
	v32 =	vld [tilespmem:s14+$0x0]  }
0x141: {  	v24 =	vmul.f32 v24, v21;
	v21 =	vperm.xlane v12, v8;
	v33 =	vld [tilespmem:s12+$0x0]  }
0x142: {  	v12 =	vperm.xlane v12, v7;
	[tilespmem:s11+$0xFFFFFF40] =	vst v15;
	v15 =	vsub.f32 v30, v25;
	v30 =	vld [tilespmem:s12+$0x1]  }
0x143: {  	v13 =	vadd.f32 v24, v13;
	v34 =	vld [tilespmem:s14+$0x10]  }
0x144: {  	v24 =	vperm.xlane v18, v6;
	v15 =	vmul.f32 v15, v22;
	v35 =	vld [tilespmem:s12+$0x40];
	v23 =	vsub.f32 v23, v16  }
0x145: {  	[tilespmem:s11+$0xFFFFFF80] =	vst v13;
	v36 =	vperm.xlane v32, v5;
	v37 =	vperm.xlane v32, v6;
	v38 =	vld [tilespmem:s12+$0x41]  }
0x146: {  	v22 =	vperm.xlane v32, v8;
	v15 =	vadd.f32 v15, v25;
	v39 =	vld [tilespmem:s14+$0x20];
	v23 =	vmul.f32 v23, v24  }
0x147: {  	v13 =	vperm.xlane v32, v7;
	v24 =	vsub.f32 v30, v33;
	v30 =	vld [tilespmem:s12+$0x80]  }
0x148: {  	[tilespmem:s11+$0xFFFFFFC0] =	vst v15;
	v25 =	vperm.xlane v34, v5;
	v32 =	vperm.xlane v34, v6;
	v40 =	vld [tilespmem:s12+$0x81];
	v16 =	vadd.f32 v23, v16  }
0x149: {  	v23 =	vld [tilespmem:s14+$0xFFFFFFC0];
	v36 =	vmul.f32 v24, v36;
	v24 =	vperm.xlane v34, v8  }
0x14a: {  	v15 =	vperm.xlane v34, v7;
	v41 =	vld [tilespmem:s12+$0xFFFFFF50];
	v38 =	vsub.f32 v38, v35;
	[tilespmem:s11+$0xD0] =	vst v16  }
0x14b: {  	v16 =	vadd.f32 v36, v33;
	v33 =	vperm.xlane v39, v5;
	v34 =	vperm.xlane v39, v6;
	v36 =	vld [tilespmem:s12+$0xE0]  }
0x14c: {  	v38 =	vmul.f32 v38, v25;
	v25 =	vperm.xlane v39, v8;
	v42 =	vld [tilespmem:s12+$0xE1]  }
0x14d: {  	v43 =	vld [tilespmem:s12+$0xFFFFFF51];
	[tilespmem:s11+$0x0] =	vst v16;
	v40 =	vsub.f32 v40, v30;
	v16 =	vperm.xlane v39, v7  }
0x14e: {  	v39 =	vperm.xlane v23, v5;
	v44 =	vperm.xlane v23, v6;
	v45 =	vld [tilespmem:s12+$0xFFFFFF90];
	v35 =	vadd.f32 v38, v35  }
0x14f: {  	v38 =	vperm.xlane v23, v8;
	v46 =	vld [tilespmem:s12+$0xFFFFFF91];
	v33 =	vmul.f32 v40, v33  }
0x150: {  	v23 =	vperm.xlane v23, v7;
	v27 =	vmul.f32 v27, v39;
	v39 =	vld [tilespmem:s12+$0xFFFFFFD0];
	[tilespmem:s11+$0x40] =	vst v35  }
0x151: {  	v35 =	vld [tilespmem:s12+$0xFFFFFFD1];
	v30 =	vadd.f32 v33, v30;
	v33 =	vperm.xlane v18, v8;
	v40 =	vsub.f32 v42, v36  }
0x152: {  	v26 =	vadd.f32 v27, v26;
	v27 =	vsub.f32 v43, v41;
	v42 =	vld [tilespmem:s12+$0x10]  }
0x153: {  	v43 =	vld [tilespmem:s12+$0x11];
	[tilespmem:s11+$0x80] =	vst v30;
	v30 =	vmul.f32 v40, v33  }
0x154: {  	[tilespmem:s11+$0xFFFFFF00] =	vst v26;
	v26 =	vmul.f32 v27, v28;
	v27 =	vsub.f32 v46, v45;
	v28 =	vld [tilespmem:s12+$0x50]  }
0x155: {  	v33 =	vld [tilespmem:s12+$0xFFFFFF10];
	v30 =	vadd.f32 v30, v36  }
0x156: {  	v36 =	vld [tilespmem:s12+$0xFFFFFF11];
	v26 =	vadd.f32 v26, v41;
	v27 =	vmul.f32 v27, v29;
	v29 =	vsub.f32 v35, v39  }
0x157: {  	v35 =	vld [tilespmem:s12+$0x51];
	[tilespmem:s11+$0xE0] =	vst v30  }
0x158: {  	[tilespmem:s11+$0xFFFFFF50] =	vst v26;
	v26 =	vadd.f32 v27, v45;
	v27 =	vmul.f32 v29, v31;
	v29 =	vsub.f32 v43, v42;
	v30 =	vld [tilespmem:s12+$0xF0]  }
0x159: {  	v31 =	vld [tilespmem:s12+$0xF1]  }
0x15a: {  	[tilespmem:s11+$0xFFFFFF90] =	vst v26;
	v26 =	vadd.f32 v27, v39;
	v27 =	vmul.f32 v29, v37;
	v29 =	vld [tilespmem:s12+$0x90]  }
0x15b: {  	v36 =	vsub.f32 v36, v33;
	v37 =	vld [tilespmem:s12+$0x91]  }
0x15c: {  	v39 =	vld [tilespmem:s12+$0xFFFFFF60];
	[tilespmem:s11+$0xFFFFFFD0] =	vst v26;
	v26 =	vadd.f32 v27, v42;
	v27 =	vsub.f32 v35, v28  }
0x15d: {  	v35 =	vmul.f32 v36, v44;
	v36 =	vld [tilespmem:s12+$0xFFFFFF61]  }
0x15e: {  	v18 =	vperm.xlane v18, v7;
	v40 =	vld [tilespmem:s12+$0xFFFFFFA0];
	[tilespmem:s11+$0x10] =	vst v26;
	v26 =	vmul.f32 v27, v32;
	v27 =	vsub.f32 v31, v30  }
0x15f: {  	v31 =	vadd.f32 v35, v33;
	v32 =	vld [tilespmem:s12+$0xFFFFFFA1]  }
0x160: {  	v33 =	vld [tilespmem:s12+$0xFFFFFFE0];
	v26 =	vadd.f32 v26, v28;
	v28 =	vsub.f32 v37, v29;
	v18 =	vmul.f32 v27, v18  }
0x161: {  	[tilespmem:s11+$0xFFFFFF10] =	vst v31;
	v27 =	vld [tilespmem:s12+$0xFFFFFFE1]  }
0x162: {  	v31 =	vld [tilespmem:s12+$0xFFFFFF20];
	v35 =	vsub.f32 v36, v39;
	[tilespmem:s11+$0x50] =	vst v26;
	v26 =	vmul.f32 v28, v34;
	v18 =	vadd.f32 v18, v30  }
0x163: {  	v28 =	vld [tilespmem:s12+$0xFFFFFF21]  }
0x164: {  	v19 =	vmul.f32 v35, v19;
	v30 =	vsub.f32 v32, v40;
	v32 =	vld [tilespmem:s12+$0x20];
	v26 =	vadd.f32 v26, v29;
	[tilespmem:s11+$0xF0] =	vst v18  }
0x165: {  	v18 =	vld [tilespmem:s12+$0x21]  }
0x166: {  	v19 =	vadd.f32 v19, v39;
	v20 =	vmul.f32 v30, v20;
	v27 =	vsub.f32 v27, v33;
	v29 =	vld [tilespmem:s12+$0x60];
	[tilespmem:s11+$0x90] =	vst v26  }
0x167: {  	v26 =	vld [tilespmem:s12+$0x61]  }
0x168: {  	v28 =	vsub.f32 v28, v31;
	[tilespmem:s11+$0xFFFFFF60] =	vst v19;
	v19 =	vadd.f32 v20, v40;
	v20 =	vmul.f32 v27, v21;
	v27 =	vld [tilespmem:s12+$0xA0]  }
0x169: {  	v21 =	vld [tilespmem:s12+$0xA1]  }
0x16a: {  	v28 =	vmul.f32 v28, v38;
	v30 =	vld [tilespmem:s12+$0xFFFFFF70];
	[tilespmem:s11+$0xFFFFFFA0] =	vst v19;
	v19 =	vadd.f32 v20, v33;
	v18 =	vsub.f32 v18, v32  }
0x16b: {  	v33 =	vld [tilespmem:s12+$0xFFFFFF71]  }
0x16c: {  	v20 =	vadd.f32 v28, v31;
	v28 =	vld [tilespmem:s12+$0xFFFFFFB0];
	[tilespmem:s11+$0xFFFFFFE0] =	vst v19;
	v18 =	vmul.f32 v18, v22;
	v19 =	vsub.f32 v26, v29  }
0x16d: {  	v22 =	vld [tilespmem:s12+$0xFFFFFFB1]  }
0x16e: {  	[tilespmem:s11+$0xFFFFFF20] =	vst v20;
	v20 =	vld [tilespmem:s12+$0xFFFFFFF0];
	v18 =	vadd.f32 v18, v32;
	v19 =	vmul.f32 v19, v24;
	v24 =	vsub.f32 v21, v27  }
0x16f: {  	v21 =	vld [tilespmem:s12+$0xFFFFFF30]  }
0x170: {  	v26 =	vld [tilespmem:s12+$0xFFFFFF31];
	v31 =	vsub.f32 v33, v30;
	[tilespmem:s11+$0x20] =	vst v18;
	v18 =	vadd.f32 v19, v29;
	v19 =	vmul.f32 v24, v25  }
0x171: {  	v29 =	vld [tilespmem:s12+$0xFFFFFFF1]  }
0x172: {  	v14 =	vmul.f32 v31, v14;
	v25 =	vsub.f32 v22, v28;
	v22 =	vld [tilespmem:s12+$0x30];
	[tilespmem:s11+$0x60] =	vst v18;
	v18 =	vadd.f32 v19, v27  }
.Ltmp1:
0x173: {  	v24 =	vld [tilespmem:s12+$0x31];
	(pc) =	sbr.rel @p0 .LBB2_4-.Ltmp1, $4  }
0x174: {  	v14 =	vadd.f32 v14, v30;
	v25 =	vmul.f32 v25, v17;
	v17 =	vld [tilespmem:s12+$0x70];
	[tilespmem:s11+$0xA0] =	vst v18  }
0x175: {  	v18 =	vsub.f32 v26, v21;
	v19 =	vld [tilespmem:s12+$0x71]  }
0x176: {  	[tilespmem:s11+$0xFFFFFF70] =	vst v14;
	v25 =	vadd.f32 v25, v28;
	v27 =	vsub.f32 v29, v20;
	v14 =	vld [tilespmem:s12+$0xB0]  }
0x177: {  	s14 =	sadd.s32 $0x80, s14;
	v26 =	vmul.f32 v18, v23;
	v23 =	vld [tilespmem:s12+$0xB1]  }
0x178: {  	_ =	sdelay $0x1  }
0x179: {  	v18 =	vsub.f32 v24, v22  }
0x17a: {  	v12 =	vmul.f32 v27, v12;
	v19 =	vsub.f32 v19, v17  }
0x17b: {  	v21 =	vadd.f32 v26, v21;
	v13 =	vmul.f32 v18, v13;
	v18 =	vsub.f32 v23, v14  }
0x17c: {  	[tilespmem:s11+$0xFFFFFFB0] =	vst v25;
	v12 =	vadd.f32 v12, v20;
	v15 =	vmul.f32 v19, v15  }
0x17d: {  	[tilespmem:s11+$0xFFFFFF30] =	vst v21;
	v13 =	vadd.f32 v13, v22;
	v16 =	vmul.f32 v18, v16  }
0x17e: {  	[tilespmem:s11+$0xFFFFFFF0] =	vst v12;
	v12 =	vadd.f32 v15, v17  }
0x17f: {  	[tilespmem:s11+$0x30] =	vst v13;
	v13 =	vadd.f32 v16, v14  }
0x180: {  	[tilespmem:s11+$0x70] =	vst v12  }
0x181: {  	[tilespmem:s11+$0xB0] =	vst v13  }
0x182: {  	s11 =	simm.s32 $0x100;
	s12 =	rddreg [dreg:$0xc]  }
0x183: {  	[hbm4b:s12+s29] =	stream.strided.scatter [tilespmem:s7], [sflag:$0x4], $0x4000, s11, s29, $0x38;
	[tilespmem:$0x12100] =	vst v63  }
0x184: {  	s15 =	rddreg [dreg:$0xd]  }
0x185: {  	[tilespmem:s31], [sflag:$0x2] =	stream.strided.gather [hbm4b:s15+s29], $0x4000, s11, s29, $0x38;
	[tilespmem:$0x12100] =	vst v63  }
0x186: {  	s16 =	rddreg [dreg:$0x6]  }
0x187: {  	[tilespmem:s0], [sflag:$0x2] =	stream.strided.gather [hbm4b:s16+s29], $0x1000, s11, s29, $0x38;
	[tilespmem:$0x12100] =	vst v63  }
0x188: {  	_ =	swait.ge [sflag:s2], $0x4080  }
0x189: {  	[sflag:s2] =	ssyncset.done $0x0  }
0x18a: {  	[sflag:s2] =	ssyncadd.s32 $0xFFFFBF80  }
0x18b: {  	_ =	swait.ge [sflag:s2], $0x1000  }
0x18c: {  	[sflag:s2] =	ssyncset.done $0x0  }
0x18d: {  	[sflag:s2] =	ssyncadd.s32 $0xFFFFF000  }
0x18e: {  	_ =	swait.ge [sflag:s8], $0x4000  }
0x18f: {  	[sflag:s8] =	ssyncset.done $0x0  }
0x190: {  	s13 =	simm.s32 $0x8140;
	[sflag:s8] =	ssyncadd.s32 $0xFFFFC000  }
0x191: {  	v12 =	vld [tilespmem:s13+$0x30]  }
0x192: {  	v14 =	vld [tilespmem:s11+$0xC0]  }
0x193: {  	v13 =	vld [tilespmem:s11+$0xC1]  }
0x194: {  	v20 =	vld [tilespmem:s11+$0xFFFFFF00]  }
0x195: {  	v21 =	vld [tilespmem:s11+$0xFFFFFF01]  }
0x196: {  	v18 =	vld [tilespmem:s13+$0xFFFFFFD0]  }
0x197: {  	v19 =	vld [tilespmem:s11+$0xFFFFFF40]  }
0x198: {  	v16 =	vld [tilespmem:s11+$0xFFFFFF41]  }
0x199: {  	v17 =	vld [tilespmem:s13+$0xFFFFFFE0];
	v15 =	vperm.xlane v12, v5;
	v13 =	vsub.f32 v13, v14  }
0x19a: {  	v22 =	vld [tilespmem:s11+$0xFFFFFF80]  }
0x19b: {  	v23 =	vld [tilespmem:s11+$0xFFFFFF81];
	v15 =	vmul.f32 v13, v15  }
0x19c: {  	v24 =	vld [tilespmem:s11+$0xFFFFFFC0]  }
0x19d: {  	v25 =	vld [tilespmem:s11+$0xFFFFFFC1];
	v14 =	vadd.f32 v15, v14  }
0x19e: {  	s12 =	simm.s32 $0xA200;
	v28 =	vld [tilespmem:s11+$0x0]  }
0x19f: {  	v29 =	vld [tilespmem:s11+$0x1];
	v30 =	vperm.xlane v18, v5;
	v16 =	vsub.f32 v16, v19;
	[tilespmem:s12+$0xC0] =	vst v14  }
0x1a0: {  	v26 =	vld [tilespmem:s11+$0xD0]  }
0x1a1: {  	v30 =	vmul.f32 v16, v30;
	v27 =	vld [tilespmem:s11+$0xD1]  }
0x1a2: {  	v31 =	vld [tilespmem:s11+$0x40]  }
0x1a3: {  	v33 =	vld [tilespmem:s11+$0x41];
	v19 =	vadd.f32 v30, v19  }
0x1a4: {  	v13 =	vld [tilespmem:s13+$0xFFFFFFF0]  }
0x1a5: {  	v39 =	vperm.xlane v17, v5;
	v23 =	vsub.f32 v23, v22;
	[tilespmem:s12+$0xFFFFFF40] =	vst v19;
	v19 =	vld [tilespmem:s13+$0xFFFFFFC0]  }
0x1a6: {  	v40 =	vld [tilespmem:s11+$0x80];
	v32 =	vperm.xlane v12, v6;
	v27 =	vsub.f32 v27, v26  }
0x1a7: {  	v35 =	vld [tilespmem:s11+$0x81];
	v23 =	vmul.f32 v23, v39  }
0x1a8: {  	v16 =	vld [tilespmem:s13+$0x20];
	v27 =	vmul.f32 v27, v32  }
0x1a9: {  	v25 =	vsub.f32 v25, v24;
	v15 =	vld [tilespmem:s13+$0x0];
	v22 =	vadd.f32 v23, v22;
	v34 =	vperm.xlane v13, v5  }
0x1aa: {  	v21 =	vsub.f32 v21, v20;
	v14 =	vld [tilespmem:s13+$0x10];
	v42 =	vperm.xlane v19, v5;
	v26 =	vadd.f32 v27, v26  }
0x1ab: {  	[tilespmem:s12+$0xFFFFFF80] =	vst v22;
	v41 =	vld [tilespmem:s11+$0xFFFFFF51];
	v25 =	vmul.f32 v25, v34  }
0x1ac: {  	v43 =	vld [tilespmem:s11+$0xFFFFFF90];
	v21 =	vmul.f32 v21, v42;
	[tilespmem:s12+$0xD0] =	vst v26  }
0x1ad: {  	v24 =	vadd.f32 v25, v24;
	v26 =	vsub.f32 v29, v28;
	v29 =	vld [tilespmem:s11+$0xE0]  }
0x1ae: {  	v23 =	vperm.xlane v15, v5;
	v20 =	vadd.f32 v21, v20;
	v25 =	vld [tilespmem:s11+$0xE1]  }
0x1af: {  	[tilespmem:s12+$0xFFFFFFC0] =	vst v24;
	v24 =	vld [tilespmem:s11+$0xFFFFFF91]  }
0x1b0: {  	v22 =	vperm.xlane v14, v5;
	v27 =	vld [tilespmem:s11+$0xFFFFFF50];
	[tilespmem:s12+$0xFFFFFF00] =	vst v20;
	v23 =	vmul.f32 v26, v23;
	v26 =	vsub.f32 v33, v31  }
0x1b1: {  	v45 =	vsub.f32 v35, v40;
	v46 =	vld [tilespmem:s11+$0xFFFFFF10]  }
0x1b2: {  	v44 =	vperm.xlane v16, v5;
	v47 =	vld [tilespmem:s11+$0xFFFFFF11];
	v23 =	vadd.f32 v23, v28;
	v22 =	vmul.f32 v26, v22  }
0x1b3: {  	v26 =	vld [tilespmem:s11+$0xFFFFFFD0];
	v28 =	vperm.xlane v12, v8;
	v25 =	vsub.f32 v25, v29  }
0x1b4: {  	[tilespmem:s12+$0x0] =	vst v23;
	v22 =	vadd.f32 v22, v31;
	v23 =	vld [tilespmem:s11+$0xFFFFFFD1];
	v31 =	vmul.f32 v45, v44  }
0x1b5: {  	v21 =	vld [tilespmem:s11+$0x10];
	v25 =	vmul.f32 v25, v28  }
0x1b6: {  	v32 =	vsub.f32 v41, v27;
	[tilespmem:s12+$0x40] =	vst v22;
	v22 =	vld [tilespmem:s11+$0x11];
	v28 =	vperm.xlane v18, v6;
	v30 =	vadd.f32 v31, v40  }
0x1b7: {  	v20 =	vld [tilespmem:s11+$0x50];
	v25 =	vadd.f32 v25, v29  }
0x1b8: {  	v24 =	vsub.f32 v24, v43;
	v48 =	vld [tilespmem:s11+$0x51];
	v29 =	vperm.xlane v17, v6;
	v28 =	vmul.f32 v32, v28;
	[tilespmem:s12+$0x80] =	vst v30  }
0x1b9: {  	v23 =	vsub.f32 v23, v26;
	v30 =	vld [tilespmem:s11+$0x90];
	[tilespmem:s12+$0xE0] =	vst v25  }
0x1ba: {  	v25 =	vperm.xlane v13, v6;
	v27 =	vadd.f32 v28, v27;
	v24 =	vmul.f32 v24, v29;
	v49 =	vld [tilespmem:s11+$0xF0]  }
0x1bb: {  	v29 =	vperm.xlane v19, v6;
	v28 =	vld [tilespmem:s11+$0xF1]  }
0x1bc: {  	[tilespmem:s12+$0xFFFFFF50] =	vst v27;
	v24 =	vadd.f32 v24, v43;
	v23 =	vmul.f32 v23, v25;
	v25 =	vsub.f32 v47, v46;
	v27 =	vld [tilespmem:s11+$0x91]  }
0x1bd: {  	v50 =	vperm.xlane v15, v6;
	v22 =	vsub.f32 v22, v21;
	v51 =	vld [tilespmem:s11+$0xFFFFFF60]  }
0x1be: {  	[tilespmem:s12+$0xFFFFFF90] =	vst v24;
	v23 =	vadd.f32 v23, v26;
	v24 =	vmul.f32 v25, v29;
	v25 =	vld [tilespmem:s11+$0xFFFFFF61]  }
0x1bf: {  	v22 =	vmul.f32 v22, v50;
	v29 =	vld [tilespmem:s11+$0xFFFFFFA0]  }
0x1c0: {  	v26 =	vperm.xlane v14, v6;
	v52 =	vld [tilespmem:s11+$0xFFFFFFA1];
	[tilespmem:s12+$0xFFFFFFD0] =	vst v23;
	v23 =	vsub.f32 v48, v20;
	v24 =	vadd.f32 v24, v46  }
0x1c1: {  	v53 =	vperm.xlane v16, v6;
	v54 =	vld [tilespmem:s11+$0xFFFFFFE0]  }
0x1c2: {  	v21 =	vadd.f32 v22, v21;
	v22 =	vmul.f32 v23, v26;
	v23 =	vsub.f32 v27, v30;
	[tilespmem:s12+$0xFFFFFF10] =	vst v24;
	v24 =	vld [tilespmem:s11+$0xFFFFFFE1]  }
0x1c3: {  	v26 =	vperm.xlane v18, v8;
	v27 =	vld [tilespmem:s11+$0xFFFFFF20]  }
0x1c4: {  	[tilespmem:s12+$0x10] =	vst v21;
	v21 =	vsub.f32 v25, v51;
	v20 =	vadd.f32 v22, v20;
	v22 =	vmul.f32 v23, v53;
	v23 =	vld [tilespmem:s11+$0xFFFFFF21]  }
0x1c5: {  	v55 =	vld [tilespmem:s11+$0x20];
	v25 =	vperm.xlane v17, v8  }
0x1c6: {  	[tilespmem:s12+$0x50] =	vst v20;
	v20 =	vmul.f32 v21, v26;
	v21 =	vsub.f32 v52, v29;
	v22 =	vadd.f32 v22, v30;
	v26 =	vld [tilespmem:s11+$0x21]  }
0x1c7: {  	v56 =	vperm.xlane v13, v8;
	v57 =	vld [tilespmem:s11+$0x60]  }
0x1c8: {  	v24 =	vsub.f32 v24, v54;
	v20 =	vadd.f32 v20, v51;
	v21 =	vmul.f32 v21, v25;
	[tilespmem:s12+$0x90] =	vst v22;
	v22 =	vld [tilespmem:s11+$0x61]  }
0x1c9: {  	v25 =	vperm.xlane v19, v8;
	v23 =	vsub.f32 v23, v27;
	v58 =	vld [tilespmem:s11+$0xA0]  }
0x1ca: {  	[tilespmem:s12+$0xFFFFFF60] =	vst v20;
	v20 =	vadd.f32 v21, v29;
	v21 =	vmul.f32 v24, v56;
	v24 =	vld [tilespmem:s11+$0xA1]  }
0x1cb: {  	v23 =	vmul.f32 v23, v25;
	v25 =	vld [tilespmem:s11+$0xFFFFFF70]  }
0x1cc: {  	v29 =	vperm.xlane v15, v8;
	[tilespmem:s12+$0xFFFFFFA0] =	vst v20;
	v20 =	vadd.f32 v21, v54;
	v21 =	vsub.f32 v26, v55;
	v26 =	vld [tilespmem:s11+$0xFFFFFF71]  }
0x1cd: {  	v23 =	vadd.f32 v23, v27;
	v27 =	vld [tilespmem:s11+$0xFFFFFFB0]  }
0x1ce: {  	v59 =	vperm.xlane v14, v8;
	v22 =	vsub.f32 v22, v57;
	[tilespmem:s12+$0xFFFFFFE0] =	vst v20;
	v21 =	vmul.f32 v21, v29;
	v29 =	vld [tilespmem:s11+$0xFFFFFFB1]  }
0x1cf: {  	v61 =	vperm.xlane v17, v7;
	v60 =	vperm.xlane v16, v8;
	v28 =	vsub.f32 v28, v49;
	[tilespmem:s12+$0xFFFFFF20] =	vst v23;
	v20 =	vld [tilespmem:s11+$0xFFFFFFF0]  }
0x1d0: {  	v22 =	vmul.f32 v22, v59;
	v24 =	vsub.f32 v24, v58;
	v23 =	vadd.f32 v21, v55;
	v21 =	vld [tilespmem:s11+$0xFFFFFF30]  }
0x1d1: {  	v18 =	vperm.xlane v18, v7;
	v17 =	vperm.xlane v12, v7;
	v62 =	vld [tilespmem:s11+$0xFFFFFF31];
	v26 =	vsub.f32 v26, v25  }
0x1d2: {  	v63 =	vld [tilespmem:s11+$0xFFFFFFF1];
	v24 =	vmul.f32 v24, v60;
	[tilespmem:s12+$0x20] =	vst v23;
	v23 =	vadd.f32 v22, v57  }
0x1d3: {  	v17 =	vmul.f32 v28, v17;
	v22 =	vld [tilespmem:s11+$0x30];
	v18 =	vmul.f32 v26, v18;
	v26 =	vsub.f32 v29, v27  }
0x1d4: {  	v12 =	vperm.xlane v13, v7;
	[tilespmem:s12+$0x60] =	vst v23;
	v23 =	vadd.f32 v24, v58;
	v24 =	vld [tilespmem:s11+$0x31]  }
0x1d5: {  	v29 =	vadd.f32 v17, v49;
	v17 =	vld [tilespmem:s11+$0x70];
	v18 =	vadd.f32 v18, v25;
	v25 =	vmul.f32 v26, v61  }
0x1d6: {  	v13 =	vperm.xlane v15, v7;
	v28 =	vperm.xlane v19, v7;
	v19 =	vld [tilespmem:s11+$0x71];
	[tilespmem:s12+$0xA0] =	vst v23;
	v23 =	vsub.f32 v62, v21  }
0x1d7: {  	v15 =	vperm.xlane v14, v7;
	[tilespmem:s12+$0xF0] =	vst v29;
	v14 =	vld [tilespmem:s11+$0xB0];
	v25 =	vadd.f32 v25, v27;
	v27 =	vsub.f32 v63, v20  }
0x1d8: {  	s14 =	simm.s32 $0x81C0;
	s13 =	simm.s32 $0x0;
	v16 =	vperm.xlane v16, v7;
	[tilespmem:s12+$0xFFFFFF70] =	vst v18;
	v26 =	vmul.f32 v23, v28;
	v23 =	vld [tilespmem:s11+$0xB1]  }
.LBB2_6:
0x1d9: {  	v18 =	vld [tilespmem:s14+$0x30];
	[tilespmem:s12+$0xFFFFFFB0] =	vst v25;
	v12 =	vmul.f32 v27, v12;
	v24 =	vsub.f32 v24, v22;
	s11 =	sadd.s32 $0x200, s11  }
0x1da: {  	v25 =	vld [tilespmem:s11+$0xC0];
	v21 =	vadd.f32 v26, v21  }
0x1db: {  	v27 =	vld [tilespmem:s11+$0xC1];
	v12 =	vadd.f32 v12, v20;
	v13 =	vmul.f32 v24, v13;
	v19 =	vsub.f32 v19, v17  }
0x1dc: {  	v26 =	vld [tilespmem:s11+$0xFFFFFF00];
	[tilespmem:s12+$0xFFFFFF30] =	vst v21  }
0x1dd: {  	v20 =	vld [tilespmem:s11+$0xFFFFFF01];
	[tilespmem:s12+$0xFFFFFFF0] =	vst v12;
	v12 =	vadd.f32 v13, v22;
	v13 =	vmul.f32 v19, v15;
	v15 =	vsub.f32 v23, v14  }
0x1de: {  	s13 =	sadd.s32 $0x8, s13;
	v21 =	vld [tilespmem:s14+$0xFFFFFFD0]  }
0x1df: {  	p0 =	slt.u32 s13, $0xF8;
	v22 =	vld [tilespmem:s11+$0xFFFFFF40];
	[tilespmem:s12+$0x30] =	vst v12;
	v12 =	vadd.f32 v13, v17;
	v13 =	vmul.f32 v15, v16  }
0x1e0: {  	v16 =	vperm.xlane v18, v5;
	v15 =	vld [tilespmem:s11+$0xFFFFFF41];
	v17 =	vsub.f32 v27, v25  }
0x1e1: {  	v23 =	vld [tilespmem:s14+$0xFFFFFFE0];
	[tilespmem:s12+$0x70] =	vst v12;
	v12 =	vadd.f32 v13, v14  }
0x1e2: {  	v27 =	vsub.f32 v20, v26;
	v13 =	vld [tilespmem:s11+$0xFFFFFF80];
	v16 =	vmul.f32 v17, v16  }
0x1e3: {  	v17 =	vperm.xlane v21, v5;
	v28 =	vperm.xlane v21, v6;
	v24 =	vld [tilespmem:s11+$0xFFFFFF81];
	[tilespmem:s12+$0xB0] =	vst v12  }
0x1e4: {  	v19 =	vperm.xlane v21, v8;
	v14 =	vperm.xlane v21, v7;
	v12 =	vld [tilespmem:s14+$0xFFFFFFF0];
	v16 =	vadd.f32 v16, v25  }
0x1e5: {  	s12 =	sadd.s32 $0x200, s12;
	v15 =	vsub.f32 v15, v22;
	v25 =	vld [tilespmem:s11+$0xFFFFFFC0]  }
0x1e6: {  	v21 =	vperm.xlane v23, v5;
	v29 =	vperm.xlane v23, v6;
	v30 =	vld [tilespmem:s11+$0xFFFFFFC1];
	[tilespmem:s12+$0xC0] =	vst v16  }
0x1e7: {  	v20 =	vperm.xlane v23, v8;
	v15 =	vmul.f32 v15, v17;
	v16 =	vld [tilespmem:s11+$0xD0]  }
0x1e8: {  	v17 =	vperm.xlane v23, v7;
	v24 =	vsub.f32 v24, v13;
	v23 =	vld [tilespmem:s11+$0xD1]  }
0x1e9: {  	v15 =	vadd.f32 v15, v22;
	v22 =	vperm.xlane v12, v5;
	v31 =	vperm.xlane v12, v6;
	v32 =	vld [tilespmem:s14+$0x0]  }
0x1ea: {  	v24 =	vmul.f32 v24, v21;
	v21 =	vperm.xlane v12, v8;
	v33 =	vld [tilespmem:s11+$0x0]  }
0x1eb: {  	v12 =	vperm.xlane v12, v7;
	[tilespmem:s12+$0xFFFFFF40] =	vst v15;
	v15 =	vsub.f32 v30, v25;
	v30 =	vld [tilespmem:s11+$0x1]  }
0x1ec: {  	v13 =	vadd.f32 v24, v13;
	v34 =	vld [tilespmem:s14+$0x10]  }
0x1ed: {  	v24 =	vperm.xlane v18, v6;
	v15 =	vmul.f32 v15, v22;
	v35 =	vld [tilespmem:s11+$0x40];
	v23 =	vsub.f32 v23, v16  }
0x1ee: {  	[tilespmem:s12+$0xFFFFFF80] =	vst v13;
	v36 =	vperm.xlane v32, v5;
	v37 =	vperm.xlane v32, v6;
	v38 =	vld [tilespmem:s11+$0x41]  }
0x1ef: {  	v22 =	vperm.xlane v32, v8;
	v15 =	vadd.f32 v15, v25;
	v39 =	vld [tilespmem:s14+$0x20];
	v23 =	vmul.f32 v23, v24  }
0x1f0: {  	v13 =	vperm.xlane v32, v7;
	v24 =	vsub.f32 v30, v33;
	v30 =	vld [tilespmem:s11+$0x80]  }
0x1f1: {  	[tilespmem:s12+$0xFFFFFFC0] =	vst v15;
	v25 =	vperm.xlane v34, v5;
	v32 =	vperm.xlane v34, v6;
	v40 =	vld [tilespmem:s11+$0x81];
	v16 =	vadd.f32 v23, v16  }
0x1f2: {  	v23 =	vld [tilespmem:s14+$0xFFFFFFC0];
	v36 =	vmul.f32 v24, v36;
	v24 =	vperm.xlane v34, v8  }
0x1f3: {  	v15 =	vperm.xlane v34, v7;
	v41 =	vld [tilespmem:s11+$0xFFFFFF50];
	v38 =	vsub.f32 v38, v35;
	[tilespmem:s12+$0xD0] =	vst v16  }
0x1f4: {  	v16 =	vadd.f32 v36, v33;
	v33 =	vperm.xlane v39, v5;
	v34 =	vperm.xlane v39, v6;
	v36 =	vld [tilespmem:s11+$0xE0]  }
0x1f5: {  	v38 =	vmul.f32 v38, v25;
	v25 =	vperm.xlane v39, v8;
	v42 =	vld [tilespmem:s11+$0xE1]  }
0x1f6: {  	v43 =	vld [tilespmem:s11+$0xFFFFFF51];
	[tilespmem:s12+$0x0] =	vst v16;
	v40 =	vsub.f32 v40, v30;
	v16 =	vperm.xlane v39, v7  }
0x1f7: {  	v39 =	vperm.xlane v23, v5;
	v44 =	vperm.xlane v23, v6;
	v45 =	vld [tilespmem:s11+$0xFFFFFF90];
	v35 =	vadd.f32 v38, v35  }
0x1f8: {  	v38 =	vperm.xlane v23, v8;
	v46 =	vld [tilespmem:s11+$0xFFFFFF91];
	v33 =	vmul.f32 v40, v33  }
0x1f9: {  	v23 =	vperm.xlane v23, v7;
	v27 =	vmul.f32 v27, v39;
	v39 =	vld [tilespmem:s11+$0xFFFFFFD0];
	[tilespmem:s12+$0x40] =	vst v35  }
0x1fa: {  	v35 =	vld [tilespmem:s11+$0xFFFFFFD1];
	v30 =	vadd.f32 v33, v30;
	v33 =	vperm.xlane v18, v8;
	v40 =	vsub.f32 v42, v36  }
0x1fb: {  	v26 =	vadd.f32 v27, v26;
	v27 =	vsub.f32 v43, v41;
	v42 =	vld [tilespmem:s11+$0x10]  }
0x1fc: {  	v43 =	vld [tilespmem:s11+$0x11];
	[tilespmem:s12+$0x80] =	vst v30;
	v30 =	vmul.f32 v40, v33  }
0x1fd: {  	[tilespmem:s12+$0xFFFFFF00] =	vst v26;
	v26 =	vmul.f32 v27, v28;
	v27 =	vsub.f32 v46, v45;
	v28 =	vld [tilespmem:s11+$0x50]  }
0x1fe: {  	v33 =	vld [tilespmem:s11+$0xFFFFFF10];
	v30 =	vadd.f32 v30, v36  }
0x1ff: {  	v36 =	vld [tilespmem:s11+$0xFFFFFF11];
	v26 =	vadd.f32 v26, v41;
	v27 =	vmul.f32 v27, v29;
	v29 =	vsub.f32 v35, v39  }
0x200: {  	v35 =	vld [tilespmem:s11+$0x51];
	[tilespmem:s12+$0xE0] =	vst v30  }
0x201: {  	[tilespmem:s12+$0xFFFFFF50] =	vst v26;
	v26 =	vadd.f32 v27, v45;
	v27 =	vmul.f32 v29, v31;
	v29 =	vsub.f32 v43, v42;
	v30 =	vld [tilespmem:s11+$0xF0]  }
0x202: {  	v31 =	vld [tilespmem:s11+$0xF1]  }
0x203: {  	[tilespmem:s12+$0xFFFFFF90] =	vst v26;
	v26 =	vadd.f32 v27, v39;
	v27 =	vmul.f32 v29, v37;
	v29 =	vld [tilespmem:s11+$0x90]  }
0x204: {  	v36 =	vsub.f32 v36, v33;
	v37 =	vld [tilespmem:s11+$0x91]  }
0x205: {  	v39 =	vld [tilespmem:s11+$0xFFFFFF60];
	[tilespmem:s12+$0xFFFFFFD0] =	vst v26;
	v26 =	vadd.f32 v27, v42;
	v27 =	vsub.f32 v35, v28  }
0x206: {  	v35 =	vmul.f32 v36, v44;
	v36 =	vld [tilespmem:s11+$0xFFFFFF61]  }
0x207: {  	v18 =	vperm.xlane v18, v7;
	v40 =	vld [tilespmem:s11+$0xFFFFFFA0];
	[tilespmem:s12+$0x10] =	vst v26;
	v26 =	vmul.f32 v27, v32;
	v27 =	vsub.f32 v31, v30  }
0x208: {  	v31 =	vadd.f32 v35, v33;
	v32 =	vld [tilespmem:s11+$0xFFFFFFA1]  }
0x209: {  	v33 =	vld [tilespmem:s11+$0xFFFFFFE0];
	v26 =	vadd.f32 v26, v28;
	v28 =	vsub.f32 v37, v29;
	v18 =	vmul.f32 v27, v18  }
0x20a: {  	[tilespmem:s12+$0xFFFFFF10] =	vst v31;
	v27 =	vld [tilespmem:s11+$0xFFFFFFE1]  }
0x20b: {  	v31 =	vld [tilespmem:s11+$0xFFFFFF20];
	v35 =	vsub.f32 v36, v39;
	[tilespmem:s12+$0x50] =	vst v26;
	v26 =	vmul.f32 v28, v34;
	v18 =	vadd.f32 v18, v30  }
0x20c: {  	v28 =	vld [tilespmem:s11+$0xFFFFFF21]  }
0x20d: {  	v19 =	vmul.f32 v35, v19;
	v30 =	vsub.f32 v32, v40;
	v32 =	vld [tilespmem:s11+$0x20];
	v26 =	vadd.f32 v26, v29;
	[tilespmem:s12+$0xF0] =	vst v18  }
0x20e: {  	v18 =	vld [tilespmem:s11+$0x21]  }
0x20f: {  	v19 =	vadd.f32 v19, v39;
	v20 =	vmul.f32 v30, v20;
	v27 =	vsub.f32 v27, v33;
	v29 =	vld [tilespmem:s11+$0x60];
	[tilespmem:s12+$0x90] =	vst v26  }
0x210: {  	v26 =	vld [tilespmem:s11+$0x61]  }
0x211: {  	v28 =	vsub.f32 v28, v31;
	[tilespmem:s12+$0xFFFFFF60] =	vst v19;
	v19 =	vadd.f32 v20, v40;
	v20 =	vmul.f32 v27, v21;
	v27 =	vld [tilespmem:s11+$0xA0]  }
0x212: {  	v21 =	vld [tilespmem:s11+$0xA1]  }
0x213: {  	v28 =	vmul.f32 v28, v38;
	v30 =	vld [tilespmem:s11+$0xFFFFFF70];
	[tilespmem:s12+$0xFFFFFFA0] =	vst v19;
	v19 =	vadd.f32 v20, v33;
	v18 =	vsub.f32 v18, v32  }
0x214: {  	v33 =	vld [tilespmem:s11+$0xFFFFFF71]  }
0x215: {  	v20 =	vadd.f32 v28, v31;
	v28 =	vld [tilespmem:s11+$0xFFFFFFB0];
	[tilespmem:s12+$0xFFFFFFE0] =	vst v19;
	v18 =	vmul.f32 v18, v22;
	v19 =	vsub.f32 v26, v29  }
0x216: {  	v22 =	vld [tilespmem:s11+$0xFFFFFFB1]  }
0x217: {  	[tilespmem:s12+$0xFFFFFF20] =	vst v20;
	v20 =	vld [tilespmem:s11+$0xFFFFFFF0];
	v18 =	vadd.f32 v18, v32;
	v19 =	vmul.f32 v19, v24;
	v24 =	vsub.f32 v21, v27  }
0x218: {  	v21 =	vld [tilespmem:s11+$0xFFFFFF30]  }
0x219: {  	v26 =	vld [tilespmem:s11+$0xFFFFFF31];
	v31 =	vsub.f32 v33, v30;
	[tilespmem:s12+$0x20] =	vst v18;
	v18 =	vadd.f32 v19, v29;
	v19 =	vmul.f32 v24, v25  }
0x21a: {  	v29 =	vld [tilespmem:s11+$0xFFFFFFF1]  }
0x21b: {  	v14 =	vmul.f32 v31, v14;
	v25 =	vsub.f32 v22, v28;
	v22 =	vld [tilespmem:s11+$0x30];
	[tilespmem:s12+$0x60] =	vst v18;
	v18 =	vadd.f32 v19, v27  }
.Ltmp2:
0x21c: {  	v24 =	vld [tilespmem:s11+$0x31];
	(pc) =	sbr.rel @p0 .LBB2_6-.Ltmp2, $4  }
0x21d: {  	v14 =	vadd.f32 v14, v30;
	v25 =	vmul.f32 v25, v17;
	v17 =	vld [tilespmem:s11+$0x70];
	[tilespmem:s12+$0xA0] =	vst v18  }
0x21e: {  	v18 =	vsub.f32 v26, v21;
	v19 =	vld [tilespmem:s11+$0x71]  }
0x21f: {  	[tilespmem:s12+$0xFFFFFF70] =	vst v14;
	v25 =	vadd.f32 v25, v28;
	v27 =	vsub.f32 v29, v20;
	v14 =	vld [tilespmem:s11+$0xB0]  }
0x220: {  	s14 =	sadd.s32 $0x80, s14;
	v26 =	vmul.f32 v18, v23;
	v23 =	vld [tilespmem:s11+$0xB1]  }
0x221: {  	_ =	sdelay $0x1  }
0x222: {  	v18 =	vsub.f32 v24, v22  }
0x223: {  	v12 =	vmul.f32 v27, v12;
	v19 =	vsub.f32 v19, v17  }
0x224: {  	v21 =	vadd.f32 v26, v21;
	v13 =	vmul.f32 v18, v13;
	v18 =	vsub.f32 v23, v14  }
0x225: {  	[tilespmem:s12+$0xFFFFFFB0] =	vst v25;
	v12 =	vadd.f32 v12, v20;
	v15 =	vmul.f32 v19, v15  }
0x226: {  	[tilespmem:s12+$0xFFFFFF30] =	vst v21;
	v13 =	vadd.f32 v13, v22;
	v16 =	vmul.f32 v18, v16  }
0x227: {  	[tilespmem:s12+$0xFFFFFFF0] =	vst v12;
	v12 =	vadd.f32 v15, v17  }
0x228: {  	[tilespmem:s12+$0x30] =	vst v13;
	v13 =	vadd.f32 v16, v14  }
0x229: {  	[tilespmem:s12+$0x70] =	vst v12  }
0x22a: {  	[tilespmem:s12+$0xB0] =	vst v13  }
0x22b: {  	s11 =	rddreg [dreg:$0xe]  }
0x22c: {  	[hbm4b:s11+s29] =	stream.strided.scatter [tilespmem:s5], [sflag:$0x3], $0x4000, s4, s29, $0x38;
	[tilespmem:$0x12100] =	vst v63  }
0x22d: {  	s16 =	rddreg [dreg:$0xf]  }
0x22e: {  	[tilespmem:s1], [sflag:$0x1] =	stream.strided.gather [hbm4b:s16+s29], $0x4080, s4, s29, $0x38;
	[tilespmem:$0x12100] =	vst v63  }
0x22f: {  	_ = 	snop  }
0x230: {  	[tilespmem:s30], [sflag:$0x1] =	stream.strided.gather [hbm4b:s24+s29], $0x1000, s4, s29, $0x38;
	[tilespmem:$0x12100] =	vst v63  }
0x231: {  	_ =	swait.ge [sflag:s6], $0x4000  }
0x232: {  	[sflag:s6] =	ssyncset.done $0x0  }
0x233: {  	[sflag:s6] =	ssyncadd.s32 $0xFFFFC000  }
0x234: {  	_ =	swait.ge [sflag:s6], $0x1000  }
0x235: {  	[sflag:s6] =	ssyncset.done $0x0  }
0x236: {  	[sflag:s6] =	ssyncadd.s32 $0xFFFFF000  }
0x237: {  	_ =	swait.ge [sflag:s9], $0x4000  }
0x238: {  	[sflag:s9] =	ssyncset.done $0x0  }
0x239: {  	s13 =	simm.s32 $0x9140;
	[sflag:s9] =	ssyncadd.s32 $0xFFFFC000  }
0x23a: {  	s12 =	simm.s32 $0x4180;
	v12 =	vld [tilespmem:s13+$0x30]  }
0x23b: {  	v14 =	vld [tilespmem:s12+$0xC0]  }
0x23c: {  	v13 =	vld [tilespmem:s12+$0xC1]  }
0x23d: {  	v20 =	vld [tilespmem:s12+$0xFFFFFF00]  }
0x23e: {  	v21 =	vld [tilespmem:s12+$0xFFFFFF01]  }
0x23f: {  	v18 =	vld [tilespmem:s13+$0xFFFFFFD0]  }
0x240: {  	v19 =	vld [tilespmem:s12+$0xFFFFFF40]  }
0x241: {  	v16 =	vld [tilespmem:s12+$0xFFFFFF41]  }
0x242: {  	v17 =	vld [tilespmem:s13+$0xFFFFFFE0];
	v15 =	vperm.xlane v12, v5;
	v13 =	vsub.f32 v13, v14  }
0x243: {  	v22 =	vld [tilespmem:s12+$0xFFFFFF80]  }
0x244: {  	v23 =	vld [tilespmem:s12+$0xFFFFFF81];
	v15 =	vmul.f32 v13, v15  }
0x245: {  	v24 =	vld [tilespmem:s12+$0xFFFFFFC0]  }
0x246: {  	v25 =	vld [tilespmem:s12+$0xFFFFFFC1];
	v14 =	vadd.f32 v15, v14  }
0x247: {  	s11 =	simm.s32 $0xE200;
	v28 =	vld [tilespmem:s12+$0x0]  }
0x248: {  	v29 =	vld [tilespmem:s12+$0x1];
	v30 =	vperm.xlane v18, v5;
	v16 =	vsub.f32 v16, v19;
	[tilespmem:s11+$0xC0] =	vst v14  }
0x249: {  	v26 =	vld [tilespmem:s12+$0xD0]  }
0x24a: {  	v30 =	vmul.f32 v16, v30;
	v27 =	vld [tilespmem:s12+$0xD1]  }
0x24b: {  	v31 =	vld [tilespmem:s12+$0x40]  }
0x24c: {  	v33 =	vld [tilespmem:s12+$0x41];
	v19 =	vadd.f32 v30, v19  }
0x24d: {  	v13 =	vld [tilespmem:s13+$0xFFFFFFF0]  }
0x24e: {  	v39 =	vperm.xlane v17, v5;
	v23 =	vsub.f32 v23, v22;
	[tilespmem:s11+$0xFFFFFF40] =	vst v19;
	v19 =	vld [tilespmem:s13+$0xFFFFFFC0]  }
0x24f: {  	v40 =	vld [tilespmem:s12+$0x80];
	v32 =	vperm.xlane v12, v6;
	v27 =	vsub.f32 v27, v26  }
0x250: {  	v35 =	vld [tilespmem:s12+$0x81];
	v23 =	vmul.f32 v23, v39  }
0x251: {  	v16 =	vld [tilespmem:s13+$0x20];
	v27 =	vmul.f32 v27, v32  }
0x252: {  	v25 =	vsub.f32 v25, v24;
	v15 =	vld [tilespmem:s13+$0x0];
	v22 =	vadd.f32 v23, v22;
	v34 =	vperm.xlane v13, v5  }
0x253: {  	v21 =	vsub.f32 v21, v20;
	v14 =	vld [tilespmem:s13+$0x10];
	v42 =	vperm.xlane v19, v5;
	v26 =	vadd.f32 v27, v26  }
0x254: {  	[tilespmem:s11+$0xFFFFFF80] =	vst v22;
	v41 =	vld [tilespmem:s12+$0xFFFFFF51];
	v25 =	vmul.f32 v25, v34  }
0x255: {  	v43 =	vld [tilespmem:s12+$0xFFFFFF90];
	v21 =	vmul.f32 v21, v42;
	[tilespmem:s11+$0xD0] =	vst v26  }
0x256: {  	v24 =	vadd.f32 v25, v24;
	v26 =	vsub.f32 v29, v28;
	v29 =	vld [tilespmem:s12+$0xE0]  }
0x257: {  	v23 =	vperm.xlane v15, v5;
	v20 =	vadd.f32 v21, v20;
	v25 =	vld [tilespmem:s12+$0xE1]  }
0x258: {  	[tilespmem:s11+$0xFFFFFFC0] =	vst v24;
	v24 =	vld [tilespmem:s12+$0xFFFFFF91]  }
0x259: {  	v22 =	vperm.xlane v14, v5;
	v27 =	vld [tilespmem:s12+$0xFFFFFF50];
	[tilespmem:s11+$0xFFFFFF00] =	vst v20;
	v23 =	vmul.f32 v26, v23;
	v26 =	vsub.f32 v33, v31  }
0x25a: {  	v45 =	vsub.f32 v35, v40;
	v46 =	vld [tilespmem:s12+$0xFFFFFF10]  }
0x25b: {  	v44 =	vperm.xlane v16, v5;
	v47 =	vld [tilespmem:s12+$0xFFFFFF11];
	v23 =	vadd.f32 v23, v28;
	v22 =	vmul.f32 v26, v22  }
0x25c: {  	v26 =	vld [tilespmem:s12+$0xFFFFFFD0];
	v28 =	vperm.xlane v12, v8;
	v25 =	vsub.f32 v25, v29  }
0x25d: {  	[tilespmem:s11+$0x0] =	vst v23;
	v22 =	vadd.f32 v22, v31;
	v23 =	vld [tilespmem:s12+$0xFFFFFFD1];
	v31 =	vmul.f32 v45, v44  }
0x25e: {  	v21 =	vld [tilespmem:s12+$0x10];
	v25 =	vmul.f32 v25, v28  }
0x25f: {  	v32 =	vsub.f32 v41, v27;
	[tilespmem:s11+$0x40] =	vst v22;
	v22 =	vld [tilespmem:s12+$0x11];
	v28 =	vperm.xlane v18, v6;
	v30 =	vadd.f32 v31, v40  }
0x260: {  	v20 =	vld [tilespmem:s12+$0x50];
	v25 =	vadd.f32 v25, v29  }
0x261: {  	v24 =	vsub.f32 v24, v43;
	v48 =	vld [tilespmem:s12+$0x51];
	v29 =	vperm.xlane v17, v6;
	v28 =	vmul.f32 v32, v28;
	[tilespmem:s11+$0x80] =	vst v30  }
0x262: {  	v23 =	vsub.f32 v23, v26;
	v30 =	vld [tilespmem:s12+$0x90];
	[tilespmem:s11+$0xE0] =	vst v25  }
0x263: {  	v25 =	vperm.xlane v13, v6;
	v27 =	vadd.f32 v28, v27;
	v24 =	vmul.f32 v24, v29;
	v49 =	vld [tilespmem:s12+$0xF0]  }
0x264: {  	v29 =	vperm.xlane v19, v6;
	v28 =	vld [tilespmem:s12+$0xF1]  }
0x265: {  	[tilespmem:s11+$0xFFFFFF50] =	vst v27;
	v24 =	vadd.f32 v24, v43;
	v23 =	vmul.f32 v23, v25;
	v25 =	vsub.f32 v47, v46;
	v27 =	vld [tilespmem:s12+$0x91]  }
0x266: {  	v50 =	vperm.xlane v15, v6;
	v22 =	vsub.f32 v22, v21;
	v51 =	vld [tilespmem:s12+$0xFFFFFF60]  }
0x267: {  	[tilespmem:s11+$0xFFFFFF90] =	vst v24;
	v23 =	vadd.f32 v23, v26;
	v24 =	vmul.f32 v25, v29;
	v25 =	vld [tilespmem:s12+$0xFFFFFF61]  }
0x268: {  	v22 =	vmul.f32 v22, v50;
	v29 =	vld [tilespmem:s12+$0xFFFFFFA0]  }
0x269: {  	v26 =	vperm.xlane v14, v6;
	v52 =	vld [tilespmem:s12+$0xFFFFFFA1];
	[tilespmem:s11+$0xFFFFFFD0] =	vst v23;
	v23 =	vsub.f32 v48, v20;
	v24 =	vadd.f32 v24, v46  }
0x26a: {  	v53 =	vperm.xlane v16, v6;
	v54 =	vld [tilespmem:s12+$0xFFFFFFE0]  }
0x26b: {  	v21 =	vadd.f32 v22, v21;
	v22 =	vmul.f32 v23, v26;
	v23 =	vsub.f32 v27, v30;
	[tilespmem:s11+$0xFFFFFF10] =	vst v24;
	v24 =	vld [tilespmem:s12+$0xFFFFFFE1]  }
0x26c: {  	v26 =	vperm.xlane v18, v8;
	v27 =	vld [tilespmem:s12+$0xFFFFFF20]  }
0x26d: {  	[tilespmem:s11+$0x10] =	vst v21;
	v21 =	vsub.f32 v25, v51;
	v20 =	vadd.f32 v22, v20;
	v22 =	vmul.f32 v23, v53;
	v23 =	vld [tilespmem:s12+$0xFFFFFF21]  }
0x26e: {  	v55 =	vld [tilespmem:s12+$0x20];
	v25 =	vperm.xlane v17, v8  }
0x26f: {  	[tilespmem:s11+$0x50] =	vst v20;
	v20 =	vmul.f32 v21, v26;
	v21 =	vsub.f32 v52, v29;
	v22 =	vadd.f32 v22, v30;
	v26 =	vld [tilespmem:s12+$0x21]  }
0x270: {  	v56 =	vperm.xlane v13, v8;
	v57 =	vld [tilespmem:s12+$0x60]  }
0x271: {  	v24 =	vsub.f32 v24, v54;
	v20 =	vadd.f32 v20, v51;
	v21 =	vmul.f32 v21, v25;
	[tilespmem:s11+$0x90] =	vst v22;
	v22 =	vld [tilespmem:s12+$0x61]  }
0x272: {  	v25 =	vperm.xlane v19, v8;
	v23 =	vsub.f32 v23, v27;
	v58 =	vld [tilespmem:s12+$0xA0]  }
0x273: {  	[tilespmem:s11+$0xFFFFFF60] =	vst v20;
	v20 =	vadd.f32 v21, v29;
	v21 =	vmul.f32 v24, v56;
	v24 =	vld [tilespmem:s12+$0xA1]  }
0x274: {  	v23 =	vmul.f32 v23, v25;
	v25 =	vld [tilespmem:s12+$0xFFFFFF70]  }
0x275: {  	v29 =	vperm.xlane v15, v8;
	[tilespmem:s11+$0xFFFFFFA0] =	vst v20;
	v20 =	vadd.f32 v21, v54;
	v21 =	vsub.f32 v26, v55;
	v26 =	vld [tilespmem:s12+$0xFFFFFF71]  }
0x276: {  	v23 =	vadd.f32 v23, v27;
	v27 =	vld [tilespmem:s12+$0xFFFFFFB0]  }
0x277: {  	v59 =	vperm.xlane v14, v8;
	v22 =	vsub.f32 v22, v57;
	[tilespmem:s11+$0xFFFFFFE0] =	vst v20;
	v21 =	vmul.f32 v21, v29;
	v29 =	vld [tilespmem:s12+$0xFFFFFFB1]  }
0x278: {  	v61 =	vperm.xlane v17, v7;
	v60 =	vperm.xlane v16, v8;
	v28 =	vsub.f32 v28, v49;
	[tilespmem:s11+$0xFFFFFF20] =	vst v23;
	v20 =	vld [tilespmem:s12+$0xFFFFFFF0]  }
0x279: {  	v22 =	vmul.f32 v22, v59;
	v24 =	vsub.f32 v24, v58;
	v23 =	vadd.f32 v21, v55;
	v21 =	vld [tilespmem:s12+$0xFFFFFF30]  }
0x27a: {  	v18 =	vperm.xlane v18, v7;
	v17 =	vperm.xlane v12, v7;
	v62 =	vld [tilespmem:s12+$0xFFFFFF31];
	v26 =	vsub.f32 v26, v25  }
0x27b: {  	v63 =	vld [tilespmem:s12+$0xFFFFFFF1];
	v24 =	vmul.f32 v24, v60;
	[tilespmem:s11+$0x20] =	vst v23;
	v23 =	vadd.f32 v22, v57  }
0x27c: {  	v17 =	vmul.f32 v28, v17;
	v22 =	vld [tilespmem:s12+$0x30];
	v18 =	vmul.f32 v26, v18;
	v26 =	vsub.f32 v29, v27  }
0x27d: {  	v12 =	vperm.xlane v13, v7;
	[tilespmem:s11+$0x60] =	vst v23;
	v23 =	vadd.f32 v24, v58;
	v24 =	vld [tilespmem:s12+$0x31]  }
0x27e: {  	v29 =	vadd.f32 v17, v49;
	v17 =	vld [tilespmem:s12+$0x70];
	v18 =	vadd.f32 v18, v25;
	v25 =	vmul.f32 v26, v61  }
0x27f: {  	v13 =	vperm.xlane v15, v7;
	v28 =	vperm.xlane v19, v7;
	v19 =	vld [tilespmem:s12+$0x71];
	[tilespmem:s11+$0xA0] =	vst v23;
	v23 =	vsub.f32 v62, v21  }
0x280: {  	v15 =	vperm.xlane v14, v7;
	[tilespmem:s11+$0xF0] =	vst v29;
	v14 =	vld [tilespmem:s12+$0xB0];
	v25 =	vadd.f32 v25, v27;
	v27 =	vsub.f32 v63, v20  }
0x281: {  	s14 =	simm.s32 $0x0;
	s15 =	simm.s32 $0x91C0;
	s13 =	simm.s32 $0xA080;
	v16 =	vperm.xlane v16, v7;
	[tilespmem:s11+$0xFFFFFF70] =	vst v18;
	v26 =	vmul.f32 v23, v28;
	v23 =	vld [tilespmem:s12+$0xB1]  }
.LBB2_8:
0x282: {  	v18 =	vld [tilespmem:s15+$0x30];
	[tilespmem:s11+$0xFFFFFFB0] =	vst v25;
	v12 =	vmul.f32 v27, v12;
	v24 =	vsub.f32 v24, v22;
	s12 =	sadd.s32 $0x200, s12  }
0x283: {  	v25 =	vld [tilespmem:s12+$0xC0];
	v21 =	vadd.f32 v26, v21  }
0x284: {  	v27 =	vld [tilespmem:s12+$0xC1];
	v12 =	vadd.f32 v12, v20;
	v13 =	vmul.f32 v24, v13;
	v19 =	vsub.f32 v19, v17  }
0x285: {  	v26 =	vld [tilespmem:s12+$0xFFFFFF00];
	[tilespmem:s11+$0xFFFFFF30] =	vst v21  }
0x286: {  	v20 =	vld [tilespmem:s12+$0xFFFFFF01];
	[tilespmem:s11+$0xFFFFFFF0] =	vst v12;
	v12 =	vadd.f32 v13, v22;
	v13 =	vmul.f32 v19, v15;
	v15 =	vsub.f32 v23, v14  }
0x287: {  	s14 =	sadd.s32 $0x8, s14;
	v21 =	vld [tilespmem:s15+$0xFFFFFFD0]  }
0x288: {  	p0 =	slt.u32 s14, $0xF0;
	v22 =	vld [tilespmem:s12+$0xFFFFFF40];
	[tilespmem:s11+$0x30] =	vst v12;
	v12 =	vadd.f32 v13, v17;
	v13 =	vmul.f32 v15, v16  }
0x289: {  	v16 =	vperm.xlane v18, v5;
	v15 =	vld [tilespmem:s12+$0xFFFFFF41];
	v17 =	vsub.f32 v27, v25  }
0x28a: {  	v23 =	vld [tilespmem:s15+$0xFFFFFFE0];
	[tilespmem:s11+$0x70] =	vst v12;
	v12 =	vadd.f32 v13, v14  }
0x28b: {  	v27 =	vsub.f32 v20, v26;
	v13 =	vld [tilespmem:s12+$0xFFFFFF80];
	v16 =	vmul.f32 v17, v16  }
0x28c: {  	v17 =	vperm.xlane v21, v5;
	v28 =	vperm.xlane v21, v6;
	v24 =	vld [tilespmem:s12+$0xFFFFFF81];
	[tilespmem:s11+$0xB0] =	vst v12  }
0x28d: {  	v19 =	vperm.xlane v21, v8;
	v14 =	vperm.xlane v21, v7;
	v12 =	vld [tilespmem:s15+$0xFFFFFFF0];
	v16 =	vadd.f32 v16, v25  }
0x28e: {  	s11 =	sadd.s32 $0x200, s11;
	v15 =	vsub.f32 v15, v22;
	v25 =	vld [tilespmem:s12+$0xFFFFFFC0]  }
0x28f: {  	v21 =	vperm.xlane v23, v5;
	v29 =	vperm.xlane v23, v6;
	v30 =	vld [tilespmem:s12+$0xFFFFFFC1];
	[tilespmem:s11+$0xC0] =	vst v16  }
0x290: {  	v20 =	vperm.xlane v23, v8;
	v15 =	vmul.f32 v15, v17;
	v16 =	vld [tilespmem:s12+$0xD0]  }
0x291: {  	v17 =	vperm.xlane v23, v7;
	v24 =	vsub.f32 v24, v13;
	v23 =	vld [tilespmem:s12+$0xD1]  }
0x292: {  	v15 =	vadd.f32 v15, v22;
	v22 =	vperm.xlane v12, v5;
	v31 =	vperm.xlane v12, v6;
	v32 =	vld [tilespmem:s15+$0x0]  }
0x293: {  	v24 =	vmul.f32 v24, v21;
	v21 =	vperm.xlane v12, v8;
	v33 =	vld [tilespmem:s12+$0x0]  }
0x294: {  	v12 =	vperm.xlane v12, v7;
	[tilespmem:s11+$0xFFFFFF40] =	vst v15;
	v15 =	vsub.f32 v30, v25;
	v30 =	vld [tilespmem:s12+$0x1]  }
0x295: {  	v13 =	vadd.f32 v24, v13;
	v34 =	vld [tilespmem:s15+$0x10]  }
0x296: {  	v24 =	vperm.xlane v18, v6;
	v15 =	vmul.f32 v15, v22;
	v35 =	vld [tilespmem:s12+$0x40];
	v23 =	vsub.f32 v23, v16  }
0x297: {  	[tilespmem:s11+$0xFFFFFF80] =	vst v13;
	v36 =	vperm.xlane v32, v5;
	v37 =	vperm.xlane v32, v6;
	v38 =	vld [tilespmem:s12+$0x41]  }
0x298: {  	v22 =	vperm.xlane v32, v8;
	v15 =	vadd.f32 v15, v25;
	v39 =	vld [tilespmem:s15+$0x20];
	v23 =	vmul.f32 v23, v24  }
0x299: {  	v13 =	vperm.xlane v32, v7;
	v24 =	vsub.f32 v30, v33;
	v30 =	vld [tilespmem:s12+$0x80]  }
0x29a: {  	[tilespmem:s11+$0xFFFFFFC0] =	vst v15;
	v25 =	vperm.xlane v34, v5;
	v32 =	vperm.xlane v34, v6;
	v40 =	vld [tilespmem:s12+$0x81];
	v16 =	vadd.f32 v23, v16  }
0x29b: {  	v23 =	vld [tilespmem:s15+$0xFFFFFFC0];
	v36 =	vmul.f32 v24, v36;
	v24 =	vperm.xlane v34, v8  }
0x29c: {  	v15 =	vperm.xlane v34, v7;
	v41 =	vld [tilespmem:s12+$0xFFFFFF50];
	v38 =	vsub.f32 v38, v35;
	[tilespmem:s11+$0xD0] =	vst v16  }
0x29d: {  	v16 =	vadd.f32 v36, v33;
	v33 =	vperm.xlane v39, v5;
	v34 =	vperm.xlane v39, v6;
	v36 =	vld [tilespmem:s12+$0xE0]  }
0x29e: {  	v38 =	vmul.f32 v38, v25;
	v25 =	vperm.xlane v39, v8;
	v42 =	vld [tilespmem:s12+$0xE1]  }
0x29f: {  	v43 =	vld [tilespmem:s12+$0xFFFFFF51];
	[tilespmem:s11+$0x0] =	vst v16;
	v40 =	vsub.f32 v40, v30;
	v16 =	vperm.xlane v39, v7  }
0x2a0: {  	v39 =	vperm.xlane v23, v5;
	v44 =	vperm.xlane v23, v6;
	v45 =	vld [tilespmem:s12+$0xFFFFFF90];
	v35 =	vadd.f32 v38, v35  }
0x2a1: {  	v38 =	vperm.xlane v23, v8;
	v46 =	vld [tilespmem:s12+$0xFFFFFF91];
	v33 =	vmul.f32 v40, v33  }
0x2a2: {  	v23 =	vperm.xlane v23, v7;
	v27 =	vmul.f32 v27, v39;
	v39 =	vld [tilespmem:s12+$0xFFFFFFD0];
	[tilespmem:s11+$0x40] =	vst v35  }
0x2a3: {  	v35 =	vld [tilespmem:s12+$0xFFFFFFD1];
	v30 =	vadd.f32 v33, v30;
	v33 =	vperm.xlane v18, v8;
	v40 =	vsub.f32 v42, v36  }
0x2a4: {  	v26 =	vadd.f32 v27, v26;
	v27 =	vsub.f32 v43, v41;
	v42 =	vld [tilespmem:s12+$0x10]  }
0x2a5: {  	v43 =	vld [tilespmem:s12+$0x11];
	[tilespmem:s11+$0x80] =	vst v30;
	v30 =	vmul.f32 v40, v33  }
0x2a6: {  	[tilespmem:s11+$0xFFFFFF00] =	vst v26;
	v26 =	vmul.f32 v27, v28;
	v27 =	vsub.f32 v46, v45;
	v28 =	vld [tilespmem:s12+$0x50]  }
0x2a7: {  	v33 =	vld [tilespmem:s12+$0xFFFFFF10];
	v30 =	vadd.f32 v30, v36  }
0x2a8: {  	v36 =	vld [tilespmem:s12+$0xFFFFFF11];
	v26 =	vadd.f32 v26, v41;
	v27 =	vmul.f32 v27, v29;
	v29 =	vsub.f32 v35, v39  }
0x2a9: {  	v35 =	vld [tilespmem:s12+$0x51];
	[tilespmem:s11+$0xE0] =	vst v30  }
0x2aa: {  	[tilespmem:s11+$0xFFFFFF50] =	vst v26;
	v26 =	vadd.f32 v27, v45;
	v27 =	vmul.f32 v29, v31;
	v29 =	vsub.f32 v43, v42;
	v30 =	vld [tilespmem:s12+$0xF0]  }
0x2ab: {  	v31 =	vld [tilespmem:s12+$0xF1]  }
0x2ac: {  	[tilespmem:s11+$0xFFFFFF90] =	vst v26;
	v26 =	vadd.f32 v27, v39;
	v27 =	vmul.f32 v29, v37;
	v29 =	vld [tilespmem:s12+$0x90]  }
0x2ad: {  	v36 =	vsub.f32 v36, v33;
	v37 =	vld [tilespmem:s12+$0x91]  }
0x2ae: {  	v39 =	vld [tilespmem:s12+$0xFFFFFF60];
	[tilespmem:s11+$0xFFFFFFD0] =	vst v26;
	v26 =	vadd.f32 v27, v42;
	v27 =	vsub.f32 v35, v28  }
0x2af: {  	v35 =	vmul.f32 v36, v44;
	v36 =	vld [tilespmem:s12+$0xFFFFFF61]  }
0x2b0: {  	v18 =	vperm.xlane v18, v7;
	v40 =	vld [tilespmem:s12+$0xFFFFFFA0];
	[tilespmem:s11+$0x10] =	vst v26;
	v26 =	vmul.f32 v27, v32;
	v27 =	vsub.f32 v31, v30  }
0x2b1: {  	v31 =	vadd.f32 v35, v33;
	v32 =	vld [tilespmem:s12+$0xFFFFFFA1]  }
0x2b2: {  	v33 =	vld [tilespmem:s12+$0xFFFFFFE0];
	v26 =	vadd.f32 v26, v28;
	v28 =	vsub.f32 v37, v29;
	v18 =	vmul.f32 v27, v18  }
0x2b3: {  	[tilespmem:s11+$0xFFFFFF10] =	vst v31;
	v27 =	vld [tilespmem:s12+$0xFFFFFFE1]  }
0x2b4: {  	v31 =	vld [tilespmem:s12+$0xFFFFFF20];
	v35 =	vsub.f32 v36, v39;
	[tilespmem:s11+$0x50] =	vst v26;
	v26 =	vmul.f32 v28, v34;
	v18 =	vadd.f32 v18, v30  }
0x2b5: {  	v28 =	vld [tilespmem:s12+$0xFFFFFF21]  }
0x2b6: {  	s16 =	simm.s32 $0x0;
	v19 =	vmul.f32 v35, v19;
	v30 =	vsub.f32 v32, v40;
	v32 =	vld [tilespmem:s12+$0x20];
	v26 =	vadd.f32 v26, v29;
	[tilespmem:s11+$0xF0] =	vst v18  }
0x2b7: {  	v18 =	vld [tilespmem:s12+$0x21]  }
0x2b8: {  	v19 =	vadd.f32 v19, v39;
	v20 =	vmul.f32 v30, v20;
	v27 =	vsub.f32 v27, v33;
	v29 =	vld [tilespmem:s12+$0x60];
	[tilespmem:s11+$0x90] =	vst v26  }
0x2b9: {  	v26 =	vld [tilespmem:s12+$0x61]  }
0x2ba: {  	v28 =	vsub.f32 v28, v31;
	[tilespmem:s11+$0xFFFFFF60] =	vst v19;
	v19 =	vadd.f32 v20, v40;
	v20 =	vmul.f32 v27, v21;
	v27 =	vld [tilespmem:s12+$0xA0]  }
0x2bb: {  	v21 =	vld [tilespmem:s12+$0xA1]  }
0x2bc: {  	v28 =	vmul.f32 v28, v38;
	v30 =	vld [tilespmem:s12+$0xFFFFFF70];
	[tilespmem:s11+$0xFFFFFFA0] =	vst v19;
	v19 =	vadd.f32 v20, v33;
	v18 =	vsub.f32 v18, v32  }
0x2bd: {  	v33 =	vld [tilespmem:s12+$0xFFFFFF71]  }
0x2be: {  	v20 =	vadd.f32 v28, v31;
	v28 =	vld [tilespmem:s12+$0xFFFFFFB0];
	[tilespmem:s11+$0xFFFFFFE0] =	vst v19;
	v18 =	vmul.f32 v18, v22;
	v19 =	vsub.f32 v26, v29  }
0x2bf: {  	v22 =	vld [tilespmem:s12+$0xFFFFFFB1]  }
0x2c0: {  	[tilespmem:s11+$0xFFFFFF20] =	vst v20;
	v20 =	vld [tilespmem:s12+$0xFFFFFFF0];
	v18 =	vadd.f32 v18, v32;
	v19 =	vmul.f32 v19, v24;
	v24 =	vsub.f32 v21, v27  }
0x2c1: {  	v21 =	vld [tilespmem:s12+$0xFFFFFF30]  }
0x2c2: {  	v26 =	vld [tilespmem:s12+$0xFFFFFF31];
	v31 =	vsub.f32 v33, v30;
	[tilespmem:s11+$0x20] =	vst v18;
	v18 =	vadd.f32 v19, v29;
	v19 =	vmul.f32 v24, v25  }
0x2c3: {  	v29 =	vld [tilespmem:s12+$0xFFFFFFF1]  }
0x2c4: {  	v14 =	vmul.f32 v31, v14;
	v25 =	vsub.f32 v22, v28;
	v22 =	vld [tilespmem:s12+$0x30];
	[tilespmem:s11+$0x60] =	vst v18;
	v18 =	vadd.f32 v19, v27  }
.Ltmp3:
0x2c5: {  	v24 =	vld [tilespmem:s12+$0x31];
	(pc) =	sbr.rel @p0 .LBB2_8-.Ltmp3, $4  }
0x2c6: {  	v14 =	vadd.f32 v14, v30;
	v25 =	vmul.f32 v25, v17;
	v17 =	vld [tilespmem:s12+$0x70];
	[tilespmem:s11+$0xA0] =	vst v18  }
0x2c7: {  	v18 =	vsub.f32 v26, v21;
	v19 =	vld [tilespmem:s12+$0x71]  }
0x2c8: {  	[tilespmem:s11+$0xFFFFFF70] =	vst v14;
	v25 =	vadd.f32 v25, v28;
	v27 =	vsub.f32 v29, v20;
	v14 =	vld [tilespmem:s12+$0xB0]  }
0x2c9: {  	s15 =	sadd.s32 $0x80, s15;
	v26 =	vmul.f32 v18, v23;
	v23 =	vld [tilespmem:s12+$0xB1]  }
0x2ca: {  	_ =	sdelay $0x1  }
0x2cb: {  	v18 =	vsub.f32 v24, v22  }
0x2cc: {  	v12 =	vmul.f32 v27, v12;
	v19 =	vsub.f32 v19, v17  }
0x2cd: {  	v21 =	vadd.f32 v26, v21;
	v13 =	vmul.f32 v18, v13;
	v61 =	vsub.f32 v23, v14  }
0x2ce: {  	[tilespmem:s11+$0xFFFFFFB0] =	vst v25;
	v12 =	vadd.f32 v12, v20;
	v15 =	vmul.f32 v19, v15  }
0x2cf: {  	[tilespmem:s11+$0xFFFFFF30] =	vst v21;
	v13 =	vadd.f32 v13, v22;
	v16 =	vmul.f32 v61, v16  }
0x2d0: {  	[tilespmem:s11+$0xFFFFFFF0] =	vst v12;
	v62 =	vadd.f32 v15, v17  }
0x2d1: {  	[tilespmem:s11+$0x30] =	vst v13;
	v63 =	vadd.f32 v16, v14  }
0x2d2: {  	[tilespmem:s11+$0x70] =	vst v62  }
0x2d3: {  	[tilespmem:s11+$0xB0] =	vst v63  }
.LBB2_10:
0x2d4: {  	v12 =	vld [tilespmem:s13+$0x0];
	s11 =	sshra.s32 s16, $0x2  }
0x2d5: {  	v13 =	vld [tilespmem:s11+$0x7E80]  }
0x2d6: {  	v14 =	vld [tilespmem:s11+$0x7E81]  }
0x2d7: {  	v15 =	vld [tilespmem:s11+$0x7E90]  }
0x2d8: {  	v16 =	vld [tilespmem:s11+$0x7E91]  }
0x2d9: {  	v17 =	vld [tilespmem:s11+$0x7EA0]  }
0x2da: {  	v18 =	vld [tilespmem:s11+$0x7EA1]  }
0x2db: {  	v19 =	vld [tilespmem:s11+$0x7EB0]  }
0x2dc: {  	v20 =	vld [tilespmem:s11+$0x7EB1];
	_ =	sdelay $0x1  }
0x2dd: {  	v21 =	vperm.xlane v12, v5;
	v14 =	vsub.f32 v14, v13  }
0x2de: {  	v22 =	vperm.xlane v12, v6;
	v16 =	vsub.f32 v16, v15  }
0x2df: {  	v61 =	vperm.xlane v12, v8;
	v18 =	vsub.f32 v18, v17;
	v14 =	vmul.f32 v14, v21  }
0x2e0: {  	v12 =	vperm.xlane v12, v7;
	v20 =	vsub.f32 v20, v19;
	v16 =	vmul.f32 v16, v22  }
0x2e1: {  	p0 =	sne.s32 s16, $0x600;
	v62 =	vmul.f32 v18, v61;
	v13 =	vadd.f32 v14, v13  }
.Ltmp4:
0x2e2: {  	v12 =	vmul.f32 v20, v12;
	v15 =	vadd.f32 v16, v15;
	(pc) =	sbr.rel @p0 .LBB2_10-.Ltmp4, $4  }
0x2e3: {  	v63 =	vadd.f32 v62, v17;
	[tilespmem:s11+$0x11F00] =	vst v13  }
0x2e4: {  	v12 =	vadd.f32 v12, v19;
	[tilespmem:s11+$0x11F10] =	vst v15  }
0x2e5: {  	[tilespmem:s11+$0x11F20] =	vst v63  }
0x2e6: {  	s13 =	sadd.s32 $0x10, s13;
	s16 =	sadd.s32 $0x100, s16;
	[tilespmem:s11+$0x11F30] =	vst v12  }
0x2e7: {  	v12 =	vld [tilespmem:$0xA0F0];
	_ =	sdelay $0x2  }
0x2e8: {  	v13 =	vld [tilespmem:$0x8040]  }
0x2e9: {  	v15 =	vld [tilespmem:$0x8041]  }
0x2ea: {  	v16 =	vld [tilespmem:$0x8050];
	v14 =	vperm.xlane v12, v5  }
0x2eb: {  	v17 =	vld [tilespmem:$0x8051]  }
0x2ec: {  	v18 =	vld [tilespmem:$0x8060];
	v14 =	vadd.f32 v0, v14  }
0x2ed: {  	v20 =	vld [tilespmem:$0x8061];
	v19 =	vperm.xlane v12, v6  }
0x2ee: {  	v22 =	vld [tilespmem:$0x8070];
	v21 =	vperm.xlane v12, v8;
	v15 =	vsub.f32 v15, v13;
	v14 =	vmin.f32 v14, $6.553500000e+04  }
0x2ef: {  	v23 =	vld [tilespmem:$0x8071];
	v12 =	vperm.xlane v12, v7;
	v19 =	vadd.f32 v2, v19;
	v14 =	vadd.f32 v1, v14  }
0x2f0: {  	v21 =	vadd.f32 v4, v21  }
0x2f1: {  	v12 =	vadd.f32 v10, v12;
	v14 =	vmul.f32 v15, v14;
	v15 =	vmin.f32 v19, $6.553500000e+04  }
0x2f2: {  	v17 =	vsub.f32 v17, v16;
	v19 =	vmin.f32 v21, $6.553500000e+04;
	v15 =	vadd.f32 v3, v15  }
0x2f3: {  	v20 =	vsub.f32 v20, v18;
	v12 =	vmin.f32 v12, $6.553500000e+04;
	v19 =	vadd.f32 v9, v19  }
0x2f4: {  	v12 =	vadd.f32 v11, v12;
	v15 =	vmul.f32 v17, v15;
	v17 =	vsub.f32 v23, v22  }
0x2f5: {  	v13 =	vadd.f32 v14, v13;
	v14 =	vmul.f32 v20, v19  }
0x2f6: {  	v15 =	vadd.f32 v15, v16;
	v12 =	vmul.f32 v17, v12  }
0x2f7: {  	[tilespmem:$0x120C0] =	vst v13;
	v13 =	vadd.f32 v14, v18  }
0x2f8: {  	[tilespmem:$0x120D0] =	vst v15;
	v12 =	vadd.f32 v12, v22  }
0x2f9: {  	[tilespmem:$0x120E0] =	vst v13  }
0x2fa: {  	s11 =	simm.s32 $0x100;
	s12 =	rddreg [dreg:$0x10];
	[tilespmem:$0x120F0] =	vst v12  }
0x2fb: {  	[hbm4b:s12+s29] =	stream.strided.scatter [tilespmem:s7], [sflag:$0x4], $0x4000, s11, s29, $0x38;
	[tilespmem:$0x12100] =	vst v63  }
0x2fc: {  	_ = 	snop  }
0x2fd: {  	[tilespmem:s31], [sflag:$0x2] =	stream.strided.gather [hbm4b:s17+s29], $0x4080, s11, s29, $0x38;
	[tilespmem:$0x12100] =	vst v63  }
0x2fe: {  	s16 =	rddreg [dreg:$0x7]  }
0x2ff: {  	[tilespmem:s0], [sflag:$0x2] =	stream.strided.gather [hbm4b:s16+s29], $0x1000, s11, s29, $0x38;
	[tilespmem:$0x12100] =	vst v63  }
0x300: {  	_ =	swait.ge [sflag:s2], $0x4080  }
0x301: {  	[sflag:s2] =	ssyncset.done $0x0  }
0x302: {  	[sflag:s2] =	ssyncadd.s32 $0xFFFFBF80  }
0x303: {  	_ =	swait.ge [sflag:s2], $0x1000  }
0x304: {  	[sflag:s2] =	ssyncset.done $0x0  }
0x305: {  	[sflag:s2] =	ssyncadd.s32 $0xFFFFF000  }
0x306: {  	_ =	swait.ge [sflag:s8], $0x4000  }
0x307: {  	[sflag:s8] =	ssyncset.done $0x0  }
0x308: {  	s13 =	simm.s32 $0x8140;
	[sflag:s8] =	ssyncadd.s32 $0xFFFFC000  }
0x309: {  	v12 =	vld [tilespmem:s13+$0x30]  }
0x30a: {  	v14 =	vld [tilespmem:s11+$0xC0]  }
0x30b: {  	v13 =	vld [tilespmem:s11+$0xC1]  }
0x30c: {  	v20 =	vld [tilespmem:s11+$0xFFFFFF00]  }
0x30d: {  	v21 =	vld [tilespmem:s11+$0xFFFFFF01]  }
0x30e: {  	v18 =	vld [tilespmem:s13+$0xFFFFFFD0]  }
0x30f: {  	v19 =	vld [tilespmem:s11+$0xFFFFFF40]  }
0x310: {  	v16 =	vld [tilespmem:s11+$0xFFFFFF41]  }
0x311: {  	v17 =	vld [tilespmem:s13+$0xFFFFFFE0];
	v15 =	vperm.xlane v12, v5;
	v13 =	vsub.f32 v13, v14  }
0x312: {  	v22 =	vld [tilespmem:s11+$0xFFFFFF80]  }
0x313: {  	v23 =	vld [tilespmem:s11+$0xFFFFFF81];
	v15 =	vmul.f32 v13, v15  }
0x314: {  	v24 =	vld [tilespmem:s11+$0xFFFFFFC0]  }
0x315: {  	v25 =	vld [tilespmem:s11+$0xFFFFFFC1];
	v14 =	vadd.f32 v15, v14  }
0x316: {  	s12 =	simm.s32 $0xA200;
	v28 =	vld [tilespmem:s11+$0x0]  }
0x317: {  	v29 =	vld [tilespmem:s11+$0x1];
	v30 =	vperm.xlane v18, v5;
	v16 =	vsub.f32 v16, v19;
	[tilespmem:s12+$0xC0] =	vst v14  }
0x318: {  	v26 =	vld [tilespmem:s11+$0xD0]  }
0x319: {  	v30 =	vmul.f32 v16, v30;
	v27 =	vld [tilespmem:s11+$0xD1]  }
0x31a: {  	v31 =	vld [tilespmem:s11+$0x40]  }
0x31b: {  	v33 =	vld [tilespmem:s11+$0x41];
	v19 =	vadd.f32 v30, v19  }
0x31c: {  	v13 =	vld [tilespmem:s13+$0xFFFFFFF0]  }
0x31d: {  	v39 =	vperm.xlane v17, v5;
	v23 =	vsub.f32 v23, v22;
	[tilespmem:s12+$0xFFFFFF40] =	vst v19;
	v19 =	vld [tilespmem:s13+$0xFFFFFFC0]  }
0x31e: {  	v40 =	vld [tilespmem:s11+$0x80];
	v32 =	vperm.xlane v12, v6;
	v27 =	vsub.f32 v27, v26  }
0x31f: {  	v35 =	vld [tilespmem:s11+$0x81];
	v23 =	vmul.f32 v23, v39  }
0x320: {  	v16 =	vld [tilespmem:s13+$0x20];
	v27 =	vmul.f32 v27, v32  }
0x321: {  	v25 =	vsub.f32 v25, v24;
	v15 =	vld [tilespmem:s13+$0x0];
	v22 =	vadd.f32 v23, v22;
	v34 =	vperm.xlane v13, v5  }
0x322: {  	v21 =	vsub.f32 v21, v20;
	v14 =	vld [tilespmem:s13+$0x10];
	v42 =	vperm.xlane v19, v5;
	v26 =	vadd.f32 v27, v26  }
0x323: {  	[tilespmem:s12+$0xFFFFFF80] =	vst v22;
	v41 =	vld [tilespmem:s11+$0xFFFFFF51];
	v25 =	vmul.f32 v25, v34  }
0x324: {  	v43 =	vld [tilespmem:s11+$0xFFFFFF90];
	v21 =	vmul.f32 v21, v42;
	[tilespmem:s12+$0xD0] =	vst v26  }
0x325: {  	v24 =	vadd.f32 v25, v24;
	v26 =	vsub.f32 v29, v28;
	v29 =	vld [tilespmem:s11+$0xE0]  }
0x326: {  	v23 =	vperm.xlane v15, v5;
	v20 =	vadd.f32 v21, v20;
	v25 =	vld [tilespmem:s11+$0xE1]  }
0x327: {  	[tilespmem:s12+$0xFFFFFFC0] =	vst v24;
	v24 =	vld [tilespmem:s11+$0xFFFFFF91]  }
0x328: {  	v22 =	vperm.xlane v14, v5;
	v27 =	vld [tilespmem:s11+$0xFFFFFF50];
	[tilespmem:s12+$0xFFFFFF00] =	vst v20;
	v23 =	vmul.f32 v26, v23;
	v26 =	vsub.f32 v33, v31  }
0x329: {  	v45 =	vsub.f32 v35, v40;
	v46 =	vld [tilespmem:s11+$0xFFFFFF10]  }
0x32a: {  	v44 =	vperm.xlane v16, v5;
	v47 =	vld [tilespmem:s11+$0xFFFFFF11];
	v23 =	vadd.f32 v23, v28;
	v22 =	vmul.f32 v26, v22  }
0x32b: {  	v26 =	vld [tilespmem:s11+$0xFFFFFFD0];
	v28 =	vperm.xlane v12, v8;
	v25 =	vsub.f32 v25, v29  }
0x32c: {  	[tilespmem:s12+$0x0] =	vst v23;
	v22 =	vadd.f32 v22, v31;
	v23 =	vld [tilespmem:s11+$0xFFFFFFD1];
	v31 =	vmul.f32 v45, v44  }
0x32d: {  	v21 =	vld [tilespmem:s11+$0x10];
	v25 =	vmul.f32 v25, v28  }
0x32e: {  	v32 =	vsub.f32 v41, v27;
	[tilespmem:s12+$0x40] =	vst v22;
	v22 =	vld [tilespmem:s11+$0x11];
	v28 =	vperm.xlane v18, v6;
	v30 =	vadd.f32 v31, v40  }
0x32f: {  	v20 =	vld [tilespmem:s11+$0x50];
	v25 =	vadd.f32 v25, v29  }
0x330: {  	v24 =	vsub.f32 v24, v43;
	v48 =	vld [tilespmem:s11+$0x51];
	v29 =	vperm.xlane v17, v6;
	v28 =	vmul.f32 v32, v28;
	[tilespmem:s12+$0x80] =	vst v30  }
0x331: {  	v23 =	vsub.f32 v23, v26;
	v30 =	vld [tilespmem:s11+$0x90];
	[tilespmem:s12+$0xE0] =	vst v25  }
0x332: {  	v25 =	vperm.xlane v13, v6;
	v27 =	vadd.f32 v28, v27;
	v24 =	vmul.f32 v24, v29;
	v49 =	vld [tilespmem:s11+$0xF0]  }
0x333: {  	v29 =	vperm.xlane v19, v6;
	v28 =	vld [tilespmem:s11+$0xF1]  }
0x334: {  	[tilespmem:s12+$0xFFFFFF50] =	vst v27;
	v24 =	vadd.f32 v24, v43;
	v23 =	vmul.f32 v23, v25;
	v25 =	vsub.f32 v47, v46;
	v27 =	vld [tilespmem:s11+$0x91]  }
0x335: {  	v50 =	vperm.xlane v15, v6;
	v22 =	vsub.f32 v22, v21;
	v51 =	vld [tilespmem:s11+$0xFFFFFF60]  }
0x336: {  	[tilespmem:s12+$0xFFFFFF90] =	vst v24;
	v23 =	vadd.f32 v23, v26;
	v24 =	vmul.f32 v25, v29;
	v25 =	vld [tilespmem:s11+$0xFFFFFF61]  }
0x337: {  	v22 =	vmul.f32 v22, v50;
	v29 =	vld [tilespmem:s11+$0xFFFFFFA0]  }
0x338: {  	v26 =	vperm.xlane v14, v6;
	v52 =	vld [tilespmem:s11+$0xFFFFFFA1];
	[tilespmem:s12+$0xFFFFFFD0] =	vst v23;
	v23 =	vsub.f32 v48, v20;
	v24 =	vadd.f32 v24, v46  }
0x339: {  	v53 =	vperm.xlane v16, v6;
	v54 =	vld [tilespmem:s11+$0xFFFFFFE0]  }
0x33a: {  	v21 =	vadd.f32 v22, v21;
	v22 =	vmul.f32 v23, v26;
	v23 =	vsub.f32 v27, v30;
	[tilespmem:s12+$0xFFFFFF10] =	vst v24;
	v24 =	vld [tilespmem:s11+$0xFFFFFFE1]  }
0x33b: {  	v26 =	vperm.xlane v18, v8;
	v27 =	vld [tilespmem:s11+$0xFFFFFF20]  }
0x33c: {  	[tilespmem:s12+$0x10] =	vst v21;
	v21 =	vsub.f32 v25, v51;
	v20 =	vadd.f32 v22, v20;
	v22 =	vmul.f32 v23, v53;
	v23 =	vld [tilespmem:s11+$0xFFFFFF21]  }
0x33d: {  	v55 =	vld [tilespmem:s11+$0x20];
	v25 =	vperm.xlane v17, v8  }
0x33e: {  	[tilespmem:s12+$0x50] =	vst v20;
	v20 =	vmul.f32 v21, v26;
	v21 =	vsub.f32 v52, v29;
	v22 =	vadd.f32 v22, v30;
	v26 =	vld [tilespmem:s11+$0x21]  }
0x33f: {  	v56 =	vperm.xlane v13, v8;
	v57 =	vld [tilespmem:s11+$0x60]  }
0x340: {  	v24 =	vsub.f32 v24, v54;
	v20 =	vadd.f32 v20, v51;
	v21 =	vmul.f32 v21, v25;
	[tilespmem:s12+$0x90] =	vst v22;
	v22 =	vld [tilespmem:s11+$0x61]  }
0x341: {  	v25 =	vperm.xlane v19, v8;
	v23 =	vsub.f32 v23, v27;
	v58 =	vld [tilespmem:s11+$0xA0]  }
0x342: {  	[tilespmem:s12+$0xFFFFFF60] =	vst v20;
	v20 =	vadd.f32 v21, v29;
	v21 =	vmul.f32 v24, v56;
	v24 =	vld [tilespmem:s11+$0xA1]  }
0x343: {  	v23 =	vmul.f32 v23, v25;
	v25 =	vld [tilespmem:s11+$0xFFFFFF70]  }
0x344: {  	v29 =	vperm.xlane v15, v8;
	[tilespmem:s12+$0xFFFFFFA0] =	vst v20;
	v20 =	vadd.f32 v21, v54;
	v21 =	vsub.f32 v26, v55;
	v26 =	vld [tilespmem:s11+$0xFFFFFF71]  }
0x345: {  	v23 =	vadd.f32 v23, v27;
	v27 =	vld [tilespmem:s11+$0xFFFFFFB0]  }
0x346: {  	v59 =	vperm.xlane v14, v8;
	v22 =	vsub.f32 v22, v57;
	[tilespmem:s12+$0xFFFFFFE0] =	vst v20;
	v21 =	vmul.f32 v21, v29;
	v29 =	vld [tilespmem:s11+$0xFFFFFFB1]  }
0x347: {  	v61 =	vperm.xlane v17, v7;
	v60 =	vperm.xlane v16, v8;
	v28 =	vsub.f32 v28, v49;
	[tilespmem:s12+$0xFFFFFF20] =	vst v23;
	v20 =	vld [tilespmem:s11+$0xFFFFFFF0]  }
0x348: {  	v22 =	vmul.f32 v22, v59;
	v24 =	vsub.f32 v24, v58;
	v23 =	vadd.f32 v21, v55;
	v21 =	vld [tilespmem:s11+$0xFFFFFF30]  }
0x349: {  	v18 =	vperm.xlane v18, v7;
	v17 =	vperm.xlane v12, v7;
	v62 =	vld [tilespmem:s11+$0xFFFFFF31];
	v26 =	vsub.f32 v26, v25  }
0x34a: {  	v63 =	vld [tilespmem:s11+$0xFFFFFFF1];
	v24 =	vmul.f32 v24, v60;
	[tilespmem:s12+$0x20] =	vst v23;
	v23 =	vadd.f32 v22, v57  }
0x34b: {  	v17 =	vmul.f32 v28, v17;
	v22 =	vld [tilespmem:s11+$0x30];
	v18 =	vmul.f32 v26, v18;
	v26 =	vsub.f32 v29, v27  }
0x34c: {  	v12 =	vperm.xlane v13, v7;
	[tilespmem:s12+$0x60] =	vst v23;
	v23 =	vadd.f32 v24, v58;
	v24 =	vld [tilespmem:s11+$0x31]  }
0x34d: {  	v29 =	vadd.f32 v17, v49;
	v17 =	vld [tilespmem:s11+$0x70];
	v18 =	vadd.f32 v18, v25;
	v25 =	vmul.f32 v26, v61  }
0x34e: {  	v13 =	vperm.xlane v15, v7;
	v28 =	vperm.xlane v19, v7;
	v19 =	vld [tilespmem:s11+$0x71];
	[tilespmem:s12+$0xA0] =	vst v23;
	v23 =	vsub.f32 v62, v21  }
0x34f: {  	v15 =	vperm.xlane v14, v7;
	[tilespmem:s12+$0xF0] =	vst v29;
	v14 =	vld [tilespmem:s11+$0xB0];
	v25 =	vadd.f32 v25, v27;
	v27 =	vsub.f32 v63, v20  }
0x350: {  	s14 =	simm.s32 $0x81C0;
	s13 =	simm.s32 $0x0;
	v16 =	vperm.xlane v16, v7;
	[tilespmem:s12+$0xFFFFFF70] =	vst v18;
	v26 =	vmul.f32 v23, v28;
	v23 =	vld [tilespmem:s11+$0xB1]  }
.LBB2_12:
0x351: {  	v18 =	vld [tilespmem:s14+$0x30];
	[tilespmem:s12+$0xFFFFFFB0] =	vst v25;
	v12 =	vmul.f32 v27, v12;
	v24 =	vsub.f32 v24, v22;
	s11 =	sadd.s32 $0x200, s11  }
0x352: {  	v25 =	vld [tilespmem:s11+$0xC0];
	v21 =	vadd.f32 v26, v21  }
0x353: {  	v27 =	vld [tilespmem:s11+$0xC1];
	v12 =	vadd.f32 v12, v20;
	v13 =	vmul.f32 v24, v13;
	v19 =	vsub.f32 v19, v17  }
0x354: {  	v26 =	vld [tilespmem:s11+$0xFFFFFF00];
	[tilespmem:s12+$0xFFFFFF30] =	vst v21  }
0x355: {  	v20 =	vld [tilespmem:s11+$0xFFFFFF01];
	[tilespmem:s12+$0xFFFFFFF0] =	vst v12;
	v12 =	vadd.f32 v13, v22;
	v13 =	vmul.f32 v19, v15;
	v15 =	vsub.f32 v23, v14  }
0x356: {  	s13 =	sadd.s32 $0x8, s13;
	v21 =	vld [tilespmem:s14+$0xFFFFFFD0]  }
0x357: {  	p0 =	slt.u32 s13, $0xF8;
	v22 =	vld [tilespmem:s11+$0xFFFFFF40];
	[tilespmem:s12+$0x30] =	vst v12;
	v12 =	vadd.f32 v13, v17;
	v13 =	vmul.f32 v15, v16  }
0x358: {  	v16 =	vperm.xlane v18, v5;
	v15 =	vld [tilespmem:s11+$0xFFFFFF41];
	v17 =	vsub.f32 v27, v25  }
0x359: {  	v23 =	vld [tilespmem:s14+$0xFFFFFFE0];
	[tilespmem:s12+$0x70] =	vst v12;
	v12 =	vadd.f32 v13, v14  }
0x35a: {  	v27 =	vsub.f32 v20, v26;
	v13 =	vld [tilespmem:s11+$0xFFFFFF80];
	v16 =	vmul.f32 v17, v16  }
0x35b: {  	v17 =	vperm.xlane v21, v5;
	v28 =	vperm.xlane v21, v6;
	v24 =	vld [tilespmem:s11+$0xFFFFFF81];
	[tilespmem:s12+$0xB0] =	vst v12  }
0x35c: {  	v19 =	vperm.xlane v21, v8;
	v14 =	vperm.xlane v21, v7;
	v12 =	vld [tilespmem:s14+$0xFFFFFFF0];
	v16 =	vadd.f32 v16, v25  }
0x35d: {  	s12 =	sadd.s32 $0x200, s12;
	v15 =	vsub.f32 v15, v22;
	v25 =	vld [tilespmem:s11+$0xFFFFFFC0]  }
0x35e: {  	v21 =	vperm.xlane v23, v5;
	v29 =	vperm.xlane v23, v6;
	v30 =	vld [tilespmem:s11+$0xFFFFFFC1];
	[tilespmem:s12+$0xC0] =	vst v16  }
0x35f: {  	v20 =	vperm.xlane v23, v8;
	v15 =	vmul.f32 v15, v17;
	v16 =	vld [tilespmem:s11+$0xD0]  }
0x360: {  	v17 =	vperm.xlane v23, v7;
	v24 =	vsub.f32 v24, v13;
	v23 =	vld [tilespmem:s11+$0xD1]  }
0x361: {  	v15 =	vadd.f32 v15, v22;
	v22 =	vperm.xlane v12, v5;
	v31 =	vperm.xlane v12, v6;
	v32 =	vld [tilespmem:s14+$0x0]  }
0x362: {  	v24 =	vmul.f32 v24, v21;
	v21 =	vperm.xlane v12, v8;
	v33 =	vld [tilespmem:s11+$0x0]  }
0x363: {  	v12 =	vperm.xlane v12, v7;
	[tilespmem:s12+$0xFFFFFF40] =	vst v15;
	v15 =	vsub.f32 v30, v25;
	v30 =	vld [tilespmem:s11+$0x1]  }
0x364: {  	v13 =	vadd.f32 v24, v13;
	v34 =	vld [tilespmem:s14+$0x10]  }
0x365: {  	v24 =	vperm.xlane v18, v6;
	v15 =	vmul.f32 v15, v22;
	v35 =	vld [tilespmem:s11+$0x40];
	v23 =	vsub.f32 v23, v16  }
0x366: {  	[tilespmem:s12+$0xFFFFFF80] =	vst v13;
	v36 =	vperm.xlane v32, v5;
	v37 =	vperm.xlane v32, v6;
	v38 =	vld [tilespmem:s11+$0x41]  }
0x367: {  	v22 =	vperm.xlane v32, v8;
	v15 =	vadd.f32 v15, v25;
	v39 =	vld [tilespmem:s14+$0x20];
	v23 =	vmul.f32 v23, v24  }
0x368: {  	v13 =	vperm.xlane v32, v7;
	v24 =	vsub.f32 v30, v33;
	v30 =	vld [tilespmem:s11+$0x80]  }
0x369: {  	[tilespmem:s12+$0xFFFFFFC0] =	vst v15;
	v25 =	vperm.xlane v34, v5;
	v32 =	vperm.xlane v34, v6;
	v40 =	vld [tilespmem:s11+$0x81];
	v16 =	vadd.f32 v23, v16  }
0x36a: {  	v23 =	vld [tilespmem:s14+$0xFFFFFFC0];
	v36 =	vmul.f32 v24, v36;
	v24 =	vperm.xlane v34, v8  }
0x36b: {  	v15 =	vperm.xlane v34, v7;
	v41 =	vld [tilespmem:s11+$0xFFFFFF50];
	v38 =	vsub.f32 v38, v35;
	[tilespmem:s12+$0xD0] =	vst v16  }
0x36c: {  	v16 =	vadd.f32 v36, v33;
	v33 =	vperm.xlane v39, v5;
	v34 =	vperm.xlane v39, v6;
	v36 =	vld [tilespmem:s11+$0xE0]  }
0x36d: {  	v38 =	vmul.f32 v38, v25;
	v25 =	vperm.xlane v39, v8;
	v42 =	vld [tilespmem:s11+$0xE1]  }
0x36e: {  	v43 =	vld [tilespmem:s11+$0xFFFFFF51];
	[tilespmem:s12+$0x0] =	vst v16;
	v40 =	vsub.f32 v40, v30;
	v16 =	vperm.xlane v39, v7  }
0x36f: {  	v39 =	vperm.xlane v23, v5;
	v44 =	vperm.xlane v23, v6;
	v45 =	vld [tilespmem:s11+$0xFFFFFF90];
	v35 =	vadd.f32 v38, v35  }
0x370: {  	v38 =	vperm.xlane v23, v8;
	v46 =	vld [tilespmem:s11+$0xFFFFFF91];
	v33 =	vmul.f32 v40, v33  }
0x371: {  	v23 =	vperm.xlane v23, v7;
	v27 =	vmul.f32 v27, v39;
	v39 =	vld [tilespmem:s11+$0xFFFFFFD0];
	[tilespmem:s12+$0x40] =	vst v35  }
0x372: {  	v35 =	vld [tilespmem:s11+$0xFFFFFFD1];
	v30 =	vadd.f32 v33, v30;
	v33 =	vperm.xlane v18, v8;
	v40 =	vsub.f32 v42, v36  }
0x373: {  	v26 =	vadd.f32 v27, v26;
	v27 =	vsub.f32 v43, v41;
	v42 =	vld [tilespmem:s11+$0x10]  }
0x374: {  	v43 =	vld [tilespmem:s11+$0x11];
	[tilespmem:s12+$0x80] =	vst v30;
	v30 =	vmul.f32 v40, v33  }
0x375: {  	[tilespmem:s12+$0xFFFFFF00] =	vst v26;
	v26 =	vmul.f32 v27, v28;
	v27 =	vsub.f32 v46, v45;
	v28 =	vld [tilespmem:s11+$0x50]  }
0x376: {  	v33 =	vld [tilespmem:s11+$0xFFFFFF10];
	v30 =	vadd.f32 v30, v36  }
0x377: {  	v36 =	vld [tilespmem:s11+$0xFFFFFF11];
	v26 =	vadd.f32 v26, v41;
	v27 =	vmul.f32 v27, v29;
	v29 =	vsub.f32 v35, v39  }
0x378: {  	v35 =	vld [tilespmem:s11+$0x51];
	[tilespmem:s12+$0xE0] =	vst v30  }
0x379: {  	[tilespmem:s12+$0xFFFFFF50] =	vst v26;
	v26 =	vadd.f32 v27, v45;
	v27 =	vmul.f32 v29, v31;
	v29 =	vsub.f32 v43, v42;
	v30 =	vld [tilespmem:s11+$0xF0]  }
0x37a: {  	v31 =	vld [tilespmem:s11+$0xF1]  }
0x37b: {  	[tilespmem:s12+$0xFFFFFF90] =	vst v26;
	v26 =	vadd.f32 v27, v39;
	v27 =	vmul.f32 v29, v37;
	v29 =	vld [tilespmem:s11+$0x90]  }
0x37c: {  	v36 =	vsub.f32 v36, v33;
	v37 =	vld [tilespmem:s11+$0x91]  }
0x37d: {  	v39 =	vld [tilespmem:s11+$0xFFFFFF60];
	[tilespmem:s12+$0xFFFFFFD0] =	vst v26;
	v26 =	vadd.f32 v27, v42;
	v27 =	vsub.f32 v35, v28  }
0x37e: {  	v35 =	vmul.f32 v36, v44;
	v36 =	vld [tilespmem:s11+$0xFFFFFF61]  }
0x37f: {  	v18 =	vperm.xlane v18, v7;
	v40 =	vld [tilespmem:s11+$0xFFFFFFA0];
	[tilespmem:s12+$0x10] =	vst v26;
	v26 =	vmul.f32 v27, v32;
	v27 =	vsub.f32 v31, v30  }
0x380: {  	v31 =	vadd.f32 v35, v33;
	v32 =	vld [tilespmem:s11+$0xFFFFFFA1]  }
0x381: {  	v33 =	vld [tilespmem:s11+$0xFFFFFFE0];
	v26 =	vadd.f32 v26, v28;
	v28 =	vsub.f32 v37, v29;
	v18 =	vmul.f32 v27, v18  }
0x382: {  	[tilespmem:s12+$0xFFFFFF10] =	vst v31;
	v27 =	vld [tilespmem:s11+$0xFFFFFFE1]  }
0x383: {  	v31 =	vld [tilespmem:s11+$0xFFFFFF20];
	v35 =	vsub.f32 v36, v39;
	[tilespmem:s12+$0x50] =	vst v26;
	v26 =	vmul.f32 v28, v34;
	v18 =	vadd.f32 v18, v30  }
0x384: {  	v28 =	vld [tilespmem:s11+$0xFFFFFF21]  }
0x385: {  	v19 =	vmul.f32 v35, v19;
	v30 =	vsub.f32 v32, v40;
	v32 =	vld [tilespmem:s11+$0x20];
	v26 =	vadd.f32 v26, v29;
	[tilespmem:s12+$0xF0] =	vst v18  }
0x386: {  	v18 =	vld [tilespmem:s11+$0x21]  }
0x387: {  	v19 =	vadd.f32 v19, v39;
	v20 =	vmul.f32 v30, v20;
	v27 =	vsub.f32 v27, v33;
	v29 =	vld [tilespmem:s11+$0x60];
	[tilespmem:s12+$0x90] =	vst v26  }
0x388: {  	v26 =	vld [tilespmem:s11+$0x61]  }
0x389: {  	v28 =	vsub.f32 v28, v31;
	[tilespmem:s12+$0xFFFFFF60] =	vst v19;
	v19 =	vadd.f32 v20, v40;
	v20 =	vmul.f32 v27, v21;
	v27 =	vld [tilespmem:s11+$0xA0]  }
0x38a: {  	v21 =	vld [tilespmem:s11+$0xA1]  }
0x38b: {  	v28 =	vmul.f32 v28, v38;
	v30 =	vld [tilespmem:s11+$0xFFFFFF70];
	[tilespmem:s12+$0xFFFFFFA0] =	vst v19;
	v19 =	vadd.f32 v20, v33;
	v18 =	vsub.f32 v18, v32  }
0x38c: {  	v33 =	vld [tilespmem:s11+$0xFFFFFF71]  }
0x38d: {  	v20 =	vadd.f32 v28, v31;
	v28 =	vld [tilespmem:s11+$0xFFFFFFB0];
	[tilespmem:s12+$0xFFFFFFE0] =	vst v19;
	v18 =	vmul.f32 v18, v22;
	v19 =	vsub.f32 v26, v29  }
0x38e: {  	v22 =	vld [tilespmem:s11+$0xFFFFFFB1]  }
0x38f: {  	[tilespmem:s12+$0xFFFFFF20] =	vst v20;
	v20 =	vld [tilespmem:s11+$0xFFFFFFF0];
	v18 =	vadd.f32 v18, v32;
	v19 =	vmul.f32 v19, v24;
	v24 =	vsub.f32 v21, v27  }
0x390: {  	v21 =	vld [tilespmem:s11+$0xFFFFFF30]  }
0x391: {  	v26 =	vld [tilespmem:s11+$0xFFFFFF31];
	v31 =	vsub.f32 v33, v30;
	[tilespmem:s12+$0x20] =	vst v18;
	v18 =	vadd.f32 v19, v29;
	v19 =	vmul.f32 v24, v25  }
0x392: {  	v29 =	vld [tilespmem:s11+$0xFFFFFFF1]  }
0x393: {  	v14 =	vmul.f32 v31, v14;
	v25 =	vsub.f32 v22, v28;
	v22 =	vld [tilespmem:s11+$0x30];
	[tilespmem:s12+$0x60] =	vst v18;
	v18 =	vadd.f32 v19, v27  }
.Ltmp5:
0x394: {  	v24 =	vld [tilespmem:s11+$0x31];
	(pc) =	sbr.rel @p0 .LBB2_12-.Ltmp5, $4  }
0x395: {  	v14 =	vadd.f32 v14, v30;
	v25 =	vmul.f32 v25, v17;
	v17 =	vld [tilespmem:s11+$0x70];
	[tilespmem:s12+$0xA0] =	vst v18  }
0x396: {  	v18 =	vsub.f32 v26, v21;
	v19 =	vld [tilespmem:s11+$0x71]  }
0x397: {  	[tilespmem:s12+$0xFFFFFF70] =	vst v14;
	v25 =	vadd.f32 v25, v28;
	v27 =	vsub.f32 v29, v20;
	v14 =	vld [tilespmem:s11+$0xB0]  }
0x398: {  	s14 =	sadd.s32 $0x80, s14;
	v26 =	vmul.f32 v18, v23;
	v23 =	vld [tilespmem:s11+$0xB1]  }
0x399: {  	_ =	sdelay $0x1  }
0x39a: {  	v18 =	vsub.f32 v24, v22  }
0x39b: {  	v12 =	vmul.f32 v27, v12;
	v19 =	vsub.f32 v19, v17  }
0x39c: {  	v21 =	vadd.f32 v26, v21;
	v13 =	vmul.f32 v18, v13;
	v18 =	vsub.f32 v23, v14  }
0x39d: {  	[tilespmem:s12+$0xFFFFFFB0] =	vst v25;
	v12 =	vadd.f32 v12, v20;
	v15 =	vmul.f32 v19, v15  }
0x39e: {  	[tilespmem:s12+$0xFFFFFF30] =	vst v21;
	v13 =	vadd.f32 v13, v22;
	v16 =	vmul.f32 v18, v16  }
0x39f: {  	[tilespmem:s12+$0xFFFFFFF0] =	vst v12;
	v12 =	vadd.f32 v15, v17  }
0x3a0: {  	[tilespmem:s12+$0x30] =	vst v13;
	v13 =	vadd.f32 v16, v14  }
0x3a1: {  	[tilespmem:s12+$0x70] =	vst v12  }
0x3a2: {  	[tilespmem:s12+$0xB0] =	vst v13  }
0x3a3: {  	[hbm4b:s18+s29] =	stream.strided.scatter [tilespmem:s5], [sflag:$0x3], $0x4000, s4, s29, $0x38;
	[tilespmem:$0x12100] =	vst v63  }
0x3a4: {  	_ = 	snop  }
0x3a5: {  	[tilespmem:s1], [sflag:$0x1] =	stream.strided.gather [hbm4b:s19+s29], $0x4080, s4, s29, $0x38;
	[tilespmem:$0x12100] =	vst v63  }
0x3a6: {  	_ = 	snop  }
0x3a7: {  	[tilespmem:s30], [sflag:$0x1] =	stream.strided.gather [hbm4b:s26+s29], $0x1000, s4, s29, $0x38;
	[tilespmem:$0x12100] =	vst v63  }
0x3a8: {  	_ =	swait.ge [sflag:s6], $0x4080  }
0x3a9: {  	[sflag:s6] =	ssyncset.done $0x0  }
0x3aa: {  	[sflag:s6] =	ssyncadd.s32 $0xFFFFBF80  }
0x3ab: {  	_ =	swait.ge [sflag:s6], $0x1000  }
0x3ac: {  	[sflag:s6] =	ssyncset.done $0x0  }
0x3ad: {  	[sflag:s6] =	ssyncadd.s32 $0xFFFFF000  }
0x3ae: {  	_ =	swait.ge [sflag:s9], $0x4000  }
0x3af: {  	[sflag:s9] =	ssyncset.done $0x0  }
0x3b0: {  	s13 =	simm.s32 $0x9140;
	[sflag:s9] =	ssyncadd.s32 $0xFFFFC000  }
0x3b1: {  	s12 =	simm.s32 $0x4180;
	v12 =	vld [tilespmem:s13+$0x30]  }
0x3b2: {  	v14 =	vld [tilespmem:s12+$0xC0]  }
0x3b3: {  	v13 =	vld [tilespmem:s12+$0xC1]  }
0x3b4: {  	v20 =	vld [tilespmem:s12+$0xFFFFFF00]  }
0x3b5: {  	v21 =	vld [tilespmem:s12+$0xFFFFFF01]  }
0x3b6: {  	v18 =	vld [tilespmem:s13+$0xFFFFFFD0]  }
0x3b7: {  	v19 =	vld [tilespmem:s12+$0xFFFFFF40]  }
0x3b8: {  	v16 =	vld [tilespmem:s12+$0xFFFFFF41]  }
0x3b9: {  	v17 =	vld [tilespmem:s13+$0xFFFFFFE0];
	v15 =	vperm.xlane v12, v5;
	v13 =	vsub.f32 v13, v14  }
0x3ba: {  	v22 =	vld [tilespmem:s12+$0xFFFFFF80]  }
0x3bb: {  	v23 =	vld [tilespmem:s12+$0xFFFFFF81];
	v15 =	vmul.f32 v13, v15  }
0x3bc: {  	v24 =	vld [tilespmem:s12+$0xFFFFFFC0]  }
0x3bd: {  	v25 =	vld [tilespmem:s12+$0xFFFFFFC1];
	v14 =	vadd.f32 v15, v14  }
0x3be: {  	s11 =	simm.s32 $0xE200;
	v28 =	vld [tilespmem:s12+$0x0]  }
0x3bf: {  	v29 =	vld [tilespmem:s12+$0x1];
	v30 =	vperm.xlane v18, v5;
	v16 =	vsub.f32 v16, v19;
	[tilespmem:s11+$0xC0] =	vst v14  }
0x3c0: {  	v26 =	vld [tilespmem:s12+$0xD0]  }
0x3c1: {  	v30 =	vmul.f32 v16, v30;
	v27 =	vld [tilespmem:s12+$0xD1]  }
0x3c2: {  	v31 =	vld [tilespmem:s12+$0x40]  }
0x3c3: {  	v33 =	vld [tilespmem:s12+$0x41];
	v19 =	vadd.f32 v30, v19  }
0x3c4: {  	v13 =	vld [tilespmem:s13+$0xFFFFFFF0]  }
0x3c5: {  	v39 =	vperm.xlane v17, v5;
	v23 =	vsub.f32 v23, v22;
	[tilespmem:s11+$0xFFFFFF40] =	vst v19;
	v19 =	vld [tilespmem:s13+$0xFFFFFFC0]  }
0x3c6: {  	v40 =	vld [tilespmem:s12+$0x80];
	v32 =	vperm.xlane v12, v6;
	v27 =	vsub.f32 v27, v26  }
0x3c7: {  	v35 =	vld [tilespmem:s12+$0x81];
	v23 =	vmul.f32 v23, v39  }
0x3c8: {  	v16 =	vld [tilespmem:s13+$0x20];
	v27 =	vmul.f32 v27, v32  }
0x3c9: {  	v25 =	vsub.f32 v25, v24;
	v15 =	vld [tilespmem:s13+$0x0];
	v22 =	vadd.f32 v23, v22;
	v34 =	vperm.xlane v13, v5  }
0x3ca: {  	v21 =	vsub.f32 v21, v20;
	v14 =	vld [tilespmem:s13+$0x10];
	v42 =	vperm.xlane v19, v5;
	v26 =	vadd.f32 v27, v26  }
0x3cb: {  	[tilespmem:s11+$0xFFFFFF80] =	vst v22;
	v41 =	vld [tilespmem:s12+$0xFFFFFF51];
	v25 =	vmul.f32 v25, v34  }
0x3cc: {  	v43 =	vld [tilespmem:s12+$0xFFFFFF90];
	v21 =	vmul.f32 v21, v42;
	[tilespmem:s11+$0xD0] =	vst v26  }
0x3cd: {  	v24 =	vadd.f32 v25, v24;
	v26 =	vsub.f32 v29, v28;
	v29 =	vld [tilespmem:s12+$0xE0]  }
0x3ce: {  	v23 =	vperm.xlane v15, v5;
	v20 =	vadd.f32 v21, v20;
	v25 =	vld [tilespmem:s12+$0xE1]  }
0x3cf: {  	[tilespmem:s11+$0xFFFFFFC0] =	vst v24;
	v24 =	vld [tilespmem:s12+$0xFFFFFF91]  }
0x3d0: {  	v22 =	vperm.xlane v14, v5;
	v27 =	vld [tilespmem:s12+$0xFFFFFF50];
	[tilespmem:s11+$0xFFFFFF00] =	vst v20;
	v23 =	vmul.f32 v26, v23;
	v26 =	vsub.f32 v33, v31  }
0x3d1: {  	v45 =	vsub.f32 v35, v40;
	v46 =	vld [tilespmem:s12+$0xFFFFFF10]  }
0x3d2: {  	v44 =	vperm.xlane v16, v5;
	v47 =	vld [tilespmem:s12+$0xFFFFFF11];
	v23 =	vadd.f32 v23, v28;
	v22 =	vmul.f32 v26, v22  }
0x3d3: {  	v26 =	vld [tilespmem:s12+$0xFFFFFFD0];
	v28 =	vperm.xlane v12, v8;
	v25 =	vsub.f32 v25, v29  }
0x3d4: {  	[tilespmem:s11+$0x0] =	vst v23;
	v22 =	vadd.f32 v22, v31;
	v23 =	vld [tilespmem:s12+$0xFFFFFFD1];
	v31 =	vmul.f32 v45, v44  }
0x3d5: {  	v21 =	vld [tilespmem:s12+$0x10];
	v25 =	vmul.f32 v25, v28  }
0x3d6: {  	v32 =	vsub.f32 v41, v27;
	[tilespmem:s11+$0x40] =	vst v22;
	v22 =	vld [tilespmem:s12+$0x11];
	v28 =	vperm.xlane v18, v6;
	v30 =	vadd.f32 v31, v40  }
0x3d7: {  	v20 =	vld [tilespmem:s12+$0x50];
	v25 =	vadd.f32 v25, v29  }
0x3d8: {  	v24 =	vsub.f32 v24, v43;
	v48 =	vld [tilespmem:s12+$0x51];
	v29 =	vperm.xlane v17, v6;
	v28 =	vmul.f32 v32, v28;
	[tilespmem:s11+$0x80] =	vst v30  }
0x3d9: {  	v23 =	vsub.f32 v23, v26;
	v30 =	vld [tilespmem:s12+$0x90];
	[tilespmem:s11+$0xE0] =	vst v25  }
0x3da: {  	v25 =	vperm.xlane v13, v6;
	v27 =	vadd.f32 v28, v27;
	v24 =	vmul.f32 v24, v29;
	v49 =	vld [tilespmem:s12+$0xF0]  }
0x3db: {  	v29 =	vperm.xlane v19, v6;
	v28 =	vld [tilespmem:s12+$0xF1]  }
0x3dc: {  	[tilespmem:s11+$0xFFFFFF50] =	vst v27;
	v24 =	vadd.f32 v24, v43;
	v23 =	vmul.f32 v23, v25;
	v25 =	vsub.f32 v47, v46;
	v27 =	vld [tilespmem:s12+$0x91]  }
0x3dd: {  	v50 =	vperm.xlane v15, v6;
	v22 =	vsub.f32 v22, v21;
	v51 =	vld [tilespmem:s12+$0xFFFFFF60]  }
0x3de: {  	[tilespmem:s11+$0xFFFFFF90] =	vst v24;
	v23 =	vadd.f32 v23, v26;
	v24 =	vmul.f32 v25, v29;
	v25 =	vld [tilespmem:s12+$0xFFFFFF61]  }
0x3df: {  	v22 =	vmul.f32 v22, v50;
	v29 =	vld [tilespmem:s12+$0xFFFFFFA0]  }
0x3e0: {  	v26 =	vperm.xlane v14, v6;
	v52 =	vld [tilespmem:s12+$0xFFFFFFA1];
	[tilespmem:s11+$0xFFFFFFD0] =	vst v23;
	v23 =	vsub.f32 v48, v20;
	v24 =	vadd.f32 v24, v46  }
0x3e1: {  	v53 =	vperm.xlane v16, v6;
	v54 =	vld [tilespmem:s12+$0xFFFFFFE0]  }
0x3e2: {  	v21 =	vadd.f32 v22, v21;
	v22 =	vmul.f32 v23, v26;
	v23 =	vsub.f32 v27, v30;
	[tilespmem:s11+$0xFFFFFF10] =	vst v24;
	v24 =	vld [tilespmem:s12+$0xFFFFFFE1]  }
0x3e3: {  	v26 =	vperm.xlane v18, v8;
	v27 =	vld [tilespmem:s12+$0xFFFFFF20]  }
0x3e4: {  	[tilespmem:s11+$0x10] =	vst v21;
	v21 =	vsub.f32 v25, v51;
	v20 =	vadd.f32 v22, v20;
	v22 =	vmul.f32 v23, v53;
	v23 =	vld [tilespmem:s12+$0xFFFFFF21]  }
0x3e5: {  	v55 =	vld [tilespmem:s12+$0x20];
	v25 =	vperm.xlane v17, v8  }
0x3e6: {  	[tilespmem:s11+$0x50] =	vst v20;
	v20 =	vmul.f32 v21, v26;
	v21 =	vsub.f32 v52, v29;
	v22 =	vadd.f32 v22, v30;
	v26 =	vld [tilespmem:s12+$0x21]  }
0x3e7: {  	v56 =	vperm.xlane v13, v8;
	v57 =	vld [tilespmem:s12+$0x60]  }
0x3e8: {  	v24 =	vsub.f32 v24, v54;
	v20 =	vadd.f32 v20, v51;
	v21 =	vmul.f32 v21, v25;
	[tilespmem:s11+$0x90] =	vst v22;
	v22 =	vld [tilespmem:s12+$0x61]  }
0x3e9: {  	v25 =	vperm.xlane v19, v8;
	v23 =	vsub.f32 v23, v27;
	v58 =	vld [tilespmem:s12+$0xA0]  }
0x3ea: {  	[tilespmem:s11+$0xFFFFFF60] =	vst v20;
	v20 =	vadd.f32 v21, v29;
	v21 =	vmul.f32 v24, v56;
	v24 =	vld [tilespmem:s12+$0xA1]  }
0x3eb: {  	v23 =	vmul.f32 v23, v25;
	v25 =	vld [tilespmem:s12+$0xFFFFFF70]  }
0x3ec: {  	v29 =	vperm.xlane v15, v8;
	[tilespmem:s11+$0xFFFFFFA0] =	vst v20;
	v20 =	vadd.f32 v21, v54;
	v21 =	vsub.f32 v26, v55;
	v26 =	vld [tilespmem:s12+$0xFFFFFF71]  }
0x3ed: {  	v23 =	vadd.f32 v23, v27;
	v27 =	vld [tilespmem:s12+$0xFFFFFFB0]  }
0x3ee: {  	v59 =	vperm.xlane v14, v8;
	v22 =	vsub.f32 v22, v57;
	[tilespmem:s11+$0xFFFFFFE0] =	vst v20;
	v21 =	vmul.f32 v21, v29;
	v29 =	vld [tilespmem:s12+$0xFFFFFFB1]  }
0x3ef: {  	v61 =	vperm.xlane v17, v7;
	v60 =	vperm.xlane v16, v8;
	v28 =	vsub.f32 v28, v49;
	[tilespmem:s11+$0xFFFFFF20] =	vst v23;
	v20 =	vld [tilespmem:s12+$0xFFFFFFF0]  }
0x3f0: {  	v22 =	vmul.f32 v22, v59;
	v24 =	vsub.f32 v24, v58;
	v23 =	vadd.f32 v21, v55;
	v21 =	vld [tilespmem:s12+$0xFFFFFF30]  }
0x3f1: {  	v18 =	vperm.xlane v18, v7;
	v17 =	vperm.xlane v12, v7;
	v62 =	vld [tilespmem:s12+$0xFFFFFF31];
	v26 =	vsub.f32 v26, v25  }
0x3f2: {  	v63 =	vld [tilespmem:s12+$0xFFFFFFF1];
	v24 =	vmul.f32 v24, v60;
	[tilespmem:s11+$0x20] =	vst v23;
	v23 =	vadd.f32 v22, v57  }
0x3f3: {  	v17 =	vmul.f32 v28, v17;
	v22 =	vld [tilespmem:s12+$0x30];
	v18 =	vmul.f32 v26, v18;
	v26 =	vsub.f32 v29, v27  }
0x3f4: {  	v12 =	vperm.xlane v13, v7;
	[tilespmem:s11+$0x60] =	vst v23;
	v23 =	vadd.f32 v24, v58;
	v24 =	vld [tilespmem:s12+$0x31]  }
0x3f5: {  	v29 =	vadd.f32 v17, v49;
	v17 =	vld [tilespmem:s12+$0x70];
	v18 =	vadd.f32 v18, v25;
	v25 =	vmul.f32 v26, v61  }
0x3f6: {  	v13 =	vperm.xlane v15, v7;
	v28 =	vperm.xlane v19, v7;
	v19 =	vld [tilespmem:s12+$0x71];
	[tilespmem:s11+$0xA0] =	vst v23;
	v23 =	vsub.f32 v62, v21  }
0x3f7: {  	v15 =	vperm.xlane v14, v7;
	[tilespmem:s11+$0xF0] =	vst v29;
	v14 =	vld [tilespmem:s12+$0xB0];
	v25 =	vadd.f32 v25, v27;
	v27 =	vsub.f32 v63, v20  }
0x3f8: {  	s14 =	simm.s32 $0x91C0;
	s13 =	simm.s32 $0x0;
	v16 =	vperm.xlane v16, v7;
	[tilespmem:s11+$0xFFFFFF70] =	vst v18;
	v26 =	vmul.f32 v23, v28;
	v23 =	vld [tilespmem:s12+$0xB1]  }
.LBB2_14:
0x3f9: {  	v18 =	vld [tilespmem:s14+$0x30];
	[tilespmem:s11+$0xFFFFFFB0] =	vst v25;
	v12 =	vmul.f32 v27, v12;
	v24 =	vsub.f32 v24, v22;
	s12 =	sadd.s32 $0x200, s12  }
0x3fa: {  	v25 =	vld [tilespmem:s12+$0xC0];
	v21 =	vadd.f32 v26, v21  }
0x3fb: {  	v27 =	vld [tilespmem:s12+$0xC1];
	v12 =	vadd.f32 v12, v20;
	v13 =	vmul.f32 v24, v13;
	v19 =	vsub.f32 v19, v17  }
0x3fc: {  	v26 =	vld [tilespmem:s12+$0xFFFFFF00];
	[tilespmem:s11+$0xFFFFFF30] =	vst v21  }
0x3fd: {  	v20 =	vld [tilespmem:s12+$0xFFFFFF01];
	[tilespmem:s11+$0xFFFFFFF0] =	vst v12;
	v12 =	vadd.f32 v13, v22;
	v13 =	vmul.f32 v19, v15;
	v15 =	vsub.f32 v23, v14  }
0x3fe: {  	s13 =	sadd.s32 $0x8, s13;
	v21 =	vld [tilespmem:s14+$0xFFFFFFD0]  }
0x3ff: {  	p0 =	slt.u32 s13, $0xF8;
	v22 =	vld [tilespmem:s12+$0xFFFFFF40];
	[tilespmem:s11+$0x30] =	vst v12;
	v12 =	vadd.f32 v13, v17;
	v13 =	vmul.f32 v15, v16  }
0x400: {  	v16 =	vperm.xlane v18, v5;
	v15 =	vld [tilespmem:s12+$0xFFFFFF41];
	v17 =	vsub.f32 v27, v25  }
0x401: {  	v23 =	vld [tilespmem:s14+$0xFFFFFFE0];
	[tilespmem:s11+$0x70] =	vst v12;
	v12 =	vadd.f32 v13, v14  }
0x402: {  	v27 =	vsub.f32 v20, v26;
	v13 =	vld [tilespmem:s12+$0xFFFFFF80];
	v16 =	vmul.f32 v17, v16  }
0x403: {  	v17 =	vperm.xlane v21, v5;
	v28 =	vperm.xlane v21, v6;
	v24 =	vld [tilespmem:s12+$0xFFFFFF81];
	[tilespmem:s11+$0xB0] =	vst v12  }
0x404: {  	v19 =	vperm.xlane v21, v8;
	v14 =	vperm.xlane v21, v7;
	v12 =	vld [tilespmem:s14+$0xFFFFFFF0];
	v16 =	vadd.f32 v16, v25  }
0x405: {  	s11 =	sadd.s32 $0x200, s11;
	v15 =	vsub.f32 v15, v22;
	v25 =	vld [tilespmem:s12+$0xFFFFFFC0]  }
0x406: {  	v21 =	vperm.xlane v23, v5;
	v29 =	vperm.xlane v23, v6;
	v30 =	vld [tilespmem:s12+$0xFFFFFFC1];
	[tilespmem:s11+$0xC0] =	vst v16  }
0x407: {  	v20 =	vperm.xlane v23, v8;
	v15 =	vmul.f32 v15, v17;
	v16 =	vld [tilespmem:s12+$0xD0]  }
0x408: {  	v17 =	vperm.xlane v23, v7;
	v24 =	vsub.f32 v24, v13;
	v23 =	vld [tilespmem:s12+$0xD1]  }
0x409: {  	v15 =	vadd.f32 v15, v22;
	v22 =	vperm.xlane v12, v5;
	v31 =	vperm.xlane v12, v6;
	v32 =	vld [tilespmem:s14+$0x0]  }
0x40a: {  	v24 =	vmul.f32 v24, v21;
	v21 =	vperm.xlane v12, v8;
	v33 =	vld [tilespmem:s12+$0x0]  }
0x40b: {  	v12 =	vperm.xlane v12, v7;
	[tilespmem:s11+$0xFFFFFF40] =	vst v15;
	v15 =	vsub.f32 v30, v25;
	v30 =	vld [tilespmem:s12+$0x1]  }
0x40c: {  	v13 =	vadd.f32 v24, v13;
	v34 =	vld [tilespmem:s14+$0x10]  }
0x40d: {  	v24 =	vperm.xlane v18, v6;
	v15 =	vmul.f32 v15, v22;
	v35 =	vld [tilespmem:s12+$0x40];
	v23 =	vsub.f32 v23, v16  }
0x40e: {  	[tilespmem:s11+$0xFFFFFF80] =	vst v13;
	v36 =	vperm.xlane v32, v5;
	v37 =	vperm.xlane v32, v6;
	v38 =	vld [tilespmem:s12+$0x41]  }
0x40f: {  	v22 =	vperm.xlane v32, v8;
	v15 =	vadd.f32 v15, v25;
	v39 =	vld [tilespmem:s14+$0x20];
	v23 =	vmul.f32 v23, v24  }
0x410: {  	v13 =	vperm.xlane v32, v7;
	v24 =	vsub.f32 v30, v33;
	v30 =	vld [tilespmem:s12+$0x80]  }
0x411: {  	[tilespmem:s11+$0xFFFFFFC0] =	vst v15;
	v25 =	vperm.xlane v34, v5;
	v32 =	vperm.xlane v34, v6;
	v40 =	vld [tilespmem:s12+$0x81];
	v16 =	vadd.f32 v23, v16  }
0x412: {  	v23 =	vld [tilespmem:s14+$0xFFFFFFC0];
	v36 =	vmul.f32 v24, v36;
	v24 =	vperm.xlane v34, v8  }
0x413: {  	v15 =	vperm.xlane v34, v7;
	v41 =	vld [tilespmem:s12+$0xFFFFFF50];
	v38 =	vsub.f32 v38, v35;
	[tilespmem:s11+$0xD0] =	vst v16  }
0x414: {  	v16 =	vadd.f32 v36, v33;
	v33 =	vperm.xlane v39, v5;
	v34 =	vperm.xlane v39, v6;
	v36 =	vld [tilespmem:s12+$0xE0]  }
0x415: {  	v38 =	vmul.f32 v38, v25;
	v25 =	vperm.xlane v39, v8;
	v42 =	vld [tilespmem:s12+$0xE1]  }
0x416: {  	v43 =	vld [tilespmem:s12+$0xFFFFFF51];
	[tilespmem:s11+$0x0] =	vst v16;
	v40 =	vsub.f32 v40, v30;
	v16 =	vperm.xlane v39, v7  }
0x417: {  	v39 =	vperm.xlane v23, v5;
	v44 =	vperm.xlane v23, v6;
	v45 =	vld [tilespmem:s12+$0xFFFFFF90];
	v35 =	vadd.f32 v38, v35  }
0x418: {  	v38 =	vperm.xlane v23, v8;
	v46 =	vld [tilespmem:s12+$0xFFFFFF91];
	v33 =	vmul.f32 v40, v33  }
0x419: {  	v23 =	vperm.xlane v23, v7;
	v27 =	vmul.f32 v27, v39;
	v39 =	vld [tilespmem:s12+$0xFFFFFFD0];
	[tilespmem:s11+$0x40] =	vst v35  }
0x41a: {  	v35 =	vld [tilespmem:s12+$0xFFFFFFD1];
	v30 =	vadd.f32 v33, v30;
	v33 =	vperm.xlane v18, v8;
	v40 =	vsub.f32 v42, v36  }
0x41b: {  	v26 =	vadd.f32 v27, v26;
	v27 =	vsub.f32 v43, v41;
	v42 =	vld [tilespmem:s12+$0x10]  }
0x41c: {  	v43 =	vld [tilespmem:s12+$0x11];
	[tilespmem:s11+$0x80] =	vst v30;
	v30 =	vmul.f32 v40, v33  }
0x41d: {  	[tilespmem:s11+$0xFFFFFF00] =	vst v26;
	v26 =	vmul.f32 v27, v28;
	v27 =	vsub.f32 v46, v45;
	v28 =	vld [tilespmem:s12+$0x50]  }
0x41e: {  	v33 =	vld [tilespmem:s12+$0xFFFFFF10];
	v30 =	vadd.f32 v30, v36  }
0x41f: {  	v36 =	vld [tilespmem:s12+$0xFFFFFF11];
	v26 =	vadd.f32 v26, v41;
	v27 =	vmul.f32 v27, v29;
	v29 =	vsub.f32 v35, v39  }
0x420: {  	v35 =	vld [tilespmem:s12+$0x51];
	[tilespmem:s11+$0xE0] =	vst v30  }
0x421: {  	[tilespmem:s11+$0xFFFFFF50] =	vst v26;
	v26 =	vadd.f32 v27, v45;
	v27 =	vmul.f32 v29, v31;
	v29 =	vsub.f32 v43, v42;
	v30 =	vld [tilespmem:s12+$0xF0]  }
0x422: {  	v31 =	vld [tilespmem:s12+$0xF1]  }
0x423: {  	[tilespmem:s11+$0xFFFFFF90] =	vst v26;
	v26 =	vadd.f32 v27, v39;
	v27 =	vmul.f32 v29, v37;
	v29 =	vld [tilespmem:s12+$0x90]  }
0x424: {  	v36 =	vsub.f32 v36, v33;
	v37 =	vld [tilespmem:s12+$0x91]  }
0x425: {  	v39 =	vld [tilespmem:s12+$0xFFFFFF60];
	[tilespmem:s11+$0xFFFFFFD0] =	vst v26;
	v26 =	vadd.f32 v27, v42;
	v27 =	vsub.f32 v35, v28  }
0x426: {  	v35 =	vmul.f32 v36, v44;
	v36 =	vld [tilespmem:s12+$0xFFFFFF61]  }
0x427: {  	v18 =	vperm.xlane v18, v7;
	v40 =	vld [tilespmem:s12+$0xFFFFFFA0];
	[tilespmem:s11+$0x10] =	vst v26;
	v26 =	vmul.f32 v27, v32;
	v27 =	vsub.f32 v31, v30  }
0x428: {  	v31 =	vadd.f32 v35, v33;
	v32 =	vld [tilespmem:s12+$0xFFFFFFA1]  }
0x429: {  	v33 =	vld [tilespmem:s12+$0xFFFFFFE0];
	v26 =	vadd.f32 v26, v28;
	v28 =	vsub.f32 v37, v29;
	v18 =	vmul.f32 v27, v18  }
0x42a: {  	[tilespmem:s11+$0xFFFFFF10] =	vst v31;
	v27 =	vld [tilespmem:s12+$0xFFFFFFE1]  }
0x42b: {  	v31 =	vld [tilespmem:s12+$0xFFFFFF20];
	v35 =	vsub.f32 v36, v39;
	[tilespmem:s11+$0x50] =	vst v26;
	v26 =	vmul.f32 v28, v34;
	v18 =	vadd.f32 v18, v30  }
0x42c: {  	v28 =	vld [tilespmem:s12+$0xFFFFFF21]  }
0x42d: {  	v19 =	vmul.f32 v35, v19;
	v30 =	vsub.f32 v32, v40;
	v32 =	vld [tilespmem:s12+$0x20];
	v26 =	vadd.f32 v26, v29;
	[tilespmem:s11+$0xF0] =	vst v18  }
0x42e: {  	v18 =	vld [tilespmem:s12+$0x21]  }
0x42f: {  	v19 =	vadd.f32 v19, v39;
	v20 =	vmul.f32 v30, v20;
	v27 =	vsub.f32 v27, v33;
	v29 =	vld [tilespmem:s12+$0x60];
	[tilespmem:s11+$0x90] =	vst v26  }
0x430: {  	v26 =	vld [tilespmem:s12+$0x61]  }
0x431: {  	v28 =	vsub.f32 v28, v31;
	[tilespmem:s11+$0xFFFFFF60] =	vst v19;
	v19 =	vadd.f32 v20, v40;
	v20 =	vmul.f32 v27, v21;
	v27 =	vld [tilespmem:s12+$0xA0]  }
0x432: {  	v21 =	vld [tilespmem:s12+$0xA1]  }
0x433: {  	v28 =	vmul.f32 v28, v38;
	v30 =	vld [tilespmem:s12+$0xFFFFFF70];
	[tilespmem:s11+$0xFFFFFFA0] =	vst v19;
	v19 =	vadd.f32 v20, v33;
	v18 =	vsub.f32 v18, v32  }
0x434: {  	v33 =	vld [tilespmem:s12+$0xFFFFFF71]  }
0x435: {  	v20 =	vadd.f32 v28, v31;
	v28 =	vld [tilespmem:s12+$0xFFFFFFB0];
	[tilespmem:s11+$0xFFFFFFE0] =	vst v19;
	v18 =	vmul.f32 v18, v22;
	v19 =	vsub.f32 v26, v29  }
0x436: {  	v22 =	vld [tilespmem:s12+$0xFFFFFFB1]  }
0x437: {  	[tilespmem:s11+$0xFFFFFF20] =	vst v20;
	v20 =	vld [tilespmem:s12+$0xFFFFFFF0];
	v18 =	vadd.f32 v18, v32;
	v19 =	vmul.f32 v19, v24;
	v24 =	vsub.f32 v21, v27  }
0x438: {  	v21 =	vld [tilespmem:s12+$0xFFFFFF30]  }
0x439: {  	v26 =	vld [tilespmem:s12+$0xFFFFFF31];
	v31 =	vsub.f32 v33, v30;
	[tilespmem:s11+$0x20] =	vst v18;
	v18 =	vadd.f32 v19, v29;
	v19 =	vmul.f32 v24, v25  }
0x43a: {  	v29 =	vld [tilespmem:s12+$0xFFFFFFF1]  }
0x43b: {  	v14 =	vmul.f32 v31, v14;
	v25 =	vsub.f32 v22, v28;
	v22 =	vld [tilespmem:s12+$0x30];
	[tilespmem:s11+$0x60] =	vst v18;
	v18 =	vadd.f32 v19, v27  }
.Ltmp6:
0x43c: {  	v24 =	vld [tilespmem:s12+$0x31];
	(pc) =	sbr.rel @p0 .LBB2_14-.Ltmp6, $4  }
0x43d: {  	v14 =	vadd.f32 v14, v30;
	v25 =	vmul.f32 v25, v17;
	v17 =	vld [tilespmem:s12+$0x70];
	[tilespmem:s11+$0xA0] =	vst v18  }
0x43e: {  	v18 =	vsub.f32 v26, v21;
	v19 =	vld [tilespmem:s12+$0x71]  }
0x43f: {  	[tilespmem:s11+$0xFFFFFF70] =	vst v14;
	v25 =	vadd.f32 v25, v28;
	v27 =	vsub.f32 v29, v20;
	v14 =	vld [tilespmem:s12+$0xB0]  }
0x440: {  	s14 =	sadd.s32 $0x80, s14;
	v26 =	vmul.f32 v18, v23;
	v23 =	vld [tilespmem:s12+$0xB1]  }
0x441: {  	_ =	sdelay $0x1  }
0x442: {  	v18 =	vsub.f32 v24, v22  }
0x443: {  	v12 =	vmul.f32 v27, v12;
	v19 =	vsub.f32 v19, v17  }
0x444: {  	v21 =	vadd.f32 v26, v21;
	v13 =	vmul.f32 v18, v13;
	v18 =	vsub.f32 v23, v14  }
0x445: {  	[tilespmem:s11+$0xFFFFFFB0] =	vst v25;
	v12 =	vadd.f32 v12, v20;
	v15 =	vmul.f32 v19, v15  }
0x446: {  	[tilespmem:s11+$0xFFFFFF30] =	vst v21;
	v13 =	vadd.f32 v13, v22;
	v16 =	vmul.f32 v18, v16  }
0x447: {  	[tilespmem:s11+$0xFFFFFFF0] =	vst v12;
	v12 =	vadd.f32 v15, v17  }
0x448: {  	[tilespmem:s11+$0x30] =	vst v13;
	v13 =	vadd.f32 v16, v14  }
0x449: {  	[tilespmem:s11+$0x70] =	vst v12  }
0x44a: {  	[tilespmem:s11+$0xB0] =	vst v13;
	s11 =	simm.s32 $0x100  }
0x44b: {  	[hbm4b:s20+s29] =	stream.strided.scatter [tilespmem:s7], [sflag:$0x4], $0x4000, s11, s29, $0x38;
	[tilespmem:$0x12100] =	vst v63  }
0x44c: {  	_ = 	snop  }
0x44d: {  	[tilespmem:s31], [sflag:$0x2] =	stream.strided.gather [hbm4b:s21+s29], $0x4000, s11, s29, $0x38;
	[tilespmem:$0x12100] =	vst v63  }
0x44e: {  	_ = 	snop  }
0x44f: {  	[tilespmem:s0], [sflag:$0x2] =	stream.strided.gather [hbm4b:s28+s29], $0x1000, s11, s29, $0x38;
	[tilespmem:$0x12100] =	vst v63  }
0x450: {  	_ =	swait.ge [sflag:s2], $0x4080  }
0x451: {  	[sflag:s2] =	ssyncset.done $0x0  }
0x452: {  	[sflag:s2] =	ssyncadd.s32 $0xFFFFBF80  }
0x453: {  	_ =	swait.ge [sflag:s2], $0x1000  }
0x454: {  	[sflag:s2] =	ssyncset.done $0x0  }
0x455: {  	[sflag:s2] =	ssyncadd.s32 $0xFFFFF000  }
0x456: {  	_ =	swait.ge [sflag:s8], $0x4000  }
0x457: {  	[sflag:s8] =	ssyncset.done $0x0  }
0x458: {  	s13 =	simm.s32 $0x8140;
	[sflag:s8] =	ssyncadd.s32 $0xFFFFC000  }
0x459: {  	v12 =	vld [tilespmem:s13+$0x30]  }
0x45a: {  	v14 =	vld [tilespmem:s11+$0xC0]  }
0x45b: {  	v13 =	vld [tilespmem:s11+$0xC1]  }
0x45c: {  	v20 =	vld [tilespmem:s11+$0xFFFFFF00]  }
0x45d: {  	v21 =	vld [tilespmem:s11+$0xFFFFFF01]  }
0x45e: {  	v18 =	vld [tilespmem:s13+$0xFFFFFFD0]  }
0x45f: {  	v19 =	vld [tilespmem:s11+$0xFFFFFF40]  }
0x460: {  	v16 =	vld [tilespmem:s11+$0xFFFFFF41]  }
0x461: {  	v17 =	vld [tilespmem:s13+$0xFFFFFFE0];
	v15 =	vperm.xlane v12, v5;
	v13 =	vsub.f32 v13, v14  }
0x462: {  	v22 =	vld [tilespmem:s11+$0xFFFFFF80]  }
0x463: {  	v23 =	vld [tilespmem:s11+$0xFFFFFF81];
	v15 =	vmul.f32 v13, v15  }
0x464: {  	v24 =	vld [tilespmem:s11+$0xFFFFFFC0]  }
0x465: {  	v25 =	vld [tilespmem:s11+$0xFFFFFFC1];
	v14 =	vadd.f32 v15, v14  }
0x466: {  	s12 =	simm.s32 $0xA200;
	v28 =	vld [tilespmem:s11+$0x0]  }
0x467: {  	v29 =	vld [tilespmem:s11+$0x1];
	v30 =	vperm.xlane v18, v5;
	v16 =	vsub.f32 v16, v19;
	[tilespmem:s12+$0xC0] =	vst v14  }
0x468: {  	v26 =	vld [tilespmem:s11+$0xD0]  }
0x469: {  	v30 =	vmul.f32 v16, v30;
	v27 =	vld [tilespmem:s11+$0xD1]  }
0x46a: {  	v31 =	vld [tilespmem:s11+$0x40]  }
0x46b: {  	v33 =	vld [tilespmem:s11+$0x41];
	v19 =	vadd.f32 v30, v19  }
0x46c: {  	v13 =	vld [tilespmem:s13+$0xFFFFFFF0]  }
0x46d: {  	v39 =	vperm.xlane v17, v5;
	v23 =	vsub.f32 v23, v22;
	[tilespmem:s12+$0xFFFFFF40] =	vst v19;
	v19 =	vld [tilespmem:s13+$0xFFFFFFC0]  }
0x46e: {  	v40 =	vld [tilespmem:s11+$0x80];
	v32 =	vperm.xlane v12, v6;
	v27 =	vsub.f32 v27, v26  }
0x46f: {  	v35 =	vld [tilespmem:s11+$0x81];
	v23 =	vmul.f32 v23, v39  }
0x470: {  	v16 =	vld [tilespmem:s13+$0x20];
	v27 =	vmul.f32 v27, v32  }
0x471: {  	v25 =	vsub.f32 v25, v24;
	v15 =	vld [tilespmem:s13+$0x0];
	v22 =	vadd.f32 v23, v22;
	v34 =	vperm.xlane v13, v5  }
0x472: {  	v21 =	vsub.f32 v21, v20;
	v14 =	vld [tilespmem:s13+$0x10];
	v42 =	vperm.xlane v19, v5;
	v26 =	vadd.f32 v27, v26  }
0x473: {  	[tilespmem:s12+$0xFFFFFF80] =	vst v22;
	v41 =	vld [tilespmem:s11+$0xFFFFFF51];
	v25 =	vmul.f32 v25, v34  }
0x474: {  	v43 =	vld [tilespmem:s11+$0xFFFFFF90];
	v21 =	vmul.f32 v21, v42;
	[tilespmem:s12+$0xD0] =	vst v26  }
0x475: {  	v24 =	vadd.f32 v25, v24;
	v26 =	vsub.f32 v29, v28;
	v29 =	vld [tilespmem:s11+$0xE0]  }
0x476: {  	v23 =	vperm.xlane v15, v5;
	v20 =	vadd.f32 v21, v20;
	v25 =	vld [tilespmem:s11+$0xE1]  }
0x477: {  	[tilespmem:s12+$0xFFFFFFC0] =	vst v24;
	v24 =	vld [tilespmem:s11+$0xFFFFFF91]  }
0x478: {  	v22 =	vperm.xlane v14, v5;
	v27 =	vld [tilespmem:s11+$0xFFFFFF50];
	[tilespmem:s12+$0xFFFFFF00] =	vst v20;
	v23 =	vmul.f32 v26, v23;
	v26 =	vsub.f32 v33, v31  }
0x479: {  	v45 =	vsub.f32 v35, v40;
	v46 =	vld [tilespmem:s11+$0xFFFFFF10]  }
0x47a: {  	v44 =	vperm.xlane v16, v5;
	v47 =	vld [tilespmem:s11+$0xFFFFFF11];
	v23 =	vadd.f32 v23, v28;
	v22 =	vmul.f32 v26, v22  }
0x47b: {  	v26 =	vld [tilespmem:s11+$0xFFFFFFD0];
	v28 =	vperm.xlane v12, v8;
	v25 =	vsub.f32 v25, v29  }
0x47c: {  	[tilespmem:s12+$0x0] =	vst v23;
	v22 =	vadd.f32 v22, v31;
	v23 =	vld [tilespmem:s11+$0xFFFFFFD1];
	v31 =	vmul.f32 v45, v44  }
0x47d: {  	v21 =	vld [tilespmem:s11+$0x10];
	v25 =	vmul.f32 v25, v28  }
0x47e: {  	v32 =	vsub.f32 v41, v27;
	[tilespmem:s12+$0x40] =	vst v22;
	v22 =	vld [tilespmem:s11+$0x11];
	v28 =	vperm.xlane v18, v6;
	v30 =	vadd.f32 v31, v40  }
0x47f: {  	v20 =	vld [tilespmem:s11+$0x50];
	v25 =	vadd.f32 v25, v29  }
0x480: {  	v24 =	vsub.f32 v24, v43;
	v48 =	vld [tilespmem:s11+$0x51];
	v29 =	vperm.xlane v17, v6;
	v28 =	vmul.f32 v32, v28;
	[tilespmem:s12+$0x80] =	vst v30  }
0x481: {  	v23 =	vsub.f32 v23, v26;
	v30 =	vld [tilespmem:s11+$0x90];
	[tilespmem:s12+$0xE0] =	vst v25  }
0x482: {  	v25 =	vperm.xlane v13, v6;
	v27 =	vadd.f32 v28, v27;
	v24 =	vmul.f32 v24, v29;
	v49 =	vld [tilespmem:s11+$0xF0]  }
0x483: {  	v29 =	vperm.xlane v19, v6;
	v28 =	vld [tilespmem:s11+$0xF1]  }
0x484: {  	[tilespmem:s12+$0xFFFFFF50] =	vst v27;
	v24 =	vadd.f32 v24, v43;
	v23 =	vmul.f32 v23, v25;
	v25 =	vsub.f32 v47, v46;
	v27 =	vld [tilespmem:s11+$0x91]  }
0x485: {  	v50 =	vperm.xlane v15, v6;
	v22 =	vsub.f32 v22, v21;
	v51 =	vld [tilespmem:s11+$0xFFFFFF60]  }
0x486: {  	[tilespmem:s12+$0xFFFFFF90] =	vst v24;
	v23 =	vadd.f32 v23, v26;
	v24 =	vmul.f32 v25, v29;
	v25 =	vld [tilespmem:s11+$0xFFFFFF61]  }
0x487: {  	v22 =	vmul.f32 v22, v50;
	v29 =	vld [tilespmem:s11+$0xFFFFFFA0]  }
0x488: {  	v26 =	vperm.xlane v14, v6;
	v52 =	vld [tilespmem:s11+$0xFFFFFFA1];
	[tilespmem:s12+$0xFFFFFFD0] =	vst v23;
	v23 =	vsub.f32 v48, v20;
	v24 =	vadd.f32 v24, v46  }
0x489: {  	v53 =	vperm.xlane v16, v6;
	v54 =	vld [tilespmem:s11+$0xFFFFFFE0]  }
0x48a: {  	v21 =	vadd.f32 v22, v21;
	v22 =	vmul.f32 v23, v26;
	v23 =	vsub.f32 v27, v30;
	[tilespmem:s12+$0xFFFFFF10] =	vst v24;
	v24 =	vld [tilespmem:s11+$0xFFFFFFE1]  }
0x48b: {  	v26 =	vperm.xlane v18, v8;
	v27 =	vld [tilespmem:s11+$0xFFFFFF20]  }
0x48c: {  	[tilespmem:s12+$0x10] =	vst v21;
	v21 =	vsub.f32 v25, v51;
	v20 =	vadd.f32 v22, v20;
	v22 =	vmul.f32 v23, v53;
	v23 =	vld [tilespmem:s11+$0xFFFFFF21]  }
0x48d: {  	v55 =	vld [tilespmem:s11+$0x20];
	v25 =	vperm.xlane v17, v8  }
0x48e: {  	[tilespmem:s12+$0x50] =	vst v20;
	v20 =	vmul.f32 v21, v26;
	v21 =	vsub.f32 v52, v29;
	v22 =	vadd.f32 v22, v30;
	v26 =	vld [tilespmem:s11+$0x21]  }
0x48f: {  	v56 =	vperm.xlane v13, v8;
	v57 =	vld [tilespmem:s11+$0x60]  }
0x490: {  	v24 =	vsub.f32 v24, v54;
	v20 =	vadd.f32 v20, v51;
	v21 =	vmul.f32 v21, v25;
	[tilespmem:s12+$0x90] =	vst v22;
	v22 =	vld [tilespmem:s11+$0x61]  }
0x491: {  	v25 =	vperm.xlane v19, v8;
	v23 =	vsub.f32 v23, v27;
	v58 =	vld [tilespmem:s11+$0xA0]  }
0x492: {  	[tilespmem:s12+$0xFFFFFF60] =	vst v20;
	v20 =	vadd.f32 v21, v29;
	v21 =	vmul.f32 v24, v56;
	v24 =	vld [tilespmem:s11+$0xA1]  }
0x493: {  	v23 =	vmul.f32 v23, v25;
	v25 =	vld [tilespmem:s11+$0xFFFFFF70]  }
0x494: {  	v29 =	vperm.xlane v15, v8;
	[tilespmem:s12+$0xFFFFFFA0] =	vst v20;
	v20 =	vadd.f32 v21, v54;
	v21 =	vsub.f32 v26, v55;
	v26 =	vld [tilespmem:s11+$0xFFFFFF71]  }
0x495: {  	v23 =	vadd.f32 v23, v27;
	v27 =	vld [tilespmem:s11+$0xFFFFFFB0]  }
0x496: {  	v59 =	vperm.xlane v14, v8;
	v22 =	vsub.f32 v22, v57;
	[tilespmem:s12+$0xFFFFFFE0] =	vst v20;
	v21 =	vmul.f32 v21, v29;
	v29 =	vld [tilespmem:s11+$0xFFFFFFB1]  }
0x497: {  	v61 =	vperm.xlane v17, v7;
	v60 =	vperm.xlane v16, v8;
	v28 =	vsub.f32 v28, v49;
	[tilespmem:s12+$0xFFFFFF20] =	vst v23;
	v20 =	vld [tilespmem:s11+$0xFFFFFFF0]  }
0x498: {  	v22 =	vmul.f32 v22, v59;
	v24 =	vsub.f32 v24, v58;
	v23 =	vadd.f32 v21, v55;
	v21 =	vld [tilespmem:s11+$0xFFFFFF30]  }
0x499: {  	v18 =	vperm.xlane v18, v7;
	v17 =	vperm.xlane v12, v7;
	v62 =	vld [tilespmem:s11+$0xFFFFFF31];
	v26 =	vsub.f32 v26, v25  }
0x49a: {  	v63 =	vld [tilespmem:s11+$0xFFFFFFF1];
	v24 =	vmul.f32 v24, v60;
	[tilespmem:s12+$0x20] =	vst v23;
	v23 =	vadd.f32 v22, v57  }
0x49b: {  	v17 =	vmul.f32 v28, v17;
	v22 =	vld [tilespmem:s11+$0x30];
	v18 =	vmul.f32 v26, v18;
	v26 =	vsub.f32 v29, v27  }
0x49c: {  	v12 =	vperm.xlane v13, v7;
	[tilespmem:s12+$0x60] =	vst v23;
	v23 =	vadd.f32 v24, v58;
	v24 =	vld [tilespmem:s11+$0x31]  }
0x49d: {  	v29 =	vadd.f32 v17, v49;
	v17 =	vld [tilespmem:s11+$0x70];
	v18 =	vadd.f32 v18, v25;
	v25 =	vmul.f32 v26, v61  }
0x49e: {  	v13 =	vperm.xlane v15, v7;
	v28 =	vperm.xlane v19, v7;
	v19 =	vld [tilespmem:s11+$0x71];
	[tilespmem:s12+$0xA0] =	vst v23;
	v23 =	vsub.f32 v62, v21  }
0x49f: {  	v15 =	vperm.xlane v14, v7;
	[tilespmem:s12+$0xF0] =	vst v29;
	v14 =	vld [tilespmem:s11+$0xB0];
	v25 =	vadd.f32 v25, v27;
	v27 =	vsub.f32 v63, v20  }
0x4a0: {  	s14 =	simm.s32 $0x81C0;
	s13 =	simm.s32 $0x0;
	v16 =	vperm.xlane v16, v7;
	[tilespmem:s12+$0xFFFFFF70] =	vst v18;
	v26 =	vmul.f32 v23, v28;
	v23 =	vld [tilespmem:s11+$0xB1]  }
.LBB2_16:
0x4a1: {  	v18 =	vld [tilespmem:s14+$0x30];
	[tilespmem:s12+$0xFFFFFFB0] =	vst v25;
	v12 =	vmul.f32 v27, v12;
	v24 =	vsub.f32 v24, v22;
	s11 =	sadd.s32 $0x200, s11  }
0x4a2: {  	v25 =	vld [tilespmem:s11+$0xC0];
	v21 =	vadd.f32 v26, v21  }
0x4a3: {  	v27 =	vld [tilespmem:s11+$0xC1];
	v12 =	vadd.f32 v12, v20;
	v13 =	vmul.f32 v24, v13;
	v19 =	vsub.f32 v19, v17  }
0x4a4: {  	v26 =	vld [tilespmem:s11+$0xFFFFFF00];
	[tilespmem:s12+$0xFFFFFF30] =	vst v21  }
0x4a5: {  	v20 =	vld [tilespmem:s11+$0xFFFFFF01];
	[tilespmem:s12+$0xFFFFFFF0] =	vst v12;
	v12 =	vadd.f32 v13, v22;
	v13 =	vmul.f32 v19, v15;
	v15 =	vsub.f32 v23, v14  }
0x4a6: {  	s13 =	sadd.s32 $0x8, s13;
	v21 =	vld [tilespmem:s14+$0xFFFFFFD0]  }
0x4a7: {  	p0 =	slt.u32 s13, $0xF8;
	v22 =	vld [tilespmem:s11+$0xFFFFFF40];
	[tilespmem:s12+$0x30] =	vst v12;
	v12 =	vadd.f32 v13, v17;
	v13 =	vmul.f32 v15, v16  }
0x4a8: {  	v16 =	vperm.xlane v18, v5;
	v15 =	vld [tilespmem:s11+$0xFFFFFF41];
	v17 =	vsub.f32 v27, v25  }
0x4a9: {  	v23 =	vld [tilespmem:s14+$0xFFFFFFE0];
	[tilespmem:s12+$0x70] =	vst v12;
	v12 =	vadd.f32 v13, v14  }
0x4aa: {  	v27 =	vsub.f32 v20, v26;
	v13 =	vld [tilespmem:s11+$0xFFFFFF80];
	v16 =	vmul.f32 v17, v16  }
0x4ab: {  	v17 =	vperm.xlane v21, v5;
	v28 =	vperm.xlane v21, v6;
	v24 =	vld [tilespmem:s11+$0xFFFFFF81];
	[tilespmem:s12+$0xB0] =	vst v12  }
0x4ac: {  	v19 =	vperm.xlane v21, v8;
	v14 =	vperm.xlane v21, v7;
	v12 =	vld [tilespmem:s14+$0xFFFFFFF0];
	v16 =	vadd.f32 v16, v25  }
0x4ad: {  	s12 =	sadd.s32 $0x200, s12;
	v15 =	vsub.f32 v15, v22;
	v25 =	vld [tilespmem:s11+$0xFFFFFFC0]  }
0x4ae: {  	v21 =	vperm.xlane v23, v5;
	v29 =	vperm.xlane v23, v6;
	v30 =	vld [tilespmem:s11+$0xFFFFFFC1];
	[tilespmem:s12+$0xC0] =	vst v16  }
0x4af: {  	v20 =	vperm.xlane v23, v8;
	v15 =	vmul.f32 v15, v17;
	v16 =	vld [tilespmem:s11+$0xD0]  }
0x4b0: {  	v17 =	vperm.xlane v23, v7;
	v24 =	vsub.f32 v24, v13;
	v23 =	vld [tilespmem:s11+$0xD1]  }
0x4b1: {  	v15 =	vadd.f32 v15, v22;
	v22 =	vperm.xlane v12, v5;
	v31 =	vperm.xlane v12, v6;
	v32 =	vld [tilespmem:s14+$0x0]  }
0x4b2: {  	v24 =	vmul.f32 v24, v21;
	v21 =	vperm.xlane v12, v8;
	v33 =	vld [tilespmem:s11+$0x0]  }
0x4b3: {  	v12 =	vperm.xlane v12, v7;
	[tilespmem:s12+$0xFFFFFF40] =	vst v15;
	v15 =	vsub.f32 v30, v25;
	v30 =	vld [tilespmem:s11+$0x1]  }
0x4b4: {  	v13 =	vadd.f32 v24, v13;
	v34 =	vld [tilespmem:s14+$0x10]  }
0x4b5: {  	v24 =	vperm.xlane v18, v6;
	v15 =	vmul.f32 v15, v22;
	v35 =	vld [tilespmem:s11+$0x40];
	v23 =	vsub.f32 v23, v16  }
0x4b6: {  	[tilespmem:s12+$0xFFFFFF80] =	vst v13;
	v36 =	vperm.xlane v32, v5;
	v37 =	vperm.xlane v32, v6;
	v38 =	vld [tilespmem:s11+$0x41]  }
0x4b7: {  	v22 =	vperm.xlane v32, v8;
	v15 =	vadd.f32 v15, v25;
	v39 =	vld [tilespmem:s14+$0x20];
	v23 =	vmul.f32 v23, v24  }
0x4b8: {  	v13 =	vperm.xlane v32, v7;
	v24 =	vsub.f32 v30, v33;
	v30 =	vld [tilespmem:s11+$0x80]  }
0x4b9: {  	[tilespmem:s12+$0xFFFFFFC0] =	vst v15;
	v25 =	vperm.xlane v34, v5;
	v32 =	vperm.xlane v34, v6;
	v40 =	vld [tilespmem:s11+$0x81];
	v16 =	vadd.f32 v23, v16  }
0x4ba: {  	v23 =	vld [tilespmem:s14+$0xFFFFFFC0];
	v36 =	vmul.f32 v24, v36;
	v24 =	vperm.xlane v34, v8  }
0x4bb: {  	v15 =	vperm.xlane v34, v7;
	v41 =	vld [tilespmem:s11+$0xFFFFFF50];
	v38 =	vsub.f32 v38, v35;
	[tilespmem:s12+$0xD0] =	vst v16  }
0x4bc: {  	v16 =	vadd.f32 v36, v33;
	v33 =	vperm.xlane v39, v5;
	v34 =	vperm.xlane v39, v6;
	v36 =	vld [tilespmem:s11+$0xE0]  }
0x4bd: {  	v38 =	vmul.f32 v38, v25;
	v25 =	vperm.xlane v39, v8;
	v42 =	vld [tilespmem:s11+$0xE1]  }
0x4be: {  	v43 =	vld [tilespmem:s11+$0xFFFFFF51];
	[tilespmem:s12+$0x0] =	vst v16;
	v40 =	vsub.f32 v40, v30;
	v16 =	vperm.xlane v39, v7  }
0x4bf: {  	v39 =	vperm.xlane v23, v5;
	v44 =	vperm.xlane v23, v6;
	v45 =	vld [tilespmem:s11+$0xFFFFFF90];
	v35 =	vadd.f32 v38, v35  }
0x4c0: {  	v38 =	vperm.xlane v23, v8;
	v46 =	vld [tilespmem:s11+$0xFFFFFF91];
	v33 =	vmul.f32 v40, v33  }
0x4c1: {  	v23 =	vperm.xlane v23, v7;
	v27 =	vmul.f32 v27, v39;
	v39 =	vld [tilespmem:s11+$0xFFFFFFD0];
	[tilespmem:s12+$0x40] =	vst v35  }
0x4c2: {  	v35 =	vld [tilespmem:s11+$0xFFFFFFD1];
	v30 =	vadd.f32 v33, v30;
	v33 =	vperm.xlane v18, v8;
	v40 =	vsub.f32 v42, v36  }
0x4c3: {  	v26 =	vadd.f32 v27, v26;
	v27 =	vsub.f32 v43, v41;
	v42 =	vld [tilespmem:s11+$0x10]  }
0x4c4: {  	v43 =	vld [tilespmem:s11+$0x11];
	[tilespmem:s12+$0x80] =	vst v30;
	v30 =	vmul.f32 v40, v33  }
0x4c5: {  	[tilespmem:s12+$0xFFFFFF00] =	vst v26;
	v26 =	vmul.f32 v27, v28;
	v27 =	vsub.f32 v46, v45;
	v28 =	vld [tilespmem:s11+$0x50]  }
0x4c6: {  	v33 =	vld [tilespmem:s11+$0xFFFFFF10];
	v30 =	vadd.f32 v30, v36  }
0x4c7: {  	v36 =	vld [tilespmem:s11+$0xFFFFFF11];
	v26 =	vadd.f32 v26, v41;
	v27 =	vmul.f32 v27, v29;
	v29 =	vsub.f32 v35, v39  }
0x4c8: {  	v35 =	vld [tilespmem:s11+$0x51];
	[tilespmem:s12+$0xE0] =	vst v30  }
0x4c9: {  	[tilespmem:s12+$0xFFFFFF50] =	vst v26;
	v26 =	vadd.f32 v27, v45;
	v27 =	vmul.f32 v29, v31;
	v29 =	vsub.f32 v43, v42;
	v30 =	vld [tilespmem:s11+$0xF0]  }
0x4ca: {  	v31 =	vld [tilespmem:s11+$0xF1]  }
0x4cb: {  	[tilespmem:s12+$0xFFFFFF90] =	vst v26;
	v26 =	vadd.f32 v27, v39;
	v27 =	vmul.f32 v29, v37;
	v29 =	vld [tilespmem:s11+$0x90]  }
0x4cc: {  	v36 =	vsub.f32 v36, v33;
	v37 =	vld [tilespmem:s11+$0x91]  }
0x4cd: {  	v39 =	vld [tilespmem:s11+$0xFFFFFF60];
	[tilespmem:s12+$0xFFFFFFD0] =	vst v26;
	v26 =	vadd.f32 v27, v42;
	v27 =	vsub.f32 v35, v28  }
0x4ce: {  	v35 =	vmul.f32 v36, v44;
	v36 =	vld [tilespmem:s11+$0xFFFFFF61]  }
0x4cf: {  	v18 =	vperm.xlane v18, v7;
	v40 =	vld [tilespmem:s11+$0xFFFFFFA0];
	[tilespmem:s12+$0x10] =	vst v26;
	v26 =	vmul.f32 v27, v32;
	v27 =	vsub.f32 v31, v30  }
0x4d0: {  	v31 =	vadd.f32 v35, v33;
	v32 =	vld [tilespmem:s11+$0xFFFFFFA1]  }
0x4d1: {  	v33 =	vld [tilespmem:s11+$0xFFFFFFE0];
	v26 =	vadd.f32 v26, v28;
	v28 =	vsub.f32 v37, v29;
	v18 =	vmul.f32 v27, v18  }
0x4d2: {  	[tilespmem:s12+$0xFFFFFF10] =	vst v31;
	v27 =	vld [tilespmem:s11+$0xFFFFFFE1]  }
0x4d3: {  	v31 =	vld [tilespmem:s11+$0xFFFFFF20];
	v35 =	vsub.f32 v36, v39;
	[tilespmem:s12+$0x50] =	vst v26;
	v26 =	vmul.f32 v28, v34;
	v18 =	vadd.f32 v18, v30  }
0x4d4: {  	v28 =	vld [tilespmem:s11+$0xFFFFFF21]  }
0x4d5: {  	v19 =	vmul.f32 v35, v19;
	v30 =	vsub.f32 v32, v40;
	v32 =	vld [tilespmem:s11+$0x20];
	v26 =	vadd.f32 v26, v29;
	[tilespmem:s12+$0xF0] =	vst v18  }
0x4d6: {  	v18 =	vld [tilespmem:s11+$0x21]  }
0x4d7: {  	v19 =	vadd.f32 v19, v39;
	v20 =	vmul.f32 v30, v20;
	v27 =	vsub.f32 v27, v33;
	v29 =	vld [tilespmem:s11+$0x60];
	[tilespmem:s12+$0x90] =	vst v26  }
0x4d8: {  	v26 =	vld [tilespmem:s11+$0x61]  }
0x4d9: {  	v28 =	vsub.f32 v28, v31;
	[tilespmem:s12+$0xFFFFFF60] =	vst v19;
	v19 =	vadd.f32 v20, v40;
	v20 =	vmul.f32 v27, v21;
	v27 =	vld [tilespmem:s11+$0xA0]  }
0x4da: {  	v21 =	vld [tilespmem:s11+$0xA1]  }
0x4db: {  	v28 =	vmul.f32 v28, v38;
	v30 =	vld [tilespmem:s11+$0xFFFFFF70];
	[tilespmem:s12+$0xFFFFFFA0] =	vst v19;
	v19 =	vadd.f32 v20, v33;
	v18 =	vsub.f32 v18, v32  }
0x4dc: {  	v33 =	vld [tilespmem:s11+$0xFFFFFF71]  }
0x4dd: {  	v20 =	vadd.f32 v28, v31;
	v28 =	vld [tilespmem:s11+$0xFFFFFFB0];
	[tilespmem:s12+$0xFFFFFFE0] =	vst v19;
	v18 =	vmul.f32 v18, v22;
	v19 =	vsub.f32 v26, v29  }
0x4de: {  	v22 =	vld [tilespmem:s11+$0xFFFFFFB1]  }
0x4df: {  	[tilespmem:s12+$0xFFFFFF20] =	vst v20;
	v20 =	vld [tilespmem:s11+$0xFFFFFFF0];
	v18 =	vadd.f32 v18, v32;
	v19 =	vmul.f32 v19, v24;
	v24 =	vsub.f32 v21, v27  }
0x4e0: {  	v21 =	vld [tilespmem:s11+$0xFFFFFF30]  }
0x4e1: {  	v26 =	vld [tilespmem:s11+$0xFFFFFF31];
	v31 =	vsub.f32 v33, v30;
	[tilespmem:s12+$0x20] =	vst v18;
	v18 =	vadd.f32 v19, v29;
	v19 =	vmul.f32 v24, v25  }
0x4e2: {  	v29 =	vld [tilespmem:s11+$0xFFFFFFF1]  }
0x4e3: {  	v14 =	vmul.f32 v31, v14;
	v25 =	vsub.f32 v22, v28;
	v22 =	vld [tilespmem:s11+$0x30];
	[tilespmem:s12+$0x60] =	vst v18;
	v18 =	vadd.f32 v19, v27  }
.Ltmp7:
0x4e4: {  	v24 =	vld [tilespmem:s11+$0x31];
	(pc) =	sbr.rel @p0 .LBB2_16-.Ltmp7, $4  }
0x4e5: {  	v14 =	vadd.f32 v14, v30;
	v25 =	vmul.f32 v25, v17;
	v17 =	vld [tilespmem:s11+$0x70];
	[tilespmem:s12+$0xA0] =	vst v18  }
0x4e6: {  	v18 =	vsub.f32 v26, v21;
	v19 =	vld [tilespmem:s11+$0x71]  }
0x4e7: {  	[tilespmem:s12+$0xFFFFFF70] =	vst v14;
	v25 =	vadd.f32 v25, v28;
	v27 =	vsub.f32 v29, v20;
	v14 =	vld [tilespmem:s11+$0xB0]  }
0x4e8: {  	s14 =	sadd.s32 $0x80, s14;
	v26 =	vmul.f32 v18, v23;
	v23 =	vld [tilespmem:s11+$0xB1]  }
0x4e9: {  	_ =	sdelay $0x1  }
0x4ea: {  	v18 =	vsub.f32 v24, v22  }
0x4eb: {  	v12 =	vmul.f32 v27, v12;
	v19 =	vsub.f32 v19, v17  }
0x4ec: {  	v21 =	vadd.f32 v26, v21;
	v13 =	vmul.f32 v18, v13;
	v18 =	vsub.f32 v23, v14  }
0x4ed: {  	[tilespmem:s12+$0xFFFFFFB0] =	vst v25;
	v12 =	vadd.f32 v12, v20;
	v15 =	vmul.f32 v19, v15  }
0x4ee: {  	[tilespmem:s12+$0xFFFFFF30] =	vst v21;
	v13 =	vadd.f32 v13, v22;
	v16 =	vmul.f32 v18, v16  }
0x4ef: {  	[tilespmem:s12+$0xFFFFFFF0] =	vst v12;
	v12 =	vadd.f32 v15, v17  }
0x4f0: {  	[tilespmem:s12+$0x30] =	vst v13;
	v13 =	vadd.f32 v16, v14  }
0x4f1: {  	[tilespmem:s12+$0x70] =	vst v12  }
0x4f2: {  	[tilespmem:s12+$0xB0] =	vst v13  }
0x4f3: {  	[hbm4b:s22+s29] =	stream.strided.scatter [tilespmem:s5], [sflag:$0x3], $0x4000, s4, s29, $0x38;
	[tilespmem:$0x12100] =	vst v63  }
0x4f4: {  	_ =	swait.ge [sflag:s6], $0x4000  }
0x4f5: {  	[sflag:s6] =	ssyncset.done $0x0  }
0x4f6: {  	[sflag:s6] =	ssyncadd.s32 $0xFFFFC000  }
0x4f7: {  	_ =	swait.ge [sflag:s6], $0x1000  }
0x4f8: {  	[sflag:s6] =	ssyncset.done $0x0  }
0x4f9: {  	[sflag:s6] =	ssyncadd.s32 $0xFFFFF000  }
0x4fa: {  	_ =	swait.ge [sflag:s9], $0x4000  }
0x4fb: {  	[sflag:s9] =	ssyncset.done $0x0  }
0x4fc: {  	s13 =	simm.s32 $0x9140;
	[sflag:s9] =	ssyncadd.s32 $0xFFFFC000  }
0x4fd: {  	s12 =	simm.s32 $0x4180;
	v12 =	vld [tilespmem:s13+$0x30]  }
0x4fe: {  	v14 =	vld [tilespmem:s12+$0xC0]  }
0x4ff: {  	v13 =	vld [tilespmem:s12+$0xC1]  }
0x500: {  	v20 =	vld [tilespmem:s12+$0xFFFFFF00]  }
0x501: {  	v21 =	vld [tilespmem:s12+$0xFFFFFF01]  }
0x502: {  	v18 =	vld [tilespmem:s13+$0xFFFFFFD0]  }
0x503: {  	v19 =	vld [tilespmem:s12+$0xFFFFFF40]  }
0x504: {  	v16 =	vld [tilespmem:s12+$0xFFFFFF41]  }
0x505: {  	v17 =	vld [tilespmem:s13+$0xFFFFFFE0];
	v15 =	vperm.xlane v12, v5;
	v13 =	vsub.f32 v13, v14  }
0x506: {  	v22 =	vld [tilespmem:s12+$0xFFFFFF80]  }
0x507: {  	v23 =	vld [tilespmem:s12+$0xFFFFFF81];
	v15 =	vmul.f32 v13, v15  }
0x508: {  	v24 =	vld [tilespmem:s12+$0xFFFFFFC0]  }
0x509: {  	v25 =	vld [tilespmem:s12+$0xFFFFFFC1];
	v14 =	vadd.f32 v15, v14  }
0x50a: {  	s11 =	simm.s32 $0xE200;
	v28 =	vld [tilespmem:s12+$0x0]  }
0x50b: {  	v29 =	vld [tilespmem:s12+$0x1];
	v30 =	vperm.xlane v18, v5;
	v16 =	vsub.f32 v16, v19;
	[tilespmem:s11+$0xC0] =	vst v14  }
0x50c: {  	v26 =	vld [tilespmem:s12+$0xD0]  }
0x50d: {  	v30 =	vmul.f32 v16, v30;
	v27 =	vld [tilespmem:s12+$0xD1]  }
0x50e: {  	v31 =	vld [tilespmem:s12+$0x40]  }
0x50f: {  	v33 =	vld [tilespmem:s12+$0x41];
	v19 =	vadd.f32 v30, v19  }
0x510: {  	v13 =	vld [tilespmem:s13+$0xFFFFFFF0]  }
0x511: {  	v39 =	vperm.xlane v17, v5;
	v23 =	vsub.f32 v23, v22;
	[tilespmem:s11+$0xFFFFFF40] =	vst v19;
	v19 =	vld [tilespmem:s13+$0xFFFFFFC0]  }
0x512: {  	v40 =	vld [tilespmem:s12+$0x80];
	v32 =	vperm.xlane v12, v6;
	v27 =	vsub.f32 v27, v26  }
0x513: {  	v35 =	vld [tilespmem:s12+$0x81];
	v23 =	vmul.f32 v23, v39  }
0x514: {  	v16 =	vld [tilespmem:s13+$0x20];
	v27 =	vmul.f32 v27, v32  }
0x515: {  	v25 =	vsub.f32 v25, v24;
	v15 =	vld [tilespmem:s13+$0x0];
	v22 =	vadd.f32 v23, v22;
	v34 =	vperm.xlane v13, v5  }
0x516: {  	v21 =	vsub.f32 v21, v20;
	v14 =	vld [tilespmem:s13+$0x10];
	v42 =	vperm.xlane v19, v5;
	v26 =	vadd.f32 v27, v26  }
0x517: {  	[tilespmem:s11+$0xFFFFFF80] =	vst v22;
	v41 =	vld [tilespmem:s12+$0xFFFFFF51];
	v25 =	vmul.f32 v25, v34  }
0x518: {  	v43 =	vld [tilespmem:s12+$0xFFFFFF90];
	v21 =	vmul.f32 v21, v42;
	[tilespmem:s11+$0xD0] =	vst v26  }
0x519: {  	v24 =	vadd.f32 v25, v24;
	v26 =	vsub.f32 v29, v28;
	v29 =	vld [tilespmem:s12+$0xE0]  }
0x51a: {  	v23 =	vperm.xlane v15, v5;
	v20 =	vadd.f32 v21, v20;
	v25 =	vld [tilespmem:s12+$0xE1]  }
0x51b: {  	[tilespmem:s11+$0xFFFFFFC0] =	vst v24;
	v24 =	vld [tilespmem:s12+$0xFFFFFF91]  }
0x51c: {  	v22 =	vperm.xlane v14, v5;
	v27 =	vld [tilespmem:s12+$0xFFFFFF50];
	[tilespmem:s11+$0xFFFFFF00] =	vst v20;
	v23 =	vmul.f32 v26, v23;
	v26 =	vsub.f32 v33, v31  }
0x51d: {  	v45 =	vsub.f32 v35, v40;
	v46 =	vld [tilespmem:s12+$0xFFFFFF10]  }
0x51e: {  	v44 =	vperm.xlane v16, v5;
	v47 =	vld [tilespmem:s12+$0xFFFFFF11];
	v23 =	vadd.f32 v23, v28;
	v22 =	vmul.f32 v26, v22  }
0x51f: {  	v26 =	vld [tilespmem:s12+$0xFFFFFFD0];
	v28 =	vperm.xlane v12, v8;
	v25 =	vsub.f32 v25, v29  }
0x520: {  	[tilespmem:s11+$0x0] =	vst v23;
	v22 =	vadd.f32 v22, v31;
	v23 =	vld [tilespmem:s12+$0xFFFFFFD1];
	v31 =	vmul.f32 v45, v44  }
0x521: {  	v21 =	vld [tilespmem:s12+$0x10];
	v25 =	vmul.f32 v25, v28  }
0x522: {  	v32 =	vsub.f32 v41, v27;
	[tilespmem:s11+$0x40] =	vst v22;
	v22 =	vld [tilespmem:s12+$0x11];
	v28 =	vperm.xlane v18, v6;
	v30 =	vadd.f32 v31, v40  }
0x523: {  	v20 =	vld [tilespmem:s12+$0x50];
	v25 =	vadd.f32 v25, v29  }
0x524: {  	v24 =	vsub.f32 v24, v43;
	v48 =	vld [tilespmem:s12+$0x51];
	v29 =	vperm.xlane v17, v6;
	v28 =	vmul.f32 v32, v28;
	[tilespmem:s11+$0x80] =	vst v30  }
0x525: {  	v23 =	vsub.f32 v23, v26;
	v30 =	vld [tilespmem:s12+$0x90];
	[tilespmem:s11+$0xE0] =	vst v25  }
0x526: {  	v25 =	vperm.xlane v13, v6;
	v27 =	vadd.f32 v28, v27;
	v24 =	vmul.f32 v24, v29;
	v49 =	vld [tilespmem:s12+$0xF0]  }
0x527: {  	v29 =	vperm.xlane v19, v6;
	v28 =	vld [tilespmem:s12+$0xF1]  }
0x528: {  	[tilespmem:s11+$0xFFFFFF50] =	vst v27;
	v24 =	vadd.f32 v24, v43;
	v23 =	vmul.f32 v23, v25;
	v25 =	vsub.f32 v47, v46;
	v27 =	vld [tilespmem:s12+$0x91]  }
0x529: {  	v50 =	vperm.xlane v15, v6;
	v22 =	vsub.f32 v22, v21;
	v51 =	vld [tilespmem:s12+$0xFFFFFF60]  }
0x52a: {  	[tilespmem:s11+$0xFFFFFF90] =	vst v24;
	v23 =	vadd.f32 v23, v26;
	v24 =	vmul.f32 v25, v29;
	v25 =	vld [tilespmem:s12+$0xFFFFFF61]  }
0x52b: {  	v22 =	vmul.f32 v22, v50;
	v29 =	vld [tilespmem:s12+$0xFFFFFFA0]  }
0x52c: {  	v26 =	vperm.xlane v14, v6;
	v52 =	vld [tilespmem:s12+$0xFFFFFFA1];
	[tilespmem:s11+$0xFFFFFFD0] =	vst v23;
	v23 =	vsub.f32 v48, v20;
	v24 =	vadd.f32 v24, v46  }
0x52d: {  	v53 =	vperm.xlane v16, v6;
	v54 =	vld [tilespmem:s12+$0xFFFFFFE0]  }
0x52e: {  	v21 =	vadd.f32 v22, v21;
	v22 =	vmul.f32 v23, v26;
	v23 =	vsub.f32 v27, v30;
	[tilespmem:s11+$0xFFFFFF10] =	vst v24;
	v24 =	vld [tilespmem:s12+$0xFFFFFFE1]  }
0x52f: {  	v26 =	vperm.xlane v18, v8;
	v27 =	vld [tilespmem:s12+$0xFFFFFF20]  }
0x530: {  	[tilespmem:s11+$0x10] =	vst v21;
	v21 =	vsub.f32 v25, v51;
	v20 =	vadd.f32 v22, v20;
	v22 =	vmul.f32 v23, v53;
	v23 =	vld [tilespmem:s12+$0xFFFFFF21]  }
0x531: {  	v55 =	vld [tilespmem:s12+$0x20];
	v25 =	vperm.xlane v17, v8  }
0x532: {  	[tilespmem:s11+$0x50] =	vst v20;
	v20 =	vmul.f32 v21, v26;
	v21 =	vsub.f32 v52, v29;
	v22 =	vadd.f32 v22, v30;
	v26 =	vld [tilespmem:s12+$0x21]  }
0x533: {  	v56 =	vperm.xlane v13, v8;
	v57 =	vld [tilespmem:s12+$0x60]  }
0x534: {  	v24 =	vsub.f32 v24, v54;
	v20 =	vadd.f32 v20, v51;
	v21 =	vmul.f32 v21, v25;
	[tilespmem:s11+$0x90] =	vst v22;
	v22 =	vld [tilespmem:s12+$0x61]  }
0x535: {  	v25 =	vperm.xlane v19, v8;
	v23 =	vsub.f32 v23, v27;
	v58 =	vld [tilespmem:s12+$0xA0]  }
0x536: {  	[tilespmem:s11+$0xFFFFFF60] =	vst v20;
	v20 =	vadd.f32 v21, v29;
	v21 =	vmul.f32 v24, v56;
	v24 =	vld [tilespmem:s12+$0xA1]  }
0x537: {  	v23 =	vmul.f32 v23, v25;
	v25 =	vld [tilespmem:s12+$0xFFFFFF70]  }
0x538: {  	v29 =	vperm.xlane v15, v8;
	[tilespmem:s11+$0xFFFFFFA0] =	vst v20;
	v20 =	vadd.f32 v21, v54;
	v21 =	vsub.f32 v26, v55;
	v26 =	vld [tilespmem:s12+$0xFFFFFF71]  }
0x539: {  	v23 =	vadd.f32 v23, v27;
	v27 =	vld [tilespmem:s12+$0xFFFFFFB0]  }
0x53a: {  	v59 =	vperm.xlane v14, v8;
	v22 =	vsub.f32 v22, v57;
	[tilespmem:s11+$0xFFFFFFE0] =	vst v20;
	v21 =	vmul.f32 v21, v29;
	v29 =	vld [tilespmem:s12+$0xFFFFFFB1]  }
0x53b: {  	v61 =	vperm.xlane v17, v7;
	v60 =	vperm.xlane v16, v8;
	v28 =	vsub.f32 v28, v49;
	[tilespmem:s11+$0xFFFFFF20] =	vst v23;
	v20 =	vld [tilespmem:s12+$0xFFFFFFF0]  }
0x53c: {  	v22 =	vmul.f32 v22, v59;
	v24 =	vsub.f32 v24, v58;
	v23 =	vadd.f32 v21, v55;
	v21 =	vld [tilespmem:s12+$0xFFFFFF30]  }
0x53d: {  	v18 =	vperm.xlane v18, v7;
	v17 =	vperm.xlane v12, v7;
	v62 =	vld [tilespmem:s12+$0xFFFFFF31];
	v26 =	vsub.f32 v26, v25  }
0x53e: {  	v63 =	vld [tilespmem:s12+$0xFFFFFFF1];
	v24 =	vmul.f32 v24, v60;
	[tilespmem:s11+$0x20] =	vst v23;
	v23 =	vadd.f32 v22, v57  }
0x53f: {  	v17 =	vmul.f32 v28, v17;
	v22 =	vld [tilespmem:s12+$0x30];
	v18 =	vmul.f32 v26, v18;
	v26 =	vsub.f32 v29, v27  }
0x540: {  	v12 =	vperm.xlane v13, v7;
	[tilespmem:s11+$0x60] =	vst v23;
	v23 =	vadd.f32 v24, v58;
	v24 =	vld [tilespmem:s12+$0x31]  }
0x541: {  	v29 =	vadd.f32 v17, v49;
	v17 =	vld [tilespmem:s12+$0x70];
	v18 =	vadd.f32 v18, v25;
	v25 =	vmul.f32 v26, v61  }
0x542: {  	v13 =	vperm.xlane v15, v7;
	v28 =	vperm.xlane v19, v7;
	v19 =	vld [tilespmem:s12+$0x71];
	[tilespmem:s11+$0xA0] =	vst v23;
	v23 =	vsub.f32 v62, v21  }
0x543: {  	v15 =	vperm.xlane v14, v7;
	[tilespmem:s11+$0xF0] =	vst v29;
	v14 =	vld [tilespmem:s12+$0xB0];
	v25 =	vadd.f32 v25, v27;
	v27 =	vsub.f32 v63, v20  }
0x544: {  	s14 =	simm.s32 $0x91C0;
	s13 =	simm.s32 $0x0;
	v16 =	vperm.xlane v16, v7;
	[tilespmem:s11+$0xFFFFFF70] =	vst v18;
	v26 =	vmul.f32 v23, v28;
	v23 =	vld [tilespmem:s12+$0xB1]  }
.LBB2_18:
0x545: {  	v18 =	vld [tilespmem:s14+$0x30];
	[tilespmem:s11+$0xFFFFFFB0] =	vst v25;
	v12 =	vmul.f32 v27, v12;
	v24 =	vsub.f32 v24, v22;
	s12 =	sadd.s32 $0x200, s12  }
0x546: {  	v25 =	vld [tilespmem:s12+$0xC0];
	v21 =	vadd.f32 v26, v21  }
0x547: {  	v27 =	vld [tilespmem:s12+$0xC1];
	v12 =	vadd.f32 v12, v20;
	v13 =	vmul.f32 v24, v13;
	v19 =	vsub.f32 v19, v17  }
0x548: {  	v26 =	vld [tilespmem:s12+$0xFFFFFF00];
	[tilespmem:s11+$0xFFFFFF30] =	vst v21  }
0x549: {  	v20 =	vld [tilespmem:s12+$0xFFFFFF01];
	[tilespmem:s11+$0xFFFFFFF0] =	vst v12;
	v12 =	vadd.f32 v13, v22;
	v13 =	vmul.f32 v19, v15;
	v15 =	vsub.f32 v23, v14  }
0x54a: {  	s13 =	sadd.s32 $0x8, s13;
	v21 =	vld [tilespmem:s14+$0xFFFFFFD0]  }
0x54b: {  	p0 =	slt.u32 s13, $0xF0;
	v22 =	vld [tilespmem:s12+$0xFFFFFF40];
	[tilespmem:s11+$0x30] =	vst v12;
	v12 =	vadd.f32 v13, v17;
	v13 =	vmul.f32 v15, v16  }
0x54c: {  	v16 =	vperm.xlane v18, v5;
	v15 =	vld [tilespmem:s12+$0xFFFFFF41];
	v17 =	vsub.f32 v27, v25  }
0x54d: {  	v23 =	vld [tilespmem:s14+$0xFFFFFFE0];
	[tilespmem:s11+$0x70] =	vst v12;
	v12 =	vadd.f32 v13, v14  }
0x54e: {  	v27 =	vsub.f32 v20, v26;
	v13 =	vld [tilespmem:s12+$0xFFFFFF80];
	v16 =	vmul.f32 v17, v16  }
0x54f: {  	v17 =	vperm.xlane v21, v5;
	v28 =	vperm.xlane v21, v6;
	v24 =	vld [tilespmem:s12+$0xFFFFFF81];
	[tilespmem:s11+$0xB0] =	vst v12  }
0x550: {  	v19 =	vperm.xlane v21, v8;
	v14 =	vperm.xlane v21, v7;
	v12 =	vld [tilespmem:s14+$0xFFFFFFF0];
	v16 =	vadd.f32 v16, v25  }
0x551: {  	s11 =	sadd.s32 $0x200, s11;
	v15 =	vsub.f32 v15, v22;
	v25 =	vld [tilespmem:s12+$0xFFFFFFC0]  }
0x552: {  	v21 =	vperm.xlane v23, v5;
	v29 =	vperm.xlane v23, v6;
	v30 =	vld [tilespmem:s12+$0xFFFFFFC1];
	[tilespmem:s11+$0xC0] =	vst v16  }
0x553: {  	v20 =	vperm.xlane v23, v8;
	v15 =	vmul.f32 v15, v17;
	v16 =	vld [tilespmem:s12+$0xD0]  }
0x554: {  	v17 =	vperm.xlane v23, v7;
	v24 =	vsub.f32 v24, v13;
	v23 =	vld [tilespmem:s12+$0xD1]  }
0x555: {  	v15 =	vadd.f32 v15, v22;
	v22 =	vperm.xlane v12, v5;
	v31 =	vperm.xlane v12, v6;
	v32 =	vld [tilespmem:s14+$0x0]  }
0x556: {  	v24 =	vmul.f32 v24, v21;
	v21 =	vperm.xlane v12, v8;
	v33 =	vld [tilespmem:s12+$0x0]  }
0x557: {  	v12 =	vperm.xlane v12, v7;
	[tilespmem:s11+$0xFFFFFF40] =	vst v15;
	v15 =	vsub.f32 v30, v25;
	v30 =	vld [tilespmem:s12+$0x1]  }
0x558: {  	v13 =	vadd.f32 v24, v13;
	v34 =	vld [tilespmem:s14+$0x10]  }
0x559: {  	v24 =	vperm.xlane v18, v6;
	v15 =	vmul.f32 v15, v22;
	v35 =	vld [tilespmem:s12+$0x40];
	v23 =	vsub.f32 v23, v16  }
0x55a: {  	[tilespmem:s11+$0xFFFFFF80] =	vst v13;
	v36 =	vperm.xlane v32, v5;
	v37 =	vperm.xlane v32, v6;
	v38 =	vld [tilespmem:s12+$0x41]  }
0x55b: {  	v22 =	vperm.xlane v32, v8;
	v15 =	vadd.f32 v15, v25;
	v39 =	vld [tilespmem:s14+$0x20];
	v23 =	vmul.f32 v23, v24  }
0x55c: {  	v13 =	vperm.xlane v32, v7;
	v24 =	vsub.f32 v30, v33;
	v30 =	vld [tilespmem:s12+$0x80]  }
0x55d: {  	[tilespmem:s11+$0xFFFFFFC0] =	vst v15;
	v25 =	vperm.xlane v34, v5;
	v32 =	vperm.xlane v34, v6;
	v40 =	vld [tilespmem:s12+$0x81];
	v16 =	vadd.f32 v23, v16  }
0x55e: {  	v23 =	vld [tilespmem:s14+$0xFFFFFFC0];
	v36 =	vmul.f32 v24, v36;
	v24 =	vperm.xlane v34, v8  }
0x55f: {  	v15 =	vperm.xlane v34, v7;
	v41 =	vld [tilespmem:s12+$0xFFFFFF50];
	v38 =	vsub.f32 v38, v35;
	[tilespmem:s11+$0xD0] =	vst v16  }
0x560: {  	v16 =	vadd.f32 v36, v33;
	v33 =	vperm.xlane v39, v5;
	v34 =	vperm.xlane v39, v6;
	v36 =	vld [tilespmem:s12+$0xE0]  }
0x561: {  	v38 =	vmul.f32 v38, v25;
	v25 =	vperm.xlane v39, v8;
	v42 =	vld [tilespmem:s12+$0xE1]  }
0x562: {  	v43 =	vld [tilespmem:s12+$0xFFFFFF51];
	[tilespmem:s11+$0x0] =	vst v16;
	v40 =	vsub.f32 v40, v30;
	v16 =	vperm.xlane v39, v7  }
0x563: {  	v39 =	vperm.xlane v23, v5;
	v44 =	vperm.xlane v23, v6;
	v45 =	vld [tilespmem:s12+$0xFFFFFF90];
	v35 =	vadd.f32 v38, v35  }
0x564: {  	v38 =	vperm.xlane v23, v8;
	v46 =	vld [tilespmem:s12+$0xFFFFFF91];
	v33 =	vmul.f32 v40, v33  }
0x565: {  	v23 =	vperm.xlane v23, v7;
	v27 =	vmul.f32 v27, v39;
	v39 =	vld [tilespmem:s12+$0xFFFFFFD0];
	[tilespmem:s11+$0x40] =	vst v35  }
0x566: {  	v35 =	vld [tilespmem:s12+$0xFFFFFFD1];
	v30 =	vadd.f32 v33, v30;
	v33 =	vperm.xlane v18, v8;
	v40 =	vsub.f32 v42, v36  }
0x567: {  	v26 =	vadd.f32 v27, v26;
	v27 =	vsub.f32 v43, v41;
	v42 =	vld [tilespmem:s12+$0x10]  }
0x568: {  	v43 =	vld [tilespmem:s12+$0x11];
	[tilespmem:s11+$0x80] =	vst v30;
	v30 =	vmul.f32 v40, v33  }
0x569: {  	[tilespmem:s11+$0xFFFFFF00] =	vst v26;
	v26 =	vmul.f32 v27, v28;
	v27 =	vsub.f32 v46, v45;
	v28 =	vld [tilespmem:s12+$0x50]  }
0x56a: {  	v33 =	vld [tilespmem:s12+$0xFFFFFF10];
	v30 =	vadd.f32 v30, v36  }
0x56b: {  	v36 =	vld [tilespmem:s12+$0xFFFFFF11];
	v26 =	vadd.f32 v26, v41;
	v27 =	vmul.f32 v27, v29;
	v29 =	vsub.f32 v35, v39  }
0x56c: {  	v35 =	vld [tilespmem:s12+$0x51];
	[tilespmem:s11+$0xE0] =	vst v30  }
0x56d: {  	[tilespmem:s11+$0xFFFFFF50] =	vst v26;
	v26 =	vadd.f32 v27, v45;
	v27 =	vmul.f32 v29, v31;
	v29 =	vsub.f32 v43, v42;
	v30 =	vld [tilespmem:s12+$0xF0]  }
0x56e: {  	v31 =	vld [tilespmem:s12+$0xF1]  }
0x56f: {  	[tilespmem:s11+$0xFFFFFF90] =	vst v26;
	v26 =	vadd.f32 v27, v39;
	v27 =	vmul.f32 v29, v37;
	v29 =	vld [tilespmem:s12+$0x90]  }
0x570: {  	v36 =	vsub.f32 v36, v33;
	v37 =	vld [tilespmem:s12+$0x91]  }
0x571: {  	v39 =	vld [tilespmem:s12+$0xFFFFFF60];
	[tilespmem:s11+$0xFFFFFFD0] =	vst v26;
	v26 =	vadd.f32 v27, v42;
	v27 =	vsub.f32 v35, v28  }
0x572: {  	v35 =	vmul.f32 v36, v44;
	v36 =	vld [tilespmem:s12+$0xFFFFFF61]  }
0x573: {  	v18 =	vperm.xlane v18, v7;
	v40 =	vld [tilespmem:s12+$0xFFFFFFA0];
	[tilespmem:s11+$0x10] =	vst v26;
	v26 =	vmul.f32 v27, v32;
	v27 =	vsub.f32 v31, v30  }
0x574: {  	v31 =	vadd.f32 v35, v33;
	v32 =	vld [tilespmem:s12+$0xFFFFFFA1]  }
0x575: {  	v33 =	vld [tilespmem:s12+$0xFFFFFFE0];
	v26 =	vadd.f32 v26, v28;
	v28 =	vsub.f32 v37, v29;
	v18 =	vmul.f32 v27, v18  }
0x576: {  	[tilespmem:s11+$0xFFFFFF10] =	vst v31;
	v27 =	vld [tilespmem:s12+$0xFFFFFFE1]  }
0x577: {  	v31 =	vld [tilespmem:s12+$0xFFFFFF20];
	v35 =	vsub.f32 v36, v39;
	[tilespmem:s11+$0x50] =	vst v26;
	v26 =	vmul.f32 v28, v34;
	v18 =	vadd.f32 v18, v30  }
0x578: {  	v28 =	vld [tilespmem:s12+$0xFFFFFF21]  }
0x579: {  	s15 =	simm.s32 $0x0;
	s16 =	simm.s32 $0xA080;
	v19 =	vmul.f32 v35, v19;
	v30 =	vsub.f32 v32, v40;
	v32 =	vld [tilespmem:s12+$0x20];
	v26 =	vadd.f32 v26, v29;
	[tilespmem:s11+$0xF0] =	vst v18  }
0x57a: {  	v18 =	vld [tilespmem:s12+$0x21]  }
0x57b: {  	v19 =	vadd.f32 v19, v39;
	v20 =	vmul.f32 v30, v20;
	v27 =	vsub.f32 v27, v33;
	v29 =	vld [tilespmem:s12+$0x60];
	[tilespmem:s11+$0x90] =	vst v26  }
0x57c: {  	v26 =	vld [tilespmem:s12+$0x61]  }
0x57d: {  	v28 =	vsub.f32 v28, v31;
	[tilespmem:s11+$0xFFFFFF60] =	vst v19;
	v19 =	vadd.f32 v20, v40;
	v20 =	vmul.f32 v27, v21;
	v27 =	vld [tilespmem:s12+$0xA0]  }
0x57e: {  	v21 =	vld [tilespmem:s12+$0xA1]  }
0x57f: {  	v28 =	vmul.f32 v28, v38;
	v30 =	vld [tilespmem:s12+$0xFFFFFF70];
	[tilespmem:s11+$0xFFFFFFA0] =	vst v19;
	v19 =	vadd.f32 v20, v33;
	v18 =	vsub.f32 v18, v32  }
0x580: {  	v33 =	vld [tilespmem:s12+$0xFFFFFF71]  }
0x581: {  	v20 =	vadd.f32 v28, v31;
	v28 =	vld [tilespmem:s12+$0xFFFFFFB0];
	[tilespmem:s11+$0xFFFFFFE0] =	vst v19;
	v18 =	vmul.f32 v18, v22;
	v19 =	vsub.f32 v26, v29  }
0x582: {  	v22 =	vld [tilespmem:s12+$0xFFFFFFB1]  }
0x583: {  	[tilespmem:s11+$0xFFFFFF20] =	vst v20;
	v20 =	vld [tilespmem:s12+$0xFFFFFFF0];
	v18 =	vadd.f32 v18, v32;
	v19 =	vmul.f32 v19, v24;
	v24 =	vsub.f32 v21, v27  }
0x584: {  	v21 =	vld [tilespmem:s12+$0xFFFFFF30]  }
0x585: {  	v26 =	vld [tilespmem:s12+$0xFFFFFF31];
	v31 =	vsub.f32 v33, v30;
	[tilespmem:s11+$0x20] =	vst v18;
	v18 =	vadd.f32 v19, v29;
	v19 =	vmul.f32 v24, v25  }
0x586: {  	v29 =	vld [tilespmem:s12+$0xFFFFFFF1]  }
0x587: {  	v14 =	vmul.f32 v31, v14;
	v25 =	vsub.f32 v22, v28;
	v22 =	vld [tilespmem:s12+$0x30];
	[tilespmem:s11+$0x60] =	vst v18;
	v18 =	vadd.f32 v19, v27  }
.Ltmp8:
0x588: {  	v24 =	vld [tilespmem:s12+$0x31];
	(pc) =	sbr.rel @p0 .LBB2_18-.Ltmp8, $4  }
0x589: {  	v14 =	vadd.f32 v14, v30;
	v25 =	vmul.f32 v25, v17;
	v17 =	vld [tilespmem:s12+$0x70];
	[tilespmem:s11+$0xA0] =	vst v18  }
0x58a: {  	v18 =	vsub.f32 v26, v21;
	v19 =	vld [tilespmem:s12+$0x71]  }
0x58b: {  	[tilespmem:s11+$0xFFFFFF70] =	vst v14;
	v25 =	vadd.f32 v25, v28;
	v27 =	vsub.f32 v29, v20;
	v14 =	vld [tilespmem:s12+$0xB0]  }
0x58c: {  	s14 =	sadd.s32 $0x80, s14;
	v26 =	vmul.f32 v18, v23;
	v23 =	vld [tilespmem:s12+$0xB1]  }
0x58d: {  	_ =	sdelay $0x1  }
0x58e: {  	v18 =	vsub.f32 v24, v22  }
0x58f: {  	v12 =	vmul.f32 v27, v12;
	v19 =	vsub.f32 v19, v17  }
0x590: {  	v21 =	vadd.f32 v26, v21;
	v13 =	vmul.f32 v18, v13;
	v61 =	vsub.f32 v23, v14  }
0x591: {  	[tilespmem:s11+$0xFFFFFFB0] =	vst v25;
	v12 =	vadd.f32 v12, v20;
	v15 =	vmul.f32 v19, v15  }
0x592: {  	[tilespmem:s11+$0xFFFFFF30] =	vst v21;
	v13 =	vadd.f32 v13, v22;
	v16 =	vmul.f32 v61, v16  }
0x593: {  	[tilespmem:s11+$0xFFFFFFF0] =	vst v12;
	v62 =	vadd.f32 v15, v17  }
0x594: {  	[tilespmem:s11+$0x30] =	vst v13;
	v63 =	vadd.f32 v16, v14  }
0x595: {  	[tilespmem:s11+$0x70] =	vst v62  }
0x596: {  	[tilespmem:s11+$0xB0] =	vst v63  }
.LBB2_20:
0x597: {  	v12 =	vld [tilespmem:s16+$0x0];
	s11 =	sshra.s32 s15, $0x2  }
0x598: {  	v13 =	vld [tilespmem:s11+$0x7E80]  }
0x599: {  	v14 =	vld [tilespmem:s11+$0x7E81]  }
0x59a: {  	v15 =	vld [tilespmem:s11+$0x7E90]  }
0x59b: {  	v16 =	vld [tilespmem:s11+$0x7E91]  }
0x59c: {  	v17 =	vld [tilespmem:s11+$0x7EA0]  }
0x59d: {  	v18 =	vld [tilespmem:s11+$0x7EA1]  }
0x59e: {  	v19 =	vld [tilespmem:s11+$0x7EB0]  }
0x59f: {  	v20 =	vld [tilespmem:s11+$0x7EB1];
	_ =	sdelay $0x1  }
0x5a0: {  	v21 =	vperm.xlane v12, v5;
	v14 =	vsub.f32 v14, v13  }
0x5a1: {  	v22 =	vperm.xlane v12, v6;
	v16 =	vsub.f32 v16, v15  }
0x5a2: {  	v61 =	vperm.xlane v12, v8;
	v18 =	vsub.f32 v18, v17;
	v14 =	vmul.f32 v14, v21  }
0x5a3: {  	v12 =	vperm.xlane v12, v7;
	v20 =	vsub.f32 v20, v19;
	v16 =	vmul.f32 v16, v22  }
0x5a4: {  	p0 =	sne.s32 s15, $0x600;
	v62 =	vmul.f32 v18, v61;
	v13 =	vadd.f32 v14, v13  }
.Ltmp9:
0x5a5: {  	v12 =	vmul.f32 v20, v12;
	v15 =	vadd.f32 v16, v15;
	(pc) =	sbr.rel @p0 .LBB2_20-.Ltmp9, $4  }
0x5a6: {  	v63 =	vadd.f32 v62, v17;
	[tilespmem:s11+$0x11F00] =	vst v13  }
0x5a7: {  	v12 =	vadd.f32 v12, v19;
	[tilespmem:s11+$0x11F10] =	vst v15  }
0x5a8: {  	[tilespmem:s11+$0x11F20] =	vst v63  }
0x5a9: {  	s16 =	sadd.s32 $0x10, s16;
	s15 =	sadd.s32 $0x100, s15;
	[tilespmem:s11+$0x11F30] =	vst v12  }
0x5aa: {  	v12 =	vld [tilespmem:$0xA0F0]  }
0x5ab: {  	v13 =	vld [tilespmem:$0x8040]  }
0x5ac: {  	v15 =	vld [tilespmem:$0x8041]  }
0x5ad: {  	v16 =	vld [tilespmem:$0x8050]  }
0x5ae: {  	v18 =	vld [tilespmem:$0x8060]  }
0x5af: {  	v20 =	vld [tilespmem:$0x8061];
	v14 =	vperm.xlane v12, v5  }
0x5b0: {  	v22 =	vld [tilespmem:$0x8070];
	v21 =	vperm.xlane v12, v8  }
0x5b1: {  	v23 =	vld [tilespmem:$0x8071];
	v19 =	vperm.xlane v12, v6;
	v12 =	vperm.xlane v12, v7;
	v14 =	vadd.f32 v0, v14  }
0x5b2: {  	v17 =	vld [tilespmem:$0x8051];
	v15 =	vsub.f32 v15, v13;
	v21 =	vadd.f32 v4, v21  }
0x5b3: {  	v19 =	vadd.f32 v2, v19;
	v12 =	vadd.f32 v10, v12;
	v14 =	vmin.f32 v14, $6.553500000e+04  }
0x5b4: {  	v20 =	vsub.f32 v20, v18;
	v60 =	vmin.f32 v21, $6.553500000e+04;
	v14 =	vadd.f32 v1, v14  }
0x5b5: {  	v59 =	vmin.f32 v19, $6.553500000e+04;
	v12 =	vmin.f32 v12, $6.553500000e+04;
	v19 =	vadd.f32 v9, v60  }
0x5b6: {  	v61 =	vsub.f32 v23, v22;
	v12 =	vadd.f32 v11, v12;
	v14 =	vmul.f32 v15, v14  }
0x5b7: {  	v17 =	vsub.f32 v17, v16;
	v15 =	vadd.f32 v3, v59;
	v62 =	vmul.f32 v20, v19  }
0x5b8: {  	v12 =	vmul.f32 v61, v12;
	v13 =	vadd.f32 v14, v13  }
0x5b9: {  	v15 =	vmul.f32 v17, v15;
	v63 =	vadd.f32 v62, v18  }
0x5ba: {  	v12 =	vadd.f32 v12, v22;
	[tilespmem:$0x120C0] =	vst v13  }
0x5bb: {  	v15 =	vadd.f32 v15, v16;
	[tilespmem:$0x120E0] =	vst v63  }
0x5bc: {  	[tilespmem:$0x120F0] =	vst v12  }
0x5bd: {  	s10 =	sadd.s32 $0x1, s10;
	[tilespmem:$0x120D0] =	vst v15  }
0x5be: {  	[hbm4b:s23+s29] =	stream.strided.scatter [tilespmem:s7], [sflag:$0x4], $0x4000, s4, s29, $0x38;
	[tilespmem:$0x12100] =	vst v63  }
0x5bf: {  	p0 =	sne.s32 s10, s25;
	_ =	swait.ge [sflag:s8], $0x4000  }
.Ltmp10:
0x5c0: {  	[sflag:s8] =	ssyncset.done $0x0;
	(pc) =	sbr.rel @p0 .LBB2_1-.Ltmp10, $4  }
0x5c1: {  	[sflag:s8] =	ssyncadd.s32 $0xFFFFC000  }
0x5c2: {  	_ =	swait.ge [sflag:s9], $0x4000  }
0x5c3: {  	[sflag:s9] =	ssyncset.done $0x0  }
0x5c4: {  	[sflag:s9] =	ssyncadd.s32 $0xFFFFC000  }
0x5c5: {  	_ =	sfence.sel $0x180000  }
0x5c6: {  	[bflag:$0x0] =	sbarrier.arrive $0xFFFF  }
0x5c7: {  	_ =	strace $0x90000047  }
0x5c8: {  	s0 =	stileid.u32;
	[bflag:$0x2] =	sbarrier.arrive $0xFFFF  }
0x5c9: {  	p0 =	sne.s32 s0, $0x0;
	s0 =	rddreg [dreg:$0x3]  }
0x5ca: {  	s0 =	sadd.s32 @!p0 $0x100000, s0  }
0x5cb: {  	[sflag:s0] =	ssyncadd.tile.s32 @!p0 $0x1;
	_ =	shalt  }
.Lfunc_end2:
_tile_overlayer_lowered:
.L_overlay_start_2:
0x5cc: {  	(tag) =	ssettag $0x2  }
0x5cd: {  	s0 =	rddreg [dreg:$0x0];
	s2 =	stileid.u32  }
0x5ce: {  	s1 =	rddreg [dreg:$0x1];
	p0 =	sne.s32 s2, $0x0  }
0x5cf: {  	s3 =	rddreg [dreg:$0x2];
	[bflag:$0x3] =	sbarrier.arrive $0xFFFF;
	s2 =	simm.s32 @!p0 $0x1C05  }
0x5d0: {  	[timem:s3], [sflag:s2] =	dma.local @!p0 [hbm:s0], s1  }
0x5d1: {  	s0 =	simm.s32 @!p0 $0x5  }
0x5d2: {  	_ =	swait.ge @!p0 [sflag:s0], s1  }
0x5d3: {  	s1 =	ssub.s32 @!p0 $0x0, s1;
	[sflag:s0] =	ssyncset.done @!p0 $0x0  }
0x5d4: {  	[sflag:s0] =	ssyncadd.s32 @!p0 s1  }
0x5d5: {  	[bflag:$0x3] =	sbarrier.arrive $0xFFFF  }
0x5d6: {  	_ =	shalt  }

</sc_bundles>
